<compile_context>
chip_gen: v7x
topology: tpu7x:2x2x1
jax: 0.10.2.dev20260603
libtpu: 0.0.44.dev20260713+nightly
codegen_flags: <defaults>
</compile_context>

<pallas_src>
import functools

import jax
import jax.numpy as jnp
from jax import lax
from jax.experimental import pallas as pl
from jax.experimental.pallas import tpu as pltpu
from jax.experimental.pallas import tpu_sc as plsc

NUM_TX = 4
NUM_RE = 12
NUM_SYM = 14
NUM_PRB = 132
NUM_RX = 8
BATCH = 16
GRID = NUM_RE * NUM_SYM
TASK_ROWS = NUM_PRB * GRID
A_ROWS_PER_B = 792 * NUM_TX
PRB_PER_CHUNK = 12
NUM_CHUNKS = NUM_PRB // PRB_PER_CHUNK
CHUNK_ROWS = GRID * PRB_PER_CHUNK
ROWS_PER_DMA = 112
DMAS_PER_CHUNK = CHUNK_ROWS // ROWS_PER_DMA
IDX_VECS = TASK_ROWS // 16


def _prep_body(ofp_ref, scp_ref, pe_ref, idx_ref):
    t = pl.program_id(0)
    iy = lax.broadcasted_iota(jnp.int32, (NUM_RE, NUM_SYM), 0)
    ix = lax.broadcasted_iota(jnp.int32, (NUM_RE, NUM_SYM), 1)
    q = ix * NUM_RE + iy
    rr = q // NUM_SYM
    ss = q % NUM_SYM
    big = jnp.full((NUM_RE, NUM_SYM), 127, jnp.int32)
    best = big
    nn = jnp.zeros((NUM_RE, NUM_SYM), jnp.int32)
    msc = big
    mof = big
    for k in range(12):
        c, a = k // 2, k % 2
        scv = scp_ref[t, c]
        ofv = ofp_ref[t, a]
        dsc = jnp.abs(rr - scv)
        dof = jnp.abs(ss - ofv)
        d = dsc + dof
        nn = jnp.where(d < best, k, nn)
        best = jnp.minimum(best, d)
        msc = jnp.minimum(msc, dsc)
        mof = jnp.minimum(mof, dof)

    def _norm(v):
        vc = v - jnp.sum(v) / 168.0
        sd = jnp.sqrt(jnp.sum(vc * vc) / 167.0)
        return jnp.where(sd > 0.0, vc / sd, vc)

    nof = _norm(mof.astype(jnp.float32))
    nsc = _norm(msc.astype(jnp.float32))
    pe_ref[0] = jnp.concatenate([nof[:, :, None], nsc[:, :, None]], axis=-1)

    ixT = lax.broadcasted_iota(jnp.int32, (NUM_SYM, NUM_RE), 0)
    iyT = lax.broadcasted_iota(jnp.int32, (NUM_SYM, NUM_RE), 1)
    qT = ixT * NUM_RE + iyT
    rrT = qT // NUM_SYM
    ssT = qT % NUM_SYM
    bigT = jnp.full((NUM_SYM, NUM_RE), 127, jnp.int32)
    bestT = bigT
    nnT = jnp.zeros((NUM_SYM, NUM_RE), jnp.int32)
    for k in range(12):
        c, a = k // 2, k % 2
        dT = jnp.abs(rrT - scp_ref[t, c]) + jnp.abs(ssT - ofp_ref[t, a])
        nnT = jnp.where(dT < bestT, k, nnT)
        bestT = jnp.minimum(bestT, dT)

    rowrelT = ((nnT // 6) * 396 + (nnT % 6) // 2) * 4 + t
    p3 = lax.broadcasted_iota(jnp.int32, (NUM_SYM, NUM_PRB, NUM_RE), 1)
    idx_ref[0] = rowrelT[:, None, :] + 12 * p3


def _prep(dmrs_ofdm_pos, dmrs_subcarrier_pos):
    return pl.pallas_call(
        _prep_body,
        grid=(NUM_TX,),
        in_specs=[
            pl.BlockSpec(memory_space=pltpu.SMEM),
            pl.BlockSpec(memory_space=pltpu.SMEM),
        ],
        out_specs=[
            pl.BlockSpec((1, NUM_RE, NUM_SYM, 2), lambda t: (t, 0, 0, 0)),
            pl.BlockSpec((1, NUM_SYM, NUM_PRB, NUM_RE),
                         lambda t: (t, 0, 0, 0)),
        ],
        out_shape=[
            jax.ShapeDtypeStruct((NUM_TX, NUM_RE, NUM_SYM, 2), jnp.float32),
            jax.ShapeDtypeStruct((NUM_TX, NUM_SYM, NUM_PRB, NUM_RE),
                                 jnp.int32),
        ],
    )(dmrs_ofdm_pos, dmrs_subcarrier_pos)


def _avg_body(h_ref, a_ref):
    x = h_ref[0]
    a_ref[0] = 0.5 * (x[:, 0, :] + x[:, 1, :])


def _avg(h2):
    return pl.pallas_call(
        _avg_body,
        grid=(BATCH,),
        in_specs=[pl.BlockSpec((1, 792, 2, NUM_TX * NUM_RX),
                               lambda b: (b, 0, 0, 0))],
        out_specs=pl.BlockSpec((1, 792, NUM_TX * NUM_RX),
                               lambda b: (b, 0, 0)),
        out_shape=jax.ShapeDtypeStruct((BATCH, 792, NUM_TX * NUM_RX),
                                       jnp.float32),
    )(h2)


@functools.cache
def _sc_gather_fn():
    mesh = plsc.VectorSubcoreMesh(core_axis_name="c", subcore_axis_name="s")
    return pl.kernel(
        _sc_gather,
        out_type=jax.ShapeDtypeStruct((BATCH * NUM_TX, TASK_ROWS, NUM_RX),
                                      jnp.float32),
        mesh=mesh,
        compiler_params=pltpu.CompilerParams(use_tc_tiling_on_sc=False),
        scratch_types=[
            pltpu.VMEM((TASK_ROWS,), jnp.int32),
            pltpu.VMEM((2, CHUNK_ROWS, NUM_RX), jnp.float32),
            pltpu.SemaphoreType.DMA,
            pltpu.SemaphoreType.DMA,
            pltpu.SemaphoreType.DMA,
        ],
    )


def _sc_gather(a_hbm, idx_hbm, out_hbm, idx_v, obuf, gsem, wsem0, wsem1):
    wid = lax.axis_index("s") * 2 + lax.axis_index("c")
    wsems = (wsem0, wsem1)
    for rep in range(2):
        task = wid * 2 + rep
        b = task // NUM_TX
        t = task % NUM_TX
        pltpu.sync_copy(idx_hbm.at[t], idx_v)
        basev = jnp.full((16,), b * A_ROWS_PER_B, jnp.int32)

        def _addbase(w, _, basev=basev):
            idx_v[pl.ds(w * 16, 16)] = idx_v[pl.ds(w * 16, 16)] + basev
            return 0

        lax.fori_loop(0, IDX_VECS, _addbase, 0)

        pending = [None, None]
        for ch in range(NUM_CHUNKS):
            slot = ch % 2
            if pending[slot] is not None:
                pending[slot].wait()
                pending[slot] = None

            def _gbody(g, _, slot=slot, ch=ch):
                off = ch * CHUNK_ROWS + g * ROWS_PER_DMA
                pltpu.async_copy(
                    a_hbm.at[idx_v.at[pl.ds(off, ROWS_PER_DMA)]],
                    obuf.at[slot, pl.ds(g * ROWS_PER_DMA, ROWS_PER_DMA)],
                    gsem)
                return 0

            lax.fori_loop(0, DMAS_PER_CHUNK, _gbody, 0)
            pltpu.make_async_copy(
                out_hbm.at[task, pl.ds(0, CHUNK_ROWS)], obuf.at[slot], gsem
            ).wait()
            pending[slot] = pltpu.async_copy(
                obuf.at[slot],
                out_hbm.at[task, pl.ds(ch * CHUNK_ROWS, CHUNK_ROWS)],
                wsems[slot])
        for slot in range(2):
            if pending[slot] is not None:
                pending[slot].wait()


def kernel(y, h_hat_ls, dmrs_ofdm_pos, dmrs_subcarrier_pos):
    del y
    pe_small, idx4 = _prep(dmrs_ofdm_pos, dmrs_subcarrier_pos)
    a = _avg(h_hat_ls.reshape(BATCH, 792, 2, NUM_TX * NUM_RX))
    out = _sc_gather_fn()(
        a.reshape(BATCH * 792 * NUM_TX, NUM_RX),
        idx4.reshape(NUM_TX, TASK_ROWS),
    )
    h5 = out.reshape(BATCH, NUM_TX, NUM_SYM, NUM_PRB * NUM_RE, NUM_RX)
    h_hat = jnp.transpose(h5, (0, 1, 3, 2, 4))
    pe = jnp.broadcast_to(
        pe_small[:, None], (NUM_TX, NUM_PRB, NUM_RE, NUM_SYM, 2)
    ).reshape(NUM_TX, NUM_PRB * NUM_RE, NUM_SYM, 2)
    return (h_hat, pe)

# --- scband reference (transcript-rebuilt; emitter-appended) ---
"""Pipeline reference for scband-nrpreprocessing-87694642249963 (READ-ONLY COPY).

The authoritative reference and input builder live on the scoring server;
editing this copy changes nothing except your own understanding.
"""

import jax, jax.numpy as jnp
import numpy as np

NUM_TX = 4
NUM_RES_PER_PRB = 12


def split_dim(x, shape, axis):
    s = x.shape
    return x.reshape(s[:axis] + tuple(shape) + s[axis + 1:])


def _focc_removal(h_hat):
    s = h_hat.shape
    h = h_hat.reshape(s[:3] + (-1, 2))
    h = jnp.sum(h, axis=-1, keepdims=True) / 2.0
    h = jnp.tile(h, (1, 1, 1, 1, 2))
    return h.reshape(s[:3] + (-1,))


def _calculate_nn_indices(dmrs_ofdm_pos, dmrs_subcarrier_pos, num_ofdm_symbols, num_prbs):
    g0, g1 = jnp.meshgrid(jnp.arange(NUM_RES_PER_PRB), jnp.arange(num_ofdm_symbols), indexing='ij')
    re_pos = jnp.stack([g0, g1], axis=-1).reshape(-1, 1, 2)
    pes = []
    nn_idxs = []
    for tx_idx in range(NUM_TX):
        p0, p1 = jnp.meshgrid(dmrs_subcarrier_pos[tx_idx], dmrs_ofdm_pos[tx_idx], indexing='ij')
        pilot_pos = jnp.stack([p0, p1], axis=-1).reshape(-1, 2)[None, :, :]
        diff = jnp.abs(re_pos - pilot_pos)
        dist = jnp.sum(diff, axis=-1)
        nn_idx = jnp.argmin(dist, axis=1).reshape(1, 1, num_ofdm_symbols, NUM_RES_PER_PRB)
        pe = jnp.min(diff, axis=1).reshape(1, num_ofdm_symbols, NUM_RES_PER_PRB, 2)
        pe = jnp.transpose(pe, (0, 2, 1, 3)).astype(jnp.float32)
        p = []
        pe_ = pe[..., 1:2]
        pe_ = pe_ - pe_.mean()
        std_ = jnp.std(pe_, ddof=1)
        pe_ = jnp.where(std_ > 0.0, pe_ / std_, pe_)
        p.append(pe_)
        pe_ = pe[..., 0:1]
        pe_ = pe_ - pe_.mean()
        std_ = jnp.std(pe_, ddof=1)
        pe_ = jnp.where(std_ > 0.0, pe_ / std_, pe_)
        p.append(pe_)
        pe = jnp.concatenate(p, axis=-1)
        pes.append(pe)
        nn_idxs.append(nn_idx)
    pe = jnp.concatenate(pes, axis=0)
    pe = jnp.tile(pe, (1, num_prbs, 1, 1))
    nn_idx = jnp.concatenate(nn_idxs, axis=0)
    return nn_idx, pe


def _nn_interpolation(h_hat, num_ofdm_symbols, dmrs_ofdm_pos, dmrs_subcarrier_pos):
    num_pilots_per_dmrs = dmrs_subcarrier_pos.shape[1]
    num_prbs = int(h_hat.shape[-1] // (num_pilots_per_dmrs * dmrs_ofdm_pos.shape[-1]))
    s = h_hat.shape
    h = split_dim(h_hat, (-1, num_pilots_per_dmrs), 3)
    h = split_dim(h, (-1, num_prbs), 3)
    h = jnp.transpose(h, (0, 1, 2, 4, 3, 5))
    h = h.reshape(s)
    h = h[:, None, :, :, None, :]
    perm = tuple(int(i) for i in np.roll(np.arange(h.ndim), -3))
    h = jnp.transpose(h, perm)
    ls_nn_ind, pe = _calculate_nn_indices(dmrs_ofdm_pos, dmrs_subcarrier_pos, num_ofdm_symbols, num_prbs)
    h_prb = split_dim(h, (num_prbs, -1), 2)
    h_prb = jnp.transpose(h_prb, (0, 1, 3, 2, 4, 5, 6))
    T = h_prb.shape[0]
    S = num_ofdm_symbols
    idx = ls_nn_ind.reshape(T, S * NUM_RES_PER_PRB)
    outputs = jax.vmap(lambda p, i: p[i])(h_prb[:, 0], idx)
    outputs = outputs.reshape((T, 1, S, NUM_RES_PER_PRB) + h_prb.shape[3:])
    outputs = jnp.transpose(outputs, (0, 1, 2, 4, 3, 5, 6, 7))
    so = outputs.shape
    outputs = outputs.reshape((-1,) + so[1:3] + (num_prbs * NUM_RES_PER_PRB,) + so[5:])
    perm = tuple(int(i) for i in np.roll(np.arange(outputs.ndim), 3))
    h_out = jnp.transpose(outputs, perm)
    return h_out, pe


def reference(y, h_hat_ls, dmrs_ofdm_pos, dmrs_subcarrier_pos):
    num_ofdm_symbols = y.shape[2]
    h = jnp.transpose(h_hat_ls, (0, 3, 2, 1))
    h = _focc_removal(h)
    h_hat, pe = _nn_interpolation(h, num_ofdm_symbols, dmrs_ofdm_pos, dmrs_subcarrier_pos)
    h_hat = h_hat[:, 0, :, :NUM_TX, 0]
    h_hat = jnp.transpose(h_hat, (0, 2, 4, 3, 1))
    return (h_hat, pe)


def setup_inputs(seed: int = 0):
    key = jax.random.key(seed)
    k1, k2, k3, k4 = jax.random.split(key, 4)
    y = jax.random.normal(k1, (16, 8, 14, 1584), dtype=jnp.float32)
    h_hat_ls = jax.random.normal(k2, (16, 1584, 4, 8), dtype=jnp.float32)
    dmrs_ofdm_pos = jax.random.randint(k3, (4, 2), 0, 14, dtype=jnp.int32)
    dmrs_subcarrier_pos = jax.random.randint(k4, (4, 6), 0, 12, dtype=jnp.int32)
    return {"y": y, "h_hat_ls": h_hat_ls, "dmrs_ofdm_pos": dmrs_ofdm_pos, "dmrs_subcarrier_pos": dmrs_subcarrier_pos}

if __name__ == "__main__":
    import jax
    _d = setup_inputs()
    print(jax.jit(kernel)(*tuple(_d.values())))

</pallas_src>

<mosaic_0001>
#map = affine_map<(d0, d1) -> (0, 0)>
#map1 = affine_map<(d0, d1) -> (0, 0, 0)>
module attributes {stable_mosaic.version = 14 : i64} {
  func.func @_sc_gather(%arg0: i32, %arg1: i32, %arg2: memref<50688x8xf32, #tpu.memory_space<hbm>>, %arg3: memref<4x22176xi32, #tpu.memory_space<hbm>>, %arg4: memref<64x22176x8xf32, #tpu.memory_space<hbm>>, %arg5: memref<22176xi32, #tpu.memory_space<vmem>>, %arg6: memref<2x2016x8xf32, #tpu.memory_space<vmem>>, %arg7: memref<!tpu.dma_semaphore, #tpu.memory_space<semaphore_mem>>, %arg8: memref<!tpu.dma_semaphore, #tpu.memory_space<semaphore_mem>>, %arg9: memref<!tpu.dma_semaphore, #tpu.memory_space<semaphore_mem>>) attributes {dimension_semantics = [#tpu.dimension_semantics<core_parallel>, #tpu.dimension_semantics<subcore_parallel>], iteration_bounds = array<i64: 2, 16>, scalar_prefetch = 0 : i64, scratch_operands = 5 : i64, tpu.core_type = #tpu.core_type<sc_vector_subcore>, window_params = [{transform_indices = #map}, {transform_indices = #map}, {transform_indices = #map1}]} {
    %mul3A = arith.constant 2 : i32
    %mul3A_0 = arith.muli %arg1, %mul3A : i32
    %add3A = arith.addi %mul3A_0, %arg0 : i32
    %mul3A_1 = arith.constant 2 : i32
    %mul3A_2 = arith.muli %add3A, %mul3A_1 : i32
    %add3A_3 = arith.constant 0 : i32
    %add3A_4 = arith.addi %mul3A_2, %add3A_3 : i32
    %jit3A = arith.constant 4 : i32
    %div3A = arith.divsi %add3A_4, %jit3A : i32
    %sign3A = arith.constant 0 : i32
    %sign3A_5 = arith.cmpi sgt, %add3A_4, %sign3A : i32
    %sign3A_6 = arith.extui %sign3A_5 : i1 to i32
    %sign3A_7 = arith.constant 0 : i32
    %sign3A_8 = arith.cmpi slt, %add3A_4, %sign3A_7 : i32
    %sign3A_9 = arith.extui %sign3A_8 : i1 to i32
    %sign3A_10 = arith.subi %sign3A_6, %sign3A_9 : i32
    %sign3A_11 = arith.constant 0 : i32
    %sign3A_12 = arith.cmpi sgt, %jit3A, %sign3A_11 : i32
    %sign3A_13 = arith.extui %sign3A_12 : i1 to i32
    %sign3A_14 = arith.constant 0 : i32
    %sign3A_15 = arith.cmpi slt, %jit3A, %sign3A_14 : i32
    %sign3A_16 = arith.extui %sign3A_15 : i1 to i32
    %sign3A_17 = arith.subi %sign3A_13, %sign3A_16 : i32
    %ne3A = arith.cmpi ne, %sign3A_10, %sign3A_17 : i32
    %rem3A = arith.remsi %add3A_4, %jit3A : i32
    %ne3A_18 = arith.constant 0 : i32
    %ne3A_19 = arith.cmpi ne, %rem3A, %ne3A_18 : i32
    %and3A = arith.andi %ne3A, %ne3A_19 : i1
    %sub3A = arith.constant 1 : i32
    %sub3A_20 = arith.subi %div3A, %sub3A : i32
    %select_n3A = arith.select %and3A, %sub3A_20, %div3A : i32
    %jit3A_21 = arith.constant 4 : i32
    %eq3A = arith.constant 0 : i32
    %eq3A_22 = arith.cmpi eq, %jit3A_21, %eq3A : i32
    %jit3A_23 = arith.constant 1 : i32
    %select_n3A_24 = arith.select %eq3A_22, %jit3A_23, %jit3A_21 : i32
    %rem3A_25 = arith.remsi %add3A_4, %select_n3A_24 : i32
    %ne3A_26 = arith.constant 0 : i32
    %ne3A_27 = arith.cmpi ne, %rem3A_25, %ne3A_26 : i32
    %lt3A = arith.constant 0 : i32
    %lt3A_28 = arith.cmpi slt, %rem3A_25, %lt3A : i32
    %lt3A_29 = arith.constant 0 : i32
    %lt3A_30 = arith.cmpi slt, %select_n3A_24, %lt3A_29 : i32
    %ne3A_31 = arith.xori %lt3A_28, %lt3A_30 : i1
    %and3A_32 = arith.andi %ne3A_31, %ne3A_27 : i1
    %add3A_33 = arith.addi %rem3A_25, %select_n3A_24 : i32
    %select_n3A_34 = arith.select %and3A_32, %add3A_33, %rem3A_25 : i32
    "tpu.region"() ({
      %run_scoped3A = tpu.sem_alloc : memref<!tpu.dma_semaphore, #tpu.memory_space<semaphore_mem>>
      %dma_start3A_1371 = arith.constant 0 : i32
      %dma_start3A_1372 = tpu.memref_slice %arg3[%select_n3A_34, %dma_start3A_1371] : memref<4x22176xi32, #tpu.memory_space<hbm>> -> memref<1x22176xi32, #tpu.memory_space<hbm>>
      %dma_start3A_1373 = tpu.memref_squeeze %dma_start3A_1372 : memref<1x22176xi32, #tpu.memory_space<hbm>> -> memref<22176xi32, #tpu.memory_space<hbm>>
      %dma_start3A_1374 = arith.constant 0 : i32
      %dma_start3A_1375 = tpu.memref_slice %arg3[%select_n3A_34, %dma_start3A_1374] : memref<4x22176xi32, #tpu.memory_space<hbm>> -> memref<1x22176xi32, #tpu.memory_space<hbm>>
      %dma_start3A_1376 = tpu.memref_squeeze %dma_start3A_1375 : memref<1x22176xi32, #tpu.memory_space<hbm>> -> memref<22176xi32, #tpu.memory_space<hbm>>
      tpu.enqueue_dma source(%dma_start3A_1376 : memref<22176xi32, #tpu.memory_space<hbm>>) target(%arg5 : memref<22176xi32, #tpu.memory_space<vmem>>) target_semaphore(%run_scoped3A : memref<!tpu.dma_semaphore, #tpu.memory_space<semaphore_mem>>)
      %dma_wait3A_1377 = arith.constant 0 : i32
      %dma_wait3A_1378 = tpu.memref_slice %arg3[%select_n3A_34, %dma_wait3A_1377] : memref<4x22176xi32, #tpu.memory_space<hbm>> -> memref<1x22176xi32, #tpu.memory_space<hbm>>
      %dma_wait3A_1379 = tpu.memref_squeeze %dma_wait3A_1378 : memref<1x22176xi32, #tpu.memory_space<hbm>> -> memref<22176xi32, #tpu.memory_space<hbm>>
      %dma_wait3A_1380 = arith.constant 0 : i32
      %dma_wait3A_1381 = tpu.memref_slice %arg3[%select_n3A_34, %dma_wait3A_1380] : memref<4x22176xi32, #tpu.memory_space<hbm>> -> memref<1x22176xi32, #tpu.memory_space<hbm>>
      %dma_wait3A_1382 = tpu.memref_squeeze %dma_wait3A_1381 : memref<1x22176xi32, #tpu.memory_space<hbm>> -> memref<22176xi32, #tpu.memory_space<hbm>>
      tpu.wait_dma2 semaphore(%run_scoped3A : memref<!tpu.dma_semaphore, #tpu.memory_space<semaphore_mem>>) src(%dma_wait3A_1382 : memref<22176xi32, #tpu.memory_space<hbm>>) dst(%arg5 : memref<22176xi32, #tpu.memory_space<vmem>>)
      tpu.yield
    }) : () -> ()
    %mul3A_35 = arith.constant 3168 : i32
    %mul3A_36 = arith.muli %select_n3A, %mul3A_35 : i32
    %broadcast_in_dim3A = vector.broadcast %mul3A_36 : i32 to vector<16xi32>
    %scan3A = arith.constant 0 : i32
    %scan3A_37 = arith.constant 0 : i32
    %scan3A_38 = arith.constant 1386 : i32
    %scan3A_39 = arith.addi %scan3A_37, %scan3A_38 : i32
    %scan3A_40 = arith.constant 1 : i32
    %scan3A_41 = scf.for %scan3A_1371 = %scan3A_37 to %scan3A_39 step %scan3A_40 iter_args(%scan3A_1372 = %scan3A) -> (i32)  : i32 {
      %mul3A_1373 = arith.constant 16 : i32
      %mul3A_1374 = arith.muli %scan3A_1371, %mul3A_1373 : i32
      %get3A = arith.index_cast %mul3A_1374 : i32 to index
      %get3A_1375 = tpu.vector_load %arg5[%get3A] {strides = array<i32>} : memref<22176xi32, #tpu.memory_space<vmem>>, vector<16xi32>,
      %get3A_1376 = vector.shape_cast %get3A_1375 : vector<16xi32> to vector<16xi32>
      %add3A_1377 = arith.addi %get3A_1376, %broadcast_in_dim3A : vector<16xi32>
      %mul3A_1378 = arith.constant 16 : i32
      %mul3A_1379 = arith.muli %scan3A_1371, %mul3A_1378 : i32
      %swap3A = arith.index_cast %mul3A_1379 : i32 to index
      %swap3A_1380 = tpu.vector_load %arg5[%swap3A] {strides = array<i32>} : memref<22176xi32, #tpu.memory_space<vmem>>, vector<16xi32>,
      %swap3A_1381 = vector.shape_cast %swap3A_1380 : vector<16xi32> to vector<16xi32>
      %swap3A_1382 = vector.shape_cast %add3A_1377 : vector<16xi32> to vector<16xi32>
      tpu.vector_store %arg5[%swap3A], %swap3A_1382 {strides = array<i32>} : memref<22176xi32, #tpu.memory_space<vmem>>, vector<16xi32>,
      %scan3A_1383 = arith.constant 0 : i32
      scf.yield %scan3A_1383 : i32
    }
    %scan3A_42 = arith.constant 1386 : i32
    %scan3A_43 = arith.constant 0 : i32
    %scan3A_44 = arith.constant 0 : i32
    %scan3A_45 = arith.constant 18 : i32
    %scan3A_46 = arith.addi %scan3A_44, %scan3A_45 : i32
    %scan3A_47 = arith.constant 1 : i32
    %scan3A_48 = scf.for %scan3A_1371 = %scan3A_44 to %scan3A_46 step %scan3A_47 iter_args(%scan3A_1372 = %scan3A_43) -> (i32)  : i32 {
      %mul3A_1373 = arith.constant 112 : i32
      %mul3A_1374 = arith.muli %scan3A_1371, %mul3A_1373 : i32
      %add3A_1375 = arith.constant 0 : i32
      %add3A_1376 = arith.addi %add3A_1375, %mul3A_1374 : i32
      %mul3A_1377 = arith.constant 112 : i32
      %mul3A_1378 = arith.muli %scan3A_1371, %mul3A_1377 : i32
      %dma_start3A_1379 = arith.constant 0 : i32
      %dma_start3A_1380 = arith.constant 0 : i32
      %dma_start3A_1381 = tpu.memref_slice %arg6[%dma_start3A_1379, %mul3A_1378, %dma_start3A_1380] : memref<2x2016x8xf32, #tpu.memory_space<vmem>> -> memref<1x112x8xf32, #tpu.memory_space<vmem>>
      %dma_start3A_1382 = tpu.memref_squeeze %dma_start3A_1381 : memref<1x112x8xf32, #tpu.memory_space<vmem>> -> memref<112x8xf32, #tpu.memory_space<vmem>>
      %dma_start3A_1383 = tpu.memref_slice %arg5[%add3A_1376] : memref<22176xi32, #tpu.memory_space<vmem>> -> memref<112xi32, #tpu.memory_space<vmem>>
      %dma_start3A_1384 = arith.constant 0 : i32
      %dma_start3A_1385 = arith.constant 0 : i32
      %dma_start3A_1386 = tpu.memref_slice %arg2[%dma_start3A_1384, %dma_start3A_1385] : memref<50688x8xf32, #tpu.memory_space<hbm>> -> memref<50688x8xf32, #tpu.memory_space<hbm>>
      tpu.enqueue_indirect_dma source(%dma_start3A_1386 : memref<50688x8xf32, #tpu.memory_space<hbm>>) target(%dma_start3A_1382 : memref<112x8xf32, #tpu.memory_space<vmem>>) offsets(%dma_start3A_1383 : memref<112xi32, #tpu.memory_space<vmem>>) semaphore(%arg7 : memref<!tpu.dma_semaphore, #tpu.memory_space<semaphore_mem>>)
      %scan3A_1387 = arith.constant 0 : i32
      scf.yield %scan3A_1387 : i32
    }
    %scan3A_49 = arith.constant 18 : i32
    %dma_wait3A = arith.constant 0 : i32
    %dma_wait3A_50 = arith.constant 0 : i32
    %dma_wait3A_51 = arith.constant 0 : i32
    %dma_wait3A_52 = tpu.memref_slice %arg6[%dma_wait3A, %dma_wait3A_50, %dma_wait3A_51] : memref<2x2016x8xf32, #tpu.memory_space<vmem>> -> memref<1x2016x8xf32, #tpu.memory_space<vmem>>
    %dma_wait3A_53 = tpu.memref_squeeze %dma_wait3A_52 : memref<1x2016x8xf32, #tpu.memory_space<vmem>> -> memref<2016x8xf32, #tpu.memory_space<vmem>>
    %dma_wait3A_54 = arith.constant 0 : i32
    %dma_wait3A_55 = arith.constant 0 : i32
    %dma_wait3A_56 = tpu.memref_slice %arg4[%add3A_4, %dma_wait3A_54, %dma_wait3A_55] : memref<64x22176x8xf32, #tpu.memory_space<hbm>> -> memref<1x2016x8xf32, #tpu.memory_space<hbm>>
    %dma_wait3A_57 = tpu.memref_squeeze %dma_wait3A_56 : memref<1x2016x8xf32, #tpu.memory_space<hbm>> -> memref<2016x8xf32, #tpu.memory_space<hbm>>
    %dma_wait3A_58 = arith.constant 0 : i32
    %dma_wait3A_59 = arith.constant 0 : i32
    %dma_wait3A_60 = tpu.memref_slice %arg6[%dma_wait3A, %dma_wait3A_58, %dma_wait3A_59] : memref<2x2016x8xf32, #tpu.memory_space<vmem>> -> memref<1x2016x8xf32, #tpu.memory_space<vmem>>
    %dma_wait3A_61 = tpu.memref_squeeze %dma_wait3A_60 : memref<1x2016x8xf32, #tpu.memory_space<vmem>> -> memref<2016x8xf32, #tpu.memory_space<vmem>>
    %dma_wait3A_62 = arith.constant 0 : i32
    %dma_wait3A_63 = arith.constant 0 : i32
    %dma_wait3A_64 = tpu.memref_slice %arg4[%add3A_4, %dma_wait3A_62, %dma_wait3A_63] : memref<64x22176x8xf32, #tpu.memory_space<hbm>> -> memref<1x2016x8xf32, #tpu.memory_space<hbm>>
    %dma_wait3A_65 = tpu.memref_squeeze %dma_wait3A_64 : memref<1x2016x8xf32, #tpu.memory_space<hbm>> -> memref<2016x8xf32, #tpu.memory_space<hbm>>
    tpu.wait_dma2 semaphore(%arg7 : memref<!tpu.dma_semaphore, #tpu.memory_space<semaphore_mem>>) src(%dma_wait3A_65 : memref<2016x8xf32, #tpu.memory_space<hbm>>) dst(%dma_wait3A_61 : memref<2016x8xf32, #tpu.memory_space<vmem>>)
    %dma_start3A = arith.constant 0 : i32
    %dma_start3A_66 = arith.constant 0 : i32
    %dma_start3A_67 = arith.constant 0 : i32
    %dma_start3A_68 = tpu.memref_slice %arg6[%dma_start3A, %dma_start3A_66, %dma_start3A_67] : memref<2x2016x8xf32, #tpu.memory_space<vmem>> -> memref<1x2016x8xf32, #tpu.memory_space<vmem>>
    %dma_start3A_69 = tpu.memref_squeeze %dma_start3A_68 : memref<1x2016x8xf32, #tpu.memory_space<vmem>> -> memref<2016x8xf32, #tpu.memory_space<vmem>>
    %dma_start3A_70 = arith.constant 0 : i32
    %dma_start3A_71 = arith.constant 0 : i32
    %dma_start3A_72 = tpu.memref_slice %arg4[%add3A_4, %dma_start3A_70, %dma_start3A_71] : memref<64x22176x8xf32, #tpu.memory_space<hbm>> -> memref<1x2016x8xf32, #tpu.memory_space<hbm>>
    %dma_start3A_73 = tpu.memref_squeeze %dma_start3A_72 : memref<1x2016x8xf32, #tpu.memory_space<hbm>> -> memref<2016x8xf32, #tpu.memory_space<hbm>>
    %dma_start3A_74 = arith.constant 0 : i32
    %dma_start3A_75 = arith.constant 0 : i32
    %dma_start3A_76 = tpu.memref_slice %arg4[%add3A_4, %dma_start3A_74, %dma_start3A_75] : memref<64x22176x8xf32, #tpu.memory_space<hbm>> -> memref<1x2016x8xf32, #tpu.memory_space<hbm>>
    %dma_start3A_77 = tpu.memref_squeeze %dma_start3A_76 : memref<1x2016x8xf32, #tpu.memory_space<hbm>> -> memref<2016x8xf32, #tpu.memory_space<hbm>>
    %dma_start3A_78 = arith.constant 0 : i32
    %dma_start3A_79 = arith.constant 0 : i32
    %dma_start3A_80 = tpu.memref_slice %arg6[%dma_start3A, %dma_start3A_78, %dma_start3A_79] : memref<2x2016x8xf32, #tpu.memory_space<vmem>> -> memref<1x2016x8xf32, #tpu.memory_space<vmem>>
    %dma_start3A_81 = tpu.memref_squeeze %dma_start3A_80 : memref<1x2016x8xf32, #tpu.memory_space<vmem>> -> memref<2016x8xf32, #tpu.memory_space<vmem>>
    tpu.enqueue_dma source(%dma_start3A_81 : memref<2016x8xf32, #tpu.memory_space<vmem>>) target(%dma_start3A_77 : memref<2016x8xf32, #tpu.memory_space<hbm>>) target_semaphore(%arg8 : memref<!tpu.dma_semaphore, #tpu.memory_space<semaphore_mem>>)
    %scan3A_82 = arith.constant 0 : i32
    %scan3A_83 = arith.constant 0 : i32
    %scan3A_84 = arith.constant 18 : i32
    %scan3A_85 = arith.addi %scan3A_83, %scan3A_84 : i32
    %scan3A_86 = arith.constant 1 : i32
    %scan3A_87 = scf.for %scan3A_1371 = %scan3A_83 to %scan3A_85 step %scan3A_86 iter_args(%scan3A_1372 = %scan3A_82) -> (i32)  : i32 {
      %mul3A_1373 = arith.constant 112 : i32
      %mul3A_1374 = arith.muli %scan3A_1371, %mul3A_1373 : i32
      %add3A_1375 = arith.constant 2016 : i32
      %add3A_1376 = arith.addi %add3A_1375, %mul3A_1374 : i32
      %mul3A_1377 = arith.constant 112 : i32
      %mul3A_1378 = arith.muli %scan3A_1371, %mul3A_1377 : i32
      %dma_start3A_1379 = arith.constant 1 : i32
      %dma_start3A_1380 = arith.constant 0 : i32
      %dma_start3A_1381 = tpu.memref_slice %arg6[%dma_start3A_1379, %mul3A_1378, %dma_start3A_1380] : memref<2x2016x8xf32, #tpu.memory_space<vmem>> -> memref<1x112x8xf32, #tpu.memory_space<vmem>>
      %dma_start3A_1382 = tpu.memref_squeeze %dma_start3A_1381 : memref<1x112x8xf32, #tpu.memory_space<vmem>> -> memref<112x8xf32, #tpu.memory_space<vmem>>
      %dma_start3A_1383 = tpu.memref_slice %arg5[%add3A_1376] : memref<22176xi32, #tpu.memory_space<vmem>> -> memref<112xi32, #tpu.memory_space<vmem>>
      %dma_start3A_1384 = arith.constant 0 : i32
      %dma_start3A_1385 = arith.constant 0 : i32
      %dma_start3A_1386 = tpu.memref_slice %arg2[%dma_start3A_1384, %dma_start3A_1385] : memref<50688x8xf32, #tpu.memory_space<hbm>> -> memref<50688x8xf32, #tpu.memory_space<hbm>>
      tpu.enqueue_indirect_dma source(%dma_start3A_1386 : memref<50688x8xf32, #tpu.memory_space<hbm>>) target(%dma_start3A_1382 : memref<112x8xf32, #tpu.memory_space<vmem>>) offsets(%dma_start3A_1383 : memref<112xi32, #tpu.memory_space<vmem>>) semaphore(%arg7 : memref<!tpu.dma_semaphore, #tpu.memory_space<semaphore_mem>>)
      %scan3A_1387 = arith.constant 0 : i32
      scf.yield %scan3A_1387 : i32
    }
    %scan3A_88 = arith.constant 18 : i32
    %dma_wait3A_89 = arith.constant 1 : i32
    %dma_wait3A_90 = arith.constant 0 : i32
    %dma_wait3A_91 = arith.constant 0 : i32
    %dma_wait3A_92 = tpu.memref_slice %arg6[%dma_wait3A_89, %dma_wait3A_90, %dma_wait3A_91] : memref<2x2016x8xf32, #tpu.memory_space<vmem>> -> memref<1x2016x8xf32, #tpu.memory_space<vmem>>
    %dma_wait3A_93 = tpu.memref_squeeze %dma_wait3A_92 : memref<1x2016x8xf32, #tpu.memory_space<vmem>> -> memref<2016x8xf32, #tpu.memory_space<vmem>>
    %dma_wait3A_94 = arith.constant 0 : i32
    %dma_wait3A_95 = arith.constant 0 : i32
    %dma_wait3A_96 = tpu.memref_slice %arg4[%add3A_4, %dma_wait3A_94, %dma_wait3A_95] : memref<64x22176x8xf32, #tpu.memory_space<hbm>> -> memref<1x2016x8xf32, #tpu.memory_space<hbm>>
    %dma_wait3A_97 = tpu.memref_squeeze %dma_wait3A_96 : memref<1x2016x8xf32, #tpu.memory_space<hbm>> -> memref<2016x8xf32, #tpu.memory_space<hbm>>
    %dma_wait3A_98 = arith.constant 0 : i32
    %dma_wait3A_99 = arith.constant 0 : i32
    %dma_wait3A_100 = tpu.memref_slice %arg6[%dma_wait3A_89, %dma_wait3A_98, %dma_wait3A_99] : memref<2x2016x8xf32, #tpu.memory_space<vmem>> -> memref<1x2016x8xf32, #tpu.memory_space<vmem>>
    %dma_wait3A_101 = tpu.memref_squeeze %dma_wait3A_100 : memref<1x2016x8xf32, #tpu.memory_space<vmem>> -> memref<2016x8xf32, #tpu.memory_space<vmem>>
    %dma_wait3A_102 = arith.constant 0 : i32
    %dma_wait3A_103 = arith.constant 0 : i32
    %dma_wait3A_104 = tpu.memref_slice %arg4[%add3A_4, %dma_wait3A_102, %dma_wait3A_103] : memref<64x22176x8xf32, #tpu.memory_space<hbm>> -> memref<1x2016x8xf32, #tpu.memory_space<hbm>>
    %dma_wait3A_105 = tpu.memref_squeeze %dma_wait3A_104 : memref<1x2016x8xf32, #tpu.memory_space<hbm>> -> memref<2016x8xf32, #tpu.memory_space<hbm>>
    tpu.wait_dma2 semaphore(%arg7 : memref<!tpu.dma_semaphore, #tpu.memory_space<semaphore_mem>>) src(%dma_wait3A_105 : memref<2016x8xf32, #tpu.memory_space<hbm>>) dst(%dma_wait3A_101 : memref<2016x8xf32, #tpu.memory_space<vmem>>)
    %dma_start3A_106 = arith.constant 1 : i32
    %dma_start3A_107 = arith.constant 0 : i32
    %dma_start3A_108 = arith.constant 0 : i32
    %dma_start3A_109 = tpu.memref_slice %arg6[%dma_start3A_106, %dma_start3A_107, %dma_start3A_108] : memref<2x2016x8xf32, #tpu.memory_space<vmem>> -> memref<1x2016x8xf32, #tpu.memory_space<vmem>>
    %dma_start3A_110 = tpu.memref_squeeze %dma_start3A_109 : memref<1x2016x8xf32, #tpu.memory_space<vmem>> -> memref<2016x8xf32, #tpu.memory_space<vmem>>
    %dma_start3A_111 = arith.constant 2016 : i32
    %dma_start3A_112 = arith.constant 0 : i32
    %dma_start3A_113 = tpu.memref_slice %arg4[%add3A_4, %dma_start3A_111, %dma_start3A_112] : memref<64x22176x8xf32, #tpu.memory_space<hbm>> -> memref<1x2016x8xf32, #tpu.memory_space<hbm>>
    %dma_start3A_114 = tpu.memref_squeeze %dma_start3A_113 : memref<1x2016x8xf32, #tpu.memory_space<hbm>> -> memref<2016x8xf32, #tpu.memory_space<hbm>>
    %dma_start3A_115 = arith.constant 2016 : i32
    %dma_start3A_116 = arith.constant 0 : i32
    %dma_start3A_117 = tpu.memref_slice %arg4[%add3A_4, %dma_start3A_115, %dma_start3A_116] : memref<64x22176x8xf32, #tpu.memory_space<hbm>> -> memref<1x2016x8xf32, #tpu.memory_space<hbm>>
    %dma_start3A_118 = tpu.memref_squeeze %dma_start3A_117 : memref<1x2016x8xf32, #tpu.memory_space<hbm>> -> memref<2016x8xf32, #tpu.memory_space<hbm>>
    %dma_start3A_119 = arith.constant 0 : i32
    %dma_start3A_120 = arith.constant 0 : i32
    %dma_start3A_121 = tpu.memref_slice %arg6[%dma_start3A_106, %dma_start3A_119, %dma_start3A_120] : memref<2x2016x8xf32, #tpu.memory_space<vmem>> -> memref<1x2016x8xf32, #tpu.memory_space<vmem>>
    %dma_start3A_122 = tpu.memref_squeeze %dma_start3A_121 : memref<1x2016x8xf32, #tpu.memory_space<vmem>> -> memref<2016x8xf32, #tpu.memory_space<vmem>>
    tpu.enqueue_dma source(%dma_start3A_122 : memref<2016x8xf32, #tpu.memory_space<vmem>>) target(%dma_start3A_118 : memref<2016x8xf32, #tpu.memory_space<hbm>>) target_semaphore(%arg9 : memref<!tpu.dma_semaphore, #tpu.memory_space<semaphore_mem>>)
    %dma_wait3A_123 = arith.constant 0 : i32
    %dma_wait3A_124 = arith.constant 0 : i32
    %dma_wait3A_125 = arith.constant 0 : i32
    %dma_wait3A_126 = tpu.memref_slice %arg6[%dma_wait3A_123, %dma_wait3A_124, %dma_wait3A_125] : memref<2x2016x8xf32, #tpu.memory_space<vmem>> -> memref<1x2016x8xf32, #tpu.memory_space<vmem>>
    %dma_wait3A_127 = tpu.memref_squeeze %dma_wait3A_126 : memref<1x2016x8xf32, #tpu.memory_space<vmem>> -> memref<2016x8xf32, #tpu.memory_space<vmem>>
    %dma_wait3A_128 = arith.constant 0 : i32
    %dma_wait3A_129 = arith.constant 0 : i32
    %dma_wait3A_130 = tpu.memref_slice %arg4[%add3A_4, %dma_wait3A_128, %dma_wait3A_129] : memref<64x22176x8xf32, #tpu.memory_space<hbm>> -> memref<1x2016x8xf32, #tpu.memory_space<hbm>>
    %dma_wait3A_131 = tpu.memref_squeeze %dma_wait3A_130 : memref<1x2016x8xf32, #tpu.memory_space<hbm>> -> memref<2016x8xf32, #tpu.memory_space<hbm>>
    %dma_wait3A_132 = arith.constant 0 : i32
    %dma_wait3A_133 = arith.constant 0 : i32
    %dma_wait3A_134 = tpu.memref_slice %arg4[%add3A_4, %dma_wait3A_132, %dma_wait3A_133] : memref<64x22176x8xf32, #tpu.memory_space<hbm>> -> memref<1x2016x8xf32, #tpu.memory_space<hbm>>
    %dma_wait3A_135 = tpu.memref_squeeze %dma_wait3A_134 : memref<1x2016x8xf32, #tpu.memory_space<hbm>> -> memref<2016x8xf32, #tpu.memory_space<hbm>>
    %dma_wait3A_136 = arith.constant 0 : i32
    %dma_wait3A_137 = arith.constant 0 : i32
    %dma_wait3A_138 = tpu.memref_slice %arg6[%dma_wait3A_123, %dma_wait3A_136, %dma_wait3A_137] : memref<2x2016x8xf32, #tpu.memory_space<vmem>> -> memref<1x2016x8xf32, #tpu.memory_space<vmem>>
    %dma_wait3A_139 = tpu.memref_squeeze %dma_wait3A_138 : memref<1x2016x8xf32, #tpu.memory_space<vmem>> -> memref<2016x8xf32, #tpu.memory_space<vmem>>
    tpu.wait_dma2 semaphore(%arg8 : memref<!tpu.dma_semaphore, #tpu.memory_space<semaphore_mem>>) src(%dma_wait3A_139 : memref<2016x8xf32, #tpu.memory_space<vmem>>) dst(%dma_wait3A_135 : memref<2016x8xf32, #tpu.memory_space<hbm>>)
    %scan3A_140 = arith.constant 0 : i32
    %scan3A_141 = arith.constant 0 : i32
    %scan3A_142 = arith.constant 18 : i32
    %scan3A_143 = arith.addi %scan3A_141, %scan3A_142 : i32
    %scan3A_144 = arith.constant 1 : i32
    %scan3A_145 = scf.for %scan3A_1371 = %scan3A_141 to %scan3A_143 step %scan3A_144 iter_args(%scan3A_1372 = %scan3A_140) -> (i32)  : i32 {
      %mul3A_1373 = arith.constant 112 : i32
      %mul3A_1374 = arith.muli %scan3A_1371, %mul3A_1373 : i32
      %add3A_1375 = arith.constant 4032 : i32
      %add3A_1376 = arith.addi %add3A_1375, %mul3A_1374 : i32
      %mul3A_1377 = arith.constant 112 : i32
      %mul3A_1378 = arith.muli %scan3A_1371, %mul3A_1377 : i32
      %dma_start3A_1379 = arith.constant 0 : i32
      %dma_start3A_1380 = arith.constant 0 : i32
      %dma_start3A_1381 = tpu.memref_slice %arg6[%dma_start3A_1379, %mul3A_1378, %dma_start3A_1380] : memref<2x2016x8xf32, #tpu.memory_space<vmem>> -> memref<1x112x8xf32, #tpu.memory_space<vmem>>
      %dma_start3A_1382 = tpu.memref_squeeze %dma_start3A_1381 : memref<1x112x8xf32, #tpu.memory_space<vmem>> -> memref<112x8xf32, #tpu.memory_space<vmem>>
      %dma_start3A_1383 = tpu.memref_slice %arg5[%add3A_1376] : memref<22176xi32, #tpu.memory_space<vmem>> -> memref<112xi32, #tpu.memory_space<vmem>>
      %dma_start3A_1384 = arith.constant 0 : i32
      %dma_start3A_1385 = arith.constant 0 : i32
      %dma_start3A_1386 = tpu.memref_slice %arg2[%dma_start3A_1384, %dma_start3A_1385] : memref<50688x8xf32, #tpu.memory_space<hbm>> -> memref<50688x8xf32, #tpu.memory_space<hbm>>
      tpu.enqueue_indirect_dma source(%dma_start3A_1386 : memref<50688x8xf32, #tpu.memory_space<hbm>>) target(%dma_start3A_1382 : memref<112x8xf32, #tpu.memory_space<vmem>>) offsets(%dma_start3A_1383 : memref<112xi32, #tpu.memory_space<vmem>>) semaphore(%arg7 : memref<!tpu.dma_semaphore, #tpu.memory_space<semaphore_mem>>)
      %scan3A_1387 = arith.constant 0 : i32
      scf.yield %scan3A_1387 : i32
    }
    %scan3A_146 = arith.constant 18 : i32
    %dma_wait3A_147 = arith.constant 0 : i32
    %dma_wait3A_148 = arith.constant 0 : i32
    %dma_wait3A_149 = arith.constant 0 : i32
    %dma_wait3A_150 = tpu.memref_slice %arg6[%dma_wait3A_147, %dma_wait3A_148, %dma_wait3A_149] : memref<2x2016x8xf32, #tpu.memory_space<vmem>> -> memref<1x2016x8xf32, #tpu.memory_space<vmem>>
    %dma_wait3A_151 = tpu.memref_squeeze %dma_wait3A_150 : memref<1x2016x8xf32, #tpu.memory_space<vmem>> -> memref<2016x8xf32, #tpu.memory_space<vmem>>
    %dma_wait3A_152 = arith.constant 0 : i32
    %dma_wait3A_153 = arith.constant 0 : i32
    %dma_wait3A_154 = tpu.memref_slice %arg4[%add3A_4, %dma_wait3A_152, %dma_wait3A_153] : memref<64x22176x8xf32, #tpu.memory_space<hbm>> -> memref<1x2016x8xf32, #tpu.memory_space<hbm>>
    %dma_wait3A_155 = tpu.memref_squeeze %dma_wait3A_154 : memref<1x2016x8xf32, #tpu.memory_space<hbm>> -> memref<2016x8xf32, #tpu.memory_space<hbm>>
    %dma_wait3A_156 = arith.constant 0 : i32
    %dma_wait3A_157 = arith.constant 0 : i32
    %dma_wait3A_158 = tpu.memref_slice %arg6[%dma_wait3A_147, %dma_wait3A_156, %dma_wait3A_157] : memref<2x2016x8xf32, #tpu.memory_space<vmem>> -> memref<1x2016x8xf32, #tpu.memory_space<vmem>>
    %dma_wait3A_159 = tpu.memref_squeeze %dma_wait3A_158 : memref<1x2016x8xf32, #tpu.memory_space<vmem>> -> memref<2016x8xf32, #tpu.memory_space<vmem>>
    %dma_wait3A_160 = arith.constant 0 : i32
    %dma_wait3A_161 = arith.constant 0 : i32
    %dma_wait3A_162 = tpu.memref_slice %arg4[%add3A_4, %dma_wait3A_160, %dma_wait3A_161] : memref<64x22176x8xf32, #tpu.memory_space<hbm>> -> memref<1x2016x8xf32, #tpu.memory_space<hbm>>
    %dma_wait3A_163 = tpu.memref_squeeze %dma_wait3A_162 : memref<1x2016x8xf32, #tpu.memory_space<hbm>> -> memref<2016x8xf32, #tpu.memory_space<hbm>>
    tpu.wait_dma2 semaphore(%arg7 : memref<!tpu.dma_semaphore, #tpu.memory_space<semaphore_mem>>) src(%dma_wait3A_163 : memref<2016x8xf32, #tpu.memory_space<hbm>>) dst(%dma_wait3A_159 : memref<2016x8xf32, #tpu.memory_space<vmem>>)
    %dma_start3A_164 = arith.constant 0 : i32
    %dma_start3A_165 = arith.constant 0 : i32
    %dma_start3A_166 = arith.constant 0 : i32
    %dma_start3A_167 = tpu.memref_slice %arg6[%dma_start3A_164, %dma_start3A_165, %dma_start3A_166] : memref<2x2016x8xf32, #tpu.memory_space<vmem>> -> memref<1x2016x8xf32, #tpu.memory_space<vmem>>
    %dma_start3A_168 = tpu.memref_squeeze %dma_start3A_167 : memref<1x2016x8xf32, #tpu.memory_space<vmem>> -> memref<2016x8xf32, #tpu.memory_space<vmem>>
    %dma_start3A_169 = arith.constant 4032 : i32
    %dma_start3A_170 = arith.constant 0 : i32
    %dma_start3A_171 = tpu.memref_slice %arg4[%add3A_4, %dma_start3A_169, %dma_start3A_170] : memref<64x22176x8xf32, #tpu.memory_space<hbm>> -> memref<1x2016x8xf32, #tpu.memory_space<hbm>>
    %dma_start3A_172 = tpu.memref_squeeze %dma_start3A_171 : memref<1x2016x8xf32, #tpu.memory_space<hbm>> -> memref<2016x8xf32, #tpu.memory_space<hbm>>
    %dma_start3A_173 = arith.constant 4032 : i32
    %dma_start3A_174 = arith.constant 0 : i32
    %dma_start3A_175 = tpu.memref_slice %arg4[%add3A_4, %dma_start3A_173, %dma_start3A_174] : memref<64x22176x8xf32, #tpu.memory_space<hbm>> -> memref<1x2016x8xf32, #tpu.memory_space<hbm>>
    %dma_start3A_176 = tpu.memref_squeeze %dma_start3A_175 : memref<1x2016x8xf32, #tpu.memory_space<hbm>> -> memref<2016x8xf32, #tpu.memory_space<hbm>>
    %dma_start3A_177 = arith.constant 0 : i32
    %dma_start3A_178 = arith.constant 0 : i32
    %dma_start3A_179 = tpu.memref_slice %arg6[%dma_start3A_164, %dma_start3A_177, %dma_start3A_178] : memref<2x2016x8xf32, #tpu.memory_space<vmem>> -> memref<1x2016x8xf32, #tpu.memory_space<vmem>>
    %dma_start3A_180 = tpu.memref_squeeze %dma_start3A_179 : memref<1x2016x8xf32, #tpu.memory_space<vmem>> -> memref<2016x8xf32, #tpu.memory_space<vmem>>
    tpu.enqueue_dma source(%dma_start3A_180 : memref<2016x8xf32, #tpu.memory_space<vmem>>) target(%dma_start3A_176 : memref<2016x8xf32, #tpu.memory_space<hbm>>) target_semaphore(%arg8 : memref<!tpu.dma_semaphore, #tpu.memory_space<semaphore_mem>>)
    %dma_wait3A_181 = arith.constant 1 : i32
    %dma_wait3A_182 = arith.constant 0 : i32
    %dma_wait3A_183 = arith.constant 0 : i32
    %dma_wait3A_184 = tpu.memref_slice %arg6[%dma_wait3A_181, %dma_wait3A_182, %dma_wait3A_183] : memref<2x2016x8xf32, #tpu.memory_space<vmem>> -> memref<1x2016x8xf32, #tpu.memory_space<vmem>>
    %dma_wait3A_185 = tpu.memref_squeeze %dma_wait3A_184 : memref<1x2016x8xf32, #tpu.memory_space<vmem>> -> memref<2016x8xf32, #tpu.memory_space<vmem>>
    %dma_wait3A_186 = arith.constant 2016 : i32
    %dma_wait3A_187 = arith.constant 0 : i32
    %dma_wait3A_188 = tpu.memref_slice %arg4[%add3A_4, %dma_wait3A_186, %dma_wait3A_187] : memref<64x22176x8xf32, #tpu.memory_space<hbm>> -> memref<1x2016x8xf32, #tpu.memory_space<hbm>>
    %dma_wait3A_189 = tpu.memref_squeeze %dma_wait3A_188 : memref<1x2016x8xf32, #tpu.memory_space<hbm>> -> memref<2016x8xf32, #tpu.memory_space<hbm>>
    %dma_wait3A_190 = arith.constant 2016 : i32
    %dma_wait3A_191 = arith.constant 0 : i32
    %dma_wait3A_192 = tpu.memref_slice %arg4[%add3A_4, %dma_wait3A_190, %dma_wait3A_191] : memref<64x22176x8xf32, #tpu.memory_space<hbm>> -> memref<1x2016x8xf32, #tpu.memory_space<hbm>>
    %dma_wait3A_193 = tpu.memref_squeeze %dma_wait3A_192 : memref<1x2016x8xf32, #tpu.memory_space<hbm>> -> memref<2016x8xf32, #tpu.memory_space<hbm>>
    %dma_wait3A_194 = arith.constant 0 : i32
    %dma_wait3A_195 = arith.constant 0 : i32
    %dma_wait3A_196 = tpu.memref_slice %arg6[%dma_wait3A_181, %dma_wait3A_194, %dma_wait3A_195] : memref<2x2016x8xf32, #tpu.memory_space<vmem>> -> memref<1x2016x8xf32, #tpu.memory_space<vmem>>
    %dma_wait3A_197 = tpu.memref_squeeze %dma_wait3A_196 : memref<1x2016x8xf32, #tpu.memory_space<vmem>> -> memref<2016x8xf32, #tpu.memory_space<vmem>>
    tpu.wait_dma2 semaphore(%arg9 : memref<!tpu.dma_semaphore, #tpu.memory_space<semaphore_mem>>) src(%dma_wait3A_197 : memref<2016x8xf32, #tpu.memory_space<vmem>>) dst(%dma_wait3A_193 : memref<2016x8xf32, #tpu.memory_space<hbm>>)
    %scan3A_198 = arith.constant 0 : i32
    %scan3A_199 = arith.constant 0 : i32
    %scan3A_200 = arith.constant 18 : i32
    %scan3A_201 = arith.addi %scan3A_199, %scan3A_200 : i32
    %scan3A_202 = arith.constant 1 : i32
    %scan3A_203 = scf.for %scan3A_1371 = %scan3A_199 to %scan3A_201 step %scan3A_202 iter_args(%scan3A_1372 = %scan3A_198) -> (i32)  : i32 {
      %mul3A_1373 = arith.constant 112 : i32
      %mul3A_1374 = arith.muli %scan3A_1371, %mul3A_1373 : i32
      %add3A_1375 = arith.constant 6048 : i32
      %add3A_1376 = arith.addi %add3A_1375, %mul3A_1374 : i32
      %mul3A_1377 = arith.constant 112 : i32
      %mul3A_1378 = arith.muli %scan3A_1371, %mul3A_1377 : i32
      %dma_start3A_1379 = arith.constant 1 : i32
      %dma_start3A_1380 = arith.constant 0 : i32
      %dma_start3A_1381 = tpu.memref_slice %arg6[%dma_start3A_1379, %mul3A_1378, %dma_start3A_1380] : memref<2x2016x8xf32, #tpu.memory_space<vmem>> -> memref<1x112x8xf32, #tpu.memory_space<vmem>>
      %dma_start3A_1382 = tpu.memref_squeeze %dma_start3A_1381 : memref<1x112x8xf32, #tpu.memory_space<vmem>> -> memref<112x8xf32, #tpu.memory_space<vmem>>
      %dma_start3A_1383 = tpu.memref_slice %arg5[%add3A_1376] : memref<22176xi32, #tpu.memory_space<vmem>> -> memref<112xi32, #tpu.memory_space<vmem>>
      %dma_start3A_1384 = arith.constant 0 : i32
      %dma_start3A_1385 = arith.constant 0 : i32
      %dma_start3A_1386 = tpu.memref_slice %arg2[%dma_start3A_1384, %dma_start3A_1385] : memref<50688x8xf32, #tpu.memory_space<hbm>> -> memref<50688x8xf32, #tpu.memory_space<hbm>>
      tpu.enqueue_indirect_dma source(%dma_start3A_1386 : memref<50688x8xf32, #tpu.memory_space<hbm>>) target(%dma_start3A_1382 : memref<112x8xf32, #tpu.memory_space<vmem>>) offsets(%dma_start3A_1383 : memref<112xi32, #tpu.memory_space<vmem>>) semaphore(%arg7 : memref<!tpu.dma_semaphore, #tpu.memory_space<semaphore_mem>>)
      %scan3A_1387 = arith.constant 0 : i32
      scf.yield %scan3A_1387 : i32
    }
    %scan3A_204 = arith.constant 18 : i32
    %dma_wait3A_205 = arith.constant 1 : i32
    %dma_wait3A_206 = arith.constant 0 : i32
    %dma_wait3A_207 = arith.constant 0 : i32
    %dma_wait3A_208 = tpu.memref_slice %arg6[%dma_wait3A_205, %dma_wait3A_206, %dma_wait3A_207] : memref<2x2016x8xf32, #tpu.memory_space<vmem>> -> memref<1x2016x8xf32, #tpu.memory_space<vmem>>
    %dma_wait3A_209 = tpu.memref_squeeze %dma_wait3A_208 : memref<1x2016x8xf32, #tpu.memory_space<vmem>> -> memref<2016x8xf32, #tpu.memory_space<vmem>>
    %dma_wait3A_210 = arith.constant 0 : i32
    %dma_wait3A_211 = arith.constant 0 : i32
    %dma_wait3A_212 = tpu.memref_slice %arg4[%add3A_4, %dma_wait3A_210, %dma_wait3A_211] : memref<64x22176x8xf32, #tpu.memory_space<hbm>> -> memref<1x2016x8xf32, #tpu.memory_space<hbm>>
    %dma_wait3A_213 = tpu.memref_squeeze %dma_wait3A_212 : memref<1x2016x8xf32, #tpu.memory_space<hbm>> -> memref<2016x8xf32, #tpu.memory_space<hbm>>
    %dma_wait3A_214 = arith.constant 0 : i32
    %dma_wait3A_215 = arith.constant 0 : i32
    %dma_wait3A_216 = tpu.memref_slice %arg6[%dma_wait3A_205, %dma_wait3A_214, %dma_wait3A_215] : memref<2x2016x8xf32, #tpu.memory_space<vmem>> -> memref<1x2016x8xf32, #tpu.memory_space<vmem>>
    %dma_wait3A_217 = tpu.memref_squeeze %dma_wait3A_216 : memref<1x2016x8xf32, #tpu.memory_space<vmem>> -> memref<2016x8xf32, #tpu.memory_space<vmem>>
    %dma_wait3A_218 = arith.constant 0 : i32
    %dma_wait3A_219 = arith.constant 0 : i32
    %dma_wait3A_220 = tpu.memref_slice %arg4[%add3A_4, %dma_wait3A_218, %dma_wait3A_219] : memref<64x22176x8xf32, #tpu.memory_space<hbm>> -> memref<1x2016x8xf32, #tpu.memory_space<hbm>>
    %dma_wait3A_221 = tpu.memref_squeeze %dma_wait3A_220 : memref<1x2016x8xf32, #tpu.memory_space<hbm>> -> memref<2016x8xf32, #tpu.memory_space<hbm>>
    tpu.wait_dma2 semaphore(%arg7 : memref<!tpu.dma_semaphore, #tpu.memory_space<semaphore_mem>>) src(%dma_wait3A_221 : memref<2016x8xf32, #tpu.memory_space<hbm>>) dst(%dma_wait3A_217 : memref<2016x8xf32, #tpu.memory_space<vmem>>)
    %dma_start3A_222 = arith.constant 1 : i32
    %dma_start3A_223 = arith.constant 0 : i32
    %dma_start3A_224 = arith.constant 0 : i32
    %dma_start3A_225 = tpu.memref_slice %arg6[%dma_start3A_222, %dma_start3A_223, %dma_start3A_224] : memref<2x2016x8xf32, #tpu.memory_space<vmem>> -> memref<1x2016x8xf32, #tpu.memory_space<vmem>>
    %dma_start3A_226 = tpu.memref_squeeze %dma_start3A_225 : memref<1x2016x8xf32, #tpu.memory_space<vmem>> -> memref<2016x8xf32, #tpu.memory_space<vmem>>
    %dma_start3A_227 = arith.constant 6048 : i32
    %dma_start3A_228 = arith.constant 0 : i32
    %dma_start3A_229 = tpu.memref_slice %arg4[%add3A_4, %dma_start3A_227, %dma_start3A_228] : memref<64x22176x8xf32, #tpu.memory_space<hbm>> -> memref<1x2016x8xf32, #tpu.memory_space<hbm>>
    %dma_start3A_230 = tpu.memref_squeeze %dma_start3A_229 : memref<1x2016x8xf32, #tpu.memory_space<hbm>> -> memref<2016x8xf32, #tpu.memory_space<hbm>>
    %dma_start3A_231 = arith.constant 6048 : i32
    %dma_start3A_232 = arith.constant 0 : i32
    %dma_start3A_233 = tpu.memref_slice %arg4[%add3A_4, %dma_start3A_231, %dma_start3A_232] : memref<64x22176x8xf32, #tpu.memory_space<hbm>> -> memref<1x2016x8xf32, #tpu.memory_space<hbm>>
    %dma_start3A_234 = tpu.memref_squeeze %dma_start3A_233 : memref<1x2016x8xf32, #tpu.memory_space<hbm>> -> memref<2016x8xf32, #tpu.memory_space<hbm>>
    %dma_start3A_235 = arith.constant 0 : i32
    %dma_start3A_236 = arith.constant 0 : i32
    %dma_start3A_237 = tpu.memref_slice %arg6[%dma_start3A_222, %dma_start3A_235, %dma_start3A_236] : memref<2x2016x8xf32, #tpu.memory_space<vmem>> -> memref<1x2016x8xf32, #tpu.memory_space<vmem>>
    %dma_start3A_238 = tpu.memref_squeeze %dma_start3A_237 : memref<1x2016x8xf32, #tpu.memory_space<vmem>> -> memref<2016x8xf32, #tpu.memory_space<vmem>>
    tpu.enqueue_dma source(%dma_start3A_238 : memref<2016x8xf32, #tpu.memory_space<vmem>>) target(%dma_start3A_234 : memref<2016x8xf32, #tpu.memory_space<hbm>>) target_semaphore(%arg9 : memref<!tpu.dma_semaphore, #tpu.memory_space<semaphore_mem>>)
    %dma_wait3A_239 = arith.constant 0 : i32
    %dma_wait3A_240 = arith.constant 0 : i32
    %dma_wait3A_241 = arith.constant 0 : i32
    %dma_wait3A_242 = tpu.memref_slice %arg6[%dma_wait3A_239, %dma_wait3A_240, %dma_wait3A_241] : memref<2x2016x8xf32, #tpu.memory_space<vmem>> -> memref<1x2016x8xf32, #tpu.memory_space<vmem>>
    %dma_wait3A_243 = tpu.memref_squeeze %dma_wait3A_242 : memref<1x2016x8xf32, #tpu.memory_space<vmem>> -> memref<2016x8xf32, #tpu.memory_space<vmem>>
    %dma_wait3A_244 = arith.constant 4032 : i32
    %dma_wait3A_245 = arith.constant 0 : i32
    %dma_wait3A_246 = tpu.memref_slice %arg4[%add3A_4, %dma_wait3A_244, %dma_wait3A_245] : memref<64x22176x8xf32, #tpu.memory_space<hbm>> -> memref<1x2016x8xf32, #tpu.memory_space<hbm>>
    %dma_wait3A_247 = tpu.memref_squeeze %dma_wait3A_246 : memref<1x2016x8xf32, #tpu.memory_space<hbm>> -> memref<2016x8xf32, #tpu.memory_space<hbm>>
    %dma_wait3A_248 = arith.constant 4032 : i32
    %dma_wait3A_249 = arith.constant 0 : i32
    %dma_wait3A_250 = tpu.memref_slice %arg4[%add3A_4, %dma_wait3A_248, %dma_wait3A_249] : memref<64x22176x8xf32, #tpu.memory_space<hbm>> -> memref<1x2016x8xf32, #tpu.memory_space<hbm>>
    %dma_wait3A_251 = tpu.memref_squeeze %dma_wait3A_250 : memref<1x2016x8xf32, #tpu.memory_space<hbm>> -> memref<2016x8xf32, #tpu.memory_space<hbm>>
    %dma_wait3A_252 = arith.constant 0 : i32
    %dma_wait3A_253 = arith.constant 0 : i32
    %dma_wait3A_254 = tpu.memref_slice %arg6[%dma_wait3A_239, %dma_wait3A_252, %dma_wait3A_253] : memref<2x2016x8xf32, #tpu.memory_space<vmem>> -> memref<1x2016x8xf32, #tpu.memory_space<vmem>>
    %dma_wait3A_255 = tpu.memref_squeeze %dma_wait3A_254 : memref<1x2016x8xf32, #tpu.memory_space<vmem>> -> memref<2016x8xf32, #tpu.memory_space<vmem>>
    tpu.wait_dma2 semaphore(%arg8 : memref<!tpu.dma_semaphore, #tpu.memory_space<semaphore_mem>>) src(%dma_wait3A_255 : memref<2016x8xf32, #tpu.memory_space<vmem>>) dst(%dma_wait3A_251 : memref<2016x8xf32, #tpu.memory_space<hbm>>)
    %scan3A_256 = arith.constant 0 : i32
    %scan3A_257 = arith.constant 0 : i32
    %scan3A_258 = arith.constant 18 : i32
    %scan3A_259 = arith.addi %scan3A_257, %scan3A_258 : i32
    %scan3A_260 = arith.constant 1 : i32
    %scan3A_261 = scf.for %scan3A_1371 = %scan3A_257 to %scan3A_259 step %scan3A_260 iter_args(%scan3A_1372 = %scan3A_256) -> (i32)  : i32 {
      %mul3A_1373 = arith.constant 112 : i32
      %mul3A_1374 = arith.muli %scan3A_1371, %mul3A_1373 : i32
      %add3A_1375 = arith.constant 8064 : i32
      %add3A_1376 = arith.addi %add3A_1375, %mul3A_1374 : i32
      %mul3A_1377 = arith.constant 112 : i32
      %mul3A_1378 = arith.muli %scan3A_1371, %mul3A_1377 : i32
      %dma_start3A_1379 = arith.constant 0 : i32
      %dma_start3A_1380 = arith.constant 0 : i32
      %dma_start3A_1381 = tpu.memref_slice %arg6[%dma_start3A_1379, %mul3A_1378, %dma_start3A_1380] : memref<2x2016x8xf32, #tpu.memory_space<vmem>> -> memref<1x112x8xf32, #tpu.memory_space<vmem>>
      %dma_start3A_1382 = tpu.memref_squeeze %dma_start3A_1381 : memref<1x112x8xf32, #tpu.memory_space<vmem>> -> memref<112x8xf32, #tpu.memory_space<vmem>>
      %dma_start3A_1383 = tpu.memref_slice %arg5[%add3A_1376] : memref<22176xi32, #tpu.memory_space<vmem>> -> memref<112xi32, #tpu.memory_space<vmem>>
      %dma_start3A_1384 = arith.constant 0 : i32
      %dma_start3A_1385 = arith.constant 0 : i32
      %dma_start3A_1386 = tpu.memref_slice %arg2[%dma_start3A_1384, %dma_start3A_1385] : memref<50688x8xf32, #tpu.memory_space<hbm>> -> memref<50688x8xf32, #tpu.memory_space<hbm>>
      tpu.enqueue_indirect_dma source(%dma_start3A_1386 : memref<50688x8xf32, #tpu.memory_space<hbm>>) target(%dma_start3A_1382 : memref<112x8xf32, #tpu.memory_space<vmem>>) offsets(%dma_start3A_1383 : memref<112xi32, #tpu.memory_space<vmem>>) semaphore(%arg7 : memref<!tpu.dma_semaphore, #tpu.memory_space<semaphore_mem>>)
      %scan3A_1387 = arith.constant 0 : i32
      scf.yield %scan3A_1387 : i32
    }
    %scan3A_262 = arith.constant 18 : i32
    %dma_wait3A_263 = arith.constant 0 : i32
    %dma_wait3A_264 = arith.constant 0 : i32
    %dma_wait3A_265 = arith.constant 0 : i32
    %dma_wait3A_266 = tpu.memref_slice %arg6[%dma_wait3A_263, %dma_wait3A_264, %dma_wait3A_265] : memref<2x2016x8xf32, #tpu.memory_space<vmem>> -> memref<1x2016x8xf32, #tpu.memory_space<vmem>>
    %dma_wait3A_267 = tpu.memref_squeeze %dma_wait3A_266 : memref<1x2016x8xf32, #tpu.memory_space<vmem>> -> memref<2016x8xf32, #tpu.memory_space<vmem>>
    %dma_wait3A_268 = arith.constant 0 : i32
    %dma_wait3A_269 = arith.constant 0 : i32
    %dma_wait3A_270 = tpu.memref_slice %arg4[%add3A_4, %dma_wait3A_268, %dma_wait3A_269] : memref<64x22176x8xf32, #tpu.memory_space<hbm>> -> memref<1x2016x8xf32, #tpu.memory_space<hbm>>
    %dma_wait3A_271 = tpu.memref_squeeze %dma_wait3A_270 : memref<1x2016x8xf32, #tpu.memory_space<hbm>> -> memref<2016x8xf32, #tpu.memory_space<hbm>>
    %dma_wait3A_272 = arith.constant 0 : i32
    %dma_wait3A_273 = arith.constant 0 : i32
    %dma_wait3A_274 = tpu.memref_slice %arg6[%dma_wait3A_263, %dma_wait3A_272, %dma_wait3A_273] : memref<2x2016x8xf32, #tpu.memory_space<vmem>> -> memref<1x2016x8xf32, #tpu.memory_space<vmem>>
    %dma_wait3A_275 = tpu.memref_squeeze %dma_wait3A_274 : memref<1x2016x8xf32, #tpu.memory_space<vmem>> -> memref<2016x8xf32, #tpu.memory_space<vmem>>
    %dma_wait3A_276 = arith.constant 0 : i32
    %dma_wait3A_277 = arith.constant 0 : i32
    %dma_wait3A_278 = tpu.memref_slice %arg4[%add3A_4, %dma_wait3A_276, %dma_wait3A_277] : memref<64x22176x8xf32, #tpu.memory_space<hbm>> -> memref<1x2016x8xf32, #tpu.memory_space<hbm>>
    %dma_wait3A_279 = tpu.memref_squeeze %dma_wait3A_278 : memref<1x2016x8xf32, #tpu.memory_space<hbm>> -> memref<2016x8xf32, #tpu.memory_space<hbm>>
    tpu.wait_dma2 semaphore(%arg7 : memref<!tpu.dma_semaphore, #tpu.memory_space<semaphore_mem>>) src(%dma_wait3A_279 : memref<2016x8xf32, #tpu.memory_space<hbm>>) dst(%dma_wait3A_275 : memref<2016x8xf32, #tpu.memory_space<vmem>>)
    %dma_start3A_280 = arith.constant 0 : i32
    %dma_start3A_281 = arith.constant 0 : i32
    %dma_start3A_282 = arith.constant 0 : i32
    %dma_start3A_283 = tpu.memref_slice %arg6[%dma_start3A_280, %dma_start3A_281, %dma_start3A_282] : memref<2x2016x8xf32, #tpu.memory_space<vmem>> -> memref<1x2016x8xf32, #tpu.memory_space<vmem>>
    %dma_start3A_284 = tpu.memref_squeeze %dma_start3A_283 : memref<1x2016x8xf32, #tpu.memory_space<vmem>> -> memref<2016x8xf32, #tpu.memory_space<vmem>>
    %dma_start3A_285 = arith.constant 8064 : i32
    %dma_start3A_286 = arith.constant 0 : i32
    %dma_start3A_287 = tpu.memref_slice %arg4[%add3A_4, %dma_start3A_285, %dma_start3A_286] : memref<64x22176x8xf32, #tpu.memory_space<hbm>> -> memref<1x2016x8xf32, #tpu.memory_space<hbm>>
    %dma_start3A_288 = tpu.memref_squeeze %dma_start3A_287 : memref<1x2016x8xf32, #tpu.memory_space<hbm>> -> memref<2016x8xf32, #tpu.memory_space<hbm>>
    %dma_start3A_289 = arith.constant 8064 : i32
    %dma_start3A_290 = arith.constant 0 : i32
    %dma_start3A_291 = tpu.memref_slice %arg4[%add3A_4, %dma_start3A_289, %dma_start3A_290] : memref<64x22176x8xf32, #tpu.memory_space<hbm>> -> memref<1x2016x8xf32, #tpu.memory_space<hbm>>
    %dma_start3A_292 = tpu.memref_squeeze %dma_start3A_291 : memref<1x2016x8xf32, #tpu.memory_space<hbm>> -> memref<2016x8xf32, #tpu.memory_space<hbm>>
    %dma_start3A_293 = arith.constant 0 : i32
    %dma_start3A_294 = arith.constant 0 : i32
    %dma_start3A_295 = tpu.memref_slice %arg6[%dma_start3A_280, %dma_start3A_293, %dma_start3A_294] : memref<2x2016x8xf32, #tpu.memory_space<vmem>> -> memref<1x2016x8xf32, #tpu.memory_space<vmem>>
    %dma_start3A_296 = tpu.memref_squeeze %dma_start3A_295 : memref<1x2016x8xf32, #tpu.memory_space<vmem>> -> memref<2016x8xf32, #tpu.memory_space<vmem>>
    tpu.enqueue_dma source(%dma_start3A_296 : memref<2016x8xf32, #tpu.memory_space<vmem>>) target(%dma_start3A_292 : memref<2016x8xf32, #tpu.memory_space<hbm>>) target_semaphore(%arg8 : memref<!tpu.dma_semaphore, #tpu.memory_space<semaphore_mem>>)
    %dma_wait3A_297 = arith.constant 1 : i32
    %dma_wait3A_298 = arith.constant 0 : i32
    %dma_wait3A_299 = arith.constant 0 : i32
    %dma_wait3A_300 = tpu.memref_slice %arg6[%dma_wait3A_297, %dma_wait3A_298, %dma_wait3A_299] : memref<2x2016x8xf32, #tpu.memory_space<vmem>> -> memref<1x2016x8xf32, #tpu.memory_space<vmem>>
    %dma_wait3A_301 = tpu.memref_squeeze %dma_wait3A_300 : memref<1x2016x8xf32, #tpu.memory_space<vmem>> -> memref<2016x8xf32, #tpu.memory_space<vmem>>
    %dma_wait3A_302 = arith.constant 6048 : i32
    %dma_wait3A_303 = arith.constant 0 : i32
    %dma_wait3A_304 = tpu.memref_slice %arg4[%add3A_4, %dma_wait3A_302, %dma_wait3A_303] : memref<64x22176x8xf32, #tpu.memory_space<hbm>> -> memref<1x2016x8xf32, #tpu.memory_space<hbm>>
    %dma_wait3A_305 = tpu.memref_squeeze %dma_wait3A_304 : memref<1x2016x8xf32, #tpu.memory_space<hbm>> -> memref<2016x8xf32, #tpu.memory_space<hbm>>
    %dma_wait3A_306 = arith.constant 6048 : i32
    %dma_wait3A_307 = arith.constant 0 : i32
    %dma_wait3A_308 = tpu.memref_slice %arg4[%add3A_4, %dma_wait3A_306, %dma_wait3A_307] : memref<64x22176x8xf32, #tpu.memory_space<hbm>> -> memref<1x2016x8xf32, #tpu.memory_space<hbm>>
    %dma_wait3A_309 = tpu.memref_squeeze %dma_wait3A_308 : memref<1x2016x8xf32, #tpu.memory_space<hbm>> -> memref<2016x8xf32, #tpu.memory_space<hbm>>
    %dma_wait3A_310 = arith.constant 0 : i32
    %dma_wait3A_311 = arith.constant 0 : i32
    %dma_wait3A_312 = tpu.memref_slice %arg6[%dma_wait3A_297, %dma_wait3A_310, %dma_wait3A_311] : memref<2x2016x8xf32, #tpu.memory_space<vmem>> -> memref<1x2016x8xf32, #tpu.memory_space<vmem>>
    %dma_wait3A_313 = tpu.memref_squeeze %dma_wait3A_312 : memref<1x2016x8xf32, #tpu.memory_space<vmem>> -> memref<2016x8xf32, #tpu.memory_space<vmem>>
    tpu.wait_dma2 semaphore(%arg9 : memref<!tpu.dma_semaphore, #tpu.memory_space<semaphore_mem>>) src(%dma_wait3A_313 : memref<2016x8xf32, #tpu.memory_space<vmem>>) dst(%dma_wait3A_309 : memref<2016x8xf32, #tpu.memory_space<hbm>>)
    %scan3A_314 = arith.constant 0 : i32
    %scan3A_315 = arith.constant 0 : i32
    %scan3A_316 = arith.constant 18 : i32
    %scan3A_317 = arith.addi %scan3A_315, %scan3A_316 : i32
    %scan3A_318 = arith.constant 1 : i32
    %scan3A_319 = scf.for %scan3A_1371 = %scan3A_315 to %scan3A_317 step %scan3A_318 iter_args(%scan3A_1372 = %scan3A_314) -> (i32)  : i32 {
      %mul3A_1373 = arith.constant 112 : i32
      %mul3A_1374 = arith.muli %scan3A_1371, %mul3A_1373 : i32
      %add3A_1375 = arith.constant 10080 : i32
      %add3A_1376 = arith.addi %add3A_1375, %mul3A_1374 : i32
      %mul3A_1377 = arith.constant 112 : i32
      %mul3A_1378 = arith.muli %scan3A_1371, %mul3A_1377 : i32
      %dma_start3A_1379 = arith.constant 1 : i32
      %dma_start3A_1380 = arith.constant 0 : i32
      %dma_start3A_1381 = tpu.memref_slice %arg6[%dma_start3A_1379, %mul3A_1378, %dma_start3A_1380] : memref<2x2016x8xf32, #tpu.memory_space<vmem>> -> memref<1x112x8xf32, #tpu.memory_space<vmem>>
      %dma_start3A_1382 = tpu.memref_squeeze %dma_start3A_1381 : memref<1x112x8xf32, #tpu.memory_space<vmem>> -> memref<112x8xf32, #tpu.memory_space<vmem>>
      %dma_start3A_1383 = tpu.memref_slice %arg5[%add3A_1376] : memref<22176xi32, #tpu.memory_space<vmem>> -> memref<112xi32, #tpu.memory_space<vmem>>
      %dma_start3A_1384 = arith.constant 0 : i32
      %dma_start3A_1385 = arith.constant 0 : i32
      %dma_start3A_1386 = tpu.memref_slice %arg2[%dma_start3A_1384, %dma_start3A_1385] : memref<50688x8xf32, #tpu.memory_space<hbm>> -> memref<50688x8xf32, #tpu.memory_space<hbm>>
      tpu.enqueue_indirect_dma source(%dma_start3A_1386 : memref<50688x8xf32, #tpu.memory_space<hbm>>) target(%dma_start3A_1382 : memref<112x8xf32, #tpu.memory_space<vmem>>) offsets(%dma_start3A_1383 : memref<112xi32, #tpu.memory_space<vmem>>) semaphore(%arg7 : memref<!tpu.dma_semaphore, #tpu.memory_space<semaphore_mem>>)
      %scan3A_1387 = arith.constant 0 : i32
      scf.yield %scan3A_1387 : i32
    }
    %scan3A_320 = arith.constant 18 : i32
    %dma_wait3A_321 = arith.constant 1 : i32
    %dma_wait3A_322 = arith.constant 0 : i32
    %dma_wait3A_323 = arith.constant 0 : i32
    %dma_wait3A_324 = tpu.memref_slice %arg6[%dma_wait3A_321, %dma_wait3A_322, %dma_wait3A_323] : memref<2x2016x8xf32, #tpu.memory_space<vmem>> -> memref<1x2016x8xf32, #tpu.memory_space<vmem>>
    %dma_wait3A_325 = tpu.memref_squeeze %dma_wait3A_324 : memref<1x2016x8xf32, #tpu.memory_space<vmem>> -> memref<2016x8xf32, #tpu.memory_space<vmem>>
    %dma_wait3A_326 = arith.constant 0 : i32
    %dma_wait3A_327 = arith.constant 0 : i32
    %dma_wait3A_328 = tpu.memref_slice %arg4[%add3A_4, %dma_wait3A_326, %dma_wait3A_327] : memref<64x22176x8xf32, #tpu.memory_space<hbm>> -> memref<1x2016x8xf32, #tpu.memory_space<hbm>>
    %dma_wait3A_329 = tpu.memref_squeeze %dma_wait3A_328 : memref<1x2016x8xf32, #tpu.memory_space<hbm>> -> memref<2016x8xf32, #tpu.memory_space<hbm>>
    %dma_wait3A_330 = arith.constant 0 : i32
    %dma_wait3A_331 = arith.constant 0 : i32
    %dma_wait3A_332 = tpu.memref_slice %arg6[%dma_wait3A_321, %dma_wait3A_330, %dma_wait3A_331] : memref<2x2016x8xf32, #tpu.memory_space<vmem>> -> memref<1x2016x8xf32, #tpu.memory_space<vmem>>
    %dma_wait3A_333 = tpu.memref_squeeze %dma_wait3A_332 : memref<1x2016x8xf32, #tpu.memory_space<vmem>> -> memref<2016x8xf32, #tpu.memory_space<vmem>>
    %dma_wait3A_334 = arith.constant 0 : i32
    %dma_wait3A_335 = arith.constant 0 : i32
    %dma_wait3A_336 = tpu.memref_slice %arg4[%add3A_4, %dma_wait3A_334, %dma_wait3A_335] : memref<64x22176x8xf32, #tpu.memory_space<hbm>> -> memref<1x2016x8xf32, #tpu.memory_space<hbm>>
    %dma_wait3A_337 = tpu.memref_squeeze %dma_wait3A_336 : memref<1x2016x8xf32, #tpu.memory_space<hbm>> -> memref<2016x8xf32, #tpu.memory_space<hbm>>
    tpu.wait_dma2 semaphore(%arg7 : memref<!tpu.dma_semaphore, #tpu.memory_space<semaphore_mem>>) src(%dma_wait3A_337 : memref<2016x8xf32, #tpu.memory_space<hbm>>) dst(%dma_wait3A_333 : memref<2016x8xf32, #tpu.memory_space<vmem>>)
    %dma_start3A_338 = arith.constant 1 : i32
    %dma_start3A_339 = arith.constant 0 : i32
    %dma_start3A_340 = arith.constant 0 : i32
    %dma_start3A_341 = tpu.memref_slice %arg6[%dma_start3A_338, %dma_start3A_339, %dma_start3A_340] : memref<2x2016x8xf32, #tpu.memory_space<vmem>> -> memref<1x2016x8xf32, #tpu.memory_space<vmem>>
    %dma_start3A_342 = tpu.memref_squeeze %dma_start3A_341 : memref<1x2016x8xf32, #tpu.memory_space<vmem>> -> memref<2016x8xf32, #tpu.memory_space<vmem>>
    %dma_start3A_343 = arith.constant 10080 : i32
    %dma_start3A_344 = arith.constant 0 : i32
    %dma_start3A_345 = tpu.memref_slice %arg4[%add3A_4, %dma_start3A_343, %dma_start3A_344] : memref<64x22176x8xf32, #tpu.memory_space<hbm>> -> memref<1x2016x8xf32, #tpu.memory_space<hbm>>
    %dma_start3A_346 = tpu.memref_squeeze %dma_start3A_345 : memref<1x2016x8xf32, #tpu.memory_space<hbm>> -> memref<2016x8xf32, #tpu.memory_space<hbm>>
    %dma_start3A_347 = arith.constant 10080 : i32
    %dma_start3A_348 = arith.constant 0 : i32
    %dma_start3A_349 = tpu.memref_slice %arg4[%add3A_4, %dma_start3A_347, %dma_start3A_348] : memref<64x22176x8xf32, #tpu.memory_space<hbm>> -> memref<1x2016x8xf32, #tpu.memory_space<hbm>>
    %dma_start3A_350 = tpu.memref_squeeze %dma_start3A_349 : memref<1x2016x8xf32, #tpu.memory_space<hbm>> -> memref<2016x8xf32, #tpu.memory_space<hbm>>
    %dma_start3A_351 = arith.constant 0 : i32
    %dma_start3A_352 = arith.constant 0 : i32
    %dma_start3A_353 = tpu.memref_slice %arg6[%dma_start3A_338, %dma_start3A_351, %dma_start3A_352] : memref<2x2016x8xf32, #tpu.memory_space<vmem>> -> memref<1x2016x8xf32, #tpu.memory_space<vmem>>
    %dma_start3A_354 = tpu.memref_squeeze %dma_start3A_353 : memref<1x2016x8xf32, #tpu.memory_space<vmem>> -> memref<2016x8xf32, #tpu.memory_space<vmem>>
    tpu.enqueue_dma source(%dma_start3A_354 : memref<2016x8xf32, #tpu.memory_space<vmem>>) target(%dma_start3A_350 : memref<2016x8xf32, #tpu.memory_space<hbm>>) target_semaphore(%arg9 : memref<!tpu.dma_semaphore, #tpu.memory_space<semaphore_mem>>)
    %dma_wait3A_355 = arith.constant 0 : i32
    %dma_wait3A_356 = arith.constant 0 : i32
    %dma_wait3A_357 = arith.constant 0 : i32
    %dma_wait3A_358 = tpu.memref_slice %arg6[%dma_wait3A_355, %dma_wait3A_356, %dma_wait3A_357] : memref<2x2016x8xf32, #tpu.memory_space<vmem>> -> memref<1x2016x8xf32, #tpu.memory_space<vmem>>
    %dma_wait3A_359 = tpu.memref_squeeze %dma_wait3A_358 : memref<1x2016x8xf32, #tpu.memory_space<vmem>> -> memref<2016x8xf32, #tpu.memory_space<vmem>>
    %dma_wait3A_360 = arith.constant 8064 : i32
    %dma_wait3A_361 = arith.constant 0 : i32
    %dma_wait3A_362 = tpu.memref_slice %arg4[%add3A_4, %dma_wait3A_360, %dma_wait3A_361] : memref<64x22176x8xf32, #tpu.memory_space<hbm>> -> memref<1x2016x8xf32, #tpu.memory_space<hbm>>
    %dma_wait3A_363 = tpu.memref_squeeze %dma_wait3A_362 : memref<1x2016x8xf32, #tpu.memory_space<hbm>> -> memref<2016x8xf32, #tpu.memory_space<hbm>>
    %dma_wait3A_364 = arith.constant 8064 : i32
    %dma_wait3A_365 = arith.constant 0 : i32
    %dma_wait3A_366 = tpu.memref_slice %arg4[%add3A_4, %dma_wait3A_364, %dma_wait3A_365] : memref<64x22176x8xf32, #tpu.memory_space<hbm>> -> memref<1x2016x8xf32, #tpu.memory_space<hbm>>
    %dma_wait3A_367 = tpu.memref_squeeze %dma_wait3A_366 : memref<1x2016x8xf32, #tpu.memory_space<hbm>> -> memref<2016x8xf32, #tpu.memory_space<hbm>>
    %dma_wait3A_368 = arith.constant 0 : i32
    %dma_wait3A_369 = arith.constant 0 : i32
    %dma_wait3A_370 = tpu.memref_slice %arg6[%dma_wait3A_355, %dma_wait3A_368, %dma_wait3A_369] : memref<2x2016x8xf32, #tpu.memory_space<vmem>> -> memref<1x2016x8xf32, #tpu.memory_space<vmem>>
    %dma_wait3A_371 = tpu.memref_squeeze %dma_wait3A_370 : memref<1x2016x8xf32, #tpu.memory_space<vmem>> -> memref<2016x8xf32, #tpu.memory_space<vmem>>
    tpu.wait_dma2 semaphore(%arg8 : memref<!tpu.dma_semaphore, #tpu.memory_space<semaphore_mem>>) src(%dma_wait3A_371 : memref<2016x8xf32, #tpu.memory_space<vmem>>) dst(%dma_wait3A_367 : memref<2016x8xf32, #tpu.memory_space<hbm>>)
    %scan3A_372 = arith.constant 0 : i32
    %scan3A_373 = arith.constant 0 : i32
    %scan3A_374 = arith.constant 18 : i32
    %scan3A_375 = arith.addi %scan3A_373, %scan3A_374 : i32
    %scan3A_376 = arith.constant 1 : i32
    %scan3A_377 = scf.for %scan3A_1371 = %scan3A_373 to %scan3A_375 step %scan3A_376 iter_args(%scan3A_1372 = %scan3A_372) -> (i32)  : i32 {
      %mul3A_1373 = arith.constant 112 : i32
      %mul3A_1374 = arith.muli %scan3A_1371, %mul3A_1373 : i32
      %add3A_1375 = arith.constant 12096 : i32
      %add3A_1376 = arith.addi %add3A_1375, %mul3A_1374 : i32
      %mul3A_1377 = arith.constant 112 : i32
      %mul3A_1378 = arith.muli %scan3A_1371, %mul3A_1377 : i32
      %dma_start3A_1379 = arith.constant 0 : i32
      %dma_start3A_1380 = arith.constant 0 : i32
      %dma_start3A_1381 = tpu.memref_slice %arg6[%dma_start3A_1379, %mul3A_1378, %dma_start3A_1380] : memref<2x2016x8xf32, #tpu.memory_space<vmem>> -> memref<1x112x8xf32, #tpu.memory_space<vmem>>
      %dma_start3A_1382 = tpu.memref_squeeze %dma_start3A_1381 : memref<1x112x8xf32, #tpu.memory_space<vmem>> -> memref<112x8xf32, #tpu.memory_space<vmem>>
      %dma_start3A_1383 = tpu.memref_slice %arg5[%add3A_1376] : memref<22176xi32, #tpu.memory_space<vmem>> -> memref<112xi32, #tpu.memory_space<vmem>>
      %dma_start3A_1384 = arith.constant 0 : i32
      %dma_start3A_1385 = arith.constant 0 : i32
      %dma_start3A_1386 = tpu.memref_slice %arg2[%dma_start3A_1384, %dma_start3A_1385] : memref<50688x8xf32, #tpu.memory_space<hbm>> -> memref<50688x8xf32, #tpu.memory_space<hbm>>
      tpu.enqueue_indirect_dma source(%dma_start3A_1386 : memref<50688x8xf32, #tpu.memory_space<hbm>>) target(%dma_start3A_1382 : memref<112x8xf32, #tpu.memory_space<vmem>>) offsets(%dma_start3A_1383 : memref<112xi32, #tpu.memory_space<vmem>>) semaphore(%arg7 : memref<!tpu.dma_semaphore, #tpu.memory_space<semaphore_mem>>)
      %scan3A_1387 = arith.constant 0 : i32
      scf.yield %scan3A_1387 : i32
    }
    %scan3A_378 = arith.constant 18 : i32
    %dma_wait3A_379 = arith.constant 0 : i32
    %dma_wait3A_380 = arith.constant 0 : i32
    %dma_wait3A_381 = arith.constant 0 : i32
    %dma_wait3A_382 = tpu.memref_slice %arg6[%dma_wait3A_379, %dma_wait3A_380, %dma_wait3A_381] : memref<2x2016x8xf32, #tpu.memory_space<vmem>> -> memref<1x2016x8xf32, #tpu.memory_space<vmem>>
    %dma_wait3A_383 = tpu.memref_squeeze %dma_wait3A_382 : memref<1x2016x8xf32, #tpu.memory_space<vmem>> -> memref<2016x8xf32, #tpu.memory_space<vmem>>
    %dma_wait3A_384 = arith.constant 0 : i32
    %dma_wait3A_385 = arith.constant 0 : i32
    %dma_wait3A_386 = tpu.memref_slice %arg4[%add3A_4, %dma_wait3A_384, %dma_wait3A_385] : memref<64x22176x8xf32, #tpu.memory_space<hbm>> -> memref<1x2016x8xf32, #tpu.memory_space<hbm>>
    %dma_wait3A_387 = tpu.memref_squeeze %dma_wait3A_386 : memref<1x2016x8xf32, #tpu.memory_space<hbm>> -> memref<2016x8xf32, #tpu.memory_space<hbm>>
    %dma_wait3A_388 = arith.constant 0 : i32
    %dma_wait3A_389 = arith.constant 0 : i32
    %dma_wait3A_390 = tpu.memref_slice %arg6[%dma_wait3A_379, %dma_wait3A_388, %dma_wait3A_389] : memref<2x2016x8xf32, #tpu.memory_space<vmem>> -> memref<1x2016x8xf32, #tpu.memory_space<vmem>>
    %dma_wait3A_391 = tpu.memref_squeeze %dma_wait3A_390 : memref<1x2016x8xf32, #tpu.memory_space<vmem>> -> memref<2016x8xf32, #tpu.memory_space<vmem>>
    %dma_wait3A_392 = arith.constant 0 : i32
    %dma_wait3A_393 = arith.constant 0 : i32
    %dma_wait3A_394 = tpu.memref_slice %arg4[%add3A_4, %dma_wait3A_392, %dma_wait3A_393] : memref<64x22176x8xf32, #tpu.memory_space<hbm>> -> memref<1x2016x8xf32, #tpu.memory_space<hbm>>
    %dma_wait3A_395 = tpu.memref_squeeze %dma_wait3A_394 : memref<1x2016x8xf32, #tpu.memory_space<hbm>> -> memref<2016x8xf32, #tpu.memory_space<hbm>>
    tpu.wait_dma2 semaphore(%arg7 : memref<!tpu.dma_semaphore, #tpu.memory_space<semaphore_mem>>) src(%dma_wait3A_395 : memref<2016x8xf32, #tpu.memory_space<hbm>>) dst(%dma_wait3A_391 : memref<2016x8xf32, #tpu.memory_space<vmem>>)
    %dma_start3A_396 = arith.constant 0 : i32
    %dma_start3A_397 = arith.constant 0 : i32
    %dma_start3A_398 = arith.constant 0 : i32
    %dma_start3A_399 = tpu.memref_slice %arg6[%dma_start3A_396, %dma_start3A_397, %dma_start3A_398] : memref<2x2016x8xf32, #tpu.memory_space<vmem>> -> memref<1x2016x8xf32, #tpu.memory_space<vmem>>
    %dma_start3A_400 = tpu.memref_squeeze %dma_start3A_399 : memref<1x2016x8xf32, #tpu.memory_space<vmem>> -> memref<2016x8xf32, #tpu.memory_space<vmem>>
    %dma_start3A_401 = arith.constant 12096 : i32
    %dma_start3A_402 = arith.constant 0 : i32
    %dma_start3A_403 = tpu.memref_slice %arg4[%add3A_4, %dma_start3A_401, %dma_start3A_402] : memref<64x22176x8xf32, #tpu.memory_space<hbm>> -> memref<1x2016x8xf32, #tpu.memory_space<hbm>>
    %dma_start3A_404 = tpu.memref_squeeze %dma_start3A_403 : memref<1x2016x8xf32, #tpu.memory_space<hbm>> -> memref<2016x8xf32, #tpu.memory_space<hbm>>
    %dma_start3A_405 = arith.constant 12096 : i32
    %dma_start3A_406 = arith.constant 0 : i32
    %dma_start3A_407 = tpu.memref_slice %arg4[%add3A_4, %dma_start3A_405, %dma_start3A_406] : memref<64x22176x8xf32, #tpu.memory_space<hbm>> -> memref<1x2016x8xf32, #tpu.memory_space<hbm>>
    %dma_start3A_408 = tpu.memref_squeeze %dma_start3A_407 : memref<1x2016x8xf32, #tpu.memory_space<hbm>> -> memref<2016x8xf32, #tpu.memory_space<hbm>>
    %dma_start3A_409 = arith.constant 0 : i32
    %dma_start3A_410 = arith.constant 0 : i32
    %dma_start3A_411 = tpu.memref_slice %arg6[%dma_start3A_396, %dma_start3A_409, %dma_start3A_410] : memref<2x2016x8xf32, #tpu.memory_space<vmem>> -> memref<1x2016x8xf32, #tpu.memory_space<vmem>>
    %dma_start3A_412 = tpu.memref_squeeze %dma_start3A_411 : memref<1x2016x8xf32, #tpu.memory_space<vmem>> -> memref<2016x8xf32, #tpu.memory_space<vmem>>
    tpu.enqueue_dma source(%dma_start3A_412 : memref<2016x8xf32, #tpu.memory_space<vmem>>) target(%dma_start3A_408 : memref<2016x8xf32, #tpu.memory_space<hbm>>) target_semaphore(%arg8 : memref<!tpu.dma_semaphore, #tpu.memory_space<semaphore_mem>>)
    %dma_wait3A_413 = arith.constant 1 : i32
    %dma_wait3A_414 = arith.constant 0 : i32
    %dma_wait3A_415 = arith.constant 0 : i32
    %dma_wait3A_416 = tpu.memref_slice %arg6[%dma_wait3A_413, %dma_wait3A_414, %dma_wait3A_415] : memref<2x2016x8xf32, #tpu.memory_space<vmem>> -> memref<1x2016x8xf32, #tpu.memory_space<vmem>>
    %dma_wait3A_417 = tpu.memref_squeeze %dma_wait3A_416 : memref<1x2016x8xf32, #tpu.memory_space<vmem>> -> memref<2016x8xf32, #tpu.memory_space<vmem>>
    %dma_wait3A_418 = arith.constant 10080 : i32
    %dma_wait3A_419 = arith.constant 0 : i32
    %dma_wait3A_420 = tpu.memref_slice %arg4[%add3A_4, %dma_wait3A_418, %dma_wait3A_419] : memref<64x22176x8xf32, #tpu.memory_space<hbm>> -> memref<1x2016x8xf32, #tpu.memory_space<hbm>>
    %dma_wait3A_421 = tpu.memref_squeeze %dma_wait3A_420 : memref<1x2016x8xf32, #tpu.memory_space<hbm>> -> memref<2016x8xf32, #tpu.memory_space<hbm>>
    %dma_wait3A_422 = arith.constant 10080 : i32
    %dma_wait3A_423 = arith.constant 0 : i32
    %dma_wait3A_424 = tpu.memref_slice %arg4[%add3A_4, %dma_wait3A_422, %dma_wait3A_423] : memref<64x22176x8xf32, #tpu.memory_space<hbm>> -> memref<1x2016x8xf32, #tpu.memory_space<hbm>>
    %dma_wait3A_425 = tpu.memref_squeeze %dma_wait3A_424 : memref<1x2016x8xf32, #tpu.memory_space<hbm>> -> memref<2016x8xf32, #tpu.memory_space<hbm>>
    %dma_wait3A_426 = arith.constant 0 : i32
    %dma_wait3A_427 = arith.constant 0 : i32
    %dma_wait3A_428 = tpu.memref_slice %arg6[%dma_wait3A_413, %dma_wait3A_426, %dma_wait3A_427] : memref<2x2016x8xf32, #tpu.memory_space<vmem>> -> memref<1x2016x8xf32, #tpu.memory_space<vmem>>
    %dma_wait3A_429 = tpu.memref_squeeze %dma_wait3A_428 : memref<1x2016x8xf32, #tpu.memory_space<vmem>> -> memref<2016x8xf32, #tpu.memory_space<vmem>>
    tpu.wait_dma2 semaphore(%arg9 : memref<!tpu.dma_semaphore, #tpu.memory_space<semaphore_mem>>) src(%dma_wait3A_429 : memref<2016x8xf32, #tpu.memory_space<vmem>>) dst(%dma_wait3A_425 : memref<2016x8xf32, #tpu.memory_space<hbm>>)
    %scan3A_430 = arith.constant 0 : i32
    %scan3A_431 = arith.constant 0 : i32
    %scan3A_432 = arith.constant 18 : i32
    %scan3A_433 = arith.addi %scan3A_431, %scan3A_432 : i32
    %scan3A_434 = arith.constant 1 : i32
    %scan3A_435 = scf.for %scan3A_1371 = %scan3A_431 to %scan3A_433 step %scan3A_434 iter_args(%scan3A_1372 = %scan3A_430) -> (i32)  : i32 {
      %mul3A_1373 = arith.constant 112 : i32
      %mul3A_1374 = arith.muli %scan3A_1371, %mul3A_1373 : i32
      %add3A_1375 = arith.constant 14112 : i32
      %add3A_1376 = arith.addi %add3A_1375, %mul3A_1374 : i32
      %mul3A_1377 = arith.constant 112 : i32
      %mul3A_1378 = arith.muli %scan3A_1371, %mul3A_1377 : i32
      %dma_start3A_1379 = arith.constant 1 : i32
      %dma_start3A_1380 = arith.constant 0 : i32
      %dma_start3A_1381 = tpu.memref_slice %arg6[%dma_start3A_1379, %mul3A_1378, %dma_start3A_1380] : memref<2x2016x8xf32, #tpu.memory_space<vmem>> -> memref<1x112x8xf32, #tpu.memory_space<vmem>>
      %dma_start3A_1382 = tpu.memref_squeeze %dma_start3A_1381 : memref<1x112x8xf32, #tpu.memory_space<vmem>> -> memref<112x8xf32, #tpu.memory_space<vmem>>
      %dma_start3A_1383 = tpu.memref_slice %arg5[%add3A_1376] : memref<22176xi32, #tpu.memory_space<vmem>> -> memref<112xi32, #tpu.memory_space<vmem>>
      %dma_start3A_1384 = arith.constant 0 : i32
      %dma_start3A_1385 = arith.constant 0 : i32
      %dma_start3A_1386 = tpu.memref_slice %arg2[%dma_start3A_1384, %dma_start3A_1385] : memref<50688x8xf32, #tpu.memory_space<hbm>> -> memref<50688x8xf32, #tpu.memory_space<hbm>>
      tpu.enqueue_indirect_dma source(%dma_start3A_1386 : memref<50688x8xf32, #tpu.memory_space<hbm>>) target(%dma_start3A_1382 : memref<112x8xf32, #tpu.memory_space<vmem>>) offsets(%dma_start3A_1383 : memref<112xi32, #tpu.memory_space<vmem>>) semaphore(%arg7 : memref<!tpu.dma_semaphore, #tpu.memory_space<semaphore_mem>>)
      %scan3A_1387 = arith.constant 0 : i32
      scf.yield %scan3A_1387 : i32
    }
    %scan3A_436 = arith.constant 18 : i32
    %dma_wait3A_437 = arith.constant 1 : i32
    %dma_wait3A_438 = arith.constant 0 : i32
    %dma_wait3A_439 = arith.constant 0 : i32
    %dma_wait3A_440 = tpu.memref_slice %arg6[%dma_wait3A_437, %dma_wait3A_438, %dma_wait3A_439] : memref<2x2016x8xf32, #tpu.memory_space<vmem>> -> memref<1x2016x8xf32, #tpu.memory_space<vmem>>
    %dma_wait3A_441 = tpu.memref_squeeze %dma_wait3A_440 : memref<1x2016x8xf32, #tpu.memory_space<vmem>> -> memref<2016x8xf32, #tpu.memory_space<vmem>>
    %dma_wait3A_442 = arith.constant 0 : i32
    %dma_wait3A_443 = arith.constant 0 : i32
    %dma_wait3A_444 = tpu.memref_slice %arg4[%add3A_4, %dma_wait3A_442, %dma_wait3A_443] : memref<64x22176x8xf32, #tpu.memory_space<hbm>> -> memref<1x2016x8xf32, #tpu.memory_space<hbm>>
    %dma_wait3A_445 = tpu.memref_squeeze %dma_wait3A_444 : memref<1x2016x8xf32, #tpu.memory_space<hbm>> -> memref<2016x8xf32, #tpu.memory_space<hbm>>
    %dma_wait3A_446 = arith.constant 0 : i32
    %dma_wait3A_447 = arith.constant 0 : i32
    %dma_wait3A_448 = tpu.memref_slice %arg6[%dma_wait3A_437, %dma_wait3A_446, %dma_wait3A_447] : memref<2x2016x8xf32, #tpu.memory_space<vmem>> -> memref<1x2016x8xf32, #tpu.memory_space<vmem>>
    %dma_wait3A_449 = tpu.memref_squeeze %dma_wait3A_448 : memref<1x2016x8xf32, #tpu.memory_space<vmem>> -> memref<2016x8xf32, #tpu.memory_space<vmem>>
    %dma_wait3A_450 = arith.constant 0 : i32
    %dma_wait3A_451 = arith.constant 0 : i32
    %dma_wait3A_452 = tpu.memref_slice %arg4[%add3A_4, %dma_wait3A_450, %dma_wait3A_451] : memref<64x22176x8xf32, #tpu.memory_space<hbm>> -> memref<1x2016x8xf32, #tpu.memory_space<hbm>>
    %dma_wait3A_453 = tpu.memref_squeeze %dma_wait3A_452 : memref<1x2016x8xf32, #tpu.memory_space<hbm>> -> memref<2016x8xf32, #tpu.memory_space<hbm>>
    tpu.wait_dma2 semaphore(%arg7 : memref<!tpu.dma_semaphore, #tpu.memory_space<semaphore_mem>>) src(%dma_wait3A_453 : memref<2016x8xf32, #tpu.memory_space<hbm>>) dst(%dma_wait3A_449 : memref<2016x8xf32, #tpu.memory_space<vmem>>)
    %dma_start3A_454 = arith.constant 1 : i32
    %dma_start3A_455 = arith.constant 0 : i32
    %dma_start3A_456 = arith.constant 0 : i32
    %dma_start3A_457 = tpu.memref_slice %arg6[%dma_start3A_454, %dma_start3A_455, %dma_start3A_456] : memref<2x2016x8xf32, #tpu.memory_space<vmem>> -> memref<1x2016x8xf32, #tpu.memory_space<vmem>>
    %dma_start3A_458 = tpu.memref_squeeze %dma_start3A_457 : memref<1x2016x8xf32, #tpu.memory_space<vmem>> -> memref<2016x8xf32, #tpu.memory_space<vmem>>
    %dma_start3A_459 = arith.constant 14112 : i32
    %dma_start3A_460 = arith.constant 0 : i32
    %dma_start3A_461 = tpu.memref_slice %arg4[%add3A_4, %dma_start3A_459, %dma_start3A_460] : memref<64x22176x8xf32, #tpu.memory_space<hbm>> -> memref<1x2016x8xf32, #tpu.memory_space<hbm>>
    %dma_start3A_462 = tpu.memref_squeeze %dma_start3A_461 : memref<1x2016x8xf32, #tpu.memory_space<hbm>> -> memref<2016x8xf32, #tpu.memory_space<hbm>>
    %dma_start3A_463 = arith.constant 14112 : i32
    %dma_start3A_464 = arith.constant 0 : i32
    %dma_start3A_465 = tpu.memref_slice %arg4[%add3A_4, %dma_start3A_463, %dma_start3A_464] : memref<64x22176x8xf32, #tpu.memory_space<hbm>> -> memref<1x2016x8xf32, #tpu.memory_space<hbm>>
    %dma_start3A_466 = tpu.memref_squeeze %dma_start3A_465 : memref<1x2016x8xf32, #tpu.memory_space<hbm>> -> memref<2016x8xf32, #tpu.memory_space<hbm>>
    %dma_start3A_467 = arith.constant 0 : i32
    %dma_start3A_468 = arith.constant 0 : i32
    %dma_start3A_469 = tpu.memref_slice %arg6[%dma_start3A_454, %dma_start3A_467, %dma_start3A_468] : memref<2x2016x8xf32, #tpu.memory_space<vmem>> -> memref<1x2016x8xf32, #tpu.memory_space<vmem>>
    %dma_start3A_470 = tpu.memref_squeeze %dma_start3A_469 : memref<1x2016x8xf32, #tpu.memory_space<vmem>> -> memref<2016x8xf32, #tpu.memory_space<vmem>>
    tpu.enqueue_dma source(%dma_start3A_470 : memref<2016x8xf32, #tpu.memory_space<vmem>>) target(%dma_start3A_466 : memref<2016x8xf32, #tpu.memory_space<hbm>>) target_semaphore(%arg9 : memref<!tpu.dma_semaphore, #tpu.memory_space<semaphore_mem>>)
    %dma_wait3A_471 = arith.constant 0 : i32
    %dma_wait3A_472 = arith.constant 0 : i32
    %dma_wait3A_473 = arith.constant 0 : i32
    %dma_wait3A_474 = tpu.memref_slice %arg6[%dma_wait3A_471, %dma_wait3A_472, %dma_wait3A_473] : memref<2x2016x8xf32, #tpu.memory_space<vmem>> -> memref<1x2016x8xf32, #tpu.memory_space<vmem>>
    %dma_wait3A_475 = tpu.memref_squeeze %dma_wait3A_474 : memref<1x2016x8xf32, #tpu.memory_space<vmem>> -> memref<2016x8xf32, #tpu.memory_space<vmem>>
    %dma_wait3A_476 = arith.constant 12096 : i32
    %dma_wait3A_477 = arith.constant 0 : i32
    %dma_wait3A_478 = tpu.memref_slice %arg4[%add3A_4, %dma_wait3A_476, %dma_wait3A_477] : memref<64x22176x8xf32, #tpu.memory_space<hbm>> -> memref<1x2016x8xf32, #tpu.memory_space<hbm>>
    %dma_wait3A_479 = tpu.memref_squeeze %dma_wait3A_478 : memref<1x2016x8xf32, #tpu.memory_space<hbm>> -> memref<2016x8xf32, #tpu.memory_space<hbm>>
    %dma_wait3A_480 = arith.constant 12096 : i32
    %dma_wait3A_481 = arith.constant 0 : i32
    %dma_wait3A_482 = tpu.memref_slice %arg4[%add3A_4, %dma_wait3A_480, %dma_wait3A_481] : memref<64x22176x8xf32, #tpu.memory_space<hbm>> -> memref<1x2016x8xf32, #tpu.memory_space<hbm>>
    %dma_wait3A_483 = tpu.memref_squeeze %dma_wait3A_482 : memref<1x2016x8xf32, #tpu.memory_space<hbm>> -> memref<2016x8xf32, #tpu.memory_space<hbm>>
    %dma_wait3A_484 = arith.constant 0 : i32
    %dma_wait3A_485 = arith.constant 0 : i32
    %dma_wait3A_486 = tpu.memref_slice %arg6[%dma_wait3A_471, %dma_wait3A_484, %dma_wait3A_485] : memref<2x2016x8xf32, #tpu.memory_space<vmem>> -> memref<1x2016x8xf32, #tpu.memory_space<vmem>>
    %dma_wait3A_487 = tpu.memref_squeeze %dma_wait3A_486 : memref<1x2016x8xf32, #tpu.memory_space<vmem>> -> memref<2016x8xf32, #tpu.memory_space<vmem>>
    tpu.wait_dma2 semaphore(%arg8 : memref<!tpu.dma_semaphore, #tpu.memory_space<semaphore_mem>>) src(%dma_wait3A_487 : memref<2016x8xf32, #tpu.memory_space<vmem>>) dst(%dma_wait3A_483 : memref<2016x8xf32, #tpu.memory_space<hbm>>)
    %scan3A_488 = arith.constant 0 : i32
    %scan3A_489 = arith.constant 0 : i32
    %scan3A_490 = arith.constant 18 : i32
    %scan3A_491 = arith.addi %scan3A_489, %scan3A_490 : i32
    %scan3A_492 = arith.constant 1 : i32
    %scan3A_493 = scf.for %scan3A_1371 = %scan3A_489 to %scan3A_491 step %scan3A_492 iter_args(%scan3A_1372 = %scan3A_488) -> (i32)  : i32 {
      %mul3A_1373 = arith.constant 112 : i32
      %mul3A_1374 = arith.muli %scan3A_1371, %mul3A_1373 : i32
      %add3A_1375 = arith.constant 16128 : i32
      %add3A_1376 = arith.addi %add3A_1375, %mul3A_1374 : i32
      %mul3A_1377 = arith.constant 112 : i32
      %mul3A_1378 = arith.muli %scan3A_1371, %mul3A_1377 : i32
      %dma_start3A_1379 = arith.constant 0 : i32
      %dma_start3A_1380 = arith.constant 0 : i32
      %dma_start3A_1381 = tpu.memref_slice %arg6[%dma_start3A_1379, %mul3A_1378, %dma_start3A_1380] : memref<2x2016x8xf32, #tpu.memory_space<vmem>> -> memref<1x112x8xf32, #tpu.memory_space<vmem>>
      %dma_start3A_1382 = tpu.memref_squeeze %dma_start3A_1381 : memref<1x112x8xf32, #tpu.memory_space<vmem>> -> memref<112x8xf32, #tpu.memory_space<vmem>>
      %dma_start3A_1383 = tpu.memref_slice %arg5[%add3A_1376] : memref<22176xi32, #tpu.memory_space<vmem>> -> memref<112xi32, #tpu.memory_space<vmem>>
      %dma_start3A_1384 = arith.constant 0 : i32
      %dma_start3A_1385 = arith.constant 0 : i32
      %dma_start3A_1386 = tpu.memref_slice %arg2[%dma_start3A_1384, %dma_start3A_1385] : memref<50688x8xf32, #tpu.memory_space<hbm>> -> memref<50688x8xf32, #tpu.memory_space<hbm>>
      tpu.enqueue_indirect_dma source(%dma_start3A_1386 : memref<50688x8xf32, #tpu.memory_space<hbm>>) target(%dma_start3A_1382 : memref<112x8xf32, #tpu.memory_space<vmem>>) offsets(%dma_start3A_1383 : memref<112xi32, #tpu.memory_space<vmem>>) semaphore(%arg7 : memref<!tpu.dma_semaphore, #tpu.memory_space<semaphore_mem>>)
      %scan3A_1387 = arith.constant 0 : i32
      scf.yield %scan3A_1387 : i32
    }
    %scan3A_494 = arith.constant 18 : i32
    %dma_wait3A_495 = arith.constant 0 : i32
    %dma_wait3A_496 = arith.constant 0 : i32
    %dma_wait3A_497 = arith.constant 0 : i32
    %dma_wait3A_498 = tpu.memref_slice %arg6[%dma_wait3A_495, %dma_wait3A_496, %dma_wait3A_497] : memref<2x2016x8xf32, #tpu.memory_space<vmem>> -> memref<1x2016x8xf32, #tpu.memory_space<vmem>>
    %dma_wait3A_499 = tpu.memref_squeeze %dma_wait3A_498 : memref<1x2016x8xf32, #tpu.memory_space<vmem>> -> memref<2016x8xf32, #tpu.memory_space<vmem>>
    %dma_wait3A_500 = arith.constant 0 : i32
    %dma_wait3A_501 = arith.constant 0 : i32
    %dma_wait3A_502 = tpu.memref_slice %arg4[%add3A_4, %dma_wait3A_500, %dma_wait3A_501] : memref<64x22176x8xf32, #tpu.memory_space<hbm>> -> memref<1x2016x8xf32, #tpu.memory_space<hbm>>
    %dma_wait3A_503 = tpu.memref_squeeze %dma_wait3A_502 : memref<1x2016x8xf32, #tpu.memory_space<hbm>> -> memref<2016x8xf32, #tpu.memory_space<hbm>>
    %dma_wait3A_504 = arith.constant 0 : i32
    %dma_wait3A_505 = arith.constant 0 : i32
    %dma_wait3A_506 = tpu.memref_slice %arg6[%dma_wait3A_495, %dma_wait3A_504, %dma_wait3A_505] : memref<2x2016x8xf32, #tpu.memory_space<vmem>> -> memref<1x2016x8xf32, #tpu.memory_space<vmem>>
    %dma_wait3A_507 = tpu.memref_squeeze %dma_wait3A_506 : memref<1x2016x8xf32, #tpu.memory_space<vmem>> -> memref<2016x8xf32, #tpu.memory_space<vmem>>
    %dma_wait3A_508 = arith.constant 0 : i32
    %dma_wait3A_509 = arith.constant 0 : i32
    %dma_wait3A_510 = tpu.memref_slice %arg4[%add3A_4, %dma_wait3A_508, %dma_wait3A_509] : memref<64x22176x8xf32, #tpu.memory_space<hbm>> -> memref<1x2016x8xf32, #tpu.memory_space<hbm>>
    %dma_wait3A_511 = tpu.memref_squeeze %dma_wait3A_510 : memref<1x2016x8xf32, #tpu.memory_space<hbm>> -> memref<2016x8xf32, #tpu.memory_space<hbm>>
    tpu.wait_dma2 semaphore(%arg7 : memref<!tpu.dma_semaphore, #tpu.memory_space<semaphore_mem>>) src(%dma_wait3A_511 : memref<2016x8xf32, #tpu.memory_space<hbm>>) dst(%dma_wait3A_507 : memref<2016x8xf32, #tpu.memory_space<vmem>>)
    %dma_start3A_512 = arith.constant 0 : i32
    %dma_start3A_513 = arith.constant 0 : i32
    %dma_start3A_514 = arith.constant 0 : i32
    %dma_start3A_515 = tpu.memref_slice %arg6[%dma_start3A_512, %dma_start3A_513, %dma_start3A_514] : memref<2x2016x8xf32, #tpu.memory_space<vmem>> -> memref<1x2016x8xf32, #tpu.memory_space<vmem>>
    %dma_start3A_516 = tpu.memref_squeeze %dma_start3A_515 : memref<1x2016x8xf32, #tpu.memory_space<vmem>> -> memref<2016x8xf32, #tpu.memory_space<vmem>>
    %dma_start3A_517 = arith.constant 16128 : i32
    %dma_start3A_518 = arith.constant 0 : i32
    %dma_start3A_519 = tpu.memref_slice %arg4[%add3A_4, %dma_start3A_517, %dma_start3A_518] : memref<64x22176x8xf32, #tpu.memory_space<hbm>> -> memref<1x2016x8xf32, #tpu.memory_space<hbm>>
    %dma_start3A_520 = tpu.memref_squeeze %dma_start3A_519 : memref<1x2016x8xf32, #tpu.memory_space<hbm>> -> memref<2016x8xf32, #tpu.memory_space<hbm>>
    %dma_start3A_521 = arith.constant 16128 : i32
    %dma_start3A_522 = arith.constant 0 : i32
    %dma_start3A_523 = tpu.memref_slice %arg4[%add3A_4, %dma_start3A_521, %dma_start3A_522] : memref<64x22176x8xf32, #tpu.memory_space<hbm>> -> memref<1x2016x8xf32, #tpu.memory_space<hbm>>
    %dma_start3A_524 = tpu.memref_squeeze %dma_start3A_523 : memref<1x2016x8xf32, #tpu.memory_space<hbm>> -> memref<2016x8xf32, #tpu.memory_space<hbm>>
    %dma_start3A_525 = arith.constant 0 : i32
    %dma_start3A_526 = arith.constant 0 : i32
    %dma_start3A_527 = tpu.memref_slice %arg6[%dma_start3A_512, %dma_start3A_525, %dma_start3A_526] : memref<2x2016x8xf32, #tpu.memory_space<vmem>> -> memref<1x2016x8xf32, #tpu.memory_space<vmem>>
    %dma_start3A_528 = tpu.memref_squeeze %dma_start3A_527 : memref<1x2016x8xf32, #tpu.memory_space<vmem>> -> memref<2016x8xf32, #tpu.memory_space<vmem>>
    tpu.enqueue_dma source(%dma_start3A_528 : memref<2016x8xf32, #tpu.memory_space<vmem>>) target(%dma_start3A_524 : memref<2016x8xf32, #tpu.memory_space<hbm>>) target_semaphore(%arg8 : memref<!tpu.dma_semaphore, #tpu.memory_space<semaphore_mem>>)
    %dma_wait3A_529 = arith.constant 1 : i32
    %dma_wait3A_530 = arith.constant 0 : i32
    %dma_wait3A_531 = arith.constant 0 : i32
    %dma_wait3A_532 = tpu.memref_slice %arg6[%dma_wait3A_529, %dma_wait3A_530, %dma_wait3A_531] : memref<2x2016x8xf32, #tpu.memory_space<vmem>> -> memref<1x2016x8xf32, #tpu.memory_space<vmem>>
    %dma_wait3A_533 = tpu.memref_squeeze %dma_wait3A_532 : memref<1x2016x8xf32, #tpu.memory_space<vmem>> -> memref<2016x8xf32, #tpu.memory_space<vmem>>
    %dma_wait3A_534 = arith.constant 14112 : i32
    %dma_wait3A_535 = arith.constant 0 : i32
    %dma_wait3A_536 = tpu.memref_slice %arg4[%add3A_4, %dma_wait3A_534, %dma_wait3A_535] : memref<64x22176x8xf32, #tpu.memory_space<hbm>> -> memref<1x2016x8xf32, #tpu.memory_space<hbm>>
    %dma_wait3A_537 = tpu.memref_squeeze %dma_wait3A_536 : memref<1x2016x8xf32, #tpu.memory_space<hbm>> -> memref<2016x8xf32, #tpu.memory_space<hbm>>
    %dma_wait3A_538 = arith.constant 14112 : i32
    %dma_wait3A_539 = arith.constant 0 : i32
    %dma_wait3A_540 = tpu.memref_slice %arg4[%add3A_4, %dma_wait3A_538, %dma_wait3A_539] : memref<64x22176x8xf32, #tpu.memory_space<hbm>> -> memref<1x2016x8xf32, #tpu.memory_space<hbm>>
    %dma_wait3A_541 = tpu.memref_squeeze %dma_wait3A_540 : memref<1x2016x8xf32, #tpu.memory_space<hbm>> -> memref<2016x8xf32, #tpu.memory_space<hbm>>
    %dma_wait3A_542 = arith.constant 0 : i32
    %dma_wait3A_543 = arith.constant 0 : i32
    %dma_wait3A_544 = tpu.memref_slice %arg6[%dma_wait3A_529, %dma_wait3A_542, %dma_wait3A_543] : memref<2x2016x8xf32, #tpu.memory_space<vmem>> -> memref<1x2016x8xf32, #tpu.memory_space<vmem>>
    %dma_wait3A_545 = tpu.memref_squeeze %dma_wait3A_544 : memref<1x2016x8xf32, #tpu.memory_space<vmem>> -> memref<2016x8xf32, #tpu.memory_space<vmem>>
    tpu.wait_dma2 semaphore(%arg9 : memref<!tpu.dma_semaphore, #tpu.memory_space<semaphore_mem>>) src(%dma_wait3A_545 : memref<2016x8xf32, #tpu.memory_space<vmem>>) dst(%dma_wait3A_541 : memref<2016x8xf32, #tpu.memory_space<hbm>>)
    %scan3A_546 = arith.constant 0 : i32
    %scan3A_547 = arith.constant 0 : i32
    %scan3A_548 = arith.constant 18 : i32
    %scan3A_549 = arith.addi %scan3A_547, %scan3A_548 : i32
    %scan3A_550 = arith.constant 1 : i32
    %scan3A_551 = scf.for %scan3A_1371 = %scan3A_547 to %scan3A_549 step %scan3A_550 iter_args(%scan3A_1372 = %scan3A_546) -> (i32)  : i32 {
      %mul3A_1373 = arith.constant 112 : i32
      %mul3A_1374 = arith.muli %scan3A_1371, %mul3A_1373 : i32
      %add3A_1375 = arith.constant 18144 : i32
      %add3A_1376 = arith.addi %add3A_1375, %mul3A_1374 : i32
      %mul3A_1377 = arith.constant 112 : i32
      %mul3A_1378 = arith.muli %scan3A_1371, %mul3A_1377 : i32
      %dma_start3A_1379 = arith.constant 1 : i32
      %dma_start3A_1380 = arith.constant 0 : i32
      %dma_start3A_1381 = tpu.memref_slice %arg6[%dma_start3A_1379, %mul3A_1378, %dma_start3A_1380] : memref<2x2016x8xf32, #tpu.memory_space<vmem>> -> memref<1x112x8xf32, #tpu.memory_space<vmem>>
      %dma_start3A_1382 = tpu.memref_squeeze %dma_start3A_1381 : memref<1x112x8xf32, #tpu.memory_space<vmem>> -> memref<112x8xf32, #tpu.memory_space<vmem>>
      %dma_start3A_1383 = tpu.memref_slice %arg5[%add3A_1376] : memref<22176xi32, #tpu.memory_space<vmem>> -> memref<112xi32, #tpu.memory_space<vmem>>
      %dma_start3A_1384 = arith.constant 0 : i32
      %dma_start3A_1385 = arith.constant 0 : i32
      %dma_start3A_1386 = tpu.memref_slice %arg2[%dma_start3A_1384, %dma_start3A_1385] : memref<50688x8xf32, #tpu.memory_space<hbm>> -> memref<50688x8xf32, #tpu.memory_space<hbm>>
      tpu.enqueue_indirect_dma source(%dma_start3A_1386 : memref<50688x8xf32, #tpu.memory_space<hbm>>) target(%dma_start3A_1382 : memref<112x8xf32, #tpu.memory_space<vmem>>) offsets(%dma_start3A_1383 : memref<112xi32, #tpu.memory_space<vmem>>) semaphore(%arg7 : memref<!tpu.dma_semaphore, #tpu.memory_space<semaphore_mem>>)
      %scan3A_1387 = arith.constant 0 : i32
      scf.yield %scan3A_1387 : i32
    }
    %scan3A_552 = arith.constant 18 : i32
    %dma_wait3A_553 = arith.constant 1 : i32
    %dma_wait3A_554 = arith.constant 0 : i32
    %dma_wait3A_555 = arith.constant 0 : i32
    %dma_wait3A_556 = tpu.memref_slice %arg6[%dma_wait3A_553, %dma_wait3A_554, %dma_wait3A_555] : memref<2x2016x8xf32, #tpu.memory_space<vmem>> -> memref<1x2016x8xf32, #tpu.memory_space<vmem>>
    %dma_wait3A_557 = tpu.memref_squeeze %dma_wait3A_556 : memref<1x2016x8xf32, #tpu.memory_space<vmem>> -> memref<2016x8xf32, #tpu.memory_space<vmem>>
    %dma_wait3A_558 = arith.constant 0 : i32
    %dma_wait3A_559 = arith.constant 0 : i32
    %dma_wait3A_560 = tpu.memref_slice %arg4[%add3A_4, %dma_wait3A_558, %dma_wait3A_559] : memref<64x22176x8xf32, #tpu.memory_space<hbm>> -> memref<1x2016x8xf32, #tpu.memory_space<hbm>>
    %dma_wait3A_561 = tpu.memref_squeeze %dma_wait3A_560 : memref<1x2016x8xf32, #tpu.memory_space<hbm>> -> memref<2016x8xf32, #tpu.memory_space<hbm>>
    %dma_wait3A_562 = arith.constant 0 : i32
    %dma_wait3A_563 = arith.constant 0 : i32
    %dma_wait3A_564 = tpu.memref_slice %arg6[%dma_wait3A_553, %dma_wait3A_562, %dma_wait3A_563] : memref<2x2016x8xf32, #tpu.memory_space<vmem>> -> memref<1x2016x8xf32, #tpu.memory_space<vmem>>
    %dma_wait3A_565 = tpu.memref_squeeze %dma_wait3A_564 : memref<1x2016x8xf32, #tpu.memory_space<vmem>> -> memref<2016x8xf32, #tpu.memory_space<vmem>>
    %dma_wait3A_566 = arith.constant 0 : i32
    %dma_wait3A_567 = arith.constant 0 : i32
    %dma_wait3A_568 = tpu.memref_slice %arg4[%add3A_4, %dma_wait3A_566, %dma_wait3A_567] : memref<64x22176x8xf32, #tpu.memory_space<hbm>> -> memref<1x2016x8xf32, #tpu.memory_space<hbm>>
    %dma_wait3A_569 = tpu.memref_squeeze %dma_wait3A_568 : memref<1x2016x8xf32, #tpu.memory_space<hbm>> -> memref<2016x8xf32, #tpu.memory_space<hbm>>
    tpu.wait_dma2 semaphore(%arg7 : memref<!tpu.dma_semaphore, #tpu.memory_space<semaphore_mem>>) src(%dma_wait3A_569 : memref<2016x8xf32, #tpu.memory_space<hbm>>) dst(%dma_wait3A_565 : memref<2016x8xf32, #tpu.memory_space<vmem>>)
    %dma_start3A_570 = arith.constant 1 : i32
    %dma_start3A_571 = arith.constant 0 : i32
    %dma_start3A_572 = arith.constant 0 : i32
    %dma_start3A_573 = tpu.memref_slice %arg6[%dma_start3A_570, %dma_start3A_571, %dma_start3A_572] : memref<2x2016x8xf32, #tpu.memory_space<vmem>> -> memref<1x2016x8xf32, #tpu.memory_space<vmem>>
    %dma_start3A_574 = tpu.memref_squeeze %dma_start3A_573 : memref<1x2016x8xf32, #tpu.memory_space<vmem>> -> memref<2016x8xf32, #tpu.memory_space<vmem>>
    %dma_start3A_575 = arith.constant 18144 : i32
    %dma_start3A_576 = arith.constant 0 : i32
    %dma_start3A_577 = tpu.memref_slice %arg4[%add3A_4, %dma_start3A_575, %dma_start3A_576] : memref<64x22176x8xf32, #tpu.memory_space<hbm>> -> memref<1x2016x8xf32, #tpu.memory_space<hbm>>
    %dma_start3A_578 = tpu.memref_squeeze %dma_start3A_577 : memref<1x2016x8xf32, #tpu.memory_space<hbm>> -> memref<2016x8xf32, #tpu.memory_space<hbm>>
    %dma_start3A_579 = arith.constant 18144 : i32
    %dma_start3A_580 = arith.constant 0 : i32
    %dma_start3A_581 = tpu.memref_slice %arg4[%add3A_4, %dma_start3A_579, %dma_start3A_580] : memref<64x22176x8xf32, #tpu.memory_space<hbm>> -> memref<1x2016x8xf32, #tpu.memory_space<hbm>>
    %dma_start3A_582 = tpu.memref_squeeze %dma_start3A_581 : memref<1x2016x8xf32, #tpu.memory_space<hbm>> -> memref<2016x8xf32, #tpu.memory_space<hbm>>
    %dma_start3A_583 = arith.constant 0 : i32
    %dma_start3A_584 = arith.constant 0 : i32
    %dma_start3A_585 = tpu.memref_slice %arg6[%dma_start3A_570, %dma_start3A_583, %dma_start3A_584] : memref<2x2016x8xf32, #tpu.memory_space<vmem>> -> memref<1x2016x8xf32, #tpu.memory_space<vmem>>
    %dma_start3A_586 = tpu.memref_squeeze %dma_start3A_585 : memref<1x2016x8xf32, #tpu.memory_space<vmem>> -> memref<2016x8xf32, #tpu.memory_space<vmem>>
    tpu.enqueue_dma source(%dma_start3A_586 : memref<2016x8xf32, #tpu.memory_space<vmem>>) target(%dma_start3A_582 : memref<2016x8xf32, #tpu.memory_space<hbm>>) target_semaphore(%arg9 : memref<!tpu.dma_semaphore, #tpu.memory_space<semaphore_mem>>)
    %dma_wait3A_587 = arith.constant 0 : i32
    %dma_wait3A_588 = arith.constant 0 : i32
    %dma_wait3A_589 = arith.constant 0 : i32
    %dma_wait3A_590 = tpu.memref_slice %arg6[%dma_wait3A_587, %dma_wait3A_588, %dma_wait3A_589] : memref<2x2016x8xf32, #tpu.memory_space<vmem>> -> memref<1x2016x8xf32, #tpu.memory_space<vmem>>
    %dma_wait3A_591 = tpu.memref_squeeze %dma_wait3A_590 : memref<1x2016x8xf32, #tpu.memory_space<vmem>> -> memref<2016x8xf32, #tpu.memory_space<vmem>>
    %dma_wait3A_592 = arith.constant 16128 : i32
    %dma_wait3A_593 = arith.constant 0 : i32
    %dma_wait3A_594 = tpu.memref_slice %arg4[%add3A_4, %dma_wait3A_592, %dma_wait3A_593] : memref<64x22176x8xf32, #tpu.memory_space<hbm>> -> memref<1x2016x8xf32, #tpu.memory_space<hbm>>
    %dma_wait3A_595 = tpu.memref_squeeze %dma_wait3A_594 : memref<1x2016x8xf32, #tpu.memory_space<hbm>> -> memref<2016x8xf32, #tpu.memory_space<hbm>>
    %dma_wait3A_596 = arith.constant 16128 : i32
    %dma_wait3A_597 = arith.constant 0 : i32
    %dma_wait3A_598 = tpu.memref_slice %arg4[%add3A_4, %dma_wait3A_596, %dma_wait3A_597] : memref<64x22176x8xf32, #tpu.memory_space<hbm>> -> memref<1x2016x8xf32, #tpu.memory_space<hbm>>
    %dma_wait3A_599 = tpu.memref_squeeze %dma_wait3A_598 : memref<1x2016x8xf32, #tpu.memory_space<hbm>> -> memref<2016x8xf32, #tpu.memory_space<hbm>>
    %dma_wait3A_600 = arith.constant 0 : i32
    %dma_wait3A_601 = arith.constant 0 : i32
    %dma_wait3A_602 = tpu.memref_slice %arg6[%dma_wait3A_587, %dma_wait3A_600, %dma_wait3A_601] : memref<2x2016x8xf32, #tpu.memory_space<vmem>> -> memref<1x2016x8xf32, #tpu.memory_space<vmem>>
    %dma_wait3A_603 = tpu.memref_squeeze %dma_wait3A_602 : memref<1x2016x8xf32, #tpu.memory_space<vmem>> -> memref<2016x8xf32, #tpu.memory_space<vmem>>
    tpu.wait_dma2 semaphore(%arg8 : memref<!tpu.dma_semaphore, #tpu.memory_space<semaphore_mem>>) src(%dma_wait3A_603 : memref<2016x8xf32, #tpu.memory_space<vmem>>) dst(%dma_wait3A_599 : memref<2016x8xf32, #tpu.memory_space<hbm>>)
    %scan3A_604 = arith.constant 0 : i32
    %scan3A_605 = arith.constant 0 : i32
    %scan3A_606 = arith.constant 18 : i32
    %scan3A_607 = arith.addi %scan3A_605, %scan3A_606 : i32
    %scan3A_608 = arith.constant 1 : i32
    %scan3A_609 = scf.for %scan3A_1371 = %scan3A_605 to %scan3A_607 step %scan3A_608 iter_args(%scan3A_1372 = %scan3A_604) -> (i32)  : i32 {
      %mul3A_1373 = arith.constant 112 : i32
      %mul3A_1374 = arith.muli %scan3A_1371, %mul3A_1373 : i32
      %add3A_1375 = arith.constant 20160 : i32
      %add3A_1376 = arith.addi %add3A_1375, %mul3A_1374 : i32
      %mul3A_1377 = arith.constant 112 : i32
      %mul3A_1378 = arith.muli %scan3A_1371, %mul3A_1377 : i32
      %dma_start3A_1379 = arith.constant 0 : i32
      %dma_start3A_1380 = arith.constant 0 : i32
      %dma_start3A_1381 = tpu.memref_slice %arg6[%dma_start3A_1379, %mul3A_1378, %dma_start3A_1380] : memref<2x2016x8xf32, #tpu.memory_space<vmem>> -> memref<1x112x8xf32, #tpu.memory_space<vmem>>
      %dma_start3A_1382 = tpu.memref_squeeze %dma_start3A_1381 : memref<1x112x8xf32, #tpu.memory_space<vmem>> -> memref<112x8xf32, #tpu.memory_space<vmem>>
      %dma_start3A_1383 = tpu.memref_slice %arg5[%add3A_1376] : memref<22176xi32, #tpu.memory_space<vmem>> -> memref<112xi32, #tpu.memory_space<vmem>>
      %dma_start3A_1384 = arith.constant 0 : i32
      %dma_start3A_1385 = arith.constant 0 : i32
      %dma_start3A_1386 = tpu.memref_slice %arg2[%dma_start3A_1384, %dma_start3A_1385] : memref<50688x8xf32, #tpu.memory_space<hbm>> -> memref<50688x8xf32, #tpu.memory_space<hbm>>
      tpu.enqueue_indirect_dma source(%dma_start3A_1386 : memref<50688x8xf32, #tpu.memory_space<hbm>>) target(%dma_start3A_1382 : memref<112x8xf32, #tpu.memory_space<vmem>>) offsets(%dma_start3A_1383 : memref<112xi32, #tpu.memory_space<vmem>>) semaphore(%arg7 : memref<!tpu.dma_semaphore, #tpu.memory_space<semaphore_mem>>)
      %scan3A_1387 = arith.constant 0 : i32
      scf.yield %scan3A_1387 : i32
    }
    %scan3A_610 = arith.constant 18 : i32
    %dma_wait3A_611 = arith.constant 0 : i32
    %dma_wait3A_612 = arith.constant 0 : i32
    %dma_wait3A_613 = arith.constant 0 : i32
    %dma_wait3A_614 = tpu.memref_slice %arg6[%dma_wait3A_611, %dma_wait3A_612, %dma_wait3A_613] : memref<2x2016x8xf32, #tpu.memory_space<vmem>> -> memref<1x2016x8xf32, #tpu.memory_space<vmem>>
    %dma_wait3A_615 = tpu.memref_squeeze %dma_wait3A_614 : memref<1x2016x8xf32, #tpu.memory_space<vmem>> -> memref<2016x8xf32, #tpu.memory_space<vmem>>
    %dma_wait3A_616 = arith.constant 0 : i32
    %dma_wait3A_617 = arith.constant 0 : i32
    %dma_wait3A_618 = tpu.memref_slice %arg4[%add3A_4, %dma_wait3A_616, %dma_wait3A_617] : memref<64x22176x8xf32, #tpu.memory_space<hbm>> -> memref<1x2016x8xf32, #tpu.memory_space<hbm>>
    %dma_wait3A_619 = tpu.memref_squeeze %dma_wait3A_618 : memref<1x2016x8xf32, #tpu.memory_space<hbm>> -> memref<2016x8xf32, #tpu.memory_space<hbm>>
    %dma_wait3A_620 = arith.constant 0 : i32
    %dma_wait3A_621 = arith.constant 0 : i32
    %dma_wait3A_622 = tpu.memref_slice %arg6[%dma_wait3A_611, %dma_wait3A_620, %dma_wait3A_621] : memref<2x2016x8xf32, #tpu.memory_space<vmem>> -> memref<1x2016x8xf32, #tpu.memory_space<vmem>>
    %dma_wait3A_623 = tpu.memref_squeeze %dma_wait3A_622 : memref<1x2016x8xf32, #tpu.memory_space<vmem>> -> memref<2016x8xf32, #tpu.memory_space<vmem>>
    %dma_wait3A_624 = arith.constant 0 : i32
    %dma_wait3A_625 = arith.constant 0 : i32
    %dma_wait3A_626 = tpu.memref_slice %arg4[%add3A_4, %dma_wait3A_624, %dma_wait3A_625] : memref<64x22176x8xf32, #tpu.memory_space<hbm>> -> memref<1x2016x8xf32, #tpu.memory_space<hbm>>
    %dma_wait3A_627 = tpu.memref_squeeze %dma_wait3A_626 : memref<1x2016x8xf32, #tpu.memory_space<hbm>> -> memref<2016x8xf32, #tpu.memory_space<hbm>>
    tpu.wait_dma2 semaphore(%arg7 : memref<!tpu.dma_semaphore, #tpu.memory_space<semaphore_mem>>) src(%dma_wait3A_627 : memref<2016x8xf32, #tpu.memory_space<hbm>>) dst(%dma_wait3A_623 : memref<2016x8xf32, #tpu.memory_space<vmem>>)
    %dma_start3A_628 = arith.constant 0 : i32
    %dma_start3A_629 = arith.constant 0 : i32
    %dma_start3A_630 = arith.constant 0 : i32
    %dma_start3A_631 = tpu.memref_slice %arg6[%dma_start3A_628, %dma_start3A_629, %dma_start3A_630] : memref<2x2016x8xf32, #tpu.memory_space<vmem>> -> memref<1x2016x8xf32, #tpu.memory_space<vmem>>
    %dma_start3A_632 = tpu.memref_squeeze %dma_start3A_631 : memref<1x2016x8xf32, #tpu.memory_space<vmem>> -> memref<2016x8xf32, #tpu.memory_space<vmem>>
    %dma_start3A_633 = arith.constant 20160 : i32
    %dma_start3A_634 = arith.constant 0 : i32
    %dma_start3A_635 = tpu.memref_slice %arg4[%add3A_4, %dma_start3A_633, %dma_start3A_634] : memref<64x22176x8xf32, #tpu.memory_space<hbm>> -> memref<1x2016x8xf32, #tpu.memory_space<hbm>>
    %dma_start3A_636 = tpu.memref_squeeze %dma_start3A_635 : memref<1x2016x8xf32, #tpu.memory_space<hbm>> -> memref<2016x8xf32, #tpu.memory_space<hbm>>
    %dma_start3A_637 = arith.constant 20160 : i32
    %dma_start3A_638 = arith.constant 0 : i32
    %dma_start3A_639 = tpu.memref_slice %arg4[%add3A_4, %dma_start3A_637, %dma_start3A_638] : memref<64x22176x8xf32, #tpu.memory_space<hbm>> -> memref<1x2016x8xf32, #tpu.memory_space<hbm>>
    %dma_start3A_640 = tpu.memref_squeeze %dma_start3A_639 : memref<1x2016x8xf32, #tpu.memory_space<hbm>> -> memref<2016x8xf32, #tpu.memory_space<hbm>>
    %dma_start3A_641 = arith.constant 0 : i32
    %dma_start3A_642 = arith.constant 0 : i32
    %dma_start3A_643 = tpu.memref_slice %arg6[%dma_start3A_628, %dma_start3A_641, %dma_start3A_642] : memref<2x2016x8xf32, #tpu.memory_space<vmem>> -> memref<1x2016x8xf32, #tpu.memory_space<vmem>>
    %dma_start3A_644 = tpu.memref_squeeze %dma_start3A_643 : memref<1x2016x8xf32, #tpu.memory_space<vmem>> -> memref<2016x8xf32, #tpu.memory_space<vmem>>
    tpu.enqueue_dma source(%dma_start3A_644 : memref<2016x8xf32, #tpu.memory_space<vmem>>) target(%dma_start3A_640 : memref<2016x8xf32, #tpu.memory_space<hbm>>) target_semaphore(%arg8 : memref<!tpu.dma_semaphore, #tpu.memory_space<semaphore_mem>>)
    %dma_wait3A_645 = arith.constant 0 : i32
    %dma_wait3A_646 = arith.constant 0 : i32
    %dma_wait3A_647 = arith.constant 0 : i32
    %dma_wait3A_648 = tpu.memref_slice %arg6[%dma_wait3A_645, %dma_wait3A_646, %dma_wait3A_647] : memref<2x2016x8xf32, #tpu.memory_space<vmem>> -> memref<1x2016x8xf32, #tpu.memory_space<vmem>>
    %dma_wait3A_649 = tpu.memref_squeeze %dma_wait3A_648 : memref<1x2016x8xf32, #tpu.memory_space<vmem>> -> memref<2016x8xf32, #tpu.memory_space<vmem>>
    %dma_wait3A_650 = arith.constant 20160 : i32
    %dma_wait3A_651 = arith.constant 0 : i32
    %dma_wait3A_652 = tpu.memref_slice %arg4[%add3A_4, %dma_wait3A_650, %dma_wait3A_651] : memref<64x22176x8xf32, #tpu.memory_space<hbm>> -> memref<1x2016x8xf32, #tpu.memory_space<hbm>>
    %dma_wait3A_653 = tpu.memref_squeeze %dma_wait3A_652 : memref<1x2016x8xf32, #tpu.memory_space<hbm>> -> memref<2016x8xf32, #tpu.memory_space<hbm>>
    %dma_wait3A_654 = arith.constant 20160 : i32
    %dma_wait3A_655 = arith.constant 0 : i32
    %dma_wait3A_656 = tpu.memref_slice %arg4[%add3A_4, %dma_wait3A_654, %dma_wait3A_655] : memref<64x22176x8xf32, #tpu.memory_space<hbm>> -> memref<1x2016x8xf32, #tpu.memory_space<hbm>>
    %dma_wait3A_657 = tpu.memref_squeeze %dma_wait3A_656 : memref<1x2016x8xf32, #tpu.memory_space<hbm>> -> memref<2016x8xf32, #tpu.memory_space<hbm>>
    %dma_wait3A_658 = arith.constant 0 : i32
    %dma_wait3A_659 = arith.constant 0 : i32
    %dma_wait3A_660 = tpu.memref_slice %arg6[%dma_wait3A_645, %dma_wait3A_658, %dma_wait3A_659] : memref<2x2016x8xf32, #tpu.memory_space<vmem>> -> memref<1x2016x8xf32, #tpu.memory_space<vmem>>
    %dma_wait3A_661 = tpu.memref_squeeze %dma_wait3A_660 : memref<1x2016x8xf32, #tpu.memory_space<vmem>> -> memref<2016x8xf32, #tpu.memory_space<vmem>>
    tpu.wait_dma2 semaphore(%arg8 : memref<!tpu.dma_semaphore, #tpu.memory_space<semaphore_mem>>) src(%dma_wait3A_661 : memref<2016x8xf32, #tpu.memory_space<vmem>>) dst(%dma_wait3A_657 : memref<2016x8xf32, #tpu.memory_space<hbm>>)
    %dma_wait3A_662 = arith.constant 1 : i32
    %dma_wait3A_663 = arith.constant 0 : i32
    %dma_wait3A_664 = arith.constant 0 : i32
    %dma_wait3A_665 = tpu.memref_slice %arg6[%dma_wait3A_662, %dma_wait3A_663, %dma_wait3A_664] : memref<2x2016x8xf32, #tpu.memory_space<vmem>> -> memref<1x2016x8xf32, #tpu.memory_space<vmem>>
    %dma_wait3A_666 = tpu.memref_squeeze %dma_wait3A_665 : memref<1x2016x8xf32, #tpu.memory_space<vmem>> -> memref<2016x8xf32, #tpu.memory_space<vmem>>
    %dma_wait3A_667 = arith.constant 18144 : i32
    %dma_wait3A_668 = arith.constant 0 : i32
    %dma_wait3A_669 = tpu.memref_slice %arg4[%add3A_4, %dma_wait3A_667, %dma_wait3A_668] : memref<64x22176x8xf32, #tpu.memory_space<hbm>> -> memref<1x2016x8xf32, #tpu.memory_space<hbm>>
    %dma_wait3A_670 = tpu.memref_squeeze %dma_wait3A_669 : memref<1x2016x8xf32, #tpu.memory_space<hbm>> -> memref<2016x8xf32, #tpu.memory_space<hbm>>
    %dma_wait3A_671 = arith.constant 18144 : i32
    %dma_wait3A_672 = arith.constant 0 : i32
    %dma_wait3A_673 = tpu.memref_slice %arg4[%add3A_4, %dma_wait3A_671, %dma_wait3A_672] : memref<64x22176x8xf32, #tpu.memory_space<hbm>> -> memref<1x2016x8xf32, #tpu.memory_space<hbm>>
    %dma_wait3A_674 = tpu.memref_squeeze %dma_wait3A_673 : memref<1x2016x8xf32, #tpu.memory_space<hbm>> -> memref<2016x8xf32, #tpu.memory_space<hbm>>
    %dma_wait3A_675 = arith.constant 0 : i32
    %dma_wait3A_676 = arith.constant 0 : i32
    %dma_wait3A_677 = tpu.memref_slice %arg6[%dma_wait3A_662, %dma_wait3A_675, %dma_wait3A_676] : memref<2x2016x8xf32, #tpu.memory_space<vmem>> -> memref<1x2016x8xf32, #tpu.memory_space<vmem>>
    %dma_wait3A_678 = tpu.memref_squeeze %dma_wait3A_677 : memref<1x2016x8xf32, #tpu.memory_space<vmem>> -> memref<2016x8xf32, #tpu.memory_space<vmem>>
    tpu.wait_dma2 semaphore(%arg9 : memref<!tpu.dma_semaphore, #tpu.memory_space<semaphore_mem>>) src(%dma_wait3A_678 : memref<2016x8xf32, #tpu.memory_space<vmem>>) dst(%dma_wait3A_674 : memref<2016x8xf32, #tpu.memory_space<hbm>>)
    %mul3A_679 = arith.constant 2 : i32
    %mul3A_680 = arith.muli %add3A, %mul3A_679 : i32
    %add3A_681 = arith.constant 1 : i32
    %add3A_682 = arith.addi %mul3A_680, %add3A_681 : i32
    %jit3A_683 = arith.constant 4 : i32
    %div3A_684 = arith.divsi %add3A_682, %jit3A_683 : i32
    %sign3A_685 = arith.constant 0 : i32
    %sign3A_686 = arith.cmpi sgt, %add3A_682, %sign3A_685 : i32
    %sign3A_687 = arith.extui %sign3A_686 : i1 to i32
    %sign3A_688 = arith.constant 0 : i32
    %sign3A_689 = arith.cmpi slt, %add3A_682, %sign3A_688 : i32
    %sign3A_690 = arith.extui %sign3A_689 : i1 to i32
    %sign3A_691 = arith.subi %sign3A_687, %sign3A_690 : i32
    %sign3A_692 = arith.constant 0 : i32
    %sign3A_693 = arith.cmpi sgt, %jit3A_683, %sign3A_692 : i32
    %sign3A_694 = arith.extui %sign3A_693 : i1 to i32
    %sign3A_695 = arith.constant 0 : i32
    %sign3A_696 = arith.cmpi slt, %jit3A_683, %sign3A_695 : i32
    %sign3A_697 = arith.extui %sign3A_696 : i1 to i32
    %sign3A_698 = arith.subi %sign3A_694, %sign3A_697 : i32
    %ne3A_699 = arith.cmpi ne, %sign3A_691, %sign3A_698 : i32
    %rem3A_700 = arith.remsi %add3A_682, %jit3A_683 : i32
    %ne3A_701 = arith.constant 0 : i32
    %ne3A_702 = arith.cmpi ne, %rem3A_700, %ne3A_701 : i32
    %and3A_703 = arith.andi %ne3A_699, %ne3A_702 : i1
    %sub3A_704 = arith.constant 1 : i32
    %sub3A_705 = arith.subi %div3A_684, %sub3A_704 : i32
    %select_n3A_706 = arith.select %and3A_703, %sub3A_705, %div3A_684 : i32
    %jit3A_707 = arith.constant 4 : i32
    %eq3A_708 = arith.constant 0 : i32
    %eq3A_709 = arith.cmpi eq, %jit3A_707, %eq3A_708 : i32
    %jit3A_710 = arith.constant 1 : i32
    %select_n3A_711 = arith.select %eq3A_709, %jit3A_710, %jit3A_707 : i32
    %rem3A_712 = arith.remsi %add3A_682, %select_n3A_711 : i32
    %ne3A_713 = arith.constant 0 : i32
    %ne3A_714 = arith.cmpi ne, %rem3A_712, %ne3A_713 : i32
    %lt3A_715 = arith.constant 0 : i32
    %lt3A_716 = arith.cmpi slt, %rem3A_712, %lt3A_715 : i32
    %lt3A_717 = arith.constant 0 : i32
    %lt3A_718 = arith.cmpi slt, %select_n3A_711, %lt3A_717 : i32
    %ne3A_719 = arith.xori %lt3A_716, %lt3A_718 : i1
    %and3A_720 = arith.andi %ne3A_719, %ne3A_714 : i1
    %add3A_721 = arith.addi %rem3A_712, %select_n3A_711 : i32
    %select_n3A_722 = arith.select %and3A_720, %add3A_721, %rem3A_712 : i32
    "tpu.region"() ({
      %run_scoped3A = tpu.sem_alloc : memref<!tpu.dma_semaphore, #tpu.memory_space<semaphore_mem>>
      %dma_start3A_1371 = arith.constant 0 : i32
      %dma_start3A_1372 = tpu.memref_slice %arg3[%select_n3A_722, %dma_start3A_1371] : memref<4x22176xi32, #tpu.memory_space<hbm>> -> memref<1x22176xi32, #tpu.memory_space<hbm>>
      %dma_start3A_1373 = tpu.memref_squeeze %dma_start3A_1372 : memref<1x22176xi32, #tpu.memory_space<hbm>> -> memref<22176xi32, #tpu.memory_space<hbm>>
      %dma_start3A_1374 = arith.constant 0 : i32
      %dma_start3A_1375 = tpu.memref_slice %arg3[%select_n3A_722, %dma_start3A_1374] : memref<4x22176xi32, #tpu.memory_space<hbm>> -> memref<1x22176xi32, #tpu.memory_space<hbm>>
      %dma_start3A_1376 = tpu.memref_squeeze %dma_start3A_1375 : memref<1x22176xi32, #tpu.memory_space<hbm>> -> memref<22176xi32, #tpu.memory_space<hbm>>
      tpu.enqueue_dma source(%dma_start3A_1376 : memref<22176xi32, #tpu.memory_space<hbm>>) target(%arg5 : memref<22176xi32, #tpu.memory_space<vmem>>) target_semaphore(%run_scoped3A : memref<!tpu.dma_semaphore, #tpu.memory_space<semaphore_mem>>)
      %dma_wait3A_1377 = arith.constant 0 : i32
      %dma_wait3A_1378 = tpu.memref_slice %arg3[%select_n3A_722, %dma_wait3A_1377] : memref<4x22176xi32, #tpu.memory_space<hbm>> -> memref<1x22176xi32, #tpu.memory_space<hbm>>
      %dma_wait3A_1379 = tpu.memref_squeeze %dma_wait3A_1378 : memref<1x22176xi32, #tpu.memory_space<hbm>> -> memref<22176xi32, #tpu.memory_space<hbm>>
      %dma_wait3A_1380 = arith.constant 0 : i32
      %dma_wait3A_1381 = tpu.memref_slice %arg3[%select_n3A_722, %dma_wait3A_1380] : memref<4x22176xi32, #tpu.memory_space<hbm>> -> memref<1x22176xi32, #tpu.memory_space<hbm>>
      %dma_wait3A_1382 = tpu.memref_squeeze %dma_wait3A_1381 : memref<1x22176xi32, #tpu.memory_space<hbm>> -> memref<22176xi32, #tpu.memory_space<hbm>>
      tpu.wait_dma2 semaphore(%run_scoped3A : memref<!tpu.dma_semaphore, #tpu.memory_space<semaphore_mem>>) src(%dma_wait3A_1382 : memref<22176xi32, #tpu.memory_space<hbm>>) dst(%arg5 : memref<22176xi32, #tpu.memory_space<vmem>>)
      tpu.yield
    }) : () -> ()
    %mul3A_723 = arith.constant 3168 : i32
    %mul3A_724 = arith.muli %select_n3A_706, %mul3A_723 : i32
    %broadcast_in_dim3A_725 = vector.broadcast %mul3A_724 : i32 to vector<16xi32>
    %scan3A_726 = arith.constant 0 : i32
    %scan3A_727 = arith.constant 0 : i32
    %scan3A_728 = arith.constant 1386 : i32
    %scan3A_729 = arith.addi %scan3A_727, %scan3A_728 : i32
    %scan3A_730 = arith.constant 1 : i32
    %scan3A_731 = scf.for %scan3A_1371 = %scan3A_727 to %scan3A_729 step %scan3A_730 iter_args(%scan3A_1372 = %scan3A_726) -> (i32)  : i32 {
      %mul3A_1373 = arith.constant 16 : i32
      %mul3A_1374 = arith.muli %scan3A_1371, %mul3A_1373 : i32
      %get3A = arith.index_cast %mul3A_1374 : i32 to index
      %get3A_1375 = tpu.vector_load %arg5[%get3A] {strides = array<i32>} : memref<22176xi32, #tpu.memory_space<vmem>>, vector<16xi32>,
      %get3A_1376 = vector.shape_cast %get3A_1375 : vector<16xi32> to vector<16xi32>
      %add3A_1377 = arith.addi %get3A_1376, %broadcast_in_dim3A_725 : vector<16xi32>
      %mul3A_1378 = arith.constant 16 : i32
      %mul3A_1379 = arith.muli %scan3A_1371, %mul3A_1378 : i32
      %swap3A = arith.index_cast %mul3A_1379 : i32 to index
      %swap3A_1380 = tpu.vector_load %arg5[%swap3A] {strides = array<i32>} : memref<22176xi32, #tpu.memory_space<vmem>>, vector<16xi32>,
      %swap3A_1381 = vector.shape_cast %swap3A_1380 : vector<16xi32> to vector<16xi32>
      %swap3A_1382 = vector.shape_cast %add3A_1377 : vector<16xi32> to vector<16xi32>
      tpu.vector_store %arg5[%swap3A], %swap3A_1382 {strides = array<i32>} : memref<22176xi32, #tpu.memory_space<vmem>>, vector<16xi32>,
      %scan3A_1383 = arith.constant 0 : i32
      scf.yield %scan3A_1383 : i32
    }
    %scan3A_732 = arith.constant 1386 : i32
    %scan3A_733 = arith.constant 0 : i32
    %scan3A_734 = arith.constant 0 : i32
    %scan3A_735 = arith.constant 18 : i32
    %scan3A_736 = arith.addi %scan3A_734, %scan3A_735 : i32
    %scan3A_737 = arith.constant 1 : i32
    %scan3A_738 = scf.for %scan3A_1371 = %scan3A_734 to %scan3A_736 step %scan3A_737 iter_args(%scan3A_1372 = %scan3A_733) -> (i32)  : i32 {
      %mul3A_1373 = arith.constant 112 : i32
      %mul3A_1374 = arith.muli %scan3A_1371, %mul3A_1373 : i32
      %add3A_1375 = arith.constant 0 : i32
      %add3A_1376 = arith.addi %add3A_1375, %mul3A_1374 : i32
      %mul3A_1377 = arith.constant 112 : i32
      %mul3A_1378 = arith.muli %scan3A_1371, %mul3A_1377 : i32
      %dma_start3A_1379 = arith.constant 0 : i32
      %dma_start3A_1380 = arith.constant 0 : i32
      %dma_start3A_1381 = tpu.memref_slice %arg6[%dma_start3A_1379, %mul3A_1378, %dma_start3A_1380] : memref<2x2016x8xf32, #tpu.memory_space<vmem>> -> memref<1x112x8xf32, #tpu.memory_space<vmem>>
      %dma_start3A_1382 = tpu.memref_squeeze %dma_start3A_1381 : memref<1x112x8xf32, #tpu.memory_space<vmem>> -> memref<112x8xf32, #tpu.memory_space<vmem>>
      %dma_start3A_1383 = tpu.memref_slice %arg5[%add3A_1376] : memref<22176xi32, #tpu.memory_space<vmem>> -> memref<112xi32, #tpu.memory_space<vmem>>
      %dma_start3A_1384 = arith.constant 0 : i32
      %dma_start3A_1385 = arith.constant 0 : i32
      %dma_start3A_1386 = tpu.memref_slice %arg2[%dma_start3A_1384, %dma_start3A_1385] : memref<50688x8xf32, #tpu.memory_space<hbm>> -> memref<50688x8xf32, #tpu.memory_space<hbm>>
      tpu.enqueue_indirect_dma source(%dma_start3A_1386 : memref<50688x8xf32, #tpu.memory_space<hbm>>) target(%dma_start3A_1382 : memref<112x8xf32, #tpu.memory_space<vmem>>) offsets(%dma_start3A_1383 : memref<112xi32, #tpu.memory_space<vmem>>) semaphore(%arg7 : memref<!tpu.dma_semaphore, #tpu.memory_space<semaphore_mem>>)
      %scan3A_1387 = arith.constant 0 : i32
      scf.yield %scan3A_1387 : i32
    }
    %scan3A_739 = arith.constant 18 : i32
    %dma_wait3A_740 = arith.constant 0 : i32
    %dma_wait3A_741 = arith.constant 0 : i32
    %dma_wait3A_742 = arith.constant 0 : i32
    %dma_wait3A_743 = tpu.memref_slice %arg6[%dma_wait3A_740, %dma_wait3A_741, %dma_wait3A_742] : memref<2x2016x8xf32, #tpu.memory_space<vmem>> -> memref<1x2016x8xf32, #tpu.memory_space<vmem>>
    %dma_wait3A_744 = tpu.memref_squeeze %dma_wait3A_743 : memref<1x2016x8xf32, #tpu.memory_space<vmem>> -> memref<2016x8xf32, #tpu.memory_space<vmem>>
    %dma_wait3A_745 = arith.constant 0 : i32
    %dma_wait3A_746 = arith.constant 0 : i32
    %dma_wait3A_747 = tpu.memref_slice %arg4[%add3A_682, %dma_wait3A_745, %dma_wait3A_746] : memref<64x22176x8xf32, #tpu.memory_space<hbm>> -> memref<1x2016x8xf32, #tpu.memory_space<hbm>>
    %dma_wait3A_748 = tpu.memref_squeeze %dma_wait3A_747 : memref<1x2016x8xf32, #tpu.memory_space<hbm>> -> memref<2016x8xf32, #tpu.memory_space<hbm>>
    %dma_wait3A_749 = arith.constant 0 : i32
    %dma_wait3A_750 = arith.constant 0 : i32
    %dma_wait3A_751 = tpu.memref_slice %arg6[%dma_wait3A_740, %dma_wait3A_749, %dma_wait3A_750] : memref<2x2016x8xf32, #tpu.memory_space<vmem>> -> memref<1x2016x8xf32, #tpu.memory_space<vmem>>
    %dma_wait3A_752 = tpu.memref_squeeze %dma_wait3A_751 : memref<1x2016x8xf32, #tpu.memory_space<vmem>> -> memref<2016x8xf32, #tpu.memory_space<vmem>>
    %dma_wait3A_753 = arith.constant 0 : i32
    %dma_wait3A_754 = arith.constant 0 : i32
    %dma_wait3A_755 = tpu.memref_slice %arg4[%add3A_682, %dma_wait3A_753, %dma_wait3A_754] : memref<64x22176x8xf32, #tpu.memory_space<hbm>> -> memref<1x2016x8xf32, #tpu.memory_space<hbm>>
    %dma_wait3A_756 = tpu.memref_squeeze %dma_wait3A_755 : memref<1x2016x8xf32, #tpu.memory_space<hbm>> -> memref<2016x8xf32, #tpu.memory_space<hbm>>
    tpu.wait_dma2 semaphore(%arg7 : memref<!tpu.dma_semaphore, #tpu.memory_space<semaphore_mem>>) src(%dma_wait3A_756 : memref<2016x8xf32, #tpu.memory_space<hbm>>) dst(%dma_wait3A_752 : memref<2016x8xf32, #tpu.memory_space<vmem>>)
    %dma_start3A_757 = arith.constant 0 : i32
    %dma_start3A_758 = arith.constant 0 : i32
    %dma_start3A_759 = arith.constant 0 : i32
    %dma_start3A_760 = tpu.memref_slice %arg6[%dma_start3A_757, %dma_start3A_758, %dma_start3A_759] : memref<2x2016x8xf32, #tpu.memory_space<vmem>> -> memref<1x2016x8xf32, #tpu.memory_space<vmem>>
    %dma_start3A_761 = tpu.memref_squeeze %dma_start3A_760 : memref<1x2016x8xf32, #tpu.memory_space<vmem>> -> memref<2016x8xf32, #tpu.memory_space<vmem>>
    %dma_start3A_762 = arith.constant 0 : i32
    %dma_start3A_763 = arith.constant 0 : i32
    %dma_start3A_764 = tpu.memref_slice %arg4[%add3A_682, %dma_start3A_762, %dma_start3A_763] : memref<64x22176x8xf32, #tpu.memory_space<hbm>> -> memref<1x2016x8xf32, #tpu.memory_space<hbm>>
    %dma_start3A_765 = tpu.memref_squeeze %dma_start3A_764 : memref<1x2016x8xf32, #tpu.memory_space<hbm>> -> memref<2016x8xf32, #tpu.memory_space<hbm>>
    %dma_start3A_766 = arith.constant 0 : i32
    %dma_start3A_767 = arith.constant 0 : i32
    %dma_start3A_768 = tpu.memref_slice %arg4[%add3A_682, %dma_start3A_766, %dma_start3A_767] : memref<64x22176x8xf32, #tpu.memory_space<hbm>> -> memref<1x2016x8xf32, #tpu.memory_space<hbm>>
    %dma_start3A_769 = tpu.memref_squeeze %dma_start3A_768 : memref<1x2016x8xf32, #tpu.memory_space<hbm>> -> memref<2016x8xf32, #tpu.memory_space<hbm>>
    %dma_start3A_770 = arith.constant 0 : i32
    %dma_start3A_771 = arith.constant 0 : i32
    %dma_start3A_772 = tpu.memref_slice %arg6[%dma_start3A_757, %dma_start3A_770, %dma_start3A_771] : memref<2x2016x8xf32, #tpu.memory_space<vmem>> -> memref<1x2016x8xf32, #tpu.memory_space<vmem>>
    %dma_start3A_773 = tpu.memref_squeeze %dma_start3A_772 : memref<1x2016x8xf32, #tpu.memory_space<vmem>> -> memref<2016x8xf32, #tpu.memory_space<vmem>>
    tpu.enqueue_dma source(%dma_start3A_773 : memref<2016x8xf32, #tpu.memory_space<vmem>>) target(%dma_start3A_769 : memref<2016x8xf32, #tpu.memory_space<hbm>>) target_semaphore(%arg8 : memref<!tpu.dma_semaphore, #tpu.memory_space<semaphore_mem>>)
    %scan3A_774 = arith.constant 0 : i32
    %scan3A_775 = arith.constant 0 : i32
    %scan3A_776 = arith.constant 18 : i32
    %scan3A_777 = arith.addi %scan3A_775, %scan3A_776 : i32
    %scan3A_778 = arith.constant 1 : i32
    %scan3A_779 = scf.for %scan3A_1371 = %scan3A_775 to %scan3A_777 step %scan3A_778 iter_args(%scan3A_1372 = %scan3A_774) -> (i32)  : i32 {
      %mul3A_1373 = arith.constant 112 : i32
      %mul3A_1374 = arith.muli %scan3A_1371, %mul3A_1373 : i32
      %add3A_1375 = arith.constant 2016 : i32
      %add3A_1376 = arith.addi %add3A_1375, %mul3A_1374 : i32
      %mul3A_1377 = arith.constant 112 : i32
      %mul3A_1378 = arith.muli %scan3A_1371, %mul3A_1377 : i32
      %dma_start3A_1379 = arith.constant 1 : i32
      %dma_start3A_1380 = arith.constant 0 : i32
      %dma_start3A_1381 = tpu.memref_slice %arg6[%dma_start3A_1379, %mul3A_1378, %dma_start3A_1380] : memref<2x2016x8xf32, #tpu.memory_space<vmem>> -> memref<1x112x8xf32, #tpu.memory_space<vmem>>
      %dma_start3A_1382 = tpu.memref_squeeze %dma_start3A_1381 : memref<1x112x8xf32, #tpu.memory_space<vmem>> -> memref<112x8xf32, #tpu.memory_space<vmem>>
      %dma_start3A_1383 = tpu.memref_slice %arg5[%add3A_1376] : memref<22176xi32, #tpu.memory_space<vmem>> -> memref<112xi32, #tpu.memory_space<vmem>>
      %dma_start3A_1384 = arith.constant 0 : i32
      %dma_start3A_1385 = arith.constant 0 : i32
      %dma_start3A_1386 = tpu.memref_slice %arg2[%dma_start3A_1384, %dma_start3A_1385] : memref<50688x8xf32, #tpu.memory_space<hbm>> -> memref<50688x8xf32, #tpu.memory_space<hbm>>
      tpu.enqueue_indirect_dma source(%dma_start3A_1386 : memref<50688x8xf32, #tpu.memory_space<hbm>>) target(%dma_start3A_1382 : memref<112x8xf32, #tpu.memory_space<vmem>>) offsets(%dma_start3A_1383 : memref<112xi32, #tpu.memory_space<vmem>>) semaphore(%arg7 : memref<!tpu.dma_semaphore, #tpu.memory_space<semaphore_mem>>)
      %scan3A_1387 = arith.constant 0 : i32
      scf.yield %scan3A_1387 : i32
    }
    %scan3A_780 = arith.constant 18 : i32
    %dma_wait3A_781 = arith.constant 1 : i32
    %dma_wait3A_782 = arith.constant 0 : i32
    %dma_wait3A_783 = arith.constant 0 : i32
    %dma_wait3A_784 = tpu.memref_slice %arg6[%dma_wait3A_781, %dma_wait3A_782, %dma_wait3A_783] : memref<2x2016x8xf32, #tpu.memory_space<vmem>> -> memref<1x2016x8xf32, #tpu.memory_space<vmem>>
    %dma_wait3A_785 = tpu.memref_squeeze %dma_wait3A_784 : memref<1x2016x8xf32, #tpu.memory_space<vmem>> -> memref<2016x8xf32, #tpu.memory_space<vmem>>
    %dma_wait3A_786 = arith.constant 0 : i32
    %dma_wait3A_787 = arith.constant 0 : i32
    %dma_wait3A_788 = tpu.memref_slice %arg4[%add3A_682, %dma_wait3A_786, %dma_wait3A_787] : memref<64x22176x8xf32, #tpu.memory_space<hbm>> -> memref<1x2016x8xf32, #tpu.memory_space<hbm>>
    %dma_wait3A_789 = tpu.memref_squeeze %dma_wait3A_788 : memref<1x2016x8xf32, #tpu.memory_space<hbm>> -> memref<2016x8xf32, #tpu.memory_space<hbm>>
    %dma_wait3A_790 = arith.constant 0 : i32
    %dma_wait3A_791 = arith.constant 0 : i32
    %dma_wait3A_792 = tpu.memref_slice %arg6[%dma_wait3A_781, %dma_wait3A_790, %dma_wait3A_791] : memref<2x2016x8xf32, #tpu.memory_space<vmem>> -> memref<1x2016x8xf32, #tpu.memory_space<vmem>>
    %dma_wait3A_793 = tpu.memref_squeeze %dma_wait3A_792 : memref<1x2016x8xf32, #tpu.memory_space<vmem>> -> memref<2016x8xf32, #tpu.memory_space<vmem>>
    %dma_wait3A_794 = arith.constant 0 : i32
    %dma_wait3A_795 = arith.constant 0 : i32
    %dma_wait3A_796 = tpu.memref_slice %arg4[%add3A_682, %dma_wait3A_794, %dma_wait3A_795] : memref<64x22176x8xf32, #tpu.memory_space<hbm>> -> memref<1x2016x8xf32, #tpu.memory_space<hbm>>
    %dma_wait3A_797 = tpu.memref_squeeze %dma_wait3A_796 : memref<1x2016x8xf32, #tpu.memory_space<hbm>> -> memref<2016x8xf32, #tpu.memory_space<hbm>>
    tpu.wait_dma2 semaphore(%arg7 : memref<!tpu.dma_semaphore, #tpu.memory_space<semaphore_mem>>) src(%dma_wait3A_797 : memref<2016x8xf32, #tpu.memory_space<hbm>>) dst(%dma_wait3A_793 : memref<2016x8xf32, #tpu.memory_space<vmem>>)
    %dma_start3A_798 = arith.constant 1 : i32
    %dma_start3A_799 = arith.constant 0 : i32
    %dma_start3A_800 = arith.constant 0 : i32
    %dma_start3A_801 = tpu.memref_slice %arg6[%dma_start3A_798, %dma_start3A_799, %dma_start3A_800] : memref<2x2016x8xf32, #tpu.memory_space<vmem>> -> memref<1x2016x8xf32, #tpu.memory_space<vmem>>
    %dma_start3A_802 = tpu.memref_squeeze %dma_start3A_801 : memref<1x2016x8xf32, #tpu.memory_space<vmem>> -> memref<2016x8xf32, #tpu.memory_space<vmem>>
    %dma_start3A_803 = arith.constant 2016 : i32
    %dma_start3A_804 = arith.constant 0 : i32
    %dma_start3A_805 = tpu.memref_slice %arg4[%add3A_682, %dma_start3A_803, %dma_start3A_804] : memref<64x22176x8xf32, #tpu.memory_space<hbm>> -> memref<1x2016x8xf32, #tpu.memory_space<hbm>>
    %dma_start3A_806 = tpu.memref_squeeze %dma_start3A_805 : memref<1x2016x8xf32, #tpu.memory_space<hbm>> -> memref<2016x8xf32, #tpu.memory_space<hbm>>
    %dma_start3A_807 = arith.constant 2016 : i32
    %dma_start3A_808 = arith.constant 0 : i32
    %dma_start3A_809 = tpu.memref_slice %arg4[%add3A_682, %dma_start3A_807, %dma_start3A_808] : memref<64x22176x8xf32, #tpu.memory_space<hbm>> -> memref<1x2016x8xf32, #tpu.memory_space<hbm>>
    %dma_start3A_810 = tpu.memref_squeeze %dma_start3A_809 : memref<1x2016x8xf32, #tpu.memory_space<hbm>> -> memref<2016x8xf32, #tpu.memory_space<hbm>>
    %dma_start3A_811 = arith.constant 0 : i32
    %dma_start3A_812 = arith.constant 0 : i32
    %dma_start3A_813 = tpu.memref_slice %arg6[%dma_start3A_798, %dma_start3A_811, %dma_start3A_812] : memref<2x2016x8xf32, #tpu.memory_space<vmem>> -> memref<1x2016x8xf32, #tpu.memory_space<vmem>>
    %dma_start3A_814 = tpu.memref_squeeze %dma_start3A_813 : memref<1x2016x8xf32, #tpu.memory_space<vmem>> -> memref<2016x8xf32, #tpu.memory_space<vmem>>
    tpu.enqueue_dma source(%dma_start3A_814 : memref<2016x8xf32, #tpu.memory_space<vmem>>) target(%dma_start3A_810 : memref<2016x8xf32, #tpu.memory_space<hbm>>) target_semaphore(%arg9 : memref<!tpu.dma_semaphore, #tpu.memory_space<semaphore_mem>>)
    %dma_wait3A_815 = arith.constant 0 : i32
    %dma_wait3A_816 = arith.constant 0 : i32
    %dma_wait3A_817 = arith.constant 0 : i32
    %dma_wait3A_818 = tpu.memref_slice %arg6[%dma_wait3A_815, %dma_wait3A_816, %dma_wait3A_817] : memref<2x2016x8xf32, #tpu.memory_space<vmem>> -> memref<1x2016x8xf32, #tpu.memory_space<vmem>>
    %dma_wait3A_819 = tpu.memref_squeeze %dma_wait3A_818 : memref<1x2016x8xf32, #tpu.memory_space<vmem>> -> memref<2016x8xf32, #tpu.memory_space<vmem>>
    %dma_wait3A_820 = arith.constant 0 : i32
    %dma_wait3A_821 = arith.constant 0 : i32
    %dma_wait3A_822 = tpu.memref_slice %arg4[%add3A_682, %dma_wait3A_820, %dma_wait3A_821] : memref<64x22176x8xf32, #tpu.memory_space<hbm>> -> memref<1x2016x8xf32, #tpu.memory_space<hbm>>
    %dma_wait3A_823 = tpu.memref_squeeze %dma_wait3A_822 : memref<1x2016x8xf32, #tpu.memory_space<hbm>> -> memref<2016x8xf32, #tpu.memory_space<hbm>>
    %dma_wait3A_824 = arith.constant 0 : i32
    %dma_wait3A_825 = arith.constant 0 : i32
    %dma_wait3A_826 = tpu.memref_slice %arg4[%add3A_682, %dma_wait3A_824, %dma_wait3A_825] : memref<64x22176x8xf32, #tpu.memory_space<hbm>> -> memref<1x2016x8xf32, #tpu.memory_space<hbm>>
    %dma_wait3A_827 = tpu.memref_squeeze %dma_wait3A_826 : memref<1x2016x8xf32, #tpu.memory_space<hbm>> -> memref<2016x8xf32, #tpu.memory_space<hbm>>
    %dma_wait3A_828 = arith.constant 0 : i32
    %dma_wait3A_829 = arith.constant 0 : i32
    %dma_wait3A_830 = tpu.memref_slice %arg6[%dma_wait3A_815, %dma_wait3A_828, %dma_wait3A_829] : memref<2x2016x8xf32, #tpu.memory_space<vmem>> -> memref<1x2016x8xf32, #tpu.memory_space<vmem>>
    %dma_wait3A_831 = tpu.memref_squeeze %dma_wait3A_830 : memref<1x2016x8xf32, #tpu.memory_space<vmem>> -> memref<2016x8xf32, #tpu.memory_space<vmem>>
    tpu.wait_dma2 semaphore(%arg8 : memref<!tpu.dma_semaphore, #tpu.memory_space<semaphore_mem>>) src(%dma_wait3A_831 : memref<2016x8xf32, #tpu.memory_space<vmem>>) dst(%dma_wait3A_827 : memref<2016x8xf32, #tpu.memory_space<hbm>>)
    %scan3A_832 = arith.constant 0 : i32
    %scan3A_833 = arith.constant 0 : i32
    %scan3A_834 = arith.constant 18 : i32
    %scan3A_835 = arith.addi %scan3A_833, %scan3A_834 : i32
    %scan3A_836 = arith.constant 1 : i32
    %scan3A_837 = scf.for %scan3A_1371 = %scan3A_833 to %scan3A_835 step %scan3A_836 iter_args(%scan3A_1372 = %scan3A_832) -> (i32)  : i32 {
      %mul3A_1373 = arith.constant 112 : i32
      %mul3A_1374 = arith.muli %scan3A_1371, %mul3A_1373 : i32
      %add3A_1375 = arith.constant 4032 : i32
      %add3A_1376 = arith.addi %add3A_1375, %mul3A_1374 : i32
      %mul3A_1377 = arith.constant 112 : i32
      %mul3A_1378 = arith.muli %scan3A_1371, %mul3A_1377 : i32
      %dma_start3A_1379 = arith.constant 0 : i32
      %dma_start3A_1380 = arith.constant 0 : i32
      %dma_start3A_1381 = tpu.memref_slice %arg6[%dma_start3A_1379, %mul3A_1378, %dma_start3A_1380] : memref<2x2016x8xf32, #tpu.memory_space<vmem>> -> memref<1x112x8xf32, #tpu.memory_space<vmem>>
      %dma_start3A_1382 = tpu.memref_squeeze %dma_start3A_1381 : memref<1x112x8xf32, #tpu.memory_space<vmem>> -> memref<112x8xf32, #tpu.memory_space<vmem>>
      %dma_start3A_1383 = tpu.memref_slice %arg5[%add3A_1376] : memref<22176xi32, #tpu.memory_space<vmem>> -> memref<112xi32, #tpu.memory_space<vmem>>
      %dma_start3A_1384 = arith.constant 0 : i32
      %dma_start3A_1385 = arith.constant 0 : i32
      %dma_start3A_1386 = tpu.memref_slice %arg2[%dma_start3A_1384, %dma_start3A_1385] : memref<50688x8xf32, #tpu.memory_space<hbm>> -> memref<50688x8xf32, #tpu.memory_space<hbm>>
      tpu.enqueue_indirect_dma source(%dma_start3A_1386 : memref<50688x8xf32, #tpu.memory_space<hbm>>) target(%dma_start3A_1382 : memref<112x8xf32, #tpu.memory_space<vmem>>) offsets(%dma_start3A_1383 : memref<112xi32, #tpu.memory_space<vmem>>) semaphore(%arg7 : memref<!tpu.dma_semaphore, #tpu.memory_space<semaphore_mem>>)
      %scan3A_1387 = arith.constant 0 : i32
      scf.yield %scan3A_1387 : i32
    }
    %scan3A_838 = arith.constant 18 : i32
    %dma_wait3A_839 = arith.constant 0 : i32
    %dma_wait3A_840 = arith.constant 0 : i32
    %dma_wait3A_841 = arith.constant 0 : i32
    %dma_wait3A_842 = tpu.memref_slice %arg6[%dma_wait3A_839, %dma_wait3A_840, %dma_wait3A_841] : memref<2x2016x8xf32, #tpu.memory_space<vmem>> -> memref<1x2016x8xf32, #tpu.memory_space<vmem>>
    %dma_wait3A_843 = tpu.memref_squeeze %dma_wait3A_842 : memref<1x2016x8xf32, #tpu.memory_space<vmem>> -> memref<2016x8xf32, #tpu.memory_space<vmem>>
    %dma_wait3A_844 = arith.constant 0 : i32
    %dma_wait3A_845 = arith.constant 0 : i32
    %dma_wait3A_846 = tpu.memref_slice %arg4[%add3A_682, %dma_wait3A_844, %dma_wait3A_845] : memref<64x22176x8xf32, #tpu.memory_space<hbm>> -> memref<1x2016x8xf32, #tpu.memory_space<hbm>>
    %dma_wait3A_847 = tpu.memref_squeeze %dma_wait3A_846 : memref<1x2016x8xf32, #tpu.memory_space<hbm>> -> memref<2016x8xf32, #tpu.memory_space<hbm>>
    %dma_wait3A_848 = arith.constant 0 : i32
    %dma_wait3A_849 = arith.constant 0 : i32
    %dma_wait3A_850 = tpu.memref_slice %arg6[%dma_wait3A_839, %dma_wait3A_848, %dma_wait3A_849] : memref<2x2016x8xf32, #tpu.memory_space<vmem>> -> memref<1x2016x8xf32, #tpu.memory_space<vmem>>
    %dma_wait3A_851 = tpu.memref_squeeze %dma_wait3A_850 : memref<1x2016x8xf32, #tpu.memory_space<vmem>> -> memref<2016x8xf32, #tpu.memory_space<vmem>>
    %dma_wait3A_852 = arith.constant 0 : i32
    %dma_wait3A_853 = arith.constant 0 : i32
    %dma_wait3A_854 = tpu.memref_slice %arg4[%add3A_682, %dma_wait3A_852, %dma_wait3A_853] : memref<64x22176x8xf32, #tpu.memory_space<hbm>> -> memref<1x2016x8xf32, #tpu.memory_space<hbm>>
    %dma_wait3A_855 = tpu.memref_squeeze %dma_wait3A_854 : memref<1x2016x8xf32, #tpu.memory_space<hbm>> -> memref<2016x8xf32, #tpu.memory_space<hbm>>
    tpu.wait_dma2 semaphore(%arg7 : memref<!tpu.dma_semaphore, #tpu.memory_space<semaphore_mem>>) src(%dma_wait3A_855 : memref<2016x8xf32, #tpu.memory_space<hbm>>) dst(%dma_wait3A_851 : memref<2016x8xf32, #tpu.memory_space<vmem>>)
    %dma_start3A_856 = arith.constant 0 : i32
    %dma_start3A_857 = arith.constant 0 : i32
    %dma_start3A_858 = arith.constant 0 : i32
    %dma_start3A_859 = tpu.memref_slice %arg6[%dma_start3A_856, %dma_start3A_857, %dma_start3A_858] : memref<2x2016x8xf32, #tpu.memory_space<vmem>> -> memref<1x2016x8xf32, #tpu.memory_space<vmem>>
    %dma_start3A_860 = tpu.memref_squeeze %dma_start3A_859 : memref<1x2016x8xf32, #tpu.memory_space<vmem>> -> memref<2016x8xf32, #tpu.memory_space<vmem>>
    %dma_start3A_861 = arith.constant 4032 : i32
    %dma_start3A_862 = arith.constant 0 : i32
    %dma_start3A_863 = tpu.memref_slice %arg4[%add3A_682, %dma_start3A_861, %dma_start3A_862] : memref<64x22176x8xf32, #tpu.memory_space<hbm>> -> memref<1x2016x8xf32, #tpu.memory_space<hbm>>
    %dma_start3A_864 = tpu.memref_squeeze %dma_start3A_863 : memref<1x2016x8xf32, #tpu.memory_space<hbm>> -> memref<2016x8xf32, #tpu.memory_space<hbm>>
    %dma_start3A_865 = arith.constant 4032 : i32
    %dma_start3A_866 = arith.constant 0 : i32
    %dma_start3A_867 = tpu.memref_slice %arg4[%add3A_682, %dma_start3A_865, %dma_start3A_866] : memref<64x22176x8xf32, #tpu.memory_space<hbm>> -> memref<1x2016x8xf32, #tpu.memory_space<hbm>>
    %dma_start3A_868 = tpu.memref_squeeze %dma_start3A_867 : memref<1x2016x8xf32, #tpu.memory_space<hbm>> -> memref<2016x8xf32, #tpu.memory_space<hbm>>
    %dma_start3A_869 = arith.constant 0 : i32
    %dma_start3A_870 = arith.constant 0 : i32
    %dma_start3A_871 = tpu.memref_slice %arg6[%dma_start3A_856, %dma_start3A_869, %dma_start3A_870] : memref<2x2016x8xf32, #tpu.memory_space<vmem>> -> memref<1x2016x8xf32, #tpu.memory_space<vmem>>
    %dma_start3A_872 = tpu.memref_squeeze %dma_start3A_871 : memref<1x2016x8xf32, #tpu.memory_space<vmem>> -> memref<2016x8xf32, #tpu.memory_space<vmem>>
    tpu.enqueue_dma source(%dma_start3A_872 : memref<2016x8xf32, #tpu.memory_space<vmem>>) target(%dma_start3A_868 : memref<2016x8xf32, #tpu.memory_space<hbm>>) target_semaphore(%arg8 : memref<!tpu.dma_semaphore, #tpu.memory_space<semaphore_mem>>)
    %dma_wait3A_873 = arith.constant 1 : i32
    %dma_wait3A_874 = arith.constant 0 : i32
    %dma_wait3A_875 = arith.constant 0 : i32
    %dma_wait3A_876 = tpu.memref_slice %arg6[%dma_wait3A_873, %dma_wait3A_874, %dma_wait3A_875] : memref<2x2016x8xf32, #tpu.memory_space<vmem>> -> memref<1x2016x8xf32, #tpu.memory_space<vmem>>
    %dma_wait3A_877 = tpu.memref_squeeze %dma_wait3A_876 : memref<1x2016x8xf32, #tpu.memory_space<vmem>> -> memref<2016x8xf32, #tpu.memory_space<vmem>>
    %dma_wait3A_878 = arith.constant 2016 : i32
    %dma_wait3A_879 = arith.constant 0 : i32
    %dma_wait3A_880 = tpu.memref_slice %arg4[%add3A_682, %dma_wait3A_878, %dma_wait3A_879] : memref<64x22176x8xf32, #tpu.memory_space<hbm>> -> memref<1x2016x8xf32, #tpu.memory_space<hbm>>
    %dma_wait3A_881 = tpu.memref_squeeze %dma_wait3A_880 : memref<1x2016x8xf32, #tpu.memory_space<hbm>> -> memref<2016x8xf32, #tpu.memory_space<hbm>>
    %dma_wait3A_882 = arith.constant 2016 : i32
    %dma_wait3A_883 = arith.constant 0 : i32
    %dma_wait3A_884 = tpu.memref_slice %arg4[%add3A_682, %dma_wait3A_882, %dma_wait3A_883] : memref<64x22176x8xf32, #tpu.memory_space<hbm>> -> memref<1x2016x8xf32, #tpu.memory_space<hbm>>
    %dma_wait3A_885 = tpu.memref_squeeze %dma_wait3A_884 : memref<1x2016x8xf32, #tpu.memory_space<hbm>> -> memref<2016x8xf32, #tpu.memory_space<hbm>>
    %dma_wait3A_886 = arith.constant 0 : i32
    %dma_wait3A_887 = arith.constant 0 : i32
    %dma_wait3A_888 = tpu.memref_slice %arg6[%dma_wait3A_873, %dma_wait3A_886, %dma_wait3A_887] : memref<2x2016x8xf32, #tpu.memory_space<vmem>> -> memref<1x2016x8xf32, #tpu.memory_space<vmem>>
    %dma_wait3A_889 = tpu.memref_squeeze %dma_wait3A_888 : memref<1x2016x8xf32, #tpu.memory_space<vmem>> -> memref<2016x8xf32, #tpu.memory_space<vmem>>
    tpu.wait_dma2 semaphore(%arg9 : memref<!tpu.dma_semaphore, #tpu.memory_space<semaphore_mem>>) src(%dma_wait3A_889 : memref<2016x8xf32, #tpu.memory_space<vmem>>) dst(%dma_wait3A_885 : memref<2016x8xf32, #tpu.memory_space<hbm>>)
    %scan3A_890 = arith.constant 0 : i32
    %scan3A_891 = arith.constant 0 : i32
    %scan3A_892 = arith.constant 18 : i32
    %scan3A_893 = arith.addi %scan3A_891, %scan3A_892 : i32
    %scan3A_894 = arith.constant 1 : i32
    %scan3A_895 = scf.for %scan3A_1371 = %scan3A_891 to %scan3A_893 step %scan3A_894 iter_args(%scan3A_1372 = %scan3A_890) -> (i32)  : i32 {
      %mul3A_1373 = arith.constant 112 : i32
      %mul3A_1374 = arith.muli %scan3A_1371, %mul3A_1373 : i32
      %add3A_1375 = arith.constant 6048 : i32
      %add3A_1376 = arith.addi %add3A_1375, %mul3A_1374 : i32
      %mul3A_1377 = arith.constant 112 : i32
      %mul3A_1378 = arith.muli %scan3A_1371, %mul3A_1377 : i32
      %dma_start3A_1379 = arith.constant 1 : i32
      %dma_start3A_1380 = arith.constant 0 : i32
      %dma_start3A_1381 = tpu.memref_slice %arg6[%dma_start3A_1379, %mul3A_1378, %dma_start3A_1380] : memref<2x2016x8xf32, #tpu.memory_space<vmem>> -> memref<1x112x8xf32, #tpu.memory_space<vmem>>
      %dma_start3A_1382 = tpu.memref_squeeze %dma_start3A_1381 : memref<1x112x8xf32, #tpu.memory_space<vmem>> -> memref<112x8xf32, #tpu.memory_space<vmem>>
      %dma_start3A_1383 = tpu.memref_slice %arg5[%add3A_1376] : memref<22176xi32, #tpu.memory_space<vmem>> -> memref<112xi32, #tpu.memory_space<vmem>>
      %dma_start3A_1384 = arith.constant 0 : i32
      %dma_start3A_1385 = arith.constant 0 : i32
      %dma_start3A_1386 = tpu.memref_slice %arg2[%dma_start3A_1384, %dma_start3A_1385] : memref<50688x8xf32, #tpu.memory_space<hbm>> -> memref<50688x8xf32, #tpu.memory_space<hbm>>
      tpu.enqueue_indirect_dma source(%dma_start3A_1386 : memref<50688x8xf32, #tpu.memory_space<hbm>>) target(%dma_start3A_1382 : memref<112x8xf32, #tpu.memory_space<vmem>>) offsets(%dma_start3A_1383 : memref<112xi32, #tpu.memory_space<vmem>>) semaphore(%arg7 : memref<!tpu.dma_semaphore, #tpu.memory_space<semaphore_mem>>)
      %scan3A_1387 = arith.constant 0 : i32
      scf.yield %scan3A_1387 : i32
    }
    %scan3A_896 = arith.constant 18 : i32
    %dma_wait3A_897 = arith.constant 1 : i32
    %dma_wait3A_898 = arith.constant 0 : i32
    %dma_wait3A_899 = arith.constant 0 : i32
    %dma_wait3A_900 = tpu.memref_slice %arg6[%dma_wait3A_897, %dma_wait3A_898, %dma_wait3A_899] : memref<2x2016x8xf32, #tpu.memory_space<vmem>> -> memref<1x2016x8xf32, #tpu.memory_space<vmem>>
    %dma_wait3A_901 = tpu.memref_squeeze %dma_wait3A_900 : memref<1x2016x8xf32, #tpu.memory_space<vmem>> -> memref<2016x8xf32, #tpu.memory_space<vmem>>
    %dma_wait3A_902 = arith.constant 0 : i32
    %dma_wait3A_903 = arith.constant 0 : i32
    %dma_wait3A_904 = tpu.memref_slice %arg4[%add3A_682, %dma_wait3A_902, %dma_wait3A_903] : memref<64x22176x8xf32, #tpu.memory_space<hbm>> -> memref<1x2016x8xf32, #tpu.memory_space<hbm>>
    %dma_wait3A_905 = tpu.memref_squeeze %dma_wait3A_904 : memref<1x2016x8xf32, #tpu.memory_space<hbm>> -> memref<2016x8xf32, #tpu.memory_space<hbm>>
    %dma_wait3A_906 = arith.constant 0 : i32
    %dma_wait3A_907 = arith.constant 0 : i32
    %dma_wait3A_908 = tpu.memref_slice %arg6[%dma_wait3A_897, %dma_wait3A_906, %dma_wait3A_907] : memref<2x2016x8xf32, #tpu.memory_space<vmem>> -> memref<1x2016x8xf32, #tpu.memory_space<vmem>>
    %dma_wait3A_909 = tpu.memref_squeeze %dma_wait3A_908 : memref<1x2016x8xf32, #tpu.memory_space<vmem>> -> memref<2016x8xf32, #tpu.memory_space<vmem>>
    %dma_wait3A_910 = arith.constant 0 : i32
    %dma_wait3A_911 = arith.constant 0 : i32
    %dma_wait3A_912 = tpu.memref_slice %arg4[%add3A_682, %dma_wait3A_910, %dma_wait3A_911] : memref<64x22176x8xf32, #tpu.memory_space<hbm>> -> memref<1x2016x8xf32, #tpu.memory_space<hbm>>
    %dma_wait3A_913 = tpu.memref_squeeze %dma_wait3A_912 : memref<1x2016x8xf32, #tpu.memory_space<hbm>> -> memref<2016x8xf32, #tpu.memory_space<hbm>>
    tpu.wait_dma2 semaphore(%arg7 : memref<!tpu.dma_semaphore, #tpu.memory_space<semaphore_mem>>) src(%dma_wait3A_913 : memref<2016x8xf32, #tpu.memory_space<hbm>>) dst(%dma_wait3A_909 : memref<2016x8xf32, #tpu.memory_space<vmem>>)
    %dma_start3A_914 = arith.constant 1 : i32
    %dma_start3A_915 = arith.constant 0 : i32
    %dma_start3A_916 = arith.constant 0 : i32
    %dma_start3A_917 = tpu.memref_slice %arg6[%dma_start3A_914, %dma_start3A_915, %dma_start3A_916] : memref<2x2016x8xf32, #tpu.memory_space<vmem>> -> memref<1x2016x8xf32, #tpu.memory_space<vmem>>
    %dma_start3A_918 = tpu.memref_squeeze %dma_start3A_917 : memref<1x2016x8xf32, #tpu.memory_space<vmem>> -> memref<2016x8xf32, #tpu.memory_space<vmem>>
    %dma_start3A_919 = arith.constant 6048 : i32
    %dma_start3A_920 = arith.constant 0 : i32
    %dma_start3A_921 = tpu.memref_slice %arg4[%add3A_682, %dma_start3A_919, %dma_start3A_920] : memref<64x22176x8xf32, #tpu.memory_space<hbm>> -> memref<1x2016x8xf32, #tpu.memory_space<hbm>>
    %dma_start3A_922 = tpu.memref_squeeze %dma_start3A_921 : memref<1x2016x8xf32, #tpu.memory_space<hbm>> -> memref<2016x8xf32, #tpu.memory_space<hbm>>
    %dma_start3A_923 = arith.constant 6048 : i32
    %dma_start3A_924 = arith.constant 0 : i32
    %dma_start3A_925 = tpu.memref_slice %arg4[%add3A_682, %dma_start3A_923, %dma_start3A_924] : memref<64x22176x8xf32, #tpu.memory_space<hbm>> -> memref<1x2016x8xf32, #tpu.memory_space<hbm>>
    %dma_start3A_926 = tpu.memref_squeeze %dma_start3A_925 : memref<1x2016x8xf32, #tpu.memory_space<hbm>> -> memref<2016x8xf32, #tpu.memory_space<hbm>>
    %dma_start3A_927 = arith.constant 0 : i32
    %dma_start3A_928 = arith.constant 0 : i32
    %dma_start3A_929 = tpu.memref_slice %arg6[%dma_start3A_914, %dma_start3A_927, %dma_start3A_928] : memref<2x2016x8xf32, #tpu.memory_space<vmem>> -> memref<1x2016x8xf32, #tpu.memory_space<vmem>>
    %dma_start3A_930 = tpu.memref_squeeze %dma_start3A_929 : memref<1x2016x8xf32, #tpu.memory_space<vmem>> -> memref<2016x8xf32, #tpu.memory_space<vmem>>
    tpu.enqueue_dma source(%dma_start3A_930 : memref<2016x8xf32, #tpu.memory_space<vmem>>) target(%dma_start3A_926 : memref<2016x8xf32, #tpu.memory_space<hbm>>) target_semaphore(%arg9 : memref<!tpu.dma_semaphore, #tpu.memory_space<semaphore_mem>>)
    %dma_wait3A_931 = arith.constant 0 : i32
    %dma_wait3A_932 = arith.constant 0 : i32
    %dma_wait3A_933 = arith.constant 0 : i32
    %dma_wait3A_934 = tpu.memref_slice %arg6[%dma_wait3A_931, %dma_wait3A_932, %dma_wait3A_933] : memref<2x2016x8xf32, #tpu.memory_space<vmem>> -> memref<1x2016x8xf32, #tpu.memory_space<vmem>>
    %dma_wait3A_935 = tpu.memref_squeeze %dma_wait3A_934 : memref<1x2016x8xf32, #tpu.memory_space<vmem>> -> memref<2016x8xf32, #tpu.memory_space<vmem>>
    %dma_wait3A_936 = arith.constant 4032 : i32
    %dma_wait3A_937 = arith.constant 0 : i32
    %dma_wait3A_938 = tpu.memref_slice %arg4[%add3A_682, %dma_wait3A_936, %dma_wait3A_937] : memref<64x22176x8xf32, #tpu.memory_space<hbm>> -> memref<1x2016x8xf32, #tpu.memory_space<hbm>>
    %dma_wait3A_939 = tpu.memref_squeeze %dma_wait3A_938 : memref<1x2016x8xf32, #tpu.memory_space<hbm>> -> memref<2016x8xf32, #tpu.memory_space<hbm>>
    %dma_wait3A_940 = arith.constant 4032 : i32
    %dma_wait3A_941 = arith.constant 0 : i32
    %dma_wait3A_942 = tpu.memref_slice %arg4[%add3A_682, %dma_wait3A_940, %dma_wait3A_941] : memref<64x22176x8xf32, #tpu.memory_space<hbm>> -> memref<1x2016x8xf32, #tpu.memory_space<hbm>>
    %dma_wait3A_943 = tpu.memref_squeeze %dma_wait3A_942 : memref<1x2016x8xf32, #tpu.memory_space<hbm>> -> memref<2016x8xf32, #tpu.memory_space<hbm>>
    %dma_wait3A_944 = arith.constant 0 : i32
    %dma_wait3A_945 = arith.constant 0 : i32
    %dma_wait3A_946 = tpu.memref_slice %arg6[%dma_wait3A_931, %dma_wait3A_944, %dma_wait3A_945] : memref<2x2016x8xf32, #tpu.memory_space<vmem>> -> memref<1x2016x8xf32, #tpu.memory_space<vmem>>
    %dma_wait3A_947 = tpu.memref_squeeze %dma_wait3A_946 : memref<1x2016x8xf32, #tpu.memory_space<vmem>> -> memref<2016x8xf32, #tpu.memory_space<vmem>>
    tpu.wait_dma2 semaphore(%arg8 : memref<!tpu.dma_semaphore, #tpu.memory_space<semaphore_mem>>) src(%dma_wait3A_947 : memref<2016x8xf32, #tpu.memory_space<vmem>>) dst(%dma_wait3A_943 : memref<2016x8xf32, #tpu.memory_space<hbm>>)
    %scan3A_948 = arith.constant 0 : i32
    %scan3A_949 = arith.constant 0 : i32
    %scan3A_950 = arith.constant 18 : i32
    %scan3A_951 = arith.addi %scan3A_949, %scan3A_950 : i32
    %scan3A_952 = arith.constant 1 : i32
    %scan3A_953 = scf.for %scan3A_1371 = %scan3A_949 to %scan3A_951 step %scan3A_952 iter_args(%scan3A_1372 = %scan3A_948) -> (i32)  : i32 {
      %mul3A_1373 = arith.constant 112 : i32
      %mul3A_1374 = arith.muli %scan3A_1371, %mul3A_1373 : i32
      %add3A_1375 = arith.constant 8064 : i32
      %add3A_1376 = arith.addi %add3A_1375, %mul3A_1374 : i32
      %mul3A_1377 = arith.constant 112 : i32
      %mul3A_1378 = arith.muli %scan3A_1371, %mul3A_1377 : i32
      %dma_start3A_1379 = arith.constant 0 : i32
      %dma_start3A_1380 = arith.constant 0 : i32
      %dma_start3A_1381 = tpu.memref_slice %arg6[%dma_start3A_1379, %mul3A_1378, %dma_start3A_1380] : memref<2x2016x8xf32, #tpu.memory_space<vmem>> -> memref<1x112x8xf32, #tpu.memory_space<vmem>>
      %dma_start3A_1382 = tpu.memref_squeeze %dma_start3A_1381 : memref<1x112x8xf32, #tpu.memory_space<vmem>> -> memref<112x8xf32, #tpu.memory_space<vmem>>
      %dma_start3A_1383 = tpu.memref_slice %arg5[%add3A_1376] : memref<22176xi32, #tpu.memory_space<vmem>> -> memref<112xi32, #tpu.memory_space<vmem>>
      %dma_start3A_1384 = arith.constant 0 : i32
      %dma_start3A_1385 = arith.constant 0 : i32
      %dma_start3A_1386 = tpu.memref_slice %arg2[%dma_start3A_1384, %dma_start3A_1385] : memref<50688x8xf32, #tpu.memory_space<hbm>> -> memref<50688x8xf32, #tpu.memory_space<hbm>>
      tpu.enqueue_indirect_dma source(%dma_start3A_1386 : memref<50688x8xf32, #tpu.memory_space<hbm>>) target(%dma_start3A_1382 : memref<112x8xf32, #tpu.memory_space<vmem>>) offsets(%dma_start3A_1383 : memref<112xi32, #tpu.memory_space<vmem>>) semaphore(%arg7 : memref<!tpu.dma_semaphore, #tpu.memory_space<semaphore_mem>>)
      %scan3A_1387 = arith.constant 0 : i32
      scf.yield %scan3A_1387 : i32
    }
    %scan3A_954 = arith.constant 18 : i32
    %dma_wait3A_955 = arith.constant 0 : i32
    %dma_wait3A_956 = arith.constant 0 : i32
    %dma_wait3A_957 = arith.constant 0 : i32
    %dma_wait3A_958 = tpu.memref_slice %arg6[%dma_wait3A_955, %dma_wait3A_956, %dma_wait3A_957] : memref<2x2016x8xf32, #tpu.memory_space<vmem>> -> memref<1x2016x8xf32, #tpu.memory_space<vmem>>
    %dma_wait3A_959 = tpu.memref_squeeze %dma_wait3A_958 : memref<1x2016x8xf32, #tpu.memory_space<vmem>> -> memref<2016x8xf32, #tpu.memory_space<vmem>>
    %dma_wait3A_960 = arith.constant 0 : i32
    %dma_wait3A_961 = arith.constant 0 : i32
    %dma_wait3A_962 = tpu.memref_slice %arg4[%add3A_682, %dma_wait3A_960, %dma_wait3A_961] : memref<64x22176x8xf32, #tpu.memory_space<hbm>> -> memref<1x2016x8xf32, #tpu.memory_space<hbm>>
    %dma_wait3A_963 = tpu.memref_squeeze %dma_wait3A_962 : memref<1x2016x8xf32, #tpu.memory_space<hbm>> -> memref<2016x8xf32, #tpu.memory_space<hbm>>
    %dma_wait3A_964 = arith.constant 0 : i32
    %dma_wait3A_965 = arith.constant 0 : i32
    %dma_wait3A_966 = tpu.memref_slice %arg6[%dma_wait3A_955, %dma_wait3A_964, %dma_wait3A_965] : memref<2x2016x8xf32, #tpu.memory_space<vmem>> -> memref<1x2016x8xf32, #tpu.memory_space<vmem>>
    %dma_wait3A_967 = tpu.memref_squeeze %dma_wait3A_966 : memref<1x2016x8xf32, #tpu.memory_space<vmem>> -> memref<2016x8xf32, #tpu.memory_space<vmem>>
    %dma_wait3A_968 = arith.constant 0 : i32
    %dma_wait3A_969 = arith.constant 0 : i32
    %dma_wait3A_970 = tpu.memref_slice %arg4[%add3A_682, %dma_wait3A_968, %dma_wait3A_969] : memref<64x22176x8xf32, #tpu.memory_space<hbm>> -> memref<1x2016x8xf32, #tpu.memory_space<hbm>>
    %dma_wait3A_971 = tpu.memref_squeeze %dma_wait3A_970 : memref<1x2016x8xf32, #tpu.memory_space<hbm>> -> memref<2016x8xf32, #tpu.memory_space<hbm>>
    tpu.wait_dma2 semaphore(%arg7 : memref<!tpu.dma_semaphore, #tpu.memory_space<semaphore_mem>>) src(%dma_wait3A_971 : memref<2016x8xf32, #tpu.memory_space<hbm>>) dst(%dma_wait3A_967 : memref<2016x8xf32, #tpu.memory_space<vmem>>)
    %dma_start3A_972 = arith.constant 0 : i32
    %dma_start3A_973 = arith.constant 0 : i32
    %dma_start3A_974 = arith.constant 0 : i32
    %dma_start3A_975 = tpu.memref_slice %arg6[%dma_start3A_972, %dma_start3A_973, %dma_start3A_974] : memref<2x2016x8xf32, #tpu.memory_space<vmem>> -> memref<1x2016x8xf32, #tpu.memory_space<vmem>>
    %dma_start3A_976 = tpu.memref_squeeze %dma_start3A_975 : memref<1x2016x8xf32, #tpu.memory_space<vmem>> -> memref<2016x8xf32, #tpu.memory_space<vmem>>
    %dma_start3A_977 = arith.constant 8064 : i32
    %dma_start3A_978 = arith.constant 0 : i32
    %dma_start3A_979 = tpu.memref_slice %arg4[%add3A_682, %dma_start3A_977, %dma_start3A_978] : memref<64x22176x8xf32, #tpu.memory_space<hbm>> -> memref<1x2016x8xf32, #tpu.memory_space<hbm>>
    %dma_start3A_980 = tpu.memref_squeeze %dma_start3A_979 : memref<1x2016x8xf32, #tpu.memory_space<hbm>> -> memref<2016x8xf32, #tpu.memory_space<hbm>>
    %dma_start3A_981 = arith.constant 8064 : i32
    %dma_start3A_982 = arith.constant 0 : i32
    %dma_start3A_983 = tpu.memref_slice %arg4[%add3A_682, %dma_start3A_981, %dma_start3A_982] : memref<64x22176x8xf32, #tpu.memory_space<hbm>> -> memref<1x2016x8xf32, #tpu.memory_space<hbm>>
    %dma_start3A_984 = tpu.memref_squeeze %dma_start3A_983 : memref<1x2016x8xf32, #tpu.memory_space<hbm>> -> memref<2016x8xf32, #tpu.memory_space<hbm>>
    %dma_start3A_985 = arith.constant 0 : i32
    %dma_start3A_986 = arith.constant 0 : i32
    %dma_start3A_987 = tpu.memref_slice %arg6[%dma_start3A_972, %dma_start3A_985, %dma_start3A_986] : memref<2x2016x8xf32, #tpu.memory_space<vmem>> -> memref<1x2016x8xf32, #tpu.memory_space<vmem>>
    %dma_start3A_988 = tpu.memref_squeeze %dma_start3A_987 : memref<1x2016x8xf32, #tpu.memory_space<vmem>> -> memref<2016x8xf32, #tpu.memory_space<vmem>>
    tpu.enqueue_dma source(%dma_start3A_988 : memref<2016x8xf32, #tpu.memory_space<vmem>>) target(%dma_start3A_984 : memref<2016x8xf32, #tpu.memory_space<hbm>>) target_semaphore(%arg8 : memref<!tpu.dma_semaphore, #tpu.memory_space<semaphore_mem>>)
    %dma_wait3A_989 = arith.constant 1 : i32
    %dma_wait3A_990 = arith.constant 0 : i32
    %dma_wait3A_991 = arith.constant 0 : i32
    %dma_wait3A_992 = tpu.memref_slice %arg6[%dma_wait3A_989, %dma_wait3A_990, %dma_wait3A_991] : memref<2x2016x8xf32, #tpu.memory_space<vmem>> -> memref<1x2016x8xf32, #tpu.memory_space<vmem>>
    %dma_wait3A_993 = tpu.memref_squeeze %dma_wait3A_992 : memref<1x2016x8xf32, #tpu.memory_space<vmem>> -> memref<2016x8xf32, #tpu.memory_space<vmem>>
    %dma_wait3A_994 = arith.constant 6048 : i32
    %dma_wait3A_995 = arith.constant 0 : i32
    %dma_wait3A_996 = tpu.memref_slice %arg4[%add3A_682, %dma_wait3A_994, %dma_wait3A_995] : memref<64x22176x8xf32, #tpu.memory_space<hbm>> -> memref<1x2016x8xf32, #tpu.memory_space<hbm>>
    %dma_wait3A_997 = tpu.memref_squeeze %dma_wait3A_996 : memref<1x2016x8xf32, #tpu.memory_space<hbm>> -> memref<2016x8xf32, #tpu.memory_space<hbm>>
    %dma_wait3A_998 = arith.constant 6048 : i32
    %dma_wait3A_999 = arith.constant 0 : i32
    %dma_wait3A_1000 = tpu.memref_slice %arg4[%add3A_682, %dma_wait3A_998, %dma_wait3A_999] : memref<64x22176x8xf32, #tpu.memory_space<hbm>> -> memref<1x2016x8xf32, #tpu.memory_space<hbm>>
    %dma_wait3A_1001 = tpu.memref_squeeze %dma_wait3A_1000 : memref<1x2016x8xf32, #tpu.memory_space<hbm>> -> memref<2016x8xf32, #tpu.memory_space<hbm>>
    %dma_wait3A_1002 = arith.constant 0 : i32
    %dma_wait3A_1003 = arith.constant 0 : i32
    %dma_wait3A_1004 = tpu.memref_slice %arg6[%dma_wait3A_989, %dma_wait3A_1002, %dma_wait3A_1003] : memref<2x2016x8xf32, #tpu.memory_space<vmem>> -> memref<1x2016x8xf32, #tpu.memory_space<vmem>>
    %dma_wait3A_1005 = tpu.memref_squeeze %dma_wait3A_1004 : memref<1x2016x8xf32, #tpu.memory_space<vmem>> -> memref<2016x8xf32, #tpu.memory_space<vmem>>
    tpu.wait_dma2 semaphore(%arg9 : memref<!tpu.dma_semaphore, #tpu.memory_space<semaphore_mem>>) src(%dma_wait3A_1005 : memref<2016x8xf32, #tpu.memory_space<vmem>>) dst(%dma_wait3A_1001 : memref<2016x8xf32, #tpu.memory_space<hbm>>)
    %scan3A_1006 = arith.constant 0 : i32
    %scan3A_1007 = arith.constant 0 : i32
    %scan3A_1008 = arith.constant 18 : i32
    %scan3A_1009 = arith.addi %scan3A_1007, %scan3A_1008 : i32
    %scan3A_1010 = arith.constant 1 : i32
    %scan3A_1011 = scf.for %scan3A_1371 = %scan3A_1007 to %scan3A_1009 step %scan3A_1010 iter_args(%scan3A_1372 = %scan3A_1006) -> (i32)  : i32 {
      %mul3A_1373 = arith.constant 112 : i32
      %mul3A_1374 = arith.muli %scan3A_1371, %mul3A_1373 : i32
      %add3A_1375 = arith.constant 10080 : i32
      %add3A_1376 = arith.addi %add3A_1375, %mul3A_1374 : i32
      %mul3A_1377 = arith.constant 112 : i32
      %mul3A_1378 = arith.muli %scan3A_1371, %mul3A_1377 : i32
      %dma_start3A_1379 = arith.constant 1 : i32
      %dma_start3A_1380 = arith.constant 0 : i32
      %dma_start3A_1381 = tpu.memref_slice %arg6[%dma_start3A_1379, %mul3A_1378, %dma_start3A_1380] : memref<2x2016x8xf32, #tpu.memory_space<vmem>> -> memref<1x112x8xf32, #tpu.memory_space<vmem>>
      %dma_start3A_1382 = tpu.memref_squeeze %dma_start3A_1381 : memref<1x112x8xf32, #tpu.memory_space<vmem>> -> memref<112x8xf32, #tpu.memory_space<vmem>>
      %dma_start3A_1383 = tpu.memref_slice %arg5[%add3A_1376] : memref<22176xi32, #tpu.memory_space<vmem>> -> memref<112xi32, #tpu.memory_space<vmem>>
      %dma_start3A_1384 = arith.constant 0 : i32
      %dma_start3A_1385 = arith.constant 0 : i32
      %dma_start3A_1386 = tpu.memref_slice %arg2[%dma_start3A_1384, %dma_start3A_1385] : memref<50688x8xf32, #tpu.memory_space<hbm>> -> memref<50688x8xf32, #tpu.memory_space<hbm>>
      tpu.enqueue_indirect_dma source(%dma_start3A_1386 : memref<50688x8xf32, #tpu.memory_space<hbm>>) target(%dma_start3A_1382 : memref<112x8xf32, #tpu.memory_space<vmem>>) offsets(%dma_start3A_1383 : memref<112xi32, #tpu.memory_space<vmem>>) semaphore(%arg7 : memref<!tpu.dma_semaphore, #tpu.memory_space<semaphore_mem>>)
      %scan3A_1387 = arith.constant 0 : i32
      scf.yield %scan3A_1387 : i32
    }
    %scan3A_1012 = arith.constant 18 : i32
    %dma_wait3A_1013 = arith.constant 1 : i32
    %dma_wait3A_1014 = arith.constant 0 : i32
    %dma_wait3A_1015 = arith.constant 0 : i32
    %dma_wait3A_1016 = tpu.memref_slice %arg6[%dma_wait3A_1013, %dma_wait3A_1014, %dma_wait3A_1015] : memref<2x2016x8xf32, #tpu.memory_space<vmem>> -> memref<1x2016x8xf32, #tpu.memory_space<vmem>>
    %dma_wait3A_1017 = tpu.memref_squeeze %dma_wait3A_1016 : memref<1x2016x8xf32, #tpu.memory_space<vmem>> -> memref<2016x8xf32, #tpu.memory_space<vmem>>
    %dma_wait3A_1018 = arith.constant 0 : i32
    %dma_wait3A_1019 = arith.constant 0 : i32
    %dma_wait3A_1020 = tpu.memref_slice %arg4[%add3A_682, %dma_wait3A_1018, %dma_wait3A_1019] : memref<64x22176x8xf32, #tpu.memory_space<hbm>> -> memref<1x2016x8xf32, #tpu.memory_space<hbm>>
    %dma_wait3A_1021 = tpu.memref_squeeze %dma_wait3A_1020 : memref<1x2016x8xf32, #tpu.memory_space<hbm>> -> memref<2016x8xf32, #tpu.memory_space<hbm>>
    %dma_wait3A_1022 = arith.constant 0 : i32
    %dma_wait3A_1023 = arith.constant 0 : i32
    %dma_wait3A_1024 = tpu.memref_slice %arg6[%dma_wait3A_1013, %dma_wait3A_1022, %dma_wait3A_1023] : memref<2x2016x8xf32, #tpu.memory_space<vmem>> -> memref<1x2016x8xf32, #tpu.memory_space<vmem>>
    %dma_wait3A_1025 = tpu.memref_squeeze %dma_wait3A_1024 : memref<1x2016x8xf32, #tpu.memory_space<vmem>> -> memref<2016x8xf32, #tpu.memory_space<vmem>>
    %dma_wait3A_1026 = arith.constant 0 : i32
    %dma_wait3A_1027 = arith.constant 0 : i32
    %dma_wait3A_1028 = tpu.memref_slice %arg4[%add3A_682, %dma_wait3A_1026, %dma_wait3A_1027] : memref<64x22176x8xf32, #tpu.memory_space<hbm>> -> memref<1x2016x8xf32, #tpu.memory_space<hbm>>
    %dma_wait3A_1029 = tpu.memref_squeeze %dma_wait3A_1028 : memref<1x2016x8xf32, #tpu.memory_space<hbm>> -> memref<2016x8xf32, #tpu.memory_space<hbm>>
    tpu.wait_dma2 semaphore(%arg7 : memref<!tpu.dma_semaphore, #tpu.memory_space<semaphore_mem>>) src(%dma_wait3A_1029 : memref<2016x8xf32, #tpu.memory_space<hbm>>) dst(%dma_wait3A_1025 : memref<2016x8xf32, #tpu.memory_space<vmem>>)
    %dma_start3A_1030 = arith.constant 1 : i32
    %dma_start3A_1031 = arith.constant 0 : i32
    %dma_start3A_1032 = arith.constant 0 : i32
    %dma_start3A_1033 = tpu.memref_slice %arg6[%dma_start3A_1030, %dma_start3A_1031, %dma_start3A_1032] : memref<2x2016x8xf32, #tpu.memory_space<vmem>> -> memref<1x2016x8xf32, #tpu.memory_space<vmem>>
    %dma_start3A_1034 = tpu.memref_squeeze %dma_start3A_1033 : memref<1x2016x8xf32, #tpu.memory_space<vmem>> -> memref<2016x8xf32, #tpu.memory_space<vmem>>
    %dma_start3A_1035 = arith.constant 10080 : i32
    %dma_start3A_1036 = arith.constant 0 : i32
    %dma_start3A_1037 = tpu.memref_slice %arg4[%add3A_682, %dma_start3A_1035, %dma_start3A_1036] : memref<64x22176x8xf32, #tpu.memory_space<hbm>> -> memref<1x2016x8xf32, #tpu.memory_space<hbm>>
    %dma_start3A_1038 = tpu.memref_squeeze %dma_start3A_1037 : memref<1x2016x8xf32, #tpu.memory_space<hbm>> -> memref<2016x8xf32, #tpu.memory_space<hbm>>
    %dma_start3A_1039 = arith.constant 10080 : i32
    %dma_start3A_1040 = arith.constant 0 : i32
    %dma_start3A_1041 = tpu.memref_slice %arg4[%add3A_682, %dma_start3A_1039, %dma_start3A_1040] : memref<64x22176x8xf32, #tpu.memory_space<hbm>> -> memref<1x2016x8xf32, #tpu.memory_space<hbm>>
    %dma_start3A_1042 = tpu.memref_squeeze %dma_start3A_1041 : memref<1x2016x8xf32, #tpu.memory_space<hbm>> -> memref<2016x8xf32, #tpu.memory_space<hbm>>
    %dma_start3A_1043 = arith.constant 0 : i32
    %dma_start3A_1044 = arith.constant 0 : i32
    %dma_start3A_1045 = tpu.memref_slice %arg6[%dma_start3A_1030, %dma_start3A_1043, %dma_start3A_1044] : memref<2x2016x8xf32, #tpu.memory_space<vmem>> -> memref<1x2016x8xf32, #tpu.memory_space<vmem>>
    %dma_start3A_1046 = tpu.memref_squeeze %dma_start3A_1045 : memref<1x2016x8xf32, #tpu.memory_space<vmem>> -> memref<2016x8xf32, #tpu.memory_space<vmem>>
    tpu.enqueue_dma source(%dma_start3A_1046 : memref<2016x8xf32, #tpu.memory_space<vmem>>) target(%dma_start3A_1042 : memref<2016x8xf32, #tpu.memory_space<hbm>>) target_semaphore(%arg9 : memref<!tpu.dma_semaphore, #tpu.memory_space<semaphore_mem>>)
    %dma_wait3A_1047 = arith.constant 0 : i32
    %dma_wait3A_1048 = arith.constant 0 : i32
    %dma_wait3A_1049 = arith.constant 0 : i32
    %dma_wait3A_1050 = tpu.memref_slice %arg6[%dma_wait3A_1047, %dma_wait3A_1048, %dma_wait3A_1049] : memref<2x2016x8xf32, #tpu.memory_space<vmem>> -> memref<1x2016x8xf32, #tpu.memory_space<vmem>>
    %dma_wait3A_1051 = tpu.memref_squeeze %dma_wait3A_1050 : memref<1x2016x8xf32, #tpu.memory_space<vmem>> -> memref<2016x8xf32, #tpu.memory_space<vmem>>
    %dma_wait3A_1052 = arith.constant 8064 : i32
    %dma_wait3A_1053 = arith.constant 0 : i32
    %dma_wait3A_1054 = tpu.memref_slice %arg4[%add3A_682, %dma_wait3A_1052, %dma_wait3A_1053] : memref<64x22176x8xf32, #tpu.memory_space<hbm>> -> memref<1x2016x8xf32, #tpu.memory_space<hbm>>
    %dma_wait3A_1055 = tpu.memref_squeeze %dma_wait3A_1054 : memref<1x2016x8xf32, #tpu.memory_space<hbm>> -> memref<2016x8xf32, #tpu.memory_space<hbm>>
    %dma_wait3A_1056 = arith.constant 8064 : i32
    %dma_wait3A_1057 = arith.constant 0 : i32
    %dma_wait3A_1058 = tpu.memref_slice %arg4[%add3A_682, %dma_wait3A_1056, %dma_wait3A_1057] : memref<64x22176x8xf32, #tpu.memory_space<hbm>> -> memref<1x2016x8xf32, #tpu.memory_space<hbm>>
    %dma_wait3A_1059 = tpu.memref_squeeze %dma_wait3A_1058 : memref<1x2016x8xf32, #tpu.memory_space<hbm>> -> memref<2016x8xf32, #tpu.memory_space<hbm>>
    %dma_wait3A_1060 = arith.constant 0 : i32
    %dma_wait3A_1061 = arith.constant 0 : i32
    %dma_wait3A_1062 = tpu.memref_slice %arg6[%dma_wait3A_1047, %dma_wait3A_1060, %dma_wait3A_1061] : memref<2x2016x8xf32, #tpu.memory_space<vmem>> -> memref<1x2016x8xf32, #tpu.memory_space<vmem>>
    %dma_wait3A_1063 = tpu.memref_squeeze %dma_wait3A_1062 : memref<1x2016x8xf32, #tpu.memory_space<vmem>> -> memref<2016x8xf32, #tpu.memory_space<vmem>>
    tpu.wait_dma2 semaphore(%arg8 : memref<!tpu.dma_semaphore, #tpu.memory_space<semaphore_mem>>) src(%dma_wait3A_1063 : memref<2016x8xf32, #tpu.memory_space<vmem>>) dst(%dma_wait3A_1059 : memref<2016x8xf32, #tpu.memory_space<hbm>>)
    %scan3A_1064 = arith.constant 0 : i32
    %scan3A_1065 = arith.constant 0 : i32
    %scan3A_1066 = arith.constant 18 : i32
    %scan3A_1067 = arith.addi %scan3A_1065, %scan3A_1066 : i32
    %scan3A_1068 = arith.constant 1 : i32
    %scan3A_1069 = scf.for %scan3A_1371 = %scan3A_1065 to %scan3A_1067 step %scan3A_1068 iter_args(%scan3A_1372 = %scan3A_1064) -> (i32)  : i32 {
      %mul3A_1373 = arith.constant 112 : i32
      %mul3A_1374 = arith.muli %scan3A_1371, %mul3A_1373 : i32
      %add3A_1375 = arith.constant 12096 : i32
      %add3A_1376 = arith.addi %add3A_1375, %mul3A_1374 : i32
      %mul3A_1377 = arith.constant 112 : i32
      %mul3A_1378 = arith.muli %scan3A_1371, %mul3A_1377 : i32
      %dma_start3A_1379 = arith.constant 0 : i32
      %dma_start3A_1380 = arith.constant 0 : i32
      %dma_start3A_1381 = tpu.memref_slice %arg6[%dma_start3A_1379, %mul3A_1378, %dma_start3A_1380] : memref<2x2016x8xf32, #tpu.memory_space<vmem>> -> memref<1x112x8xf32, #tpu.memory_space<vmem>>
      %dma_start3A_1382 = tpu.memref_squeeze %dma_start3A_1381 : memref<1x112x8xf32, #tpu.memory_space<vmem>> -> memref<112x8xf32, #tpu.memory_space<vmem>>
      %dma_start3A_1383 = tpu.memref_slice %arg5[%add3A_1376] : memref<22176xi32, #tpu.memory_space<vmem>> -> memref<112xi32, #tpu.memory_space<vmem>>
      %dma_start3A_1384 = arith.constant 0 : i32
      %dma_start3A_1385 = arith.constant 0 : i32
      %dma_start3A_1386 = tpu.memref_slice %arg2[%dma_start3A_1384, %dma_start3A_1385] : memref<50688x8xf32, #tpu.memory_space<hbm>> -> memref<50688x8xf32, #tpu.memory_space<hbm>>
      tpu.enqueue_indirect_dma source(%dma_start3A_1386 : memref<50688x8xf32, #tpu.memory_space<hbm>>) target(%dma_start3A_1382 : memref<112x8xf32, #tpu.memory_space<vmem>>) offsets(%dma_start3A_1383 : memref<112xi32, #tpu.memory_space<vmem>>) semaphore(%arg7 : memref<!tpu.dma_semaphore, #tpu.memory_space<semaphore_mem>>)
      %scan3A_1387 = arith.constant 0 : i32
      scf.yield %scan3A_1387 : i32
    }
    %scan3A_1070 = arith.constant 18 : i32
    %dma_wait3A_1071 = arith.constant 0 : i32
    %dma_wait3A_1072 = arith.constant 0 : i32
    %dma_wait3A_1073 = arith.constant 0 : i32
    %dma_wait3A_1074 = tpu.memref_slice %arg6[%dma_wait3A_1071, %dma_wait3A_1072, %dma_wait3A_1073] : memref<2x2016x8xf32, #tpu.memory_space<vmem>> -> memref<1x2016x8xf32, #tpu.memory_space<vmem>>
    %dma_wait3A_1075 = tpu.memref_squeeze %dma_wait3A_1074 : memref<1x2016x8xf32, #tpu.memory_space<vmem>> -> memref<2016x8xf32, #tpu.memory_space<vmem>>
    %dma_wait3A_1076 = arith.constant 0 : i32
    %dma_wait3A_1077 = arith.constant 0 : i32
    %dma_wait3A_1078 = tpu.memref_slice %arg4[%add3A_682, %dma_wait3A_1076, %dma_wait3A_1077] : memref<64x22176x8xf32, #tpu.memory_space<hbm>> -> memref<1x2016x8xf32, #tpu.memory_space<hbm>>
    %dma_wait3A_1079 = tpu.memref_squeeze %dma_wait3A_1078 : memref<1x2016x8xf32, #tpu.memory_space<hbm>> -> memref<2016x8xf32, #tpu.memory_space<hbm>>
    %dma_wait3A_1080 = arith.constant 0 : i32
    %dma_wait3A_1081 = arith.constant 0 : i32
    %dma_wait3A_1082 = tpu.memref_slice %arg6[%dma_wait3A_1071, %dma_wait3A_1080, %dma_wait3A_1081] : memref<2x2016x8xf32, #tpu.memory_space<vmem>> -> memref<1x2016x8xf32, #tpu.memory_space<vmem>>
    %dma_wait3A_1083 = tpu.memref_squeeze %dma_wait3A_1082 : memref<1x2016x8xf32, #tpu.memory_space<vmem>> -> memref<2016x8xf32, #tpu.memory_space<vmem>>
    %dma_wait3A_1084 = arith.constant 0 : i32
    %dma_wait3A_1085 = arith.constant 0 : i32
    %dma_wait3A_1086 = tpu.memref_slice %arg4[%add3A_682, %dma_wait3A_1084, %dma_wait3A_1085] : memref<64x22176x8xf32, #tpu.memory_space<hbm>> -> memref<1x2016x8xf32, #tpu.memory_space<hbm>>
    %dma_wait3A_1087 = tpu.memref_squeeze %dma_wait3A_1086 : memref<1x2016x8xf32, #tpu.memory_space<hbm>> -> memref<2016x8xf32, #tpu.memory_space<hbm>>
    tpu.wait_dma2 semaphore(%arg7 : memref<!tpu.dma_semaphore, #tpu.memory_space<semaphore_mem>>) src(%dma_wait3A_1087 : memref<2016x8xf32, #tpu.memory_space<hbm>>) dst(%dma_wait3A_1083 : memref<2016x8xf32, #tpu.memory_space<vmem>>)
    %dma_start3A_1088 = arith.constant 0 : i32
    %dma_start3A_1089 = arith.constant 0 : i32
    %dma_start3A_1090 = arith.constant 0 : i32
    %dma_start3A_1091 = tpu.memref_slice %arg6[%dma_start3A_1088, %dma_start3A_1089, %dma_start3A_1090] : memref<2x2016x8xf32, #tpu.memory_space<vmem>> -> memref<1x2016x8xf32, #tpu.memory_space<vmem>>
    %dma_start3A_1092 = tpu.memref_squeeze %dma_start3A_1091 : memref<1x2016x8xf32, #tpu.memory_space<vmem>> -> memref<2016x8xf32, #tpu.memory_space<vmem>>
    %dma_start3A_1093 = arith.constant 12096 : i32
    %dma_start3A_1094 = arith.constant 0 : i32
    %dma_start3A_1095 = tpu.memref_slice %arg4[%add3A_682, %dma_start3A_1093, %dma_start3A_1094] : memref<64x22176x8xf32, #tpu.memory_space<hbm>> -> memref<1x2016x8xf32, #tpu.memory_space<hbm>>
    %dma_start3A_1096 = tpu.memref_squeeze %dma_start3A_1095 : memref<1x2016x8xf32, #tpu.memory_space<hbm>> -> memref<2016x8xf32, #tpu.memory_space<hbm>>
    %dma_start3A_1097 = arith.constant 12096 : i32
    %dma_start3A_1098 = arith.constant 0 : i32
    %dma_start3A_1099 = tpu.memref_slice %arg4[%add3A_682, %dma_start3A_1097, %dma_start3A_1098] : memref<64x22176x8xf32, #tpu.memory_space<hbm>> -> memref<1x2016x8xf32, #tpu.memory_space<hbm>>
    %dma_start3A_1100 = tpu.memref_squeeze %dma_start3A_1099 : memref<1x2016x8xf32, #tpu.memory_space<hbm>> -> memref<2016x8xf32, #tpu.memory_space<hbm>>
    %dma_start3A_1101 = arith.constant 0 : i32
    %dma_start3A_1102 = arith.constant 0 : i32
    %dma_start3A_1103 = tpu.memref_slice %arg6[%dma_start3A_1088, %dma_start3A_1101, %dma_start3A_1102] : memref<2x2016x8xf32, #tpu.memory_space<vmem>> -> memref<1x2016x8xf32, #tpu.memory_space<vmem>>
    %dma_start3A_1104 = tpu.memref_squeeze %dma_start3A_1103 : memref<1x2016x8xf32, #tpu.memory_space<vmem>> -> memref<2016x8xf32, #tpu.memory_space<vmem>>
    tpu.enqueue_dma source(%dma_start3A_1104 : memref<2016x8xf32, #tpu.memory_space<vmem>>) target(%dma_start3A_1100 : memref<2016x8xf32, #tpu.memory_space<hbm>>) target_semaphore(%arg8 : memref<!tpu.dma_semaphore, #tpu.memory_space<semaphore_mem>>)
    %dma_wait3A_1105 = arith.constant 1 : i32
    %dma_wait3A_1106 = arith.constant 0 : i32
    %dma_wait3A_1107 = arith.constant 0 : i32
    %dma_wait3A_1108 = tpu.memref_slice %arg6[%dma_wait3A_1105, %dma_wait3A_1106, %dma_wait3A_1107] : memref<2x2016x8xf32, #tpu.memory_space<vmem>> -> memref<1x2016x8xf32, #tpu.memory_space<vmem>>
    %dma_wait3A_1109 = tpu.memref_squeeze %dma_wait3A_1108 : memref<1x2016x8xf32, #tpu.memory_space<vmem>> -> memref<2016x8xf32, #tpu.memory_space<vmem>>
    %dma_wait3A_1110 = arith.constant 10080 : i32
    %dma_wait3A_1111 = arith.constant 0 : i32
    %dma_wait3A_1112 = tpu.memref_slice %arg4[%add3A_682, %dma_wait3A_1110, %dma_wait3A_1111] : memref<64x22176x8xf32, #tpu.memory_space<hbm>> -> memref<1x2016x8xf32, #tpu.memory_space<hbm>>
    %dma_wait3A_1113 = tpu.memref_squeeze %dma_wait3A_1112 : memref<1x2016x8xf32, #tpu.memory_space<hbm>> -> memref<2016x8xf32, #tpu.memory_space<hbm>>
    %dma_wait3A_1114 = arith.constant 10080 : i32
    %dma_wait3A_1115 = arith.constant 0 : i32
    %dma_wait3A_1116 = tpu.memref_slice %arg4[%add3A_682, %dma_wait3A_1114, %dma_wait3A_1115] : memref<64x22176x8xf32, #tpu.memory_space<hbm>> -> memref<1x2016x8xf32, #tpu.memory_space<hbm>>
    %dma_wait3A_1117 = tpu.memref_squeeze %dma_wait3A_1116 : memref<1x2016x8xf32, #tpu.memory_space<hbm>> -> memref<2016x8xf32, #tpu.memory_space<hbm>>
    %dma_wait3A_1118 = arith.constant 0 : i32
    %dma_wait3A_1119 = arith.constant 0 : i32
    %dma_wait3A_1120 = tpu.memref_slice %arg6[%dma_wait3A_1105, %dma_wait3A_1118, %dma_wait3A_1119] : memref<2x2016x8xf32, #tpu.memory_space<vmem>> -> memref<1x2016x8xf32, #tpu.memory_space<vmem>>
    %dma_wait3A_1121 = tpu.memref_squeeze %dma_wait3A_1120 : memref<1x2016x8xf32, #tpu.memory_space<vmem>> -> memref<2016x8xf32, #tpu.memory_space<vmem>>
    tpu.wait_dma2 semaphore(%arg9 : memref<!tpu.dma_semaphore, #tpu.memory_space<semaphore_mem>>) src(%dma_wait3A_1121 : memref<2016x8xf32, #tpu.memory_space<vmem>>) dst(%dma_wait3A_1117 : memref<2016x8xf32, #tpu.memory_space<hbm>>)
    %scan3A_1122 = arith.constant 0 : i32
    %scan3A_1123 = arith.constant 0 : i32
    %scan3A_1124 = arith.constant 18 : i32
    %scan3A_1125 = arith.addi %scan3A_1123, %scan3A_1124 : i32
    %scan3A_1126 = arith.constant 1 : i32
    %scan3A_1127 = scf.for %scan3A_1371 = %scan3A_1123 to %scan3A_1125 step %scan3A_1126 iter_args(%scan3A_1372 = %scan3A_1122) -> (i32)  : i32 {
      %mul3A_1373 = arith.constant 112 : i32
      %mul3A_1374 = arith.muli %scan3A_1371, %mul3A_1373 : i32
      %add3A_1375 = arith.constant 14112 : i32
      %add3A_1376 = arith.addi %add3A_1375, %mul3A_1374 : i32
      %mul3A_1377 = arith.constant 112 : i32
      %mul3A_1378 = arith.muli %scan3A_1371, %mul3A_1377 : i32
      %dma_start3A_1379 = arith.constant 1 : i32
      %dma_start3A_1380 = arith.constant 0 : i32
      %dma_start3A_1381 = tpu.memref_slice %arg6[%dma_start3A_1379, %mul3A_1378, %dma_start3A_1380] : memref<2x2016x8xf32, #tpu.memory_space<vmem>> -> memref<1x112x8xf32, #tpu.memory_space<vmem>>
      %dma_start3A_1382 = tpu.memref_squeeze %dma_start3A_1381 : memref<1x112x8xf32, #tpu.memory_space<vmem>> -> memref<112x8xf32, #tpu.memory_space<vmem>>
      %dma_start3A_1383 = tpu.memref_slice %arg5[%add3A_1376] : memref<22176xi32, #tpu.memory_space<vmem>> -> memref<112xi32, #tpu.memory_space<vmem>>
      %dma_start3A_1384 = arith.constant 0 : i32
      %dma_start3A_1385 = arith.constant 0 : i32
      %dma_start3A_1386 = tpu.memref_slice %arg2[%dma_start3A_1384, %dma_start3A_1385] : memref<50688x8xf32, #tpu.memory_space<hbm>> -> memref<50688x8xf32, #tpu.memory_space<hbm>>
      tpu.enqueue_indirect_dma source(%dma_start3A_1386 : memref<50688x8xf32, #tpu.memory_space<hbm>>) target(%dma_start3A_1382 : memref<112x8xf32, #tpu.memory_space<vmem>>) offsets(%dma_start3A_1383 : memref<112xi32, #tpu.memory_space<vmem>>) semaphore(%arg7 : memref<!tpu.dma_semaphore, #tpu.memory_space<semaphore_mem>>)
      %scan3A_1387 = arith.constant 0 : i32
      scf.yield %scan3A_1387 : i32
    }
    %scan3A_1128 = arith.constant 18 : i32
    %dma_wait3A_1129 = arith.constant 1 : i32
    %dma_wait3A_1130 = arith.constant 0 : i32
    %dma_wait3A_1131 = arith.constant 0 : i32
    %dma_wait3A_1132 = tpu.memref_slice %arg6[%dma_wait3A_1129, %dma_wait3A_1130, %dma_wait3A_1131] : memref<2x2016x8xf32, #tpu.memory_space<vmem>> -> memref<1x2016x8xf32, #tpu.memory_space<vmem>>
    %dma_wait3A_1133 = tpu.memref_squeeze %dma_wait3A_1132 : memref<1x2016x8xf32, #tpu.memory_space<vmem>> -> memref<2016x8xf32, #tpu.memory_space<vmem>>
    %dma_wait3A_1134 = arith.constant 0 : i32
    %dma_wait3A_1135 = arith.constant 0 : i32
    %dma_wait3A_1136 = tpu.memref_slice %arg4[%add3A_682, %dma_wait3A_1134, %dma_wait3A_1135] : memref<64x22176x8xf32, #tpu.memory_space<hbm>> -> memref<1x2016x8xf32, #tpu.memory_space<hbm>>
    %dma_wait3A_1137 = tpu.memref_squeeze %dma_wait3A_1136 : memref<1x2016x8xf32, #tpu.memory_space<hbm>> -> memref<2016x8xf32, #tpu.memory_space<hbm>>
    %dma_wait3A_1138 = arith.constant 0 : i32
    %dma_wait3A_1139 = arith.constant 0 : i32
    %dma_wait3A_1140 = tpu.memref_slice %arg6[%dma_wait3A_1129, %dma_wait3A_1138, %dma_wait3A_1139] : memref<2x2016x8xf32, #tpu.memory_space<vmem>> -> memref<1x2016x8xf32, #tpu.memory_space<vmem>>
    %dma_wait3A_1141 = tpu.memref_squeeze %dma_wait3A_1140 : memref<1x2016x8xf32, #tpu.memory_space<vmem>> -> memref<2016x8xf32, #tpu.memory_space<vmem>>
    %dma_wait3A_1142 = arith.constant 0 : i32
    %dma_wait3A_1143 = arith.constant 0 : i32
    %dma_wait3A_1144 = tpu.memref_slice %arg4[%add3A_682, %dma_wait3A_1142, %dma_wait3A_1143] : memref<64x22176x8xf32, #tpu.memory_space<hbm>> -> memref<1x2016x8xf32, #tpu.memory_space<hbm>>
    %dma_wait3A_1145 = tpu.memref_squeeze %dma_wait3A_1144 : memref<1x2016x8xf32, #tpu.memory_space<hbm>> -> memref<2016x8xf32, #tpu.memory_space<hbm>>
    tpu.wait_dma2 semaphore(%arg7 : memref<!tpu.dma_semaphore, #tpu.memory_space<semaphore_mem>>) src(%dma_wait3A_1145 : memref<2016x8xf32, #tpu.memory_space<hbm>>) dst(%dma_wait3A_1141 : memref<2016x8xf32, #tpu.memory_space<vmem>>)
    %dma_start3A_1146 = arith.constant 1 : i32
    %dma_start3A_1147 = arith.constant 0 : i32
    %dma_start3A_1148 = arith.constant 0 : i32
    %dma_start3A_1149 = tpu.memref_slice %arg6[%dma_start3A_1146, %dma_start3A_1147, %dma_start3A_1148] : memref<2x2016x8xf32, #tpu.memory_space<vmem>> -> memref<1x2016x8xf32, #tpu.memory_space<vmem>>
    %dma_start3A_1150 = tpu.memref_squeeze %dma_start3A_1149 : memref<1x2016x8xf32, #tpu.memory_space<vmem>> -> memref<2016x8xf32, #tpu.memory_space<vmem>>
    %dma_start3A_1151 = arith.constant 14112 : i32
    %dma_start3A_1152 = arith.constant 0 : i32
    %dma_start3A_1153 = tpu.memref_slice %arg4[%add3A_682, %dma_start3A_1151, %dma_start3A_1152] : memref<64x22176x8xf32, #tpu.memory_space<hbm>> -> memref<1x2016x8xf32, #tpu.memory_space<hbm>>
    %dma_start3A_1154 = tpu.memref_squeeze %dma_start3A_1153 : memref<1x2016x8xf32, #tpu.memory_space<hbm>> -> memref<2016x8xf32, #tpu.memory_space<hbm>>
    %dma_start3A_1155 = arith.constant 14112 : i32
    %dma_start3A_1156 = arith.constant 0 : i32
    %dma_start3A_1157 = tpu.memref_slice %arg4[%add3A_682, %dma_start3A_1155, %dma_start3A_1156] : memref<64x22176x8xf32, #tpu.memory_space<hbm>> -> memref<1x2016x8xf32, #tpu.memory_space<hbm>>
    %dma_start3A_1158 = tpu.memref_squeeze %dma_start3A_1157 : memref<1x2016x8xf32, #tpu.memory_space<hbm>> -> memref<2016x8xf32, #tpu.memory_space<hbm>>
    %dma_start3A_1159 = arith.constant 0 : i32
    %dma_start3A_1160 = arith.constant 0 : i32
    %dma_start3A_1161 = tpu.memref_slice %arg6[%dma_start3A_1146, %dma_start3A_1159, %dma_start3A_1160] : memref<2x2016x8xf32, #tpu.memory_space<vmem>> -> memref<1x2016x8xf32, #tpu.memory_space<vmem>>
    %dma_start3A_1162 = tpu.memref_squeeze %dma_start3A_1161 : memref<1x2016x8xf32, #tpu.memory_space<vmem>> -> memref<2016x8xf32, #tpu.memory_space<vmem>>
    tpu.enqueue_dma source(%dma_start3A_1162 : memref<2016x8xf32, #tpu.memory_space<vmem>>) target(%dma_start3A_1158 : memref<2016x8xf32, #tpu.memory_space<hbm>>) target_semaphore(%arg9 : memref<!tpu.dma_semaphore, #tpu.memory_space<semaphore_mem>>)
    %dma_wait3A_1163 = arith.constant 0 : i32
    %dma_wait3A_1164 = arith.constant 0 : i32
    %dma_wait3A_1165 = arith.constant 0 : i32
    %dma_wait3A_1166 = tpu.memref_slice %arg6[%dma_wait3A_1163, %dma_wait3A_1164, %dma_wait3A_1165] : memref<2x2016x8xf32, #tpu.memory_space<vmem>> -> memref<1x2016x8xf32, #tpu.memory_space<vmem>>
    %dma_wait3A_1167 = tpu.memref_squeeze %dma_wait3A_1166 : memref<1x2016x8xf32, #tpu.memory_space<vmem>> -> memref<2016x8xf32, #tpu.memory_space<vmem>>
    %dma_wait3A_1168 = arith.constant 12096 : i32
    %dma_wait3A_1169 = arith.constant 0 : i32
    %dma_wait3A_1170 = tpu.memref_slice %arg4[%add3A_682, %dma_wait3A_1168, %dma_wait3A_1169] : memref<64x22176x8xf32, #tpu.memory_space<hbm>> -> memref<1x2016x8xf32, #tpu.memory_space<hbm>>
    %dma_wait3A_1171 = tpu.memref_squeeze %dma_wait3A_1170 : memref<1x2016x8xf32, #tpu.memory_space<hbm>> -> memref<2016x8xf32, #tpu.memory_space<hbm>>
    %dma_wait3A_1172 = arith.constant 12096 : i32
    %dma_wait3A_1173 = arith.constant 0 : i32
    %dma_wait3A_1174 = tpu.memref_slice %arg4[%add3A_682, %dma_wait3A_1172, %dma_wait3A_1173] : memref<64x22176x8xf32, #tpu.memory_space<hbm>> -> memref<1x2016x8xf32, #tpu.memory_space<hbm>>
    %dma_wait3A_1175 = tpu.memref_squeeze %dma_wait3A_1174 : memref<1x2016x8xf32, #tpu.memory_space<hbm>> -> memref<2016x8xf32, #tpu.memory_space<hbm>>
    %dma_wait3A_1176 = arith.constant 0 : i32
    %dma_wait3A_1177 = arith.constant 0 : i32
    %dma_wait3A_1178 = tpu.memref_slice %arg6[%dma_wait3A_1163, %dma_wait3A_1176, %dma_wait3A_1177] : memref<2x2016x8xf32, #tpu.memory_space<vmem>> -> memref<1x2016x8xf32, #tpu.memory_space<vmem>>
    %dma_wait3A_1179 = tpu.memref_squeeze %dma_wait3A_1178 : memref<1x2016x8xf32, #tpu.memory_space<vmem>> -> memref<2016x8xf32, #tpu.memory_space<vmem>>
    tpu.wait_dma2 semaphore(%arg8 : memref<!tpu.dma_semaphore, #tpu.memory_space<semaphore_mem>>) src(%dma_wait3A_1179 : memref<2016x8xf32, #tpu.memory_space<vmem>>) dst(%dma_wait3A_1175 : memref<2016x8xf32, #tpu.memory_space<hbm>>)
    %scan3A_1180 = arith.constant 0 : i32
    %scan3A_1181 = arith.constant 0 : i32
    %scan3A_1182 = arith.constant 18 : i32
    %scan3A_1183 = arith.addi %scan3A_1181, %scan3A_1182 : i32
    %scan3A_1184 = arith.constant 1 : i32
    %scan3A_1185 = scf.for %scan3A_1371 = %scan3A_1181 to %scan3A_1183 step %scan3A_1184 iter_args(%scan3A_1372 = %scan3A_1180) -> (i32)  : i32 {
      %mul3A_1373 = arith.constant 112 : i32
      %mul3A_1374 = arith.muli %scan3A_1371, %mul3A_1373 : i32
      %add3A_1375 = arith.constant 16128 : i32
      %add3A_1376 = arith.addi %add3A_1375, %mul3A_1374 : i32
      %mul3A_1377 = arith.constant 112 : i32
      %mul3A_1378 = arith.muli %scan3A_1371, %mul3A_1377 : i32
      %dma_start3A_1379 = arith.constant 0 : i32
      %dma_start3A_1380 = arith.constant 0 : i32
      %dma_start3A_1381 = tpu.memref_slice %arg6[%dma_start3A_1379, %mul3A_1378, %dma_start3A_1380] : memref<2x2016x8xf32, #tpu.memory_space<vmem>> -> memref<1x112x8xf32, #tpu.memory_space<vmem>>
      %dma_start3A_1382 = tpu.memref_squeeze %dma_start3A_1381 : memref<1x112x8xf32, #tpu.memory_space<vmem>> -> memref<112x8xf32, #tpu.memory_space<vmem>>
      %dma_start3A_1383 = tpu.memref_slice %arg5[%add3A_1376] : memref<22176xi32, #tpu.memory_space<vmem>> -> memref<112xi32, #tpu.memory_space<vmem>>
      %dma_start3A_1384 = arith.constant 0 : i32
      %dma_start3A_1385 = arith.constant 0 : i32
      %dma_start3A_1386 = tpu.memref_slice %arg2[%dma_start3A_1384, %dma_start3A_1385] : memref<50688x8xf32, #tpu.memory_space<hbm>> -> memref<50688x8xf32, #tpu.memory_space<hbm>>
      tpu.enqueue_indirect_dma source(%dma_start3A_1386 : memref<50688x8xf32, #tpu.memory_space<hbm>>) target(%dma_start3A_1382 : memref<112x8xf32, #tpu.memory_space<vmem>>) offsets(%dma_start3A_1383 : memref<112xi32, #tpu.memory_space<vmem>>) semaphore(%arg7 : memref<!tpu.dma_semaphore, #tpu.memory_space<semaphore_mem>>)
      %scan3A_1387 = arith.constant 0 : i32
      scf.yield %scan3A_1387 : i32
    }
    %scan3A_1186 = arith.constant 18 : i32
    %dma_wait3A_1187 = arith.constant 0 : i32
    %dma_wait3A_1188 = arith.constant 0 : i32
    %dma_wait3A_1189 = arith.constant 0 : i32
    %dma_wait3A_1190 = tpu.memref_slice %arg6[%dma_wait3A_1187, %dma_wait3A_1188, %dma_wait3A_1189] : memref<2x2016x8xf32, #tpu.memory_space<vmem>> -> memref<1x2016x8xf32, #tpu.memory_space<vmem>>
    %dma_wait3A_1191 = tpu.memref_squeeze %dma_wait3A_1190 : memref<1x2016x8xf32, #tpu.memory_space<vmem>> -> memref<2016x8xf32, #tpu.memory_space<vmem>>
    %dma_wait3A_1192 = arith.constant 0 : i32
    %dma_wait3A_1193 = arith.constant 0 : i32
    %dma_wait3A_1194 = tpu.memref_slice %arg4[%add3A_682, %dma_wait3A_1192, %dma_wait3A_1193] : memref<64x22176x8xf32, #tpu.memory_space<hbm>> -> memref<1x2016x8xf32, #tpu.memory_space<hbm>>
    %dma_wait3A_1195 = tpu.memref_squeeze %dma_wait3A_1194 : memref<1x2016x8xf32, #tpu.memory_space<hbm>> -> memref<2016x8xf32, #tpu.memory_space<hbm>>
    %dma_wait3A_1196 = arith.constant 0 : i32
    %dma_wait3A_1197 = arith.constant 0 : i32
    %dma_wait3A_1198 = tpu.memref_slice %arg6[%dma_wait3A_1187, %dma_wait3A_1196, %dma_wait3A_1197] : memref<2x2016x8xf32, #tpu.memory_space<vmem>> -> memref<1x2016x8xf32, #tpu.memory_space<vmem>>
    %dma_wait3A_1199 = tpu.memref_squeeze %dma_wait3A_1198 : memref<1x2016x8xf32, #tpu.memory_space<vmem>> -> memref<2016x8xf32, #tpu.memory_space<vmem>>
    %dma_wait3A_1200 = arith.constant 0 : i32
    %dma_wait3A_1201 = arith.constant 0 : i32
    %dma_wait3A_1202 = tpu.memref_slice %arg4[%add3A_682, %dma_wait3A_1200, %dma_wait3A_1201] : memref<64x22176x8xf32, #tpu.memory_space<hbm>> -> memref<1x2016x8xf32, #tpu.memory_space<hbm>>
    %dma_wait3A_1203 = tpu.memref_squeeze %dma_wait3A_1202 : memref<1x2016x8xf32, #tpu.memory_space<hbm>> -> memref<2016x8xf32, #tpu.memory_space<hbm>>
    tpu.wait_dma2 semaphore(%arg7 : memref<!tpu.dma_semaphore, #tpu.memory_space<semaphore_mem>>) src(%dma_wait3A_1203 : memref<2016x8xf32, #tpu.memory_space<hbm>>) dst(%dma_wait3A_1199 : memref<2016x8xf32, #tpu.memory_space<vmem>>)
    %dma_start3A_1204 = arith.constant 0 : i32
    %dma_start3A_1205 = arith.constant 0 : i32
    %dma_start3A_1206 = arith.constant 0 : i32
    %dma_start3A_1207 = tpu.memref_slice %arg6[%dma_start3A_1204, %dma_start3A_1205, %dma_start3A_1206] : memref<2x2016x8xf32, #tpu.memory_space<vmem>> -> memref<1x2016x8xf32, #tpu.memory_space<vmem>>
    %dma_start3A_1208 = tpu.memref_squeeze %dma_start3A_1207 : memref<1x2016x8xf32, #tpu.memory_space<vmem>> -> memref<2016x8xf32, #tpu.memory_space<vmem>>
    %dma_start3A_1209 = arith.constant 16128 : i32
    %dma_start3A_1210 = arith.constant 0 : i32
    %dma_start3A_1211 = tpu.memref_slice %arg4[%add3A_682, %dma_start3A_1209, %dma_start3A_1210] : memref<64x22176x8xf32, #tpu.memory_space<hbm>> -> memref<1x2016x8xf32, #tpu.memory_space<hbm>>
    %dma_start3A_1212 = tpu.memref_squeeze %dma_start3A_1211 : memref<1x2016x8xf32, #tpu.memory_space<hbm>> -> memref<2016x8xf32, #tpu.memory_space<hbm>>
    %dma_start3A_1213 = arith.constant 16128 : i32
    %dma_start3A_1214 = arith.constant 0 : i32
    %dma_start3A_1215 = tpu.memref_slice %arg4[%add3A_682, %dma_start3A_1213, %dma_start3A_1214] : memref<64x22176x8xf32, #tpu.memory_space<hbm>> -> memref<1x2016x8xf32, #tpu.memory_space<hbm>>
    %dma_start3A_1216 = tpu.memref_squeeze %dma_start3A_1215 : memref<1x2016x8xf32, #tpu.memory_space<hbm>> -> memref<2016x8xf32, #tpu.memory_space<hbm>>
    %dma_start3A_1217 = arith.constant 0 : i32
    %dma_start3A_1218 = arith.constant 0 : i32
    %dma_start3A_1219 = tpu.memref_slice %arg6[%dma_start3A_1204, %dma_start3A_1217, %dma_start3A_1218] : memref<2x2016x8xf32, #tpu.memory_space<vmem>> -> memref<1x2016x8xf32, #tpu.memory_space<vmem>>
    %dma_start3A_1220 = tpu.memref_squeeze %dma_start3A_1219 : memref<1x2016x8xf32, #tpu.memory_space<vmem>> -> memref<2016x8xf32, #tpu.memory_space<vmem>>
    tpu.enqueue_dma source(%dma_start3A_1220 : memref<2016x8xf32, #tpu.memory_space<vmem>>) target(%dma_start3A_1216 : memref<2016x8xf32, #tpu.memory_space<hbm>>) target_semaphore(%arg8 : memref<!tpu.dma_semaphore, #tpu.memory_space<semaphore_mem>>)
    %dma_wait3A_1221 = arith.constant 1 : i32
    %dma_wait3A_1222 = arith.constant 0 : i32
    %dma_wait3A_1223 = arith.constant 0 : i32
    %dma_wait3A_1224 = tpu.memref_slice %arg6[%dma_wait3A_1221, %dma_wait3A_1222, %dma_wait3A_1223] : memref<2x2016x8xf32, #tpu.memory_space<vmem>> -> memref<1x2016x8xf32, #tpu.memory_space<vmem>>
    %dma_wait3A_1225 = tpu.memref_squeeze %dma_wait3A_1224 : memref<1x2016x8xf32, #tpu.memory_space<vmem>> -> memref<2016x8xf32, #tpu.memory_space<vmem>>
    %dma_wait3A_1226 = arith.constant 14112 : i32
    %dma_wait3A_1227 = arith.constant 0 : i32
    %dma_wait3A_1228 = tpu.memref_slice %arg4[%add3A_682, %dma_wait3A_1226, %dma_wait3A_1227] : memref<64x22176x8xf32, #tpu.memory_space<hbm>> -> memref<1x2016x8xf32, #tpu.memory_space<hbm>>
    %dma_wait3A_1229 = tpu.memref_squeeze %dma_wait3A_1228 : memref<1x2016x8xf32, #tpu.memory_space<hbm>> -> memref<2016x8xf32, #tpu.memory_space<hbm>>
    %dma_wait3A_1230 = arith.constant 14112 : i32
    %dma_wait3A_1231 = arith.constant 0 : i32
    %dma_wait3A_1232 = tpu.memref_slice %arg4[%add3A_682, %dma_wait3A_1230, %dma_wait3A_1231] : memref<64x22176x8xf32, #tpu.memory_space<hbm>> -> memref<1x2016x8xf32, #tpu.memory_space<hbm>>
    %dma_wait3A_1233 = tpu.memref_squeeze %dma_wait3A_1232 : memref<1x2016x8xf32, #tpu.memory_space<hbm>> -> memref<2016x8xf32, #tpu.memory_space<hbm>>
    %dma_wait3A_1234 = arith.constant 0 : i32
    %dma_wait3A_1235 = arith.constant 0 : i32
    %dma_wait3A_1236 = tpu.memref_slice %arg6[%dma_wait3A_1221, %dma_wait3A_1234, %dma_wait3A_1235] : memref<2x2016x8xf32, #tpu.memory_space<vmem>> -> memref<1x2016x8xf32, #tpu.memory_space<vmem>>
    %dma_wait3A_1237 = tpu.memref_squeeze %dma_wait3A_1236 : memref<1x2016x8xf32, #tpu.memory_space<vmem>> -> memref<2016x8xf32, #tpu.memory_space<vmem>>
    tpu.wait_dma2 semaphore(%arg9 : memref<!tpu.dma_semaphore, #tpu.memory_space<semaphore_mem>>) src(%dma_wait3A_1237 : memref<2016x8xf32, #tpu.memory_space<vmem>>) dst(%dma_wait3A_1233 : memref<2016x8xf32, #tpu.memory_space<hbm>>)
    %scan3A_1238 = arith.constant 0 : i32
    %scan3A_1239 = arith.constant 0 : i32
    %scan3A_1240 = arith.constant 18 : i32
    %scan3A_1241 = arith.addi %scan3A_1239, %scan3A_1240 : i32
    %scan3A_1242 = arith.constant 1 : i32
    %scan3A_1243 = scf.for %scan3A_1371 = %scan3A_1239 to %scan3A_1241 step %scan3A_1242 iter_args(%scan3A_1372 = %scan3A_1238) -> (i32)  : i32 {
      %mul3A_1373 = arith.constant 112 : i32
      %mul3A_1374 = arith.muli %scan3A_1371, %mul3A_1373 : i32
      %add3A_1375 = arith.constant 18144 : i32
      %add3A_1376 = arith.addi %add3A_1375, %mul3A_1374 : i32
      %mul3A_1377 = arith.constant 112 : i32
      %mul3A_1378 = arith.muli %scan3A_1371, %mul3A_1377 : i32
      %dma_start3A_1379 = arith.constant 1 : i32
      %dma_start3A_1380 = arith.constant 0 : i32
      %dma_start3A_1381 = tpu.memref_slice %arg6[%dma_start3A_1379, %mul3A_1378, %dma_start3A_1380] : memref<2x2016x8xf32, #tpu.memory_space<vmem>> -> memref<1x112x8xf32, #tpu.memory_space<vmem>>
      %dma_start3A_1382 = tpu.memref_squeeze %dma_start3A_1381 : memref<1x112x8xf32, #tpu.memory_space<vmem>> -> memref<112x8xf32, #tpu.memory_space<vmem>>
      %dma_start3A_1383 = tpu.memref_slice %arg5[%add3A_1376] : memref<22176xi32, #tpu.memory_space<vmem>> -> memref<112xi32, #tpu.memory_space<vmem>>
      %dma_start3A_1384 = arith.constant 0 : i32
      %dma_start3A_1385 = arith.constant 0 : i32
      %dma_start3A_1386 = tpu.memref_slice %arg2[%dma_start3A_1384, %dma_start3A_1385] : memref<50688x8xf32, #tpu.memory_space<hbm>> -> memref<50688x8xf32, #tpu.memory_space<hbm>>
      tpu.enqueue_indirect_dma source(%dma_start3A_1386 : memref<50688x8xf32, #tpu.memory_space<hbm>>) target(%dma_start3A_1382 : memref<112x8xf32, #tpu.memory_space<vmem>>) offsets(%dma_start3A_1383 : memref<112xi32, #tpu.memory_space<vmem>>) semaphore(%arg7 : memref<!tpu.dma_semaphore, #tpu.memory_space<semaphore_mem>>)
      %scan3A_1387 = arith.constant 0 : i32
      scf.yield %scan3A_1387 : i32
    }
    %scan3A_1244 = arith.constant 18 : i32
    %dma_wait3A_1245 = arith.constant 1 : i32
    %dma_wait3A_1246 = arith.constant 0 : i32
    %dma_wait3A_1247 = arith.constant 0 : i32
    %dma_wait3A_1248 = tpu.memref_slice %arg6[%dma_wait3A_1245, %dma_wait3A_1246, %dma_wait3A_1247] : memref<2x2016x8xf32, #tpu.memory_space<vmem>> -> memref<1x2016x8xf32, #tpu.memory_space<vmem>>
    %dma_wait3A_1249 = tpu.memref_squeeze %dma_wait3A_1248 : memref<1x2016x8xf32, #tpu.memory_space<vmem>> -> memref<2016x8xf32, #tpu.memory_space<vmem>>
    %dma_wait3A_1250 = arith.constant 0 : i32
    %dma_wait3A_1251 = arith.constant 0 : i32
    %dma_wait3A_1252 = tpu.memref_slice %arg4[%add3A_682, %dma_wait3A_1250, %dma_wait3A_1251] : memref<64x22176x8xf32, #tpu.memory_space<hbm>> -> memref<1x2016x8xf32, #tpu.memory_space<hbm>>
    %dma_wait3A_1253 = tpu.memref_squeeze %dma_wait3A_1252 : memref<1x2016x8xf32, #tpu.memory_space<hbm>> -> memref<2016x8xf32, #tpu.memory_space<hbm>>
    %dma_wait3A_1254 = arith.constant 0 : i32
    %dma_wait3A_1255 = arith.constant 0 : i32
    %dma_wait3A_1256 = tpu.memref_slice %arg6[%dma_wait3A_1245, %dma_wait3A_1254, %dma_wait3A_1255] : memref<2x2016x8xf32, #tpu.memory_space<vmem>> -> memref<1x2016x8xf32, #tpu.memory_space<vmem>>
    %dma_wait3A_1257 = tpu.memref_squeeze %dma_wait3A_1256 : memref<1x2016x8xf32, #tpu.memory_space<vmem>> -> memref<2016x8xf32, #tpu.memory_space<vmem>>
    %dma_wait3A_1258 = arith.constant 0 : i32
    %dma_wait3A_1259 = arith.constant 0 : i32
    %dma_wait3A_1260 = tpu.memref_slice %arg4[%add3A_682, %dma_wait3A_1258, %dma_wait3A_1259] : memref<64x22176x8xf32, #tpu.memory_space<hbm>> -> memref<1x2016x8xf32, #tpu.memory_space<hbm>>
    %dma_wait3A_1261 = tpu.memref_squeeze %dma_wait3A_1260 : memref<1x2016x8xf32, #tpu.memory_space<hbm>> -> memref<2016x8xf32, #tpu.memory_space<hbm>>
    tpu.wait_dma2 semaphore(%arg7 : memref<!tpu.dma_semaphore, #tpu.memory_space<semaphore_mem>>) src(%dma_wait3A_1261 : memref<2016x8xf32, #tpu.memory_space<hbm>>) dst(%dma_wait3A_1257 : memref<2016x8xf32, #tpu.memory_space<vmem>>)
    %dma_start3A_1262 = arith.constant 1 : i32
    %dma_start3A_1263 = arith.constant 0 : i32
    %dma_start3A_1264 = arith.constant 0 : i32
    %dma_start3A_1265 = tpu.memref_slice %arg6[%dma_start3A_1262, %dma_start3A_1263, %dma_start3A_1264] : memref<2x2016x8xf32, #tpu.memory_space<vmem>> -> memref<1x2016x8xf32, #tpu.memory_space<vmem>>
    %dma_start3A_1266 = tpu.memref_squeeze %dma_start3A_1265 : memref<1x2016x8xf32, #tpu.memory_space<vmem>> -> memref<2016x8xf32, #tpu.memory_space<vmem>>
    %dma_start3A_1267 = arith.constant 18144 : i32
    %dma_start3A_1268 = arith.constant 0 : i32
    %dma_start3A_1269 = tpu.memref_slice %arg4[%add3A_682, %dma_start3A_1267, %dma_start3A_1268] : memref<64x22176x8xf32, #tpu.memory_space<hbm>> -> memref<1x2016x8xf32, #tpu.memory_space<hbm>>
    %dma_start3A_1270 = tpu.memref_squeeze %dma_start3A_1269 : memref<1x2016x8xf32, #tpu.memory_space<hbm>> -> memref<2016x8xf32, #tpu.memory_space<hbm>>
    %dma_start3A_1271 = arith.constant 18144 : i32
    %dma_start3A_1272 = arith.constant 0 : i32
    %dma_start3A_1273 = tpu.memref_slice %arg4[%add3A_682, %dma_start3A_1271, %dma_start3A_1272] : memref<64x22176x8xf32, #tpu.memory_space<hbm>> -> memref<1x2016x8xf32, #tpu.memory_space<hbm>>
    %dma_start3A_1274 = tpu.memref_squeeze %dma_start3A_1273 : memref<1x2016x8xf32, #tpu.memory_space<hbm>> -> memref<2016x8xf32, #tpu.memory_space<hbm>>
    %dma_start3A_1275 = arith.constant 0 : i32
    %dma_start3A_1276 = arith.constant 0 : i32
    %dma_start3A_1277 = tpu.memref_slice %arg6[%dma_start3A_1262, %dma_start3A_1275, %dma_start3A_1276] : memref<2x2016x8xf32, #tpu.memory_space<vmem>> -> memref<1x2016x8xf32, #tpu.memory_space<vmem>>
    %dma_start3A_1278 = tpu.memref_squeeze %dma_start3A_1277 : memref<1x2016x8xf32, #tpu.memory_space<vmem>> -> memref<2016x8xf32, #tpu.memory_space<vmem>>
    tpu.enqueue_dma source(%dma_start3A_1278 : memref<2016x8xf32, #tpu.memory_space<vmem>>) target(%dma_start3A_1274 : memref<2016x8xf32, #tpu.memory_space<hbm>>) target_semaphore(%arg9 : memref<!tpu.dma_semaphore, #tpu.memory_space<semaphore_mem>>)
    %dma_wait3A_1279 = arith.constant 0 : i32
    %dma_wait3A_1280 = arith.constant 0 : i32
    %dma_wait3A_1281 = arith.constant 0 : i32
    %dma_wait3A_1282 = tpu.memref_slice %arg6[%dma_wait3A_1279, %dma_wait3A_1280, %dma_wait3A_1281] : memref<2x2016x8xf32, #tpu.memory_space<vmem>> -> memref<1x2016x8xf32, #tpu.memory_space<vmem>>
    %dma_wait3A_1283 = tpu.memref_squeeze %dma_wait3A_1282 : memref<1x2016x8xf32, #tpu.memory_space<vmem>> -> memref<2016x8xf32, #tpu.memory_space<vmem>>
    %dma_wait3A_1284 = arith.constant 16128 : i32
    %dma_wait3A_1285 = arith.constant 0 : i32
    %dma_wait3A_1286 = tpu.memref_slice %arg4[%add3A_682, %dma_wait3A_1284, %dma_wait3A_1285] : memref<64x22176x8xf32, #tpu.memory_space<hbm>> -> memref<1x2016x8xf32, #tpu.memory_space<hbm>>
    %dma_wait3A_1287 = tpu.memref_squeeze %dma_wait3A_1286 : memref<1x2016x8xf32, #tpu.memory_space<hbm>> -> memref<2016x8xf32, #tpu.memory_space<hbm>>
    %dma_wait3A_1288 = arith.constant 16128 : i32
    %dma_wait3A_1289 = arith.constant 0 : i32
    %dma_wait3A_1290 = tpu.memref_slice %arg4[%add3A_682, %dma_wait3A_1288, %dma_wait3A_1289] : memref<64x22176x8xf32, #tpu.memory_space<hbm>> -> memref<1x2016x8xf32, #tpu.memory_space<hbm>>
    %dma_wait3A_1291 = tpu.memref_squeeze %dma_wait3A_1290 : memref<1x2016x8xf32, #tpu.memory_space<hbm>> -> memref<2016x8xf32, #tpu.memory_space<hbm>>
    %dma_wait3A_1292 = arith.constant 0 : i32
    %dma_wait3A_1293 = arith.constant 0 : i32
    %dma_wait3A_1294 = tpu.memref_slice %arg6[%dma_wait3A_1279, %dma_wait3A_1292, %dma_wait3A_1293] : memref<2x2016x8xf32, #tpu.memory_space<vmem>> -> memref<1x2016x8xf32, #tpu.memory_space<vmem>>
    %dma_wait3A_1295 = tpu.memref_squeeze %dma_wait3A_1294 : memref<1x2016x8xf32, #tpu.memory_space<vmem>> -> memref<2016x8xf32, #tpu.memory_space<vmem>>
    tpu.wait_dma2 semaphore(%arg8 : memref<!tpu.dma_semaphore, #tpu.memory_space<semaphore_mem>>) src(%dma_wait3A_1295 : memref<2016x8xf32, #tpu.memory_space<vmem>>) dst(%dma_wait3A_1291 : memref<2016x8xf32, #tpu.memory_space<hbm>>)
    %scan3A_1296 = arith.constant 0 : i32
    %scan3A_1297 = arith.constant 0 : i32
    %scan3A_1298 = arith.constant 18 : i32
    %scan3A_1299 = arith.addi %scan3A_1297, %scan3A_1298 : i32
    %scan3A_1300 = arith.constant 1 : i32
    %scan3A_1301 = scf.for %scan3A_1371 = %scan3A_1297 to %scan3A_1299 step %scan3A_1300 iter_args(%scan3A_1372 = %scan3A_1296) -> (i32)  : i32 {
      %mul3A_1373 = arith.constant 112 : i32
      %mul3A_1374 = arith.muli %scan3A_1371, %mul3A_1373 : i32
      %add3A_1375 = arith.constant 20160 : i32
      %add3A_1376 = arith.addi %add3A_1375, %mul3A_1374 : i32
      %mul3A_1377 = arith.constant 112 : i32
      %mul3A_1378 = arith.muli %scan3A_1371, %mul3A_1377 : i32
      %dma_start3A_1379 = arith.constant 0 : i32
      %dma_start3A_1380 = arith.constant 0 : i32
      %dma_start3A_1381 = tpu.memref_slice %arg6[%dma_start3A_1379, %mul3A_1378, %dma_start3A_1380] : memref<2x2016x8xf32, #tpu.memory_space<vmem>> -> memref<1x112x8xf32, #tpu.memory_space<vmem>>
      %dma_start3A_1382 = tpu.memref_squeeze %dma_start3A_1381 : memref<1x112x8xf32, #tpu.memory_space<vmem>> -> memref<112x8xf32, #tpu.memory_space<vmem>>
      %dma_start3A_1383 = tpu.memref_slice %arg5[%add3A_1376] : memref<22176xi32, #tpu.memory_space<vmem>> -> memref<112xi32, #tpu.memory_space<vmem>>
      %dma_start3A_1384 = arith.constant 0 : i32
      %dma_start3A_1385 = arith.constant 0 : i32
      %dma_start3A_1386 = tpu.memref_slice %arg2[%dma_start3A_1384, %dma_start3A_1385] : memref<50688x8xf32, #tpu.memory_space<hbm>> -> memref<50688x8xf32, #tpu.memory_space<hbm>>
      tpu.enqueue_indirect_dma source(%dma_start3A_1386 : memref<50688x8xf32, #tpu.memory_space<hbm>>) target(%dma_start3A_1382 : memref<112x8xf32, #tpu.memory_space<vmem>>) offsets(%dma_start3A_1383 : memref<112xi32, #tpu.memory_space<vmem>>) semaphore(%arg7 : memref<!tpu.dma_semaphore, #tpu.memory_space<semaphore_mem>>)
      %scan3A_1387 = arith.constant 0 : i32
      scf.yield %scan3A_1387 : i32
    }
    %scan3A_1302 = arith.constant 18 : i32
    %dma_wait3A_1303 = arith.constant 0 : i32
    %dma_wait3A_1304 = arith.constant 0 : i32
    %dma_wait3A_1305 = arith.constant 0 : i32
    %dma_wait3A_1306 = tpu.memref_slice %arg6[%dma_wait3A_1303, %dma_wait3A_1304, %dma_wait3A_1305] : memref<2x2016x8xf32, #tpu.memory_space<vmem>> -> memref<1x2016x8xf32, #tpu.memory_space<vmem>>
    %dma_wait3A_1307 = tpu.memref_squeeze %dma_wait3A_1306 : memref<1x2016x8xf32, #tpu.memory_space<vmem>> -> memref<2016x8xf32, #tpu.memory_space<vmem>>
    %dma_wait3A_1308 = arith.constant 0 : i32
    %dma_wait3A_1309 = arith.constant 0 : i32
    %dma_wait3A_1310 = tpu.memref_slice %arg4[%add3A_682, %dma_wait3A_1308, %dma_wait3A_1309] : memref<64x22176x8xf32, #tpu.memory_space<hbm>> -> memref<1x2016x8xf32, #tpu.memory_space<hbm>>
    %dma_wait3A_1311 = tpu.memref_squeeze %dma_wait3A_1310 : memref<1x2016x8xf32, #tpu.memory_space<hbm>> -> memref<2016x8xf32, #tpu.memory_space<hbm>>
    %dma_wait3A_1312 = arith.constant 0 : i32
    %dma_wait3A_1313 = arith.constant 0 : i32
    %dma_wait3A_1314 = tpu.memref_slice %arg6[%dma_wait3A_1303, %dma_wait3A_1312, %dma_wait3A_1313] : memref<2x2016x8xf32, #tpu.memory_space<vmem>> -> memref<1x2016x8xf32, #tpu.memory_space<vmem>>
    %dma_wait3A_1315 = tpu.memref_squeeze %dma_wait3A_1314 : memref<1x2016x8xf32, #tpu.memory_space<vmem>> -> memref<2016x8xf32, #tpu.memory_space<vmem>>
    %dma_wait3A_1316 = arith.constant 0 : i32
    %dma_wait3A_1317 = arith.constant 0 : i32
    %dma_wait3A_1318 = tpu.memref_slice %arg4[%add3A_682, %dma_wait3A_1316, %dma_wait3A_1317] : memref<64x22176x8xf32, #tpu.memory_space<hbm>> -> memref<1x2016x8xf32, #tpu.memory_space<hbm>>
    %dma_wait3A_1319 = tpu.memref_squeeze %dma_wait3A_1318 : memref<1x2016x8xf32, #tpu.memory_space<hbm>> -> memref<2016x8xf32, #tpu.memory_space<hbm>>
    tpu.wait_dma2 semaphore(%arg7 : memref<!tpu.dma_semaphore, #tpu.memory_space<semaphore_mem>>) src(%dma_wait3A_1319 : memref<2016x8xf32, #tpu.memory_space<hbm>>) dst(%dma_wait3A_1315 : memref<2016x8xf32, #tpu.memory_space<vmem>>)
    %dma_start3A_1320 = arith.constant 0 : i32
    %dma_start3A_1321 = arith.constant 0 : i32
    %dma_start3A_1322 = arith.constant 0 : i32
    %dma_start3A_1323 = tpu.memref_slice %arg6[%dma_start3A_1320, %dma_start3A_1321, %dma_start3A_1322] : memref<2x2016x8xf32, #tpu.memory_space<vmem>> -> memref<1x2016x8xf32, #tpu.memory_space<vmem>>
    %dma_start3A_1324 = tpu.memref_squeeze %dma_start3A_1323 : memref<1x2016x8xf32, #tpu.memory_space<vmem>> -> memref<2016x8xf32, #tpu.memory_space<vmem>>
    %dma_start3A_1325 = arith.constant 20160 : i32
    %dma_start3A_1326 = arith.constant 0 : i32
    %dma_start3A_1327 = tpu.memref_slice %arg4[%add3A_682, %dma_start3A_1325, %dma_start3A_1326] : memref<64x22176x8xf32, #tpu.memory_space<hbm>> -> memref<1x2016x8xf32, #tpu.memory_space<hbm>>
    %dma_start3A_1328 = tpu.memref_squeeze %dma_start3A_1327 : memref<1x2016x8xf32, #tpu.memory_space<hbm>> -> memref<2016x8xf32, #tpu.memory_space<hbm>>
    %dma_start3A_1329 = arith.constant 20160 : i32
    %dma_start3A_1330 = arith.constant 0 : i32
    %dma_start3A_1331 = tpu.memref_slice %arg4[%add3A_682, %dma_start3A_1329, %dma_start3A_1330] : memref<64x22176x8xf32, #tpu.memory_space<hbm>> -> memref<1x2016x8xf32, #tpu.memory_space<hbm>>
    %dma_start3A_1332 = tpu.memref_squeeze %dma_start3A_1331 : memref<1x2016x8xf32, #tpu.memory_space<hbm>> -> memref<2016x8xf32, #tpu.memory_space<hbm>>
    %dma_start3A_1333 = arith.constant 0 : i32
    %dma_start3A_1334 = arith.constant 0 : i32
    %dma_start3A_1335 = tpu.memref_slice %arg6[%dma_start3A_1320, %dma_start3A_1333, %dma_start3A_1334] : memref<2x2016x8xf32, #tpu.memory_space<vmem>> -> memref<1x2016x8xf32, #tpu.memory_space<vmem>>
    %dma_start3A_1336 = tpu.memref_squeeze %dma_start3A_1335 : memref<1x2016x8xf32, #tpu.memory_space<vmem>> -> memref<2016x8xf32, #tpu.memory_space<vmem>>
    tpu.enqueue_dma source(%dma_start3A_1336 : memref<2016x8xf32, #tpu.memory_space<vmem>>) target(%dma_start3A_1332 : memref<2016x8xf32, #tpu.memory_space<hbm>>) target_semaphore(%arg8 : memref<!tpu.dma_semaphore, #tpu.memory_space<semaphore_mem>>)
    %dma_wait3A_1337 = arith.constant 0 : i32
    %dma_wait3A_1338 = arith.constant 0 : i32
    %dma_wait3A_1339 = arith.constant 0 : i32
    %dma_wait3A_1340 = tpu.memref_slice %arg6[%dma_wait3A_1337, %dma_wait3A_1338, %dma_wait3A_1339] : memref<2x2016x8xf32, #tpu.memory_space<vmem>> -> memref<1x2016x8xf32, #tpu.memory_space<vmem>>
    %dma_wait3A_1341 = tpu.memref_squeeze %dma_wait3A_1340 : memref<1x2016x8xf32, #tpu.memory_space<vmem>> -> memref<2016x8xf32, #tpu.memory_space<vmem>>
    %dma_wait3A_1342 = arith.constant 20160 : i32
    %dma_wait3A_1343 = arith.constant 0 : i32
    %dma_wait3A_1344 = tpu.memref_slice %arg4[%add3A_682, %dma_wait3A_1342, %dma_wait3A_1343] : memref<64x22176x8xf32, #tpu.memory_space<hbm>> -> memref<1x2016x8xf32, #tpu.memory_space<hbm>>
    %dma_wait3A_1345 = tpu.memref_squeeze %dma_wait3A_1344 : memref<1x2016x8xf32, #tpu.memory_space<hbm>> -> memref<2016x8xf32, #tpu.memory_space<hbm>>
    %dma_wait3A_1346 = arith.constant 20160 : i32
    %dma_wait3A_1347 = arith.constant 0 : i32
    %dma_wait3A_1348 = tpu.memref_slice %arg4[%add3A_682, %dma_wait3A_1346, %dma_wait3A_1347] : memref<64x22176x8xf32, #tpu.memory_space<hbm>> -> memref<1x2016x8xf32, #tpu.memory_space<hbm>>
    %dma_wait3A_1349 = tpu.memref_squeeze %dma_wait3A_1348 : memref<1x2016x8xf32, #tpu.memory_space<hbm>> -> memref<2016x8xf32, #tpu.memory_space<hbm>>
    %dma_wait3A_1350 = arith.constant 0 : i32
    %dma_wait3A_1351 = arith.constant 0 : i32
    %dma_wait3A_1352 = tpu.memref_slice %arg6[%dma_wait3A_1337, %dma_wait3A_1350, %dma_wait3A_1351] : memref<2x2016x8xf32, #tpu.memory_space<vmem>> -> memref<1x2016x8xf32, #tpu.memory_space<vmem>>
    %dma_wait3A_1353 = tpu.memref_squeeze %dma_wait3A_1352 : memref<1x2016x8xf32, #tpu.memory_space<vmem>> -> memref<2016x8xf32, #tpu.memory_space<vmem>>
    tpu.wait_dma2 semaphore(%arg8 : memref<!tpu.dma_semaphore, #tpu.memory_space<semaphore_mem>>) src(%dma_wait3A_1353 : memref<2016x8xf32, #tpu.memory_space<vmem>>) dst(%dma_wait3A_1349 : memref<2016x8xf32, #tpu.memory_space<hbm>>)
    %dma_wait3A_1354 = arith.constant 1 : i32
    %dma_wait3A_1355 = arith.constant 0 : i32
    %dma_wait3A_1356 = arith.constant 0 : i32
    %dma_wait3A_1357 = tpu.memref_slice %arg6[%dma_wait3A_1354, %dma_wait3A_1355, %dma_wait3A_1356] : memref<2x2016x8xf32, #tpu.memory_space<vmem>> -> memref<1x2016x8xf32, #tpu.memory_space<vmem>>
    %dma_wait3A_1358 = tpu.memref_squeeze %dma_wait3A_1357 : memref<1x2016x8xf32, #tpu.memory_space<vmem>> -> memref<2016x8xf32, #tpu.memory_space<vmem>>
    %dma_wait3A_1359 = arith.constant 18144 : i32
    %dma_wait3A_1360 = arith.constant 0 : i32
    %dma_wait3A_1361 = tpu.memref_slice %arg4[%add3A_682, %dma_wait3A_1359, %dma_wait3A_1360] : memref<64x22176x8xf32, #tpu.memory_space<hbm>> -> memref<1x2016x8xf32, #tpu.memory_space<hbm>>
    %dma_wait3A_1362 = tpu.memref_squeeze %dma_wait3A_1361 : memref<1x2016x8xf32, #tpu.memory_space<hbm>> -> memref<2016x8xf32, #tpu.memory_space<hbm>>
    %dma_wait3A_1363 = arith.constant 18144 : i32
    %dma_wait3A_1364 = arith.constant 0 : i32
    %dma_wait3A_1365 = tpu.memref_slice %arg4[%add3A_682, %dma_wait3A_1363, %dma_wait3A_1364] : memref<64x22176x8xf32, #tpu.memory_space<hbm>> -> memref<1x2016x8xf32, #tpu.memory_space<hbm>>
    %dma_wait3A_1366 = tpu.memref_squeeze %dma_wait3A_1365 : memref<1x2016x8xf32, #tpu.memory_space<hbm>> -> memref<2016x8xf32, #tpu.memory_space<hbm>>
    %dma_wait3A_1367 = arith.constant 0 : i32
    %dma_wait3A_1368 = arith.constant 0 : i32
    %dma_wait3A_1369 = tpu.memref_slice %arg6[%dma_wait3A_1354, %dma_wait3A_1367, %dma_wait3A_1368] : memref<2x2016x8xf32, #tpu.memory_space<vmem>> -> memref<1x2016x8xf32, #tpu.memory_space<vmem>>
    %dma_wait3A_1370 = tpu.memref_squeeze %dma_wait3A_1369 : memref<1x2016x8xf32, #tpu.memory_space<vmem>> -> memref<2016x8xf32, #tpu.memory_space<vmem>>
    tpu.wait_dma2 semaphore(%arg9 : memref<!tpu.dma_semaphore, #tpu.memory_space<semaphore_mem>>) src(%dma_wait3A_1370 : memref<2016x8xf32, #tpu.memory_space<vmem>>) dst(%dma_wait3A_1366 : memref<2016x8xf32, #tpu.memory_space<hbm>>)
    return
  }
}

module attributes {stable_mosaic.version = 14 : i64} {
  func.func @_prep_body(%arg0: i32, %arg1: memref<4x2xi32, #tpu.memory_space<smem>>, %arg2: memref<4x6xi32, #tpu.memory_space<smem>>, %arg3: memref<1x12x14x2xf32, #tpu.memory_space<vmem>>, %arg4: memref<1x14x132x12xi32, #tpu.memory_space<vmem>>) attributes {dimension_semantics = [#tpu.dimension_semantics<arbitrary>], iteration_bounds = array<i64: 4>, scalar_prefetch = 0 : i64, scratch_operands = 0 : i64, tpu.core_type = #tpu.core_type<tc>, window_params = [{transform_indices = @transform_0, window_bounds = array<i64: 4, 2>}, {transform_indices = @transform_1, window_bounds = array<i64: 4, 6>}, {transform_indices = @transform_2, window_bounds = array<i64: 1, 12, 14, 2>}, {transform_indices = @transform_3, window_bounds = array<i64: 1, 14, 132, 12>}]} {
    %iota3A = tpu.iota {dimensions = array<i32: 0>} : vector<12x14xi32>
    %iota3A_0 = tpu.iota {dimensions = array<i32: 1>} : vector<12x14xi32>
    %mul3A = arith.constant 12 : i32
    %mul3A_1 = vector.broadcast %mul3A : i32 to vector<12x14xi32>
    %mul3A_2 = arith.muli %iota3A_0, %mul3A_1 : vector<12x14xi32>
    %add3A = arith.addi %mul3A_2, %iota3A : vector<12x14xi32>
    %jit3A = arith.constant 14 : i32
    %div3A = vector.broadcast %jit3A : i32 to vector<12x14xi32>
    %div3A_3 = arith.divsi %add3A, %div3A : vector<12x14xi32>
    %sign3A = arith.constant 0 : i32
    %sign3A_4 = vector.broadcast %sign3A : i32 to vector<12x14xi32>
    %sign3A_5 = arith.cmpi sgt, %add3A, %sign3A_4 : vector<12x14xi32>
    %sign3A_6 = arith.extui %sign3A_5 : vector<12x14xi1> to vector<12x14xi32>
    %sign3A_7 = arith.constant 0 : i32
    %sign3A_8 = vector.broadcast %sign3A_7 : i32 to vector<12x14xi32>
    %sign3A_9 = arith.cmpi slt, %add3A, %sign3A_8 : vector<12x14xi32>
    %sign3A_10 = arith.extui %sign3A_9 : vector<12x14xi1> to vector<12x14xi32>
    %sign3A_11 = arith.subi %sign3A_6, %sign3A_10 : vector<12x14xi32>
    %sign3A_12 = arith.constant 0 : i32
    %sign3A_13 = arith.cmpi sgt, %jit3A, %sign3A_12 : i32
    %sign3A_14 = arith.extui %sign3A_13 : i1 to i32
    %sign3A_15 = arith.constant 0 : i32
    %sign3A_16 = arith.cmpi slt, %jit3A, %sign3A_15 : i32
    %sign3A_17 = arith.extui %sign3A_16 : i1 to i32
    %sign3A_18 = arith.subi %sign3A_14, %sign3A_17 : i32
    %ne3A = vector.broadcast %sign3A_18 : i32 to vector<12x14xi32>
    %ne3A_19 = arith.cmpi ne, %sign3A_11, %ne3A : vector<12x14xi32>
    %rem3A = vector.broadcast %jit3A : i32 to vector<12x14xi32>
    %rem3A_20 = arith.remsi %add3A, %rem3A : vector<12x14xi32>
    %ne3A_21 = arith.constant 0 : i32
    %ne3A_22 = vector.broadcast %ne3A_21 : i32 to vector<12x14xi32>
    %ne3A_23 = arith.cmpi ne, %rem3A_20, %ne3A_22 : vector<12x14xi32>
    %and3A = arith.andi %ne3A_19, %ne3A_23 : vector<12x14xi1>
    %sub3A = arith.constant 1 : i32
    %sub3A_24 = vector.broadcast %sub3A : i32 to vector<12x14xi32>
    %sub3A_25 = arith.subi %div3A_3, %sub3A_24 : vector<12x14xi32>
    %select_n3A = arith.select %and3A, %sub3A_25, %div3A_3 : vector<12x14xi1>, vector<12x14xi32>
    %jit3A_26 = arith.constant 14 : i32
    %eq3A = arith.constant 0 : i32
    %eq3A_27 = arith.cmpi eq, %jit3A_26, %eq3A : i32
    %jit3A_28 = arith.constant 1 : i32
    %select_n3A_29 = arith.select %eq3A_27, %jit3A_28, %jit3A_26 : i32
    %rem3A_30 = vector.broadcast %select_n3A_29 : i32 to vector<12x14xi32>
    %rem3A_31 = arith.remsi %add3A, %rem3A_30 : vector<12x14xi32>
    %ne3A_32 = arith.constant 0 : i32
    %ne3A_33 = vector.broadcast %ne3A_32 : i32 to vector<12x14xi32>
    %ne3A_34 = arith.cmpi ne, %rem3A_31, %ne3A_33 : vector<12x14xi32>
    %lt3A = arith.constant 0 : i32
    %lt3A_35 = vector.broadcast %lt3A : i32 to vector<12x14xi32>
    %lt3A_36 = arith.cmpi slt, %rem3A_31, %lt3A_35 : vector<12x14xi32>
    %lt3A_37 = arith.constant 0 : i32
    %lt3A_38 = arith.cmpi slt, %select_n3A_29, %lt3A_37 : i32
    %ne3A_39 = vector.broadcast %lt3A_38 : i1 to vector<12x14xi1>
    %ne3A_40 = vector.broadcast %ne3A_39 : vector<12x14xi1> to vector<12x14xi1>
    %ne3A_41 = arith.xori %lt3A_36, %ne3A_40 : vector<12x14xi1>
    %and3A_42 = arith.andi %ne3A_41, %ne3A_34 : vector<12x14xi1>
    %add3A_43 = vector.broadcast %select_n3A_29 : i32 to vector<12x14xi32>
    %add3A_44 = arith.addi %rem3A_31, %add3A_43 : vector<12x14xi32>
    %select_n3A_45 = arith.select %and3A_42, %add3A_44, %rem3A_31 : vector<12x14xi1>, vector<12x14xi32>
    %broadcast_in_dim3A = arith.constant 127 : i32
    %broadcast_in_dim3A_46 = vector.broadcast %broadcast_in_dim3A : i32 to vector<12x14xi32>
    %get3A = arith.index_cast %arg0 : i32 to index
    %get3A_47 = arith.constant 0 : index
    %get3A_48 = memref.load %arg2[%get3A, %get3A_47] : memref<4x6xi32, #tpu.memory_space<smem>>
    %get3A_49 = arith.index_cast %arg0 : i32 to index
    %get3A_50 = arith.constant 0 : index
    %get3A_51 = memref.load %arg1[%get3A_49, %get3A_50] : memref<4x2xi32, #tpu.memory_space<smem>>
    %sub3A_52 = vector.broadcast %get3A_48 : i32 to vector<12x14xi32>
    %sub3A_53 = arith.subi %select_n3A, %sub3A_52 : vector<12x14xi32>
    %abs3A = math.absi %sub3A_53 : vector<12x14xi32>
    %sub3A_54 = vector.broadcast %get3A_51 : i32 to vector<12x14xi32>
    %sub3A_55 = arith.subi %select_n3A_45, %sub3A_54 : vector<12x14xi32>
    %abs3A_56 = math.absi %sub3A_55 : vector<12x14xi32>
    %min3A = arith.minsi %broadcast_in_dim3A_46, %abs3A : vector<12x14xi32>
    %min3A_57 = arith.minsi %broadcast_in_dim3A_46, %abs3A_56 : vector<12x14xi32>
    %get3A_58 = arith.index_cast %arg0 : i32 to index
    %get3A_59 = arith.constant 0 : index
    %get3A_60 = memref.load %arg2[%get3A_58, %get3A_59] : memref<4x6xi32, #tpu.memory_space<smem>>
    %get3A_61 = arith.index_cast %arg0 : i32 to index
    %get3A_62 = arith.constant 1 : index
    %get3A_63 = memref.load %arg1[%get3A_61, %get3A_62] : memref<4x2xi32, #tpu.memory_space<smem>>
    %sub3A_64 = vector.broadcast %get3A_60 : i32 to vector<12x14xi32>
    %sub3A_65 = arith.subi %select_n3A, %sub3A_64 : vector<12x14xi32>
    %abs3A_66 = math.absi %sub3A_65 : vector<12x14xi32>
    %sub3A_67 = vector.broadcast %get3A_63 : i32 to vector<12x14xi32>
    %sub3A_68 = arith.subi %select_n3A_45, %sub3A_67 : vector<12x14xi32>
    %abs3A_69 = math.absi %sub3A_68 : vector<12x14xi32>
    %min3A_70 = arith.minsi %min3A, %abs3A_66 : vector<12x14xi32>
    %min3A_71 = arith.minsi %min3A_57, %abs3A_69 : vector<12x14xi32>
    %get3A_72 = arith.index_cast %arg0 : i32 to index
    %get3A_73 = arith.constant 1 : index
    %get3A_74 = memref.load %arg2[%get3A_72, %get3A_73] : memref<4x6xi32, #tpu.memory_space<smem>>
    %get3A_75 = arith.index_cast %arg0 : i32 to index
    %get3A_76 = arith.constant 0 : index
    %get3A_77 = memref.load %arg1[%get3A_75, %get3A_76] : memref<4x2xi32, #tpu.memory_space<smem>>
    %sub3A_78 = vector.broadcast %get3A_74 : i32 to vector<12x14xi32>
    %sub3A_79 = arith.subi %select_n3A, %sub3A_78 : vector<12x14xi32>
    %abs3A_80 = math.absi %sub3A_79 : vector<12x14xi32>
    %sub3A_81 = vector.broadcast %get3A_77 : i32 to vector<12x14xi32>
    %sub3A_82 = arith.subi %select_n3A_45, %sub3A_81 : vector<12x14xi32>
    %abs3A_83 = math.absi %sub3A_82 : vector<12x14xi32>
    %min3A_84 = arith.minsi %min3A_70, %abs3A_80 : vector<12x14xi32>
    %min3A_85 = arith.minsi %min3A_71, %abs3A_83 : vector<12x14xi32>
    %get3A_86 = arith.index_cast %arg0 : i32 to index
    %get3A_87 = arith.constant 1 : index
    %get3A_88 = memref.load %arg2[%get3A_86, %get3A_87] : memref<4x6xi32, #tpu.memory_space<smem>>
    %get3A_89 = arith.index_cast %arg0 : i32 to index
    %get3A_90 = arith.constant 1 : index
    %get3A_91 = memref.load %arg1[%get3A_89, %get3A_90] : memref<4x2xi32, #tpu.memory_space<smem>>
    %sub3A_92 = vector.broadcast %get3A_88 : i32 to vector<12x14xi32>
    %sub3A_93 = arith.subi %select_n3A, %sub3A_92 : vector<12x14xi32>
    %abs3A_94 = math.absi %sub3A_93 : vector<12x14xi32>
    %sub3A_95 = vector.broadcast %get3A_91 : i32 to vector<12x14xi32>
    %sub3A_96 = arith.subi %select_n3A_45, %sub3A_95 : vector<12x14xi32>
    %abs3A_97 = math.absi %sub3A_96 : vector<12x14xi32>
    %min3A_98 = arith.minsi %min3A_84, %abs3A_94 : vector<12x14xi32>
    %min3A_99 = arith.minsi %min3A_85, %abs3A_97 : vector<12x14xi32>
    %get3A_100 = arith.index_cast %arg0 : i32 to index
    %get3A_101 = arith.constant 2 : index
    %get3A_102 = memref.load %arg2[%get3A_100, %get3A_101] : memref<4x6xi32, #tpu.memory_space<smem>>
    %get3A_103 = arith.index_cast %arg0 : i32 to index
    %get3A_104 = arith.constant 0 : index
    %get3A_105 = memref.load %arg1[%get3A_103, %get3A_104] : memref<4x2xi32, #tpu.memory_space<smem>>
    %sub3A_106 = vector.broadcast %get3A_102 : i32 to vector<12x14xi32>
    %sub3A_107 = arith.subi %select_n3A, %sub3A_106 : vector<12x14xi32>
    %abs3A_108 = math.absi %sub3A_107 : vector<12x14xi32>
    %sub3A_109 = vector.broadcast %get3A_105 : i32 to vector<12x14xi32>
    %sub3A_110 = arith.subi %select_n3A_45, %sub3A_109 : vector<12x14xi32>
    %abs3A_111 = math.absi %sub3A_110 : vector<12x14xi32>
    %min3A_112 = arith.minsi %min3A_98, %abs3A_108 : vector<12x14xi32>
    %min3A_113 = arith.minsi %min3A_99, %abs3A_111 : vector<12x14xi32>
    %get3A_114 = arith.index_cast %arg0 : i32 to index
    %get3A_115 = arith.constant 2 : index
    %get3A_116 = memref.load %arg2[%get3A_114, %get3A_115] : memref<4x6xi32, #tpu.memory_space<smem>>
    %get3A_117 = arith.index_cast %arg0 : i32 to index
    %get3A_118 = arith.constant 1 : index
    %get3A_119 = memref.load %arg1[%get3A_117, %get3A_118] : memref<4x2xi32, #tpu.memory_space<smem>>
    %sub3A_120 = vector.broadcast %get3A_116 : i32 to vector<12x14xi32>
    %sub3A_121 = arith.subi %select_n3A, %sub3A_120 : vector<12x14xi32>
    %abs3A_122 = math.absi %sub3A_121 : vector<12x14xi32>
    %sub3A_123 = vector.broadcast %get3A_119 : i32 to vector<12x14xi32>
    %sub3A_124 = arith.subi %select_n3A_45, %sub3A_123 : vector<12x14xi32>
    %abs3A_125 = math.absi %sub3A_124 : vector<12x14xi32>
    %min3A_126 = arith.minsi %min3A_112, %abs3A_122 : vector<12x14xi32>
    %min3A_127 = arith.minsi %min3A_113, %abs3A_125 : vector<12x14xi32>
    %get3A_128 = arith.index_cast %arg0 : i32 to index
    %get3A_129 = arith.constant 3 : index
    %get3A_130 = memref.load %arg2[%get3A_128, %get3A_129] : memref<4x6xi32, #tpu.memory_space<smem>>
    %get3A_131 = arith.index_cast %arg0 : i32 to index
    %get3A_132 = arith.constant 0 : index
    %get3A_133 = memref.load %arg1[%get3A_131, %get3A_132] : memref<4x2xi32, #tpu.memory_space<smem>>
    %sub3A_134 = vector.broadcast %get3A_130 : i32 to vector<12x14xi32>
    %sub3A_135 = arith.subi %select_n3A, %sub3A_134 : vector<12x14xi32>
    %abs3A_136 = math.absi %sub3A_135 : vector<12x14xi32>
    %sub3A_137 = vector.broadcast %get3A_133 : i32 to vector<12x14xi32>
    %sub3A_138 = arith.subi %select_n3A_45, %sub3A_137 : vector<12x14xi32>
    %abs3A_139 = math.absi %sub3A_138 : vector<12x14xi32>
    %min3A_140 = arith.minsi %min3A_126, %abs3A_136 : vector<12x14xi32>
    %min3A_141 = arith.minsi %min3A_127, %abs3A_139 : vector<12x14xi32>
    %get3A_142 = arith.index_cast %arg0 : i32 to index
    %get3A_143 = arith.constant 3 : index
    %get3A_144 = memref.load %arg2[%get3A_142, %get3A_143] : memref<4x6xi32, #tpu.memory_space<smem>>
    %get3A_145 = arith.index_cast %arg0 : i32 to index
    %get3A_146 = arith.constant 1 : index
    %get3A_147 = memref.load %arg1[%get3A_145, %get3A_146] : memref<4x2xi32, #tpu.memory_space<smem>>
    %sub3A_148 = vector.broadcast %get3A_144 : i32 to vector<12x14xi32>
    %sub3A_149 = arith.subi %select_n3A, %sub3A_148 : vector<12x14xi32>
    %abs3A_150 = math.absi %sub3A_149 : vector<12x14xi32>
    %sub3A_151 = vector.broadcast %get3A_147 : i32 to vector<12x14xi32>
    %sub3A_152 = arith.subi %select_n3A_45, %sub3A_151 : vector<12x14xi32>
    %abs3A_153 = math.absi %sub3A_152 : vector<12x14xi32>
    %min3A_154 = arith.minsi %min3A_140, %abs3A_150 : vector<12x14xi32>
    %min3A_155 = arith.minsi %min3A_141, %abs3A_153 : vector<12x14xi32>
    %get3A_156 = arith.index_cast %arg0 : i32 to index
    %get3A_157 = arith.constant 4 : index
    %get3A_158 = memref.load %arg2[%get3A_156, %get3A_157] : memref<4x6xi32, #tpu.memory_space<smem>>
    %get3A_159 = arith.index_cast %arg0 : i32 to index
    %get3A_160 = arith.constant 0 : index
    %get3A_161 = memref.load %arg1[%get3A_159, %get3A_160] : memref<4x2xi32, #tpu.memory_space<smem>>
    %sub3A_162 = vector.broadcast %get3A_158 : i32 to vector<12x14xi32>
    %sub3A_163 = arith.subi %select_n3A, %sub3A_162 : vector<12x14xi32>
    %abs3A_164 = math.absi %sub3A_163 : vector<12x14xi32>
    %sub3A_165 = vector.broadcast %get3A_161 : i32 to vector<12x14xi32>
    %sub3A_166 = arith.subi %select_n3A_45, %sub3A_165 : vector<12x14xi32>
    %abs3A_167 = math.absi %sub3A_166 : vector<12x14xi32>
    %min3A_168 = arith.minsi %min3A_154, %abs3A_164 : vector<12x14xi32>
    %min3A_169 = arith.minsi %min3A_155, %abs3A_167 : vector<12x14xi32>
    %get3A_170 = arith.index_cast %arg0 : i32 to index
    %get3A_171 = arith.constant 4 : index
    %get3A_172 = memref.load %arg2[%get3A_170, %get3A_171] : memref<4x6xi32, #tpu.memory_space<smem>>
    %get3A_173 = arith.index_cast %arg0 : i32 to index
    %get3A_174 = arith.constant 1 : index
    %get3A_175 = memref.load %arg1[%get3A_173, %get3A_174] : memref<4x2xi32, #tpu.memory_space<smem>>
    %sub3A_176 = vector.broadcast %get3A_172 : i32 to vector<12x14xi32>
    %sub3A_177 = arith.subi %select_n3A, %sub3A_176 : vector<12x14xi32>
    %abs3A_178 = math.absi %sub3A_177 : vector<12x14xi32>
    %sub3A_179 = vector.broadcast %get3A_175 : i32 to vector<12x14xi32>
    %sub3A_180 = arith.subi %select_n3A_45, %sub3A_179 : vector<12x14xi32>
    %abs3A_181 = math.absi %sub3A_180 : vector<12x14xi32>
    %min3A_182 = arith.minsi %min3A_168, %abs3A_178 : vector<12x14xi32>
    %min3A_183 = arith.minsi %min3A_169, %abs3A_181 : vector<12x14xi32>
    %get3A_184 = arith.index_cast %arg0 : i32 to index
    %get3A_185 = arith.constant 5 : index
    %get3A_186 = memref.load %arg2[%get3A_184, %get3A_185] : memref<4x6xi32, #tpu.memory_space<smem>>
    %get3A_187 = arith.index_cast %arg0 : i32 to index
    %get3A_188 = arith.constant 0 : index
    %get3A_189 = memref.load %arg1[%get3A_187, %get3A_188] : memref<4x2xi32, #tpu.memory_space<smem>>
    %sub3A_190 = vector.broadcast %get3A_186 : i32 to vector<12x14xi32>
    %sub3A_191 = arith.subi %select_n3A, %sub3A_190 : vector<12x14xi32>
    %abs3A_192 = math.absi %sub3A_191 : vector<12x14xi32>
    %sub3A_193 = vector.broadcast %get3A_189 : i32 to vector<12x14xi32>
    %sub3A_194 = arith.subi %select_n3A_45, %sub3A_193 : vector<12x14xi32>
    %abs3A_195 = math.absi %sub3A_194 : vector<12x14xi32>
    %min3A_196 = arith.minsi %min3A_182, %abs3A_192 : vector<12x14xi32>
    %min3A_197 = arith.minsi %min3A_183, %abs3A_195 : vector<12x14xi32>
    %get3A_198 = arith.index_cast %arg0 : i32 to index
    %get3A_199 = arith.constant 5 : index
    %get3A_200 = memref.load %arg2[%get3A_198, %get3A_199] : memref<4x6xi32, #tpu.memory_space<smem>>
    %get3A_201 = arith.index_cast %arg0 : i32 to index
    %get3A_202 = arith.constant 1 : index
    %get3A_203 = memref.load %arg1[%get3A_201, %get3A_202] : memref<4x2xi32, #tpu.memory_space<smem>>
    %sub3A_204 = vector.broadcast %get3A_200 : i32 to vector<12x14xi32>
    %sub3A_205 = arith.subi %select_n3A, %sub3A_204 : vector<12x14xi32>
    %abs3A_206 = math.absi %sub3A_205 : vector<12x14xi32>
    %sub3A_207 = vector.broadcast %get3A_203 : i32 to vector<12x14xi32>
    %sub3A_208 = arith.subi %select_n3A_45, %sub3A_207 : vector<12x14xi32>
    %abs3A_209 = math.absi %sub3A_208 : vector<12x14xi32>
    %min3A_210 = arith.minsi %min3A_196, %abs3A_206 : vector<12x14xi32>
    %min3A_211 = arith.minsi %min3A_197, %abs3A_209 : vector<12x14xi32>
    %convert_element_type3A = arith.sitofp %min3A_211 : vector<12x14xi32> to vector<12x14xf32>
    %reduce_sum3A = vector.shape_cast %convert_element_type3A : vector<12x14xf32> to vector<1x12x14xf32>
    %reduce_sum3A_212 = arith.constant dense<0.000000e+00> : vector<1xf32>
    %reduce_sum3A_213 = vector.multi_reduction <add>, %reduce_sum3A, %reduce_sum3A_212 [1, 2] : vector<1x12x14xf32> to vector<1xf32>
    %reduce_sum3A_214 = vector.shape_cast %reduce_sum3A_213 : vector<1xf32> to vector<1x1x1xf32>
    %reduce_sum3A_215 = vector.extract %reduce_sum3A_214[0, 0, 0] : f32 from vector<1x1x1xf32>
    %div3A_216 = arith.constant 1.680000e+02 : f32
    %div3A_217 = arith.divf %reduce_sum3A_215, %div3A_216 : f32
    %sub3A_218 = vector.broadcast %div3A_217 : f32 to vector<12x14xf32>
    %sub3A_219 = arith.subf %convert_element_type3A, %sub3A_218 : vector<12x14xf32>
    %mul3A_220 = arith.mulf %sub3A_219, %sub3A_219 : vector<12x14xf32>
    %reduce_sum3A_221 = vector.shape_cast %mul3A_220 : vector<12x14xf32> to vector<1x12x14xf32>
    %reduce_sum3A_222 = arith.constant dense<0.000000e+00> : vector<1xf32>
    %reduce_sum3A_223 = vector.multi_reduction <add>, %reduce_sum3A_221, %reduce_sum3A_222 [1, 2] : vector<1x12x14xf32> to vector<1xf32>
    %reduce_sum3A_224 = vector.shape_cast %reduce_sum3A_223 : vector<1xf32> to vector<1x1x1xf32>
    %reduce_sum3A_225 = vector.extract %reduce_sum3A_224[0, 0, 0] : f32 from vector<1x1x1xf32>
    %div3A_226 = arith.constant 1.670000e+02 : f32
    %div3A_227 = arith.divf %reduce_sum3A_225, %div3A_226 : f32
    %sqrt3A = math.sqrt %div3A_227 : f32
    %gt3A = arith.constant 0.000000e+00 : f32
    %gt3A_228 = arith.cmpf ogt, %sqrt3A, %gt3A : f32
    %div3A_229 = vector.broadcast %sqrt3A : f32 to vector<12x14xf32>
    %div3A_230 = arith.divf %sub3A_219, %div3A_229 : vector<12x14xf32>
    %select_n3A_231 = arith.select %gt3A_228, %div3A_230, %sub3A_219 : vector<12x14xf32>
    %convert_element_type3A_232 = arith.sitofp %min3A_210 : vector<12x14xi32> to vector<12x14xf32>
    %reduce_sum3A_233 = vector.shape_cast %convert_element_type3A_232 : vector<12x14xf32> to vector<1x12x14xf32>
    %reduce_sum3A_234 = arith.constant dense<0.000000e+00> : vector<1xf32>
    %reduce_sum3A_235 = vector.multi_reduction <add>, %reduce_sum3A_233, %reduce_sum3A_234 [1, 2] : vector<1x12x14xf32> to vector<1xf32>
    %reduce_sum3A_236 = vector.shape_cast %reduce_sum3A_235 : vector<1xf32> to vector<1x1x1xf32>
    %reduce_sum3A_237 = vector.extract %reduce_sum3A_236[0, 0, 0] : f32 from vector<1x1x1xf32>
    %div3A_238 = arith.constant 1.680000e+02 : f32
    %div3A_239 = arith.divf %reduce_sum3A_237, %div3A_238 : f32
    %sub3A_240 = vector.broadcast %div3A_239 : f32 to vector<12x14xf32>
    %sub3A_241 = arith.subf %convert_element_type3A_232, %sub3A_240 : vector<12x14xf32>
    %mul3A_242 = arith.mulf %sub3A_241, %sub3A_241 : vector<12x14xf32>
    %reduce_sum3A_243 = vector.shape_cast %mul3A_242 : vector<12x14xf32> to vector<1x12x14xf32>
    %reduce_sum3A_244 = arith.constant dense<0.000000e+00> : vector<1xf32>
    %reduce_sum3A_245 = vector.multi_reduction <add>, %reduce_sum3A_243, %reduce_sum3A_244 [1, 2] : vector<1x12x14xf32> to vector<1xf32>
    %reduce_sum3A_246 = vector.shape_cast %reduce_sum3A_245 : vector<1xf32> to vector<1x1x1xf32>
    %reduce_sum3A_247 = vector.extract %reduce_sum3A_246[0, 0, 0] : f32 from vector<1x1x1xf32>
    %div3A_248 = arith.constant 1.670000e+02 : f32
    %div3A_249 = arith.divf %reduce_sum3A_247, %div3A_248 : f32
    %sqrt3A_250 = math.sqrt %div3A_249 : f32
    %gt3A_251 = arith.constant 0.000000e+00 : f32
    %gt3A_252 = arith.cmpf ogt, %sqrt3A_250, %gt3A_251 : f32
    %div3A_253 = vector.broadcast %sqrt3A_250 : f32 to vector<12x14xf32>
    %div3A_254 = arith.divf %sub3A_241, %div3A_253 : vector<12x14xf32>
    %select_n3A_255 = arith.select %gt3A_252, %div3A_254, %sub3A_241 : vector<12x14xf32>
    %broadcast_in_dim3A_256 = vector.shape_cast %select_n3A_231 : vector<12x14xf32> to vector<12x14x1xf32>
    %broadcast_in_dim3A_257 = vector.shape_cast %select_n3A_255 : vector<12x14xf32> to vector<12x14x1xf32>
    %concatenate3A = tpu.concatenate %broadcast_in_dim3A_256, %broadcast_in_dim3A_257 in 2 : vector<12x14x1xf32>, vector<12x14x1xf32> -> vector<12x14x2xf32>
    %swap3A = arith.constant 0 : index
    %swap3A_258 = arith.constant 0 : index
    %swap3A_259 = arith.constant 0 : index
    %swap3A_260 = arith.constant 0 : index
    %swap3A_261 = vector.load %arg3[%swap3A, %swap3A_258, %swap3A_259, %swap3A_260] : memref<1x12x14x2xf32, #tpu.memory_space<vmem>>, vector<1x12x14x2xf32>
    %swap3A_262 = vector.shape_cast %swap3A_261 : vector<1x12x14x2xf32> to vector<12x14x2xf32>
    %swap3A_263 = vector.shape_cast %concatenate3A : vector<12x14x2xf32> to vector<1x12x14x2xf32>
    tpu.vector_store %arg3[%swap3A, %swap3A_258, %swap3A_259, %swap3A_260], %swap3A_263 {strides = array<i32>} : memref<1x12x14x2xf32, #tpu.memory_space<vmem>>, vector<1x12x14x2xf32>,
    %iota3A_264 = tpu.iota {dimensions = array<i32: 0>} : vector<14x12xi32>
    %iota3A_265 = tpu.iota {dimensions = array<i32: 1>} : vector<14x12xi32>
    %mul3A_266 = arith.constant 12 : i32
    %mul3A_267 = vector.broadcast %mul3A_266 : i32 to vector<14x12xi32>
    %mul3A_268 = arith.muli %iota3A_264, %mul3A_267 : vector<14x12xi32>
    %add3A_269 = arith.addi %mul3A_268, %iota3A_265 : vector<14x12xi32>
    %jit3A_270 = arith.constant 14 : i32
    %div3A_271 = vector.broadcast %jit3A_270 : i32 to vector<14x12xi32>
    %div3A_272 = arith.divsi %add3A_269, %div3A_271 : vector<14x12xi32>
    %sign3A_273 = arith.constant 0 : i32
    %sign3A_274 = vector.broadcast %sign3A_273 : i32 to vector<14x12xi32>
    %sign3A_275 = arith.cmpi sgt, %add3A_269, %sign3A_274 : vector<14x12xi32>
    %sign3A_276 = arith.extui %sign3A_275 : vector<14x12xi1> to vector<14x12xi32>
    %sign3A_277 = arith.constant 0 : i32
    %sign3A_278 = vector.broadcast %sign3A_277 : i32 to vector<14x12xi32>
    %sign3A_279 = arith.cmpi slt, %add3A_269, %sign3A_278 : vector<14x12xi32>
    %sign3A_280 = arith.extui %sign3A_279 : vector<14x12xi1> to vector<14x12xi32>
    %sign3A_281 = arith.subi %sign3A_276, %sign3A_280 : vector<14x12xi32>
    %sign3A_282 = arith.constant 0 : i32
    %sign3A_283 = arith.cmpi sgt, %jit3A_270, %sign3A_282 : i32
    %sign3A_284 = arith.extui %sign3A_283 : i1 to i32
    %sign3A_285 = arith.constant 0 : i32
    %sign3A_286 = arith.cmpi slt, %jit3A_270, %sign3A_285 : i32
    %sign3A_287 = arith.extui %sign3A_286 : i1 to i32
    %sign3A_288 = arith.subi %sign3A_284, %sign3A_287 : i32
    %ne3A_289 = vector.broadcast %sign3A_288 : i32 to vector<14x12xi32>
    %ne3A_290 = arith.cmpi ne, %sign3A_281, %ne3A_289 : vector<14x12xi32>
    %rem3A_291 = vector.broadcast %jit3A_270 : i32 to vector<14x12xi32>
    %rem3A_292 = arith.remsi %add3A_269, %rem3A_291 : vector<14x12xi32>
    %ne3A_293 = arith.constant 0 : i32
    %ne3A_294 = vector.broadcast %ne3A_293 : i32 to vector<14x12xi32>
    %ne3A_295 = arith.cmpi ne, %rem3A_292, %ne3A_294 : vector<14x12xi32>
    %and3A_296 = arith.andi %ne3A_290, %ne3A_295 : vector<14x12xi1>
    %sub3A_297 = arith.constant 1 : i32
    %sub3A_298 = vector.broadcast %sub3A_297 : i32 to vector<14x12xi32>
    %sub3A_299 = arith.subi %div3A_272, %sub3A_298 : vector<14x12xi32>
    %select_n3A_300 = arith.select %and3A_296, %sub3A_299, %div3A_272 : vector<14x12xi1>, vector<14x12xi32>
    %jit3A_301 = arith.constant 14 : i32
    %eq3A_302 = arith.constant 0 : i32
    %eq3A_303 = arith.cmpi eq, %jit3A_301, %eq3A_302 : i32
    %jit3A_304 = arith.constant 1 : i32
    %select_n3A_305 = arith.select %eq3A_303, %jit3A_304, %jit3A_301 : i32
    %rem3A_306 = vector.broadcast %select_n3A_305 : i32 to vector<14x12xi32>
    %rem3A_307 = arith.remsi %add3A_269, %rem3A_306 : vector<14x12xi32>
    %ne3A_308 = arith.constant 0 : i32
    %ne3A_309 = vector.broadcast %ne3A_308 : i32 to vector<14x12xi32>
    %ne3A_310 = arith.cmpi ne, %rem3A_307, %ne3A_309 : vector<14x12xi32>
    %lt3A_311 = arith.constant 0 : i32
    %lt3A_312 = vector.broadcast %lt3A_311 : i32 to vector<14x12xi32>
    %lt3A_313 = arith.cmpi slt, %rem3A_307, %lt3A_312 : vector<14x12xi32>
    %lt3A_314 = arith.constant 0 : i32
    %lt3A_315 = arith.cmpi slt, %select_n3A_305, %lt3A_314 : i32
    %ne3A_316 = vector.broadcast %lt3A_315 : i1 to vector<14x12xi1>
    %ne3A_317 = vector.broadcast %ne3A_316 : vector<14x12xi1> to vector<14x12xi1>
    %ne3A_318 = arith.xori %lt3A_313, %ne3A_317 : vector<14x12xi1>
    %and3A_319 = arith.andi %ne3A_318, %ne3A_310 : vector<14x12xi1>
    %add3A_320 = vector.broadcast %select_n3A_305 : i32 to vector<14x12xi32>
    %add3A_321 = arith.addi %rem3A_307, %add3A_320 : vector<14x12xi32>
    %select_n3A_322 = arith.select %and3A_319, %add3A_321, %rem3A_307 : vector<14x12xi1>, vector<14x12xi32>
    %broadcast_in_dim3A_323 = arith.constant 127 : i32
    %broadcast_in_dim3A_324 = vector.broadcast %broadcast_in_dim3A_323 : i32 to vector<14x12xi32>
    %broadcast_in_dim3A_325 = arith.constant 0 : i32
    %broadcast_in_dim3A_326 = vector.broadcast %broadcast_in_dim3A_325 : i32 to vector<14x12xi32>
    %get3A_327 = arith.index_cast %arg0 : i32 to index
    %get3A_328 = arith.constant 0 : index
    %get3A_329 = memref.load %arg2[%get3A_327, %get3A_328] : memref<4x6xi32, #tpu.memory_space<smem>>
    %sub3A_330 = vector.broadcast %get3A_329 : i32 to vector<14x12xi32>
    %sub3A_331 = arith.subi %select_n3A_300, %sub3A_330 : vector<14x12xi32>
    %abs3A_332 = math.absi %sub3A_331 : vector<14x12xi32>
    %get3A_333 = arith.index_cast %arg0 : i32 to index
    %get3A_334 = arith.constant 0 : index
    %get3A_335 = memref.load %arg1[%get3A_333, %get3A_334] : memref<4x2xi32, #tpu.memory_space<smem>>
    %sub3A_336 = vector.broadcast %get3A_335 : i32 to vector<14x12xi32>
    %sub3A_337 = arith.subi %select_n3A_322, %sub3A_336 : vector<14x12xi32>
    %abs3A_338 = math.absi %sub3A_337 : vector<14x12xi32>
    %add3A_339 = arith.addi %abs3A_332, %abs3A_338 : vector<14x12xi32>
    %lt3A_340 = arith.cmpi slt, %add3A_339, %broadcast_in_dim3A_324 : vector<14x12xi32>
    %jit3A_341 = arith.constant 0 : i32
    %broadcast_in_dim3A_342 = vector.broadcast %jit3A_341 : i32 to vector<14x12xi32>
    %select_n3A_343 = arith.select %lt3A_340, %broadcast_in_dim3A_342, %broadcast_in_dim3A_326 : vector<14x12xi1>, vector<14x12xi32>
    %min3A_344 = arith.minsi %broadcast_in_dim3A_324, %add3A_339 : vector<14x12xi32>
    %get3A_345 = arith.index_cast %arg0 : i32 to index
    %get3A_346 = arith.constant 0 : index
    %get3A_347 = memref.load %arg2[%get3A_345, %get3A_346] : memref<4x6xi32, #tpu.memory_space<smem>>
    %sub3A_348 = vector.broadcast %get3A_347 : i32 to vector<14x12xi32>
    %sub3A_349 = arith.subi %select_n3A_300, %sub3A_348 : vector<14x12xi32>
    %abs3A_350 = math.absi %sub3A_349 : vector<14x12xi32>
    %get3A_351 = arith.index_cast %arg0 : i32 to index
    %get3A_352 = arith.constant 1 : index
    %get3A_353 = memref.load %arg1[%get3A_351, %get3A_352] : memref<4x2xi32, #tpu.memory_space<smem>>
    %sub3A_354 = vector.broadcast %get3A_353 : i32 to vector<14x12xi32>
    %sub3A_355 = arith.subi %select_n3A_322, %sub3A_354 : vector<14x12xi32>
    %abs3A_356 = math.absi %sub3A_355 : vector<14x12xi32>
    %add3A_357 = arith.addi %abs3A_350, %abs3A_356 : vector<14x12xi32>
    %lt3A_358 = arith.cmpi slt, %add3A_357, %min3A_344 : vector<14x12xi32>
    %jit3A_359 = arith.constant 1 : i32
    %broadcast_in_dim3A_360 = vector.broadcast %jit3A_359 : i32 to vector<14x12xi32>
    %select_n3A_361 = arith.select %lt3A_358, %broadcast_in_dim3A_360, %select_n3A_343 : vector<14x12xi1>, vector<14x12xi32>
    %min3A_362 = arith.minsi %min3A_344, %add3A_357 : vector<14x12xi32>
    %get3A_363 = arith.index_cast %arg0 : i32 to index
    %get3A_364 = arith.constant 1 : index
    %get3A_365 = memref.load %arg2[%get3A_363, %get3A_364] : memref<4x6xi32, #tpu.memory_space<smem>>
    %sub3A_366 = vector.broadcast %get3A_365 : i32 to vector<14x12xi32>
    %sub3A_367 = arith.subi %select_n3A_300, %sub3A_366 : vector<14x12xi32>
    %abs3A_368 = math.absi %sub3A_367 : vector<14x12xi32>
    %get3A_369 = arith.index_cast %arg0 : i32 to index
    %get3A_370 = arith.constant 0 : index
    %get3A_371 = memref.load %arg1[%get3A_369, %get3A_370] : memref<4x2xi32, #tpu.memory_space<smem>>
    %sub3A_372 = vector.broadcast %get3A_371 : i32 to vector<14x12xi32>
    %sub3A_373 = arith.subi %select_n3A_322, %sub3A_372 : vector<14x12xi32>
    %abs3A_374 = math.absi %sub3A_373 : vector<14x12xi32>
    %add3A_375 = arith.addi %abs3A_368, %abs3A_374 : vector<14x12xi32>
    %lt3A_376 = arith.cmpi slt, %add3A_375, %min3A_362 : vector<14x12xi32>
    %jit3A_377 = arith.constant 2 : i32
    %broadcast_in_dim3A_378 = vector.broadcast %jit3A_377 : i32 to vector<14x12xi32>
    %select_n3A_379 = arith.select %lt3A_376, %broadcast_in_dim3A_378, %select_n3A_361 : vector<14x12xi1>, vector<14x12xi32>
    %min3A_380 = arith.minsi %min3A_362, %add3A_375 : vector<14x12xi32>
    %get3A_381 = arith.index_cast %arg0 : i32 to index
    %get3A_382 = arith.constant 1 : index
    %get3A_383 = memref.load %arg2[%get3A_381, %get3A_382] : memref<4x6xi32, #tpu.memory_space<smem>>
    %sub3A_384 = vector.broadcast %get3A_383 : i32 to vector<14x12xi32>
    %sub3A_385 = arith.subi %select_n3A_300, %sub3A_384 : vector<14x12xi32>
    %abs3A_386 = math.absi %sub3A_385 : vector<14x12xi32>
    %get3A_387 = arith.index_cast %arg0 : i32 to index
    %get3A_388 = arith.constant 1 : index
    %get3A_389 = memref.load %arg1[%get3A_387, %get3A_388] : memref<4x2xi32, #tpu.memory_space<smem>>
    %sub3A_390 = vector.broadcast %get3A_389 : i32 to vector<14x12xi32>
    %sub3A_391 = arith.subi %select_n3A_322, %sub3A_390 : vector<14x12xi32>
    %abs3A_392 = math.absi %sub3A_391 : vector<14x12xi32>
    %add3A_393 = arith.addi %abs3A_386, %abs3A_392 : vector<14x12xi32>
    %lt3A_394 = arith.cmpi slt, %add3A_393, %min3A_380 : vector<14x12xi32>
    %jit3A_395 = arith.constant 3 : i32
    %broadcast_in_dim3A_396 = vector.broadcast %jit3A_395 : i32 to vector<14x12xi32>
    %select_n3A_397 = arith.select %lt3A_394, %broadcast_in_dim3A_396, %select_n3A_379 : vector<14x12xi1>, vector<14x12xi32>
    %min3A_398 = arith.minsi %min3A_380, %add3A_393 : vector<14x12xi32>
    %get3A_399 = arith.index_cast %arg0 : i32 to index
    %get3A_400 = arith.constant 2 : index
    %get3A_401 = memref.load %arg2[%get3A_399, %get3A_400] : memref<4x6xi32, #tpu.memory_space<smem>>
    %sub3A_402 = vector.broadcast %get3A_401 : i32 to vector<14x12xi32>
    %sub3A_403 = arith.subi %select_n3A_300, %sub3A_402 : vector<14x12xi32>
    %abs3A_404 = math.absi %sub3A_403 : vector<14x12xi32>
    %get3A_405 = arith.index_cast %arg0 : i32 to index
    %get3A_406 = arith.constant 0 : index
    %get3A_407 = memref.load %arg1[%get3A_405, %get3A_406] : memref<4x2xi32, #tpu.memory_space<smem>>
    %sub3A_408 = vector.broadcast %get3A_407 : i32 to vector<14x12xi32>
    %sub3A_409 = arith.subi %select_n3A_322, %sub3A_408 : vector<14x12xi32>
    %abs3A_410 = math.absi %sub3A_409 : vector<14x12xi32>
    %add3A_411 = arith.addi %abs3A_404, %abs3A_410 : vector<14x12xi32>
    %lt3A_412 = arith.cmpi slt, %add3A_411, %min3A_398 : vector<14x12xi32>
    %jit3A_413 = arith.constant 4 : i32
    %broadcast_in_dim3A_414 = vector.broadcast %jit3A_413 : i32 to vector<14x12xi32>
    %select_n3A_415 = arith.select %lt3A_412, %broadcast_in_dim3A_414, %select_n3A_397 : vector<14x12xi1>, vector<14x12xi32>
    %min3A_416 = arith.minsi %min3A_398, %add3A_411 : vector<14x12xi32>
    %get3A_417 = arith.index_cast %arg0 : i32 to index
    %get3A_418 = arith.constant 2 : index
    %get3A_419 = memref.load %arg2[%get3A_417, %get3A_418] : memref<4x6xi32, #tpu.memory_space<smem>>
    %sub3A_420 = vector.broadcast %get3A_419 : i32 to vector<14x12xi32>
    %sub3A_421 = arith.subi %select_n3A_300, %sub3A_420 : vector<14x12xi32>
    %abs3A_422 = math.absi %sub3A_421 : vector<14x12xi32>
    %get3A_423 = arith.index_cast %arg0 : i32 to index
    %get3A_424 = arith.constant 1 : index
    %get3A_425 = memref.load %arg1[%get3A_423, %get3A_424] : memref<4x2xi32, #tpu.memory_space<smem>>
    %sub3A_426 = vector.broadcast %get3A_425 : i32 to vector<14x12xi32>
    %sub3A_427 = arith.subi %select_n3A_322, %sub3A_426 : vector<14x12xi32>
    %abs3A_428 = math.absi %sub3A_427 : vector<14x12xi32>
    %add3A_429 = arith.addi %abs3A_422, %abs3A_428 : vector<14x12xi32>
    %lt3A_430 = arith.cmpi slt, %add3A_429, %min3A_416 : vector<14x12xi32>
    %jit3A_431 = arith.constant 5 : i32
    %broadcast_in_dim3A_432 = vector.broadcast %jit3A_431 : i32 to vector<14x12xi32>
    %select_n3A_433 = arith.select %lt3A_430, %broadcast_in_dim3A_432, %select_n3A_415 : vector<14x12xi1>, vector<14x12xi32>
    %min3A_434 = arith.minsi %min3A_416, %add3A_429 : vector<14x12xi32>
    %get3A_435 = arith.index_cast %arg0 : i32 to index
    %get3A_436 = arith.constant 3 : index
    %get3A_437 = memref.load %arg2[%get3A_435, %get3A_436] : memref<4x6xi32, #tpu.memory_space<smem>>
    %sub3A_438 = vector.broadcast %get3A_437 : i32 to vector<14x12xi32>
    %sub3A_439 = arith.subi %select_n3A_300, %sub3A_438 : vector<14x12xi32>
    %abs3A_440 = math.absi %sub3A_439 : vector<14x12xi32>
    %get3A_441 = arith.index_cast %arg0 : i32 to index
    %get3A_442 = arith.constant 0 : index
    %get3A_443 = memref.load %arg1[%get3A_441, %get3A_442] : memref<4x2xi32, #tpu.memory_space<smem>>
    %sub3A_444 = vector.broadcast %get3A_443 : i32 to vector<14x12xi32>
    %sub3A_445 = arith.subi %select_n3A_322, %sub3A_444 : vector<14x12xi32>
    %abs3A_446 = math.absi %sub3A_445 : vector<14x12xi32>
    %add3A_447 = arith.addi %abs3A_440, %abs3A_446 : vector<14x12xi32>
    %lt3A_448 = arith.cmpi slt, %add3A_447, %min3A_434 : vector<14x12xi32>
    %jit3A_449 = arith.constant 6 : i32
    %broadcast_in_dim3A_450 = vector.broadcast %jit3A_449 : i32 to vector<14x12xi32>
    %select_n3A_451 = arith.select %lt3A_448, %broadcast_in_dim3A_450, %select_n3A_433 : vector<14x12xi1>, vector<14x12xi32>
    %min3A_452 = arith.minsi %min3A_434, %add3A_447 : vector<14x12xi32>
    %get3A_453 = arith.index_cast %arg0 : i32 to index
    %get3A_454 = arith.constant 3 : index
    %get3A_455 = memref.load %arg2[%get3A_453, %get3A_454] : memref<4x6xi32, #tpu.memory_space<smem>>
    %sub3A_456 = vector.broadcast %get3A_455 : i32 to vector<14x12xi32>
    %sub3A_457 = arith.subi %select_n3A_300, %sub3A_456 : vector<14x12xi32>
    %abs3A_458 = math.absi %sub3A_457 : vector<14x12xi32>
    %get3A_459 = arith.index_cast %arg0 : i32 to index
    %get3A_460 = arith.constant 1 : index
    %get3A_461 = memref.load %arg1[%get3A_459, %get3A_460] : memref<4x2xi32, #tpu.memory_space<smem>>
    %sub3A_462 = vector.broadcast %get3A_461 : i32 to vector<14x12xi32>
    %sub3A_463 = arith.subi %select_n3A_322, %sub3A_462 : vector<14x12xi32>
    %abs3A_464 = math.absi %sub3A_463 : vector<14x12xi32>
    %add3A_465 = arith.addi %abs3A_458, %abs3A_464 : vector<14x12xi32>
    %lt3A_466 = arith.cmpi slt, %add3A_465, %min3A_452 : vector<14x12xi32>
    %jit3A_467 = arith.constant 7 : i32
    %broadcast_in_dim3A_468 = vector.broadcast %jit3A_467 : i32 to vector<14x12xi32>
    %select_n3A_469 = arith.select %lt3A_466, %broadcast_in_dim3A_468, %select_n3A_451 : vector<14x12xi1>, vector<14x12xi32>
    %min3A_470 = arith.minsi %min3A_452, %add3A_465 : vector<14x12xi32>
    %get3A_471 = arith.index_cast %arg0 : i32 to index
    %get3A_472 = arith.constant 4 : index
    %get3A_473 = memref.load %arg2[%get3A_471, %get3A_472] : memref<4x6xi32, #tpu.memory_space<smem>>
    %sub3A_474 = vector.broadcast %get3A_473 : i32 to vector<14x12xi32>
    %sub3A_475 = arith.subi %select_n3A_300, %sub3A_474 : vector<14x12xi32>
    %abs3A_476 = math.absi %sub3A_475 : vector<14x12xi32>
    %get3A_477 = arith.index_cast %arg0 : i32 to index
    %get3A_478 = arith.constant 0 : index
    %get3A_479 = memref.load %arg1[%get3A_477, %get3A_478] : memref<4x2xi32, #tpu.memory_space<smem>>
    %sub3A_480 = vector.broadcast %get3A_479 : i32 to vector<14x12xi32>
    %sub3A_481 = arith.subi %select_n3A_322, %sub3A_480 : vector<14x12xi32>
    %abs3A_482 = math.absi %sub3A_481 : vector<14x12xi32>
    %add3A_483 = arith.addi %abs3A_476, %abs3A_482 : vector<14x12xi32>
    %lt3A_484 = arith.cmpi slt, %add3A_483, %min3A_470 : vector<14x12xi32>
    %jit3A_485 = arith.constant 8 : i32
    %broadcast_in_dim3A_486 = vector.broadcast %jit3A_485 : i32 to vector<14x12xi32>
    %select_n3A_487 = arith.select %lt3A_484, %broadcast_in_dim3A_486, %select_n3A_469 : vector<14x12xi1>, vector<14x12xi32>
    %min3A_488 = arith.minsi %min3A_470, %add3A_483 : vector<14x12xi32>
    %get3A_489 = arith.index_cast %arg0 : i32 to index
    %get3A_490 = arith.constant 4 : index
    %get3A_491 = memref.load %arg2[%get3A_489, %get3A_490] : memref<4x6xi32, #tpu.memory_space<smem>>
    %sub3A_492 = vector.broadcast %get3A_491 : i32 to vector<14x12xi32>
    %sub3A_493 = arith.subi %select_n3A_300, %sub3A_492 : vector<14x12xi32>
    %abs3A_494 = math.absi %sub3A_493 : vector<14x12xi32>
    %get3A_495 = arith.index_cast %arg0 : i32 to index
    %get3A_496 = arith.constant 1 : index
    %get3A_497 = memref.load %arg1[%get3A_495, %get3A_496] : memref<4x2xi32, #tpu.memory_space<smem>>
    %sub3A_498 = vector.broadcast %get3A_497 : i32 to vector<14x12xi32>
    %sub3A_499 = arith.subi %select_n3A_322, %sub3A_498 : vector<14x12xi32>
    %abs3A_500 = math.absi %sub3A_499 : vector<14x12xi32>
    %add3A_501 = arith.addi %abs3A_494, %abs3A_500 : vector<14x12xi32>
    %lt3A_502 = arith.cmpi slt, %add3A_501, %min3A_488 : vector<14x12xi32>
    %jit3A_503 = arith.constant 9 : i32
    %broadcast_in_dim3A_504 = vector.broadcast %jit3A_503 : i32 to vector<14x12xi32>
    %select_n3A_505 = arith.select %lt3A_502, %broadcast_in_dim3A_504, %select_n3A_487 : vector<14x12xi1>, vector<14x12xi32>
    %min3A_506 = arith.minsi %min3A_488, %add3A_501 : vector<14x12xi32>
    %get3A_507 = arith.index_cast %arg0 : i32 to index
    %get3A_508 = arith.constant 5 : index
    %get3A_509 = memref.load %arg2[%get3A_507, %get3A_508] : memref<4x6xi32, #tpu.memory_space<smem>>
    %sub3A_510 = vector.broadcast %get3A_509 : i32 to vector<14x12xi32>
    %sub3A_511 = arith.subi %select_n3A_300, %sub3A_510 : vector<14x12xi32>
    %abs3A_512 = math.absi %sub3A_511 : vector<14x12xi32>
    %get3A_513 = arith.index_cast %arg0 : i32 to index
    %get3A_514 = arith.constant 0 : index
    %get3A_515 = memref.load %arg1[%get3A_513, %get3A_514] : memref<4x2xi32, #tpu.memory_space<smem>>
    %sub3A_516 = vector.broadcast %get3A_515 : i32 to vector<14x12xi32>
    %sub3A_517 = arith.subi %select_n3A_322, %sub3A_516 : vector<14x12xi32>
    %abs3A_518 = math.absi %sub3A_517 : vector<14x12xi32>
    %add3A_519 = arith.addi %abs3A_512, %abs3A_518 : vector<14x12xi32>
    %lt3A_520 = arith.cmpi slt, %add3A_519, %min3A_506 : vector<14x12xi32>
    %jit3A_521 = arith.constant 10 : i32
    %broadcast_in_dim3A_522 = vector.broadcast %jit3A_521 : i32 to vector<14x12xi32>
    %select_n3A_523 = arith.select %lt3A_520, %broadcast_in_dim3A_522, %select_n3A_505 : vector<14x12xi1>, vector<14x12xi32>
    %min3A_524 = arith.minsi %min3A_506, %add3A_519 : vector<14x12xi32>
    %get3A_525 = arith.index_cast %arg0 : i32 to index
    %get3A_526 = arith.constant 5 : index
    %get3A_527 = memref.load %arg2[%get3A_525, %get3A_526] : memref<4x6xi32, #tpu.memory_space<smem>>
    %sub3A_528 = vector.broadcast %get3A_527 : i32 to vector<14x12xi32>
    %sub3A_529 = arith.subi %select_n3A_300, %sub3A_528 : vector<14x12xi32>
    %abs3A_530 = math.absi %sub3A_529 : vector<14x12xi32>
    %get3A_531 = arith.index_cast %arg0 : i32 to index
    %get3A_532 = arith.constant 1 : index
    %get3A_533 = memref.load %arg1[%get3A_531, %get3A_532] : memref<4x2xi32, #tpu.memory_space<smem>>
    %sub3A_534 = vector.broadcast %get3A_533 : i32 to vector<14x12xi32>
    %sub3A_535 = arith.subi %select_n3A_322, %sub3A_534 : vector<14x12xi32>
    %abs3A_536 = math.absi %sub3A_535 : vector<14x12xi32>
    %add3A_537 = arith.addi %abs3A_530, %abs3A_536 : vector<14x12xi32>
    %lt3A_538 = arith.cmpi slt, %add3A_537, %min3A_524 : vector<14x12xi32>
    %jit3A_539 = arith.constant 11 : i32
    %broadcast_in_dim3A_540 = vector.broadcast %jit3A_539 : i32 to vector<14x12xi32>
    %select_n3A_541 = arith.select %lt3A_538, %broadcast_in_dim3A_540, %select_n3A_523 : vector<14x12xi1>, vector<14x12xi32>
    %jit3A_542 = arith.constant 6 : i32
    %div3A_543 = vector.broadcast %jit3A_542 : i32 to vector<14x12xi32>
    %div3A_544 = arith.divsi %select_n3A_541, %div3A_543 : vector<14x12xi32>
    %sign3A_545 = arith.constant 0 : i32
    %sign3A_546 = vector.broadcast %sign3A_545 : i32 to vector<14x12xi32>
    %sign3A_547 = arith.cmpi sgt, %select_n3A_541, %sign3A_546 : vector<14x12xi32>
    %sign3A_548 = arith.extui %sign3A_547 : vector<14x12xi1> to vector<14x12xi32>
    %sign3A_549 = arith.constant 0 : i32
    %sign3A_550 = vector.broadcast %sign3A_549 : i32 to vector<14x12xi32>
    %sign3A_551 = arith.cmpi slt, %select_n3A_541, %sign3A_550 : vector<14x12xi32>
    %sign3A_552 = arith.extui %sign3A_551 : vector<14x12xi1> to vector<14x12xi32>
    %sign3A_553 = arith.subi %sign3A_548, %sign3A_552 : vector<14x12xi32>
    %sign3A_554 = arith.constant 0 : i32
    %sign3A_555 = arith.cmpi sgt, %jit3A_542, %sign3A_554 : i32
    %sign3A_556 = arith.extui %sign3A_555 : i1 to i32
    %sign3A_557 = arith.constant 0 : i32
    %sign3A_558 = arith.cmpi slt, %jit3A_542, %sign3A_557 : i32
    %sign3A_559 = arith.extui %sign3A_558 : i1 to i32
    %sign3A_560 = arith.subi %sign3A_556, %sign3A_559 : i32
    %ne3A_561 = vector.broadcast %sign3A_560 : i32 to vector<14x12xi32>
    %ne3A_562 = arith.cmpi ne, %sign3A_553, %ne3A_561 : vector<14x12xi32>
    %rem3A_563 = vector.broadcast %jit3A_542 : i32 to vector<14x12xi32>
    %rem3A_564 = arith.remsi %select_n3A_541, %rem3A_563 : vector<14x12xi32>
    %ne3A_565 = arith.constant 0 : i32
    %ne3A_566 = vector.broadcast %ne3A_565 : i32 to vector<14x12xi32>
    %ne3A_567 = arith.cmpi ne, %rem3A_564, %ne3A_566 : vector<14x12xi32>
    %and3A_568 = arith.andi %ne3A_562, %ne3A_567 : vector<14x12xi1>
    %sub3A_569 = arith.constant 1 : i32
    %sub3A_570 = vector.broadcast %sub3A_569 : i32 to vector<14x12xi32>
    %sub3A_571 = arith.subi %div3A_544, %sub3A_570 : vector<14x12xi32>
    %select_n3A_572 = arith.select %and3A_568, %sub3A_571, %div3A_544 : vector<14x12xi1>, vector<14x12xi32>
    %mul3A_573 = arith.constant 396 : i32
    %mul3A_574 = vector.broadcast %mul3A_573 : i32 to vector<14x12xi32>
    %mul3A_575 = arith.muli %select_n3A_572, %mul3A_574 : vector<14x12xi32>
    %jit3A_576 = arith.constant 6 : i32
    %eq3A_577 = arith.constant 0 : i32
    %eq3A_578 = arith.cmpi eq, %jit3A_576, %eq3A_577 : i32
    %jit3A_579 = arith.constant 1 : i32
    %select_n3A_580 = arith.select %eq3A_578, %jit3A_579, %jit3A_576 : i32
    %rem3A_581 = vector.broadcast %select_n3A_580 : i32 to vector<14x12xi32>
    %rem3A_582 = arith.remsi %select_n3A_541, %rem3A_581 : vector<14x12xi32>
    %ne3A_583 = arith.constant 0 : i32
    %ne3A_584 = vector.broadcast %ne3A_583 : i32 to vector<14x12xi32>
    %ne3A_585 = arith.cmpi ne, %rem3A_582, %ne3A_584 : vector<14x12xi32>
    %lt3A_586 = arith.constant 0 : i32
    %lt3A_587 = vector.broadcast %lt3A_586 : i32 to vector<14x12xi32>
    %lt3A_588 = arith.cmpi slt, %rem3A_582, %lt3A_587 : vector<14x12xi32>
    %lt3A_589 = arith.constant 0 : i32
    %lt3A_590 = arith.cmpi slt, %select_n3A_580, %lt3A_589 : i32
    %ne3A_591 = vector.broadcast %lt3A_590 : i1 to vector<14x12xi1>
    %ne3A_592 = vector.broadcast %ne3A_591 : vector<14x12xi1> to vector<14x12xi1>
    %ne3A_593 = arith.xori %lt3A_588, %ne3A_592 : vector<14x12xi1>
    %and3A_594 = arith.andi %ne3A_593, %ne3A_585 : vector<14x12xi1>
    %add3A_595 = vector.broadcast %select_n3A_580 : i32 to vector<14x12xi32>
    %add3A_596 = arith.addi %rem3A_582, %add3A_595 : vector<14x12xi32>
    %select_n3A_597 = arith.select %and3A_594, %add3A_596, %rem3A_582 : vector<14x12xi1>, vector<14x12xi32>
    %jit3A_598 = arith.constant 2 : i32
    %div3A_599 = vector.broadcast %jit3A_598 : i32 to vector<14x12xi32>
    %div3A_600 = arith.divsi %select_n3A_597, %div3A_599 : vector<14x12xi32>
    %sign3A_601 = arith.constant 0 : i32
    %sign3A_602 = vector.broadcast %sign3A_601 : i32 to vector<14x12xi32>
    %sign3A_603 = arith.cmpi sgt, %select_n3A_597, %sign3A_602 : vector<14x12xi32>
    %sign3A_604 = arith.extui %sign3A_603 : vector<14x12xi1> to vector<14x12xi32>
    %sign3A_605 = arith.constant 0 : i32
    %sign3A_606 = vector.broadcast %sign3A_605 : i32 to vector<14x12xi32>
    %sign3A_607 = arith.cmpi slt, %select_n3A_597, %sign3A_606 : vector<14x12xi32>
    %sign3A_608 = arith.extui %sign3A_607 : vector<14x12xi1> to vector<14x12xi32>
    %sign3A_609 = arith.subi %sign3A_604, %sign3A_608 : vector<14x12xi32>
    %sign3A_610 = arith.constant 0 : i32
    %sign3A_611 = arith.cmpi sgt, %jit3A_598, %sign3A_610 : i32
    %sign3A_612 = arith.extui %sign3A_611 : i1 to i32
    %sign3A_613 = arith.constant 0 : i32
    %sign3A_614 = arith.cmpi slt, %jit3A_598, %sign3A_613 : i32
    %sign3A_615 = arith.extui %sign3A_614 : i1 to i32
    %sign3A_616 = arith.subi %sign3A_612, %sign3A_615 : i32
    %ne3A_617 = vector.broadcast %sign3A_616 : i32 to vector<14x12xi32>
    %ne3A_618 = arith.cmpi ne, %sign3A_609, %ne3A_617 : vector<14x12xi32>
    %rem3A_619 = vector.broadcast %jit3A_598 : i32 to vector<14x12xi32>
    %rem3A_620 = arith.remsi %select_n3A_597, %rem3A_619 : vector<14x12xi32>
    %ne3A_621 = arith.constant 0 : i32
    %ne3A_622 = vector.broadcast %ne3A_621 : i32 to vector<14x12xi32>
    %ne3A_623 = arith.cmpi ne, %rem3A_620, %ne3A_622 : vector<14x12xi32>
    %and3A_624 = arith.andi %ne3A_618, %ne3A_623 : vector<14x12xi1>
    %sub3A_625 = arith.constant 1 : i32
    %sub3A_626 = vector.broadcast %sub3A_625 : i32 to vector<14x12xi32>
    %sub3A_627 = arith.subi %div3A_600, %sub3A_626 : vector<14x12xi32>
    %select_n3A_628 = arith.select %and3A_624, %sub3A_627, %div3A_600 : vector<14x12xi1>, vector<14x12xi32>
    %add3A_629 = arith.addi %mul3A_575, %select_n3A_628 : vector<14x12xi32>
    %mul3A_630 = arith.constant 4 : i32
    %mul3A_631 = vector.broadcast %mul3A_630 : i32 to vector<14x12xi32>
    %mul3A_632 = arith.muli %add3A_629, %mul3A_631 : vector<14x12xi32>
    %add3A_633 = vector.broadcast %arg0 : i32 to vector<14x12xi32>
    %add3A_634 = arith.addi %mul3A_632, %add3A_633 : vector<14x12xi32>
    %iota3A_635 = tpu.iota {dimensions = array<i32: 1>} : vector<14x132x12xi32>
    %broadcast_in_dim3A_636 = vector.shape_cast %add3A_634 : vector<14x12xi32> to vector<14x1x12xi32>
    %mul3A_637 = arith.constant 12 : i32
    %mul3A_638 = vector.broadcast %mul3A_637 : i32 to vector<14x132x12xi32>
    %mul3A_639 = arith.muli %mul3A_638, %iota3A_635 : vector<14x132x12xi32>
    %add3A_640 = vector.broadcast %broadcast_in_dim3A_636 : vector<14x1x12xi32> to vector<14x132x12xi32>
    %add3A_641 = arith.addi %add3A_640, %mul3A_639 : vector<14x132x12xi32>
    %swap3A_642 = arith.constant 0 : index
    %swap3A_643 = arith.constant 0 : index
    %swap3A_644 = arith.constant 0 : index
    %swap3A_645 = arith.constant 0 : index
    %swap3A_646 = vector.load %arg4[%swap3A_642, %swap3A_643, %swap3A_644, %swap3A_645] : memref<1x14x132x12xi32, #tpu.memory_space<vmem>>, vector<1x14x132x12xi32>
    %swap3A_647 = vector.shape_cast %swap3A_646 : vector<1x14x132x12xi32> to vector<14x132x12xi32>
    %swap3A_648 = vector.shape_cast %add3A_641 : vector<14x132x12xi32> to vector<1x14x132x12xi32>
    tpu.vector_store %arg4[%swap3A_642, %swap3A_643, %swap3A_644, %swap3A_645], %swap3A_648 {strides = array<i32>} : memref<1x14x132x12xi32, #tpu.memory_space<vmem>>, vector<1x14x132x12xi32>,
    return
  }
  func.func @transform_0(%arg0: i32) -> (i32, i32) {
    %c0_i32 = arith.constant 0 : i32
    %c0_i32_0 = arith.constant 0 : i32
    %c0_i32_1 = arith.constant 0 : i32
    return %c0_i32, %c0_i32_0 : i32, i32
  }
  func.func @transform_1(%arg0: i32) -> (i32, i32) {
    %c0_i32 = arith.constant 0 : i32
    %c0_i32_0 = arith.constant 0 : i32
    %c0_i32_1 = arith.constant 0 : i32
    return %c0_i32, %c0_i32_0 : i32, i32
  }
  func.func @transform_2(%arg0: i32) -> (i32, i32, i32, i32) {
    %c0_i32 = arith.constant 0 : i32
    %c0_i32_0 = arith.constant 0 : i32
    %c0_i32_1 = arith.constant 0 : i32
    %c0_i32_2 = arith.constant 0 : i32
    return %arg0, %c0_i32, %c0_i32_0, %c0_i32_1 : i32, i32, i32, i32
  }
  func.func @transform_3(%arg0: i32) -> (i32, i32, i32, i32) {
    %c0_i32 = arith.constant 0 : i32
    %c0_i32_0 = arith.constant 0 : i32
    %c0_i32_1 = arith.constant 0 : i32
    %c0_i32_2 = arith.constant 0 : i32
    return %arg0, %c0_i32, %c0_i32_0, %c0_i32_1 : i32, i32, i32, i32
  }
}

module attributes {stable_mosaic.version = 14 : i64} {
  func.func @_avg_body(%arg0: i32, %arg1: memref<1x792x2x32xf32, #tpu.memory_space<vmem>>, %arg2: memref<1x792x32xf32, #tpu.memory_space<vmem>>) attributes {dimension_semantics = [#tpu.dimension_semantics<arbitrary>], iteration_bounds = array<i64: 16>, scalar_prefetch = 0 : i64, scratch_operands = 0 : i64, tpu.core_type = #tpu.core_type<tc>, window_params = [{transform_indices = @transform_0, window_bounds = array<i64: 1, 792, 2, 32>}, {transform_indices = @transform_1, window_bounds = array<i64: 1, 792, 32>}]} {
    %get3A = arith.constant 0 : index
    %get3A_0 = arith.constant 0 : index
    %get3A_1 = arith.constant 0 : index
    %get3A_2 = arith.constant 0 : index
    %get3A_3 = vector.load %arg1[%get3A, %get3A_0, %get3A_1, %get3A_2] : memref<1x792x2x32xf32, #tpu.memory_space<vmem>>, vector<1x792x2x32xf32>
    %get3A_4 = vector.shape_cast %get3A_3 : vector<1x792x2x32xf32> to vector<792x2x32xf32>
    %slice3A = vector.extract_strided_slice %get3A_4 {offsets = [0, 0, 0], sizes = [792, 1, 32], strides = [1, 1, 1]} : vector<792x2x32xf32> to vector<792x1x32xf32>
    %squeeze3A = vector.shape_cast %slice3A : vector<792x1x32xf32> to vector<792x32xf32>
    %slice3A_5 = vector.extract_strided_slice %get3A_4 {offsets = [0, 1, 0], sizes = [792, 1, 32], strides = [1, 1, 1]} : vector<792x2x32xf32> to vector<792x1x32xf32>
    %squeeze3A_6 = vector.shape_cast %slice3A_5 : vector<792x1x32xf32> to vector<792x32xf32>
    %add3A = arith.addf %squeeze3A, %squeeze3A_6 : vector<792x32xf32>
    %mul3A = arith.constant 5.000000e-01 : f32
    %mul3A_7 = vector.broadcast %mul3A : f32 to vector<792x32xf32>
    %mul3A_8 = arith.mulf %mul3A_7, %add3A : vector<792x32xf32>
    %swap3A = arith.constant 0 : index
    %swap3A_9 = arith.constant 0 : index
    %swap3A_10 = arith.constant 0 : index
    %swap3A_11 = vector.load %arg2[%swap3A, %swap3A_9, %swap3A_10] : memref<1x792x32xf32, #tpu.memory_space<vmem>>, vector<1x792x32xf32>
    %swap3A_12 = vector.shape_cast %swap3A_11 : vector<1x792x32xf32> to vector<792x32xf32>
    %swap3A_13 = vector.shape_cast %mul3A_8 : vector<792x32xf32> to vector<1x792x32xf32>
    tpu.vector_store %arg2[%swap3A, %swap3A_9, %swap3A_10], %swap3A_13 {strides = array<i32>} : memref<1x792x32xf32, #tpu.memory_space<vmem>>, vector<1x792x32xf32>,
    return
  }
  func.func @transform_0(%arg0: i32) -> (i32, i32, i32, i32) {
    %c0_i32 = arith.constant 0 : i32
    %c0_i32_0 = arith.constant 0 : i32
    %c0_i32_1 = arith.constant 0 : i32
    %c0_i32_2 = arith.constant 0 : i32
    return %arg0, %c0_i32, %c0_i32_0, %c0_i32_1 : i32, i32, i32, i32
  }
  func.func @transform_1(%arg0: i32) -> (i32, i32, i32) {
    %c0_i32 = arith.constant 0 : i32
    %c0_i32_0 = arith.constant 0 : i32
    %c0_i32_1 = arith.constant 0 : i32
    return %arg0, %c0_i32, %c0_i32_0 : i32, i32, i32
  }
}

</mosaic_0001>

<sc_bundles>
// kernel: kernel.5.cloned.1.call-start
scs
__scs_entry_jumppad:
0x0: {  	(pc) =	sbr.rel $0x88, $3  }
0x1: {  	(tag) =	ssettag $0x0;
	lr =	simm.s32 $0x1  }
0x2: {  	[smem:$0x3F9E] =	sst lr;
	_ =	strace $0xD0000000  }
0x3: {  	_ = 	snop  }
0x4: {  	_ = 	snop  }
0x5: {  	_ = 	snop  }
0x6: {  	_ = 	snop  }
0x7: {  	_ = 	snop  }
__scs_overlays_trampoline_lowered:
0x8: {  	[smem:$0x3FAD] =	sst s0  }
0x9: {  	[smem:$0x3FAE] =	sst s1  }
0xa: {  	[smem:$0x3FAF] =	sst s2  }
0xb: {  	[smem:$0x3FB0] =	sst s3  }
0xc: {  	[smem:$0x3FB1] =	sst s4  }
0xd: {  	[smem:$0x3FB2] =	sst s5  }
0xe: {  	[smem:$0x3FB3] =	sst s6  }
0xf: {  	[smem:$0x3FB4] =	sst s7  }
0x10: {  	[smem:$0x3FB5] =	sst s8  }
0x11: {  	[smem:$0x3FB6] =	sst s9;
	s0 =	simm.s32 @!p0 $0x0  }
0x12: {  	s1 =	sld [smem:$0x3F9C];
	s0 =	simm.s32 @p0 $0x1  }
0x13: {  	[smem:$0x3FB7] =	sst s0;
	s0 =	simm.s32 @!p1 $0x0  }
0x14: {  	s2 =	sld [smem:$0x3F9B];
	s0 =	simm.s32 @p1 $0x1  }
0x15: {  	[smem:$0x3FB8] =	sst s0;
	s0 =	simm.s32 @!p2 $0x0  }
0x16: {  	s3 =	sld [smem:$0x3FDB];
	s0 =	simm.s32 @p2 $0x1  }
0x17: {  	s4 =	simm.s32 $0x1BF5;
	[smem:$0x3FBA] =	sst s0  }
0x18: {  	s0 =	sld [smem:$0x3F9D];
	_ =	swait.ge [sflag:s4], $0x0  }
0x19: {  	s7 =	sld [smem:$0x3F9E]  }
0x1a: {  	s8 =	sadd.s32 $0xFFFFE003, lr  }
0x1b: {  	s9 =	sadd.s32 $0xFFFFFEF7, lr;
	s5 =	simm.s32 $0xFFFFFFFF;
	p2 =	slt.u32 s8, $0xFFFFF086  }
0x1c: {  	p1 =	slt.u32 s9, $0xF7A;
	s5 =	simm.s32 @!p2 $0x0  }
0x1d: {  	s5 =	simm.s32 @p1 $0x1;
	p0 =	seq.s32 s7, s2  }
0x1e: {  	s7 =	smul.u32 @!p0 $0xF7A, s2;
	p2 =	seq.s32 @!p0 s5, $0x0  }
0x1f: {  	s9 =	smul.u32 $0xF7A, s1;
	s8 =	simm.s32 @!p0 $0x1BF5;
	p2 =	por !p2, p0  }
0x20: {  	[sflag:s8] =	ssyncset.s32 @!p0 $0xFFFFF086;
	s6 =	sadd.s32 @!p0 s3, s7;
	s7 =	simm.s32 @!p0 $0x108  }
0x21: {  	s3 =	sadd.s32 s3, s9;
	s6 =	sadd.s32 @!p0 $0x88, s6;
	s7 =	simm.s32 @p2 $0x1082  }
0x22: {  	[simem:s7], [sflag:s8] =	dma.local @!p0 [hbm:s6], $0xF7A  }
0x23: {  	s9 =	sor.u32 $0xD0000000, s2;
	s6 =	simm.s32 $0x108;
	_ =	swait.ge @!p0 [sflag:s8], $0x0  }
0x24: {  	s3 =	sadd.s32 $0x88, s3;
	s6 =	simm.s32 @!p1 $0x1082;
	[sflag:s4] =	ssyncset.s32 $0xFFFFF086  }
0x25: {  	[simem:s6], [sflag:s4] =	dma.local [hbm:s3], $0xF7A  }
0x26: {  	[smem:$0x3F9E] =	sst s1;
	(tag) =	ssettag s2;
	_ =	strace s9  }
0x27: {  	s1 =	sld [smem:$0x3FAE]  }
0x28: {  	s2 =	sld [smem:$0x3FAF]  }
0x29: {  	s4 =	sld [smem:$0x3FB1]  }
0x2a: {  	p0 =	seq.s32 s5, $0x0;
	s5 =	sld [smem:$0x3FB2]  }
0x2b: {  	s6 =	sld [smem:$0x3FB3]  }
0x2c: {  	s7 =	sld [smem:$0x3FB4]  }
0x2d: {  	s3 =	simm.s32 $0x108;
	s8 =	sld [smem:$0x3FB5]  }
0x2e: {  	s3 =	simm.s32 @!p0 $0x1082;
	s9 =	sld [smem:$0x3FB6]  }
0x2f: {  	lr =	sadd.s32 s0, s3;
	s0 =	sld [smem:$0x3FAD]  }
0x30: {  	s3 =	sld [smem:$0x3FB0]  }
0x31: {  	[smem:$0x3FB9] =	sst s10  }
0x32: {  	s10 =	sld [smem:$0x3FB7];
	_ =	sdelay $0x3  }
0x33: {  	p0 =	seq.s32 s10, $0x1;
	s10 =	sld [smem:$0x3FB9];
	_ =	sdelay $0x3  }
0x34: {  	[smem:$0x3FB9] =	sst s10  }
0x35: {  	s10 =	sld [smem:$0x3FB8];
	_ =	sdelay $0x3  }
0x36: {  	p1 =	seq.s32 s10, $0x1;
	s10 =	sld [smem:$0x3FB9];
	_ =	sdelay $0x3  }
0x37: {  	[smem:$0x3FB9] =	sst s10  }
0x38: {  	s10 =	sld [smem:$0x3FBA]  }
0x39: {  	_ = 	snop;
	(pc) =	sbr.ind lr, $3  }
0x3a: {  	_ = 	snop  }
0x3b: {  	_ = 	snop  }
0x3c: {  	p2 =	seq.s32 s10, $0x1;
	s10 =	sld [smem:$0x3FB9]  }
0x3d: {  	_ =	shalt  }
0x3e: {  	_ =	shalt  }
0x3f: {  	_ =	shalt  }
0x40: {  	_ =	shalt  }
0x41: {  	_ =	shalt  }
0x42: {  	_ =	shalt  }
0x43: {  	_ =	shalt  }
0x44: {  	_ =	shalt  }
0x45: {  	_ =	shalt  }
0x46: {  	_ =	shalt  }
0x47: {  	_ =	shalt  }
0x48: {  	_ =	shalt  }
0x49: {  	_ =	shalt  }
0x4a: {  	_ =	shalt  }
0x4b: {  	_ =	shalt  }
0x4c: {  	_ =	shalt  }
0x4d: {  	_ =	shalt  }
0x4e: {  	_ =	shalt  }
0x4f: {  	_ =	shalt  }
0x50: {  	_ =	shalt  }
0x51: {  	_ =	shalt  }
0x52: {  	_ =	shalt  }
0x53: {  	_ =	shalt  }
0x54: {  	_ =	shalt  }
0x55: {  	_ =	shalt  }
0x56: {  	_ =	shalt  }
0x57: {  	_ =	shalt  }
0x58: {  	_ =	shalt  }
0x59: {  	_ =	shalt  }
0x5a: {  	_ =	shalt  }
0x5b: {  	_ =	shalt  }
0x5c: {  	_ =	shalt  }
0x5d: {  	_ =	shalt  }
0x5e: {  	_ =	shalt  }
0x5f: {  	_ =	shalt  }
0x60: {  	_ =	shalt  }
0x61: {  	_ =	shalt  }
0x62: {  	_ =	shalt  }
0x63: {  	_ =	shalt  }
0x64: {  	_ =	shalt  }
0x65: {  	_ =	shalt  }
0x66: {  	_ =	shalt  }
0x67: {  	_ =	shalt  }
0x68: {  	_ =	shalt  }
0x69: {  	_ =	shalt  }
0x6a: {  	_ =	shalt  }
0x6b: {  	_ =	shalt  }
0x6c: {  	_ =	shalt  }
0x6d: {  	_ =	shalt  }
0x6e: {  	_ =	shalt  }
0x6f: {  	_ =	shalt  }
0x70: {  	_ =	shalt  }
0x71: {  	_ =	shalt  }
0x72: {  	_ =	shalt  }
0x73: {  	_ =	shalt  }
0x74: {  	_ =	shalt  }
0x75: {  	_ =	shalt  }
0x76: {  	_ =	shalt  }
0x77: {  	_ =	shalt  }
0x78: {  	_ =	shalt  }
0x79: {  	_ =	shalt  }
0x7a: {  	_ =	shalt  }
0x7b: {  	_ =	shalt  }
0x7c: {  	_ =	shalt  }
0x7d: {  	_ =	shalt  }
0x7e: {  	_ =	shalt  }
0x7f: {  	_ =	shalt  }
0x80: {  	_ =	shalt  }
0x81: {  	_ =	shalt  }
0x82: {  	_ =	shalt  }
0x83: {  	_ =	shalt  }
0x84: {  	_ =	shalt  }
0x85: {  	_ =	shalt  }
0x86: {  	_ =	shalt  }
0x87: {  	_ =	shalt  }
.Lfunc_end0:
.L_simem_size_0:
called_computation.1_lowered:
.L_overlay_start_0:
0x88: {  	s2 =	sld [smem:$0x3FD9]  }
0x89: {  	s3 =	sld [smem:$0x3FFE];
	_ =	sdelay $0x1  }
0x8a: {  	s1 =	srdreg.scid  }
0x8b: {  	s0 =	sand.u32 $0x1, s1  }
0x8c: {  	s14 =	sshll.u32 s0, $0xA;
	s2 =	sadd.s32 s3, s2  }
0x8d: {  	s2 =	sadd.s32 s2, s14  }
0x8e: {  	[smem:$0x3FC5] =	sst s2  }
0x8f: {  	_ = 	snop  }
0x90: {  	s2 =	sld [smem:$0x3FD0];
	_ =	sdelay $0x2  }
0x91: {  	s15 =	simm.s32 $0xA;
	s4 =	simm.s32 $0x10  }
0x92: {  	[smem:s4], [sflag:s15] =	dma.local [hbm:s2], $0x1  }
0x93: {  	_ =	swait.eq [sflag:s15], $0x1  }
0x94: {  	[sflag:s15] =	ssyncset.done $0x0  }
0x95: {  	[sflag:s15] =	ssyncadd.s32 $0xFFFFFFFF  }
0x96: {  	s16 =	sld [smem:$0x10];
	(tm) =	ssettm $0x1  }
0x97: {  	s17 =	sld [smem:$0x3FFB];
	_ =	sdelay $0x3  }
0x98: {  	_ =	strace s17  }
0x99: {  	s3 =	sld [smem:$0x3FFC];
	_ =	sdelay $0x3  }
0x9a: {  	_ =	strace s3  }
0x9b: {  	s3 =	sld [smem:$0x3FFD];
	_ =	sdelay $0x3  }
0x9c: {  	_ =	strace s3  }
0x9d: {  	_ =	strace $0x8FFFFFFF  }
0x9e: {  	s18 =	sld [smem:$0x3FDB];
	_ =	sdelay $0x1  }
0x9f: {  	s19 =	simm.s32 $_scs_section_size  }
0xa0: {  	s5 =	simm.s32 $_size__tile_overlayer_lowered;
	s6 =	simm.s32 $_tile_overlayer_lowered  }
0xa1: {  	s22 =	simm.s32 $0x1BFF;
	s21 =	sshll.u32 s6, $0x1;
	s3 =	sadd.s32 s19, s18  }
0xa2: {  	s7 =	simm.s32 $0x0;
	s20 =	sshll.u32 s5, $0x1;
	s5 =	sadd.s32 s21, s3  }
0xa3: {  	[timem:s7], [sflag:s22] =	dma.local [hbm:s5], s20  }
0xa4: {  	_ =	swait.ge [sflag:s22], s20  }
0xa5: {  	s4 =	ssub.s32 $0x0, s20;
	[sflag:s22] =	ssyncset.done $0x0  }
0xa6: {  	[sflag:s22] =	ssyncadd.s32 s4;
	_ =	sdelay $0x1  }
0xa7: {  	s23 =	simm.s32 $0x1B8B  }
0xa8: {  	_ =	swait.ge [sflag:s23], $0x1  }
0xa9: {  	[sflag:s23] =	ssyncset.done $0x0  }
0xaa: {  	s25 =	simm.s32 $0x1B8E;
	s24 =	sld [smem:$0x3FFE];
	[sflag:s23] =	ssyncadd.s32 $0xFFFFFFFF  }
0xab: {  	s26 =	simm.s32 $execute0_lowered;
	[smem:$0x3FD2] =	sst s25  }
0xac: {  	s5 =	sshll.u32 s26, $0x1;
	_ =	strace $0x80000046;
	[dreg:$0x1] =	wrdreg $0xFFFFFFFF  }
0xad: {  	s28 =	simm.s32 $_size_execute0_lowered;
	s3 =	sadd.s32 s3, s5;
	[dreg:$0x0] =	wrdreg $0x0  }
0xae: {  	s5 =	sshll.u32 s28, $0x1;
	[dreg:$0x2] =	wrdreg s3  }
0xaf: {  	[dreg:$0x3] =	wrdreg s5  }
0xb0: {  	[dreg:$0x4] =	wrdreg $0xC0  }
0xb1: {  	_ =	task [dreg:s7], $0x5FFFF  }
0xb2: {  	[dreg:$0x1] =	wrdreg $0xFFFFFFFF  }
0xb3: {  	[dreg:$0x0] =	wrdreg $0x60  }
0xb4: {  	[dreg:$0x2] =	wrdreg s24  }
0xb5: {  	[dreg:$0x3] =	wrdreg s16  }
0xb6: {  	[dreg:$0x4] =	wrdreg $0x9  }
0xb7: {  	_ =	task.clear_ibuf [dreg:s7], $0x5FFFF;
	_ =	strace $0x90000046  }
0xb8: {  	s29 =	simm.s32 $0x9;
	_ =	strace $0x80000048  }
0xb9: {  	_ =	swait.ge [sflag:s29], $0x1  }
0xba: {  	[sflag:s29] =	ssyncadd.s32 $0xFFFFFFFF  }
0xbb: {  	_ =	strace $0x90000048  }
0xbc: {  	_ =	sfence  }
0xbd: {  	s30 =	sld [smem:$0x0];
	_ =	sdelay $0x2  }
0xbe: {  	s31 =	sshll.u32 s1, $0xD;
	s1 =	sshrl.u32 s1, $0x2  }
0xbf: {  	s3 =	sand.u32 $0x4000, s31;
	s1 =	sadd.s32 s1, s30  }
0xc0: {  	s0 =	sor.u32 s3, s0;
	s1 =	sshll.u32 s1, $0x11  }
0xc1: {  	s0 =	sor.u32 s1, s0  }
0xc2: {  	s0 =	sadd.s32 $0x8F2B, s0  }
0xc3: {  	[sflag:s0] =	ssyncadd.remote.s32 $0x1  }
0xc4: {  	_ =	sfence.sel $0xFFFF  }
0xc5: {  	[dreg:$0x0] =	wrdreg $0xFFFFFFFF;
	(pc) =	sbr.abs _section_cstart, $3  }
0xc6: {  	[dreg:$0x1] =	wrdreg $0xFFFFFFFF  }
0xc7: {  	_ =	task.clear_ibuf [dreg:s7], $0x2FFFF;
	_ =	strace $0x9FFFFFFF  }
0xc8: {  	(tm) =	ssettm $0x7FFFFFFF  }
0xc9: {  	_ =	shalt  }
tec
execute0_lowered:
.L_overlay_start_1:
0x0: {  	(tag) =	ssettag $0x1  }
0x1: {  	s0 =	rddreg [dreg:$0x0]  }
0x2: {  	s1 =	rddreg [dreg:$0x1];
	s3 =	srdreg.scid  }
0x3: {  	s2 =	simm.s32 $0x0;
	s9 =	stileid.u32;
	s4 =	sand.u32 $0x1, s3  }
0x4: {  	s8 =	simm.s32 $0x1;
	[smem:$0x7FF] =	sst s2;
	s6 =	sshll.u32 s4, $0x1  }
0x5: {  	s30 =	ssub.s32 $0x2, s4;
	p1 =	seq.s32 s4, $0x1;
	s4 =	smul.u32 $0x15A8, s4  }
0x6: {  	s5 =	sshll.u32 s9, $0x2;
	s3 =	sadd.s32 $0x3C00, s0;
	_ =	strace $0x80000047  }
0x7: {  	s5 =	sor.u32 s6, s5;
	s7 =	sshrl.u32 s30, $0x1;
	s0 =	sadd.s32 s4, s0  }
0x8: {  	p0 =	seq.s32 s5, $0x0;
	s5 =	smul.u32 $0x2B500, s5;
	s2 =	sadd.s32 $0x1000, s0  }
0x9: {  	s6 =	ssub.s32 s30, s7;
	s0 =	sadd.s32 $0x1AD4, s0;
	[dreg:$0x3] =	wrdreg s2  }
0xa: {  	s23 =	smax.u32 s6, $0x1;
	s5 =	sshrl.u32 s5, $0x3;
	[dreg:$0xf] =	wrdreg s0  }
0xb: {  	p0 =	por !p0, !p1;
	[dreg:$0x15] =	wrdreg s23;
	s1 =	sadd.s32 s1, s5  }
0xc: {  	p0 =	por !p0, !p0;
	s5 =	sadd.s32 $0x7E0, s1;
	[dreg:$0x4] =	wrdreg s1  }
0xd: {  	s8 =	simm.s32 @!p0 $0x0;
	s7 =	sadd.s32 $0xFC0, s1;
	[dreg:$0x5] =	wrdreg s5  }
0xe: {  	s31 =	ssub.s32 s9, s8;
	s8 =	sadd.s32 $0x17A0, s1;
	[dreg:$0x6] =	wrdreg s7  }
0xf: {  	s10 =	sadd.s32 $0x1F80, s1;
	[dreg:$0x7] =	wrdreg s8  }
0x10: {  	s11 =	sadd.s32 $0x2760, s1;
	[dreg:$0x8] =	wrdreg s10  }
0x11: {  	s12 =	sadd.s32 $0x2F40, s1;
	[dreg:$0x9] =	wrdreg s11  }
0x12: {  	s13 =	sadd.s32 $0x3720, s1;
	[dreg:$0xa] =	wrdreg s12  }
0x13: {  	s14 =	sadd.s32 $0x3F00, s1;
	[dreg:$0xb] =	wrdreg s13  }
0x14: {  	s16 =	sadd.s32 $0x46E0, s1;
	[dreg:$0xc] =	wrdreg s14  }
0x15: {  	s17 =	sadd.s32 $0x4EC0, s1;
	[dreg:$0xd] =	wrdreg s16  }
0x16: {  	s18 =	sadd.s32 $0x56A0, s1;
	[dreg:$0xe] =	wrdreg s17  }
0x17: {  	s19 =	sadd.s32 $0x5E80, s1;
	[dreg:$0x10] =	wrdreg s18  }
0x18: {  	s20 =	sadd.s32 $0x6660, s1;
	[dreg:$0x11] =	wrdreg s19  }
0x19: {  	s21 =	sadd.s32 $0x6E40, s1;
	[dreg:$0x12] =	wrdreg s20  }
0x1a: {  	s22 =	sadd.s32 $0x7620, s1;
	[dreg:$0x13] =	wrdreg s21  }
0x1b: {  	s26 =	smul.u32 $0xC60, s9;
	s24 =	sadd.s32 $0x7E00, s1;
	[dreg:$0x14] =	wrdreg s22  }
0x1c: {  	s4 =	simm.s32 $0x1;
	s25 =	sadd.s32 $0x85E0, s1;
	[dreg:$0x16] =	wrdreg s24  }
0x1d: {  	s6 =	simm.s32 $0x0;
	s28 =	sadd.s32 $0x8DC0, s1;
	[dreg:$0x17] =	wrdreg s25  }
0x1e: {  	s0 =	simm.s32 $0x70;
	s29 =	sadd.s32 $0x95A0, s1;
	[dreg:$0x18] =	wrdreg s28  }
0x1f: {  	s23 =	simm.s32 $0x3;
	s30 =	sadd.s32 $0x9D80, s1;
	[dreg:$0x19] =	wrdreg s29  }
0x20: {  	s9 =	simm.s32 $0x56A0;
	s15 =	smul.u32 $0xC60, s31;
	[dreg:$0x1a] =	wrdreg s30  }
0x21: {  	s31 =	sadd.s32 $0xA560, s1;
	s5 =	simm.s32 $0x5A20;
	s18 =	simm.s32 $0x5DA0  }
0x22: {  	s10 =	simm.s32 $0x6120;
	s12 =	simm.s32 $0x64A0;
	s8 =	simm.s32 $0x6820  }
0x23: {  	v1 =	vmov s26;
	s17 =	simm.s32 $0x2;
	s1 =	simm.s32 $0x0;
	[dreg:$0x1b] =	wrdreg s31;
	v0 =	vmov s15  }
.LBB2_1:
0x24: {  	[dreg:$0x1c] =	wrdreg s1  }
0x25: {  	s7 =	rddreg [dreg:$0x3];
	s31 =	simm.s32 $0x4  }
0x26: {  	[tilespmem:s6], [sflag:$0x4] =	stream.linear.gather [hbm4b:s7+s6], $0x56A0, $0x38;
	[tilespmem:$0xD4A0] =	vst v63  }
0x27: {  	_ =	swait.ge [sflag:s31], $0x56A0  }
0x28: {  	[sflag:s31] =	ssyncset.done $0x0  }
0x29: {  	s26 =	simm.s32 $0x0;
	s7 =	simm.s32 $0x40;
	[sflag:s31] =	ssyncadd.s32 $0xFFFFA960  }
.LBB2_2:
0x2a: {  	p0 =	sne.s32 s7, $0x15A40;
	v2 =	vld [tilespmem:s26+$0x0];
	_ =	sdelay $0x1  }
.Ltmp0:
0x2b: {  	(pc) =	sbr.rel @p0 .LBB2_2-.Ltmp0, $3  }
0x2c: {  	_ =	sdelay $0x1  }
0x2d: {  	v2 =	vadd.s32 v0, v2  }
0x2e: {  	[tilespmem:s26+$0x0] =	vst v2;
	s26 =	sshra.s32 s7, $0x2;
	s7 =	sadd.s32 $0x40, s7  }
0x2f: {  	v2 =	vld [tilespmem:s26+$0x0];
	_ =	sdelay $0x4  }
0x30: {  	v2 =	vadd.s32 v0, v2  }
0x31: {  	[tilespmem:s26+$0x0] =	vst v2;
	s26 =	simm.s32 $0x0  }
0x32: {  	[tilespmem:s9], [sflag:$0x1] =	stream.indirect.gather [hbm4b:s3+s0], $0x8, s26, s0, $0xb8;
	[tilespmem:$0xD4A0] =	vst v63  }
0x33: {  	_ = 	snop  }
0x34: {  	[tilespmem:s5], [sflag:$0x1] =	stream.indirect.gather [hbm4b:s3+s0], $0x8, s0, s0, $0xb8;
	[tilespmem:$0xD4A0] =	vst v63  }
0x35: {  	s7 =	simm.s32 $0xE0  }
0x36: {  	[tilespmem:s18], [sflag:$0x1] =	stream.indirect.gather [hbm4b:s3+s0], $0x8, s7, s0, $0xb8;
	[tilespmem:$0xD4A0] =	vst v63  }
0x37: {  	s5 =	simm.s32 $0x150  }
0x38: {  	[tilespmem:s10], [sflag:$0x1] =	stream.indirect.gather [hbm4b:s3+s0], $0x8, s5, s0, $0xb8;
	[tilespmem:$0xD4A0] =	vst v63  }
0x39: {  	s6 =	simm.s32 $0x1C0  }
0x3a: {  	[tilespmem:s12], [sflag:$0x1] =	stream.indirect.gather [hbm4b:s3+s0], $0x8, s6, s0, $0xb8;
	[tilespmem:$0xD4A0] =	vst v63  }
0x3b: {  	s10 =	simm.s32 $0x230  }
0x3c: {  	[tilespmem:s8], [sflag:$0x1] =	stream.indirect.gather [hbm4b:s3+s0], $0x8, s10, s0, $0xb8;
	[tilespmem:$0xD4A0] =	vst v63  }
0x3d: {  	s11 =	simm.s32 $0x2A0;
	s1 =	simm.s32 $0x6BA0  }
0x3e: {  	[tilespmem:s1], [sflag:$0x1] =	stream.indirect.gather [hbm4b:s3+s0], $0x8, s11, s0, $0xb8;
	[tilespmem:$0xD4A0] =	vst v63  }
0x3f: {  	s13 =	simm.s32 $0x6F20;
	s12 =	simm.s32 $0x310  }
0x40: {  	[tilespmem:s13], [sflag:$0x1] =	stream.indirect.gather [hbm4b:s3+s0], $0x8, s12, s0, $0xb8;
	[tilespmem:$0xD4A0] =	vst v63  }
0x41: {  	s14 =	simm.s32 $0x380;
	s15 =	simm.s32 $0x72A0  }
0x42: {  	[tilespmem:s15], [sflag:$0x1] =	stream.indirect.gather [hbm4b:s3+s0], $0x8, s14, s0, $0xb8;
	[tilespmem:$0xD4A0] =	vst v63  }
0x43: {  	s16 =	simm.s32 $0x3F0;
	s18 =	simm.s32 $0x7620  }
0x44: {  	[tilespmem:s18], [sflag:$0x1] =	stream.indirect.gather [hbm4b:s3+s0], $0x8, s16, s0, $0xb8;
	[tilespmem:$0xD4A0] =	vst v63  }
0x45: {  	s19 =	simm.s32 $0x460;
	s20 =	simm.s32 $0x79A0  }
0x46: {  	[tilespmem:s20], [sflag:$0x1] =	stream.indirect.gather [hbm4b:s3+s0], $0x8, s19, s0, $0xb8;
	[tilespmem:$0xD4A0] =	vst v63  }
0x47: {  	s21 =	simm.s32 $0x4D0;
	s22 =	simm.s32 $0x7D20  }
0x48: {  	[tilespmem:s22], [sflag:$0x1] =	stream.indirect.gather [hbm4b:s3+s0], $0x8, s21, s0, $0xb8;
	[tilespmem:$0xD4A0] =	vst v63  }
0x49: {  	s24 =	simm.s32 $0x540;
	s25 =	simm.s32 $0x80A0  }
0x4a: {  	[tilespmem:s25], [sflag:$0x1] =	stream.indirect.gather [hbm4b:s3+s0], $0x8, s24, s0, $0xb8;
	[tilespmem:$0xD4A0] =	vst v63  }
0x4b: {  	s28 =	simm.s32 $0x5B0;
	s29 =	simm.s32 $0x8420  }
0x4c: {  	[tilespmem:s29], [sflag:$0x1] =	stream.indirect.gather [hbm4b:s3+s0], $0x8, s28, s0, $0xb8;
	[tilespmem:$0xD4A0] =	vst v63  }
0x4d: {  	s30 =	simm.s32 $0x620;
	s31 =	simm.s32 $0x87A0  }
0x4e: {  	[tilespmem:s31], [sflag:$0x1] =	stream.indirect.gather [hbm4b:s3+s0], $0x8, s30, s0, $0xb8;
	[tilespmem:$0xD4A0] =	vst v63  }
0x4f: {  	s2 =	simm.s32 $0x690;
	s5 =	simm.s32 $0x8B20  }
0x50: {  	[tilespmem:s5], [sflag:$0x1] =	stream.indirect.gather [hbm4b:s3+s0], $0x8, s2, s0, $0xb8;
	[tilespmem:$0xD4A0] =	vst v63  }
0x51: {  	s6 =	simm.s32 $0x700;
	s8 =	simm.s32 $0x8EA0  }
0x52: {  	[tilespmem:s8], [sflag:$0x1] =	stream.indirect.gather [hbm4b:s3+s0], $0x8, s6, s0, $0xb8;
	[tilespmem:$0xD4A0] =	vst v63  }
0x53: {  	s10 =	simm.s32 $0x770;
	s11 =	simm.s32 $0x9220  }
0x54: {  	[tilespmem:s11], [sflag:$0x1] =	stream.indirect.gather [hbm4b:s3+s0], $0x8, s10, s0, $0xb8;
	[tilespmem:$0xD4A0] =	vst v63  }
0x55: {  	_ =	swait.ge [sflag:s4], $0x3F00  }
0x56: {  	[sflag:s4] =	ssyncset.done $0x0  }
0x57: {  	s12 =	rddreg [dreg:$0x4];
	[sflag:s4] =	ssyncadd.s32 $0xFFFFC100  }
0x58: {  	[hbm4b:s12+s26] =	stream.linear.scatter [tilespmem:s9], [sflag:$0x2], $0x3F00, $0x38;
	[tilespmem:$0xD4A0] =	vst v63  }
0x59: {  	s13 =	simm.s32 $0x7E0;
	s15 =	simm.s32 $0x95A0  }
0x5a: {  	[tilespmem:s15], [sflag:$0x1] =	stream.indirect.gather [hbm4b:s3+s0], $0x8, s13, s0, $0xb8;
	[tilespmem:$0xD4A0] =	vst v63  }
0x5b: {  	s14 =	simm.s32 $0x850;
	s16 =	simm.s32 $0x9920  }
0x5c: {  	[tilespmem:s16], [sflag:$0x1] =	stream.indirect.gather [hbm4b:s3+s0], $0x8, s14, s0, $0xb8;
	[tilespmem:$0xD4A0] =	vst v63  }
0x5d: {  	s18 =	simm.s32 $0x8C0;
	s19 =	simm.s32 $0x9CA0  }
0x5e: {  	[tilespmem:s19], [sflag:$0x1] =	stream.indirect.gather [hbm4b:s3+s0], $0x8, s18, s0, $0xb8;
	[tilespmem:$0xD4A0] =	vst v63  }
0x5f: {  	s20 =	simm.s32 $0x930;
	s21 =	simm.s32 $0xA020  }
0x60: {  	[tilespmem:s21], [sflag:$0x1] =	stream.indirect.gather [hbm4b:s3+s0], $0x8, s20, s0, $0xb8;
	[tilespmem:$0xD4A0] =	vst v63  }
0x61: {  	s22 =	simm.s32 $0x9A0;
	s24 =	simm.s32 $0xA3A0  }
0x62: {  	[tilespmem:s24], [sflag:$0x1] =	stream.indirect.gather [hbm4b:s3+s0], $0x8, s22, s0, $0xb8;
	[tilespmem:$0xD4A0] =	vst v63  }
0x63: {  	s25 =	simm.s32 $0xA10;
	s28 =	simm.s32 $0xA720  }
0x64: {  	[tilespmem:s28], [sflag:$0x1] =	stream.indirect.gather [hbm4b:s3+s0], $0x8, s25, s0, $0xb8;
	[tilespmem:$0xD4A0] =	vst v63  }
0x65: {  	s29 =	simm.s32 $0xA80;
	s30 =	simm.s32 $0xAAA0  }
0x66: {  	[tilespmem:s30], [sflag:$0x1] =	stream.indirect.gather [hbm4b:s3+s0], $0x8, s29, s0, $0xb8;
	[tilespmem:$0xD4A0] =	vst v63  }
0x67: {  	s2 =	simm.s32 $0xAF0;
	s5 =	simm.s32 $0xAE20  }
0x68: {  	[tilespmem:s5], [sflag:$0x1] =	stream.indirect.gather [hbm4b:s3+s0], $0x8, s2, s0, $0xb8;
	[tilespmem:$0xD4A0] =	vst v63  }
0x69: {  	s6 =	simm.s32 $0xB60;
	s8 =	simm.s32 $0xB1A0  }
0x6a: {  	[tilespmem:s8], [sflag:$0x1] =	stream.indirect.gather [hbm4b:s3+s0], $0x8, s6, s0, $0xb8;
	[tilespmem:$0xD4A0] =	vst v63  }
0x6b: {  	s10 =	simm.s32 $0xBD0;
	s25 =	simm.s32 $0xB520  }
0x6c: {  	[tilespmem:s25], [sflag:$0x1] =	stream.indirect.gather [hbm4b:s3+s0], $0x8, s10, s0, $0xb8;
	[tilespmem:$0xD4A0] =	vst v63  }
0x6d: {  	s11 =	simm.s32 $0xC40;
	s24 =	simm.s32 $0xB8A0  }
0x6e: {  	[tilespmem:s24], [sflag:$0x1] =	stream.indirect.gather [hbm4b:s3+s0], $0x8, s11, s0, $0xb8;
	[tilespmem:$0xD4A0] =	vst v63  }
0x6f: {  	s13 =	simm.s32 $0xCB0;
	s21 =	simm.s32 $0xBC20  }
0x70: {  	[tilespmem:s21], [sflag:$0x1] =	stream.indirect.gather [hbm4b:s3+s0], $0x8, s13, s0, $0xb8;
	[tilespmem:$0xD4A0] =	vst v63  }
0x71: {  	s16 =	simm.s32 $0xD20;
	s19 =	simm.s32 $0xBFA0  }
0x72: {  	[tilespmem:s19], [sflag:$0x1] =	stream.indirect.gather [hbm4b:s3+s0], $0x8, s16, s0, $0xb8;
	[tilespmem:$0xD4A0] =	vst v63  }
0x73: {  	s18 =	simm.s32 $0xD90;
	s16 =	simm.s32 $0xC320  }
0x74: {  	[tilespmem:s16], [sflag:$0x1] =	stream.indirect.gather [hbm4b:s3+s0], $0x8, s18, s0, $0xb8;
	[tilespmem:$0xD4A0] =	vst v63  }
0x75: {  	s20 =	simm.s32 $0xE00;
	s2 =	simm.s32 $0xC6A0  }
0x76: {  	[tilespmem:s2], [sflag:$0x1] =	stream.indirect.gather [hbm4b:s3+s0], $0x8, s20, s0, $0xb8;
	[tilespmem:$0xD4A0] =	vst v63  }
0x77: {  	s22 =	simm.s32 $0xE70;
	s6 =	simm.s32 $0xCA20  }
0x78: {  	[tilespmem:s6], [sflag:$0x1] =	stream.indirect.gather [hbm4b:s3+s0], $0x8, s22, s0, $0xb8;
	[tilespmem:$0xD4A0] =	vst v63  }
0x79: {  	s28 =	simm.s32 $0xEE0;
	s5 =	simm.s32 $0xCDA0  }
0x7a: {  	[tilespmem:s5], [sflag:$0x1] =	stream.indirect.gather [hbm4b:s3+s0], $0x8, s28, s0, $0xb8;
	[tilespmem:$0xD4A0] =	vst v63  }
0x7b: {  	s29 =	simm.s32 $0xF50;
	s11 =	simm.s32 $0xD120  }
0x7c: {  	[tilespmem:s11], [sflag:$0x1] =	stream.indirect.gather [hbm4b:s3+s0], $0x8, s29, s0, $0xb8;
	[tilespmem:$0xD4A0] =	vst v63  }
0x7d: {  	_ =	swait.ge [sflag:s4], $0x3F00  }
0x7e: {  	[sflag:s4] =	ssyncset.done $0x0  }
0x7f: {  	s30 =	rddreg [dreg:$0x5];
	[sflag:s4] =	ssyncadd.s32 $0xFFFFC100  }
0x80: {  	[hbm4b:s30+s26] =	stream.linear.scatter [tilespmem:s15], [sflag:$0x3], $0x3F00, $0x38;
	[tilespmem:$0xD4A0] =	vst v63  }
0x81: {  	_ =	swait.ge [sflag:s17], $0x3F00  }
0x82: {  	[sflag:s17] =	ssyncset.done $0x0  }
0x83: {  	s1 =	simm.s32 $0xFC0;
	[sflag:s17] =	ssyncadd.s32 $0xFFFFC100  }
0x84: {  	[tilespmem:s9], [sflag:$0x1] =	stream.indirect.gather [hbm4b:s3+s0], $0x8, s1, s0, $0xb8;
	[tilespmem:$0xD4A0] =	vst v63  }
0x85: {  	s8 =	simm.s32 $0x1030;
	s9 =	simm.s32 $0x5A20  }
0x86: {  	[tilespmem:s9], [sflag:$0x1] =	stream.indirect.gather [hbm4b:s3+s0], $0x8, s8, s0, $0xb8;
	[tilespmem:$0xD4A0] =	vst v63  }
0x87: {  	s10 =	simm.s32 $0x10A0;
	s13 =	simm.s32 $0x5DA0  }
0x88: {  	[tilespmem:s13], [sflag:$0x1] =	stream.indirect.gather [hbm4b:s3+s0], $0x8, s10, s0, $0xb8;
	[tilespmem:$0xD4A0] =	vst v63  }
0x89: {  	s12 =	simm.s32 $0x6120;
	s18 =	simm.s32 $0x1110  }
0x8a: {  	[tilespmem:s12], [sflag:$0x1] =	stream.indirect.gather [hbm4b:s3+s0], $0x8, s18, s0, $0xb8;
	[tilespmem:$0xD4A0] =	vst v63  }
0x8b: {  	s14 =	simm.s32 $0x64A0;
	s20 =	simm.s32 $0x1180  }
0x8c: {  	[tilespmem:s14], [sflag:$0x1] =	stream.indirect.gather [hbm4b:s3+s0], $0x8, s20, s0, $0xb8;
	[tilespmem:$0xD4A0] =	vst v63  }
0x8d: {  	s22 =	simm.s32 $0x11F0;
	s8 =	simm.s32 $0x6820  }
0x8e: {  	[tilespmem:s8], [sflag:$0x1] =	stream.indirect.gather [hbm4b:s3+s0], $0x8, s22, s0, $0xb8;
	[tilespmem:$0xD4A0] =	vst v63  }
0x8f: {  	s28 =	simm.s32 $0x1260;
	s1 =	simm.s32 $0x6BA0  }
0x90: {  	[tilespmem:s1], [sflag:$0x1] =	stream.indirect.gather [hbm4b:s3+s0], $0x8, s28, s0, $0xb8;
	[tilespmem:$0xD4A0] =	vst v63  }
0x91: {  	s29 =	simm.s32 $0x12D0;
	s28 =	simm.s32 $0x6F20  }
0x92: {  	[tilespmem:s28], [sflag:$0x1] =	stream.indirect.gather [hbm4b:s3+s0], $0x8, s29, s0, $0xb8;
	[tilespmem:$0xD4A0] =	vst v63  }
0x93: {  	s30 =	simm.s32 $0x1340;
	s29 =	simm.s32 $0x72A0  }
0x94: {  	[tilespmem:s29], [sflag:$0x1] =	stream.indirect.gather [hbm4b:s3+s0], $0x8, s30, s0, $0xb8;
	[tilespmem:$0xD4A0] =	vst v63  }
0x95: {  	s9 =	simm.s32 $0x13B0;
	s30 =	simm.s32 $0x7620  }
0x96: {  	[tilespmem:s30], [sflag:$0x1] =	stream.indirect.gather [hbm4b:s3+s0], $0x8, s9, s0, $0xb8;
	[tilespmem:$0xD4A0] =	vst v63  }
0x97: {  	s10 =	simm.s32 $0x1420;
	s22 =	simm.s32 $0x79A0  }
0x98: {  	[tilespmem:s22], [sflag:$0x1] =	stream.indirect.gather [hbm4b:s3+s0], $0x8, s10, s0, $0xb8;
	[tilespmem:$0xD4A0] =	vst v63  }
0x99: {  	s13 =	simm.s32 $0x1490;
	s20 =	simm.s32 $0x7D20  }
0x9a: {  	[tilespmem:s20], [sflag:$0x1] =	stream.indirect.gather [hbm4b:s3+s0], $0x8, s13, s0, $0xb8;
	[tilespmem:$0xD4A0] =	vst v63  }
0x9b: {  	s18 =	simm.s32 $0x80A0;
	s14 =	simm.s32 $0x1500  }
0x9c: {  	[tilespmem:s18], [sflag:$0x1] =	stream.indirect.gather [hbm4b:s3+s0], $0x8, s14, s0, $0xb8;
	[tilespmem:$0xD4A0] =	vst v63  }
0x9d: {  	s9 =	simm.s32 $0x1570;
	s13 =	simm.s32 $0x8420  }
0x9e: {  	[tilespmem:s13], [sflag:$0x1] =	stream.indirect.gather [hbm4b:s3+s0], $0x8, s9, s0, $0xb8;
	[tilespmem:$0xD4A0] =	vst v63  }
0x9f: {  	s10 =	simm.s32 $0x15E0;
	s9 =	simm.s32 $0x87A0  }
0xa0: {  	[tilespmem:s9], [sflag:$0x1] =	stream.indirect.gather [hbm4b:s3+s0], $0x8, s10, s0, $0xb8;
	[tilespmem:$0xD4A0] =	vst v63  }
0xa1: {  	s31 =	simm.s32 $0x8B20;
	s10 =	simm.s32 $0x1650  }
0xa2: {  	[tilespmem:s31], [sflag:$0x1] =	stream.indirect.gather [hbm4b:s3+s0], $0x8, s10, s0, $0xb8;
	[tilespmem:$0xD4A0] =	vst v63  }
0xa3: {  	s10 =	simm.s32 $0x16C0;
	s31 =	simm.s32 $0x8EA0  }
0xa4: {  	[tilespmem:s31], [sflag:$0x1] =	stream.indirect.gather [hbm4b:s3+s0], $0x8, s10, s0, $0xb8;
	[tilespmem:$0xD4A0] =	vst v63  }
0xa5: {  	s7 =	simm.s32 $0x1730;
	s10 =	simm.s32 $0x9220  }
0xa6: {  	[tilespmem:s10], [sflag:$0x1] =	stream.indirect.gather [hbm4b:s3+s0], $0x8, s7, s0, $0xb8;
	[tilespmem:$0xD4A0] =	vst v63  }
0xa7: {  	_ =	swait.ge [sflag:s4], $0x3F00  }
0xa8: {  	[sflag:s4] =	ssyncset.done $0x0  }
0xa9: {  	s14 =	simm.s32 $0x56A0;
	s10 =	rddreg [dreg:$0x6];
	[sflag:s4] =	ssyncadd.s32 $0xFFFFC100  }
0xaa: {  	[hbm4b:s10+s26] =	stream.linear.scatter [tilespmem:s14], [sflag:$0x2], $0x3F00, $0x38;
	[tilespmem:$0xD4A0] =	vst v63  }
0xab: {  	_ =	swait.ge [sflag:s23], $0x3F00  }
0xac: {  	[sflag:s23] =	ssyncset.done $0x0  }
0xad: {  	s10 =	simm.s32 $0x17A0;
	[sflag:s23] =	ssyncadd.s32 $0xFFFFC100  }
0xae: {  	[tilespmem:s15], [sflag:$0x1] =	stream.indirect.gather [hbm4b:s3+s0], $0x8, s10, s0, $0xb8;
	[tilespmem:$0xD4A0] =	vst v63  }
0xaf: {  	s7 =	simm.s32 $0x1810;
	s10 =	simm.s32 $0x9920  }
0xb0: {  	[tilespmem:s10], [sflag:$0x1] =	stream.indirect.gather [hbm4b:s3+s0], $0x8, s7, s0, $0xb8;
	[tilespmem:$0xD4A0] =	vst v63  }
0xb1: {  	s7 =	simm.s32 $0x1880;
	s10 =	simm.s32 $0x9CA0  }
0xb2: {  	[tilespmem:s10], [sflag:$0x1] =	stream.indirect.gather [hbm4b:s3+s0], $0x8, s7, s0, $0xb8;
	[tilespmem:$0xD4A0] =	vst v63  }
0xb3: {  	s7 =	simm.s32 $0x18F0;
	s10 =	simm.s32 $0xA020  }
0xb4: {  	[tilespmem:s10], [sflag:$0x1] =	stream.indirect.gather [hbm4b:s3+s0], $0x8, s7, s0, $0xb8;
	[tilespmem:$0xD4A0] =	vst v63  }
0xb5: {  	s7 =	simm.s32 $0x1960;
	s10 =	simm.s32 $0xA3A0  }
0xb6: {  	[tilespmem:s10], [sflag:$0x1] =	stream.indirect.gather [hbm4b:s3+s0], $0x8, s7, s0, $0xb8;
	[tilespmem:$0xD4A0] =	vst v63  }
0xb7: {  	s7 =	simm.s32 $0x19D0;
	s10 =	simm.s32 $0xA720  }
0xb8: {  	[tilespmem:s10], [sflag:$0x1] =	stream.indirect.gather [hbm4b:s3+s0], $0x8, s7, s0, $0xb8;
	[tilespmem:$0xD4A0] =	vst v63  }
0xb9: {  	s7 =	simm.s32 $0x1A40;
	s10 =	simm.s32 $0xAAA0  }
0xba: {  	[tilespmem:s10], [sflag:$0x1] =	stream.indirect.gather [hbm4b:s3+s0], $0x8, s7, s0, $0xb8;
	[tilespmem:$0xD4A0] =	vst v63  }
0xbb: {  	s7 =	simm.s32 $0x1AB0;
	s10 =	simm.s32 $0xAE20  }
0xbc: {  	[tilespmem:s10], [sflag:$0x1] =	stream.indirect.gather [hbm4b:s3+s0], $0x8, s7, s0, $0xb8;
	[tilespmem:$0xD4A0] =	vst v63  }
0xbd: {  	s7 =	simm.s32 $0x1B20;
	s10 =	simm.s32 $0xB1A0  }
0xbe: {  	[tilespmem:s10], [sflag:$0x1] =	stream.indirect.gather [hbm4b:s3+s0], $0x8, s7, s0, $0xb8;
	[tilespmem:$0xD4A0] =	vst v63  }
0xbf: {  	s10 =	simm.s32 $0x1B90  }
0xc0: {  	[tilespmem:s25], [sflag:$0x1] =	stream.indirect.gather [hbm4b:s3+s0], $0x8, s10, s0, $0xb8;
	[tilespmem:$0xD4A0] =	vst v63  }
0xc1: {  	s10 =	simm.s32 $0x1C00  }
0xc2: {  	[tilespmem:s24], [sflag:$0x1] =	stream.indirect.gather [hbm4b:s3+s0], $0x8, s10, s0, $0xb8;
	[tilespmem:$0xD4A0] =	vst v63  }
0xc3: {  	s10 =	simm.s32 $0x1C70  }
0xc4: {  	[tilespmem:s21], [sflag:$0x1] =	stream.indirect.gather [hbm4b:s3+s0], $0x8, s10, s0, $0xb8;
	[tilespmem:$0xD4A0] =	vst v63  }
0xc5: {  	s10 =	simm.s32 $0x1CE0  }
0xc6: {  	[tilespmem:s19], [sflag:$0x1] =	stream.indirect.gather [hbm4b:s3+s0], $0x8, s10, s0, $0xb8;
	[tilespmem:$0xD4A0] =	vst v63  }
0xc7: {  	s10 =	simm.s32 $0x1D50  }
0xc8: {  	[tilespmem:s16], [sflag:$0x1] =	stream.indirect.gather [hbm4b:s3+s0], $0x8, s10, s0, $0xb8;
	[tilespmem:$0xD4A0] =	vst v63  }
0xc9: {  	s10 =	simm.s32 $0x1DC0  }
0xca: {  	[tilespmem:s2], [sflag:$0x1] =	stream.indirect.gather [hbm4b:s3+s0], $0x8, s10, s0, $0xb8;
	[tilespmem:$0xD4A0] =	vst v63  }
0xcb: {  	s10 =	simm.s32 $0x1E30  }
0xcc: {  	[tilespmem:s6], [sflag:$0x1] =	stream.indirect.gather [hbm4b:s3+s0], $0x8, s10, s0, $0xb8;
	[tilespmem:$0xD4A0] =	vst v63  }
0xcd: {  	s10 =	simm.s32 $0x1EA0  }
0xce: {  	[tilespmem:s5], [sflag:$0x1] =	stream.indirect.gather [hbm4b:s3+s0], $0x8, s10, s0, $0xb8;
	[tilespmem:$0xD4A0] =	vst v63  }
0xcf: {  	s10 =	simm.s32 $0x1F10  }
0xd0: {  	[tilespmem:s11], [sflag:$0x1] =	stream.indirect.gather [hbm4b:s3+s0], $0x8, s10, s0, $0xb8;
	[tilespmem:$0xD4A0] =	vst v63  }
0xd1: {  	_ =	swait.ge [sflag:s4], $0x3F00  }
0xd2: {  	[sflag:s4] =	ssyncset.done $0x0  }
0xd3: {  	s10 =	rddreg [dreg:$0x7];
	[sflag:s4] =	ssyncadd.s32 $0xFFFFC100  }
0xd4: {  	[hbm4b:s10+s26] =	stream.linear.scatter [tilespmem:s15], [sflag:$0x3], $0x3F00, $0x38;
	[tilespmem:$0xD4A0] =	vst v63  }
0xd5: {  	_ =	swait.ge [sflag:s17], $0x3F00  }
0xd6: {  	[sflag:s17] =	ssyncset.done $0x0  }
0xd7: {  	s10 =	simm.s32 $0x1F80;
	[sflag:s17] =	ssyncadd.s32 $0xFFFFC100  }
0xd8: {  	[tilespmem:s14], [sflag:$0x1] =	stream.indirect.gather [hbm4b:s3+s0], $0x8, s10, s0, $0xb8;
	[tilespmem:$0xD4A0] =	vst v63  }
0xd9: {  	s14 =	simm.s32 $0x1FF0;
	s10 =	simm.s32 $0x5A20  }
0xda: {  	[tilespmem:s10], [sflag:$0x1] =	stream.indirect.gather [hbm4b:s3+s0], $0x8, s14, s0, $0xb8;
	[tilespmem:$0xD4A0] =	vst v63  }
0xdb: {  	s10 =	simm.s32 $0x2060;
	s14 =	simm.s32 $0x5DA0  }
0xdc: {  	[tilespmem:s14], [sflag:$0x1] =	stream.indirect.gather [hbm4b:s3+s0], $0x8, s10, s0, $0xb8;
	[tilespmem:$0xD4A0] =	vst v63  }
0xdd: {  	s14 =	simm.s32 $0x20D0  }
0xde: {  	[tilespmem:s12], [sflag:$0x1] =	stream.indirect.gather [hbm4b:s3+s0], $0x8, s14, s0, $0xb8;
	[tilespmem:$0xD4A0] =	vst v63  }
0xdf: {  	s10 =	simm.s32 $0x2140;
	s12 =	simm.s32 $0x64A0  }
0xe0: {  	[tilespmem:s12], [sflag:$0x1] =	stream.indirect.gather [hbm4b:s3+s0], $0x8, s10, s0, $0xb8;
	[tilespmem:$0xD4A0] =	vst v63  }
0xe1: {  	s14 =	simm.s32 $0x21B0  }
0xe2: {  	[tilespmem:s8], [sflag:$0x1] =	stream.indirect.gather [hbm4b:s3+s0], $0x8, s14, s0, $0xb8;
	[tilespmem:$0xD4A0] =	vst v63  }
0xe3: {  	s10 =	simm.s32 $0x2220  }
0xe4: {  	[tilespmem:s1], [sflag:$0x1] =	stream.indirect.gather [hbm4b:s3+s0], $0x8, s10, s0, $0xb8;
	[tilespmem:$0xD4A0] =	vst v63  }
0xe5: {  	s14 =	simm.s32 $0x2290  }
0xe6: {  	[tilespmem:s28], [sflag:$0x1] =	stream.indirect.gather [hbm4b:s3+s0], $0x8, s14, s0, $0xb8;
	[tilespmem:$0xD4A0] =	vst v63  }
0xe7: {  	s28 =	simm.s32 $0x2300  }
0xe8: {  	[tilespmem:s29], [sflag:$0x1] =	stream.indirect.gather [hbm4b:s3+s0], $0x8, s28, s0, $0xb8;
	[tilespmem:$0xD4A0] =	vst v63  }
0xe9: {  	s1 =	simm.s32 $0x2370  }
0xea: {  	[tilespmem:s30], [sflag:$0x1] =	stream.indirect.gather [hbm4b:s3+s0], $0x8, s1, s0, $0xb8;
	[tilespmem:$0xD4A0] =	vst v63  }
0xeb: {  	s10 =	simm.s32 $0x23E0  }
0xec: {  	[tilespmem:s22], [sflag:$0x1] =	stream.indirect.gather [hbm4b:s3+s0], $0x8, s10, s0, $0xb8;
	[tilespmem:$0xD4A0] =	vst v63  }
0xed: {  	s14 =	simm.s32 $0x2450  }
0xee: {  	[tilespmem:s20], [sflag:$0x1] =	stream.indirect.gather [hbm4b:s3+s0], $0x8, s14, s0, $0xb8;
	[tilespmem:$0xD4A0] =	vst v63  }
0xef: {  	s22 =	simm.s32 $0x24C0  }
0xf0: {  	[tilespmem:s18], [sflag:$0x1] =	stream.indirect.gather [hbm4b:s3+s0], $0x8, s22, s0, $0xb8;
	[tilespmem:$0xD4A0] =	vst v63  }
0xf1: {  	s28 =	simm.s32 $0x2530  }
0xf2: {  	[tilespmem:s13], [sflag:$0x1] =	stream.indirect.gather [hbm4b:s3+s0], $0x8, s28, s0, $0xb8;
	[tilespmem:$0xD4A0] =	vst v63  }
0xf3: {  	s29 =	simm.s32 $0x25A0  }
0xf4: {  	[tilespmem:s9], [sflag:$0x1] =	stream.indirect.gather [hbm4b:s3+s0], $0x8, s29, s0, $0xb8;
	[tilespmem:$0xD4A0] =	vst v63  }
0xf5: {  	s30 =	simm.s32 $0x2610;
	s13 =	simm.s32 $0x8B20  }
0xf6: {  	[tilespmem:s13], [sflag:$0x1] =	stream.indirect.gather [hbm4b:s3+s0], $0x8, s30, s0, $0xb8;
	[tilespmem:$0xD4A0] =	vst v63  }
0xf7: {  	s1 =	simm.s32 $0x2680  }
0xf8: {  	[tilespmem:s31], [sflag:$0x1] =	stream.indirect.gather [hbm4b:s3+s0], $0x8, s1, s0, $0xb8;
	[tilespmem:$0xD4A0] =	vst v63  }
0xf9: {  	s10 =	simm.s32 $0x26F0;
	s14 =	simm.s32 $0x9220  }
0xfa: {  	[tilespmem:s14], [sflag:$0x1] =	stream.indirect.gather [hbm4b:s3+s0], $0x8, s10, s0, $0xb8;
	[tilespmem:$0xD4A0] =	vst v63  }
0xfb: {  	_ =	swait.ge [sflag:s4], $0x3F00  }
0xfc: {  	[sflag:s4] =	ssyncset.done $0x0  }
0xfd: {  	s9 =	simm.s32 $0x56A0;
	s18 =	rddreg [dreg:$0x8];
	[sflag:s4] =	ssyncadd.s32 $0xFFFFC100  }
0xfe: {  	[hbm4b:s18+s26] =	stream.linear.scatter [tilespmem:s9], [sflag:$0x2], $0x3F00, $0x38;
	[tilespmem:$0xD4A0] =	vst v63  }
0xff: {  	_ =	swait.ge [sflag:s23], $0x3F00  }
0x100: {  	[sflag:s23] =	ssyncset.done $0x0  }
0x101: {  	s20 =	simm.s32 $0x2760;
	[sflag:s23] =	ssyncadd.s32 $0xFFFFC100  }
0x102: {  	[tilespmem:s15], [sflag:$0x1] =	stream.indirect.gather [hbm4b:s3+s0], $0x8, s20, s0, $0xb8;
	[tilespmem:$0xD4A0] =	vst v63  }
0x103: {  	s22 =	simm.s32 $0x27D0;
	s29 =	simm.s32 $0x9920  }
0x104: {  	[tilespmem:s29], [sflag:$0x1] =	stream.indirect.gather [hbm4b:s3+s0], $0x8, s22, s0, $0xb8;
	[tilespmem:$0xD4A0] =	vst v63  }
0x105: {  	s28 =	simm.s32 $0x2840;
	s31 =	simm.s32 $0x9CA0  }
0x106: {  	[tilespmem:s31], [sflag:$0x1] =	stream.indirect.gather [hbm4b:s3+s0], $0x8, s28, s0, $0xb8;
	[tilespmem:$0xD4A0] =	vst v63  }
0x107: {  	s30 =	simm.s32 $0x28B0;
	s28 =	simm.s32 $0xA020  }
0x108: {  	[tilespmem:s28], [sflag:$0x1] =	stream.indirect.gather [hbm4b:s3+s0], $0x8, s30, s0, $0xb8;
	[tilespmem:$0xD4A0] =	vst v63  }
0x109: {  	s1 =	simm.s32 $0x2920;
	s10 =	simm.s32 $0xA3A0  }
0x10a: {  	[tilespmem:s10], [sflag:$0x1] =	stream.indirect.gather [hbm4b:s3+s0], $0x8, s1, s0, $0xb8;
	[tilespmem:$0xD4A0] =	vst v63  }
0x10b: {  	s18 =	simm.s32 $0x2990;
	s20 =	simm.s32 $0xA720  }
0x10c: {  	[tilespmem:s20], [sflag:$0x1] =	stream.indirect.gather [hbm4b:s3+s0], $0x8, s18, s0, $0xb8;
	[tilespmem:$0xD4A0] =	vst v63  }
0x10d: {  	s22 =	simm.s32 $0x2A00;
	s30 =	simm.s32 $0xAAA0  }
0x10e: {  	[tilespmem:s30], [sflag:$0x1] =	stream.indirect.gather [hbm4b:s3+s0], $0x8, s22, s0, $0xb8;
	[tilespmem:$0xD4A0] =	vst v63  }
0x10f: {  	s1 =	simm.s32 $0x2A70;
	s10 =	simm.s32 $0xAE20  }
0x110: {  	[tilespmem:s10], [sflag:$0x1] =	stream.indirect.gather [hbm4b:s3+s0], $0x8, s1, s0, $0xb8;
	[tilespmem:$0xD4A0] =	vst v63  }
0x111: {  	s18 =	simm.s32 $0x2AE0;
	s20 =	simm.s32 $0xB1A0  }
0x112: {  	[tilespmem:s20], [sflag:$0x1] =	stream.indirect.gather [hbm4b:s3+s0], $0x8, s18, s0, $0xb8;
	[tilespmem:$0xD4A0] =	vst v63  }
0x113: {  	s22 =	simm.s32 $0x2B50  }
0x114: {  	[tilespmem:s25], [sflag:$0x1] =	stream.indirect.gather [hbm4b:s3+s0], $0x8, s22, s0, $0xb8;
	[tilespmem:$0xD4A0] =	vst v63  }
0x115: {  	s1 =	simm.s32 $0x2BC0  }
0x116: {  	[tilespmem:s24], [sflag:$0x1] =	stream.indirect.gather [hbm4b:s3+s0], $0x8, s1, s0, $0xb8;
	[tilespmem:$0xD4A0] =	vst v63  }
0x117: {  	s10 =	simm.s32 $0x2C30  }
0x118: {  	[tilespmem:s21], [sflag:$0x1] =	stream.indirect.gather [hbm4b:s3+s0], $0x8, s10, s0, $0xb8;
	[tilespmem:$0xD4A0] =	vst v63  }
0x119: {  	s18 =	simm.s32 $0x2CA0  }
0x11a: {  	[tilespmem:s19], [sflag:$0x1] =	stream.indirect.gather [hbm4b:s3+s0], $0x8, s18, s0, $0xb8;
	[tilespmem:$0xD4A0] =	vst v63  }
0x11b: {  	s20 =	simm.s32 $0x2D10  }
0x11c: {  	[tilespmem:s16], [sflag:$0x1] =	stream.indirect.gather [hbm4b:s3+s0], $0x8, s20, s0, $0xb8;
	[tilespmem:$0xD4A0] =	vst v63  }
0x11d: {  	s22 =	simm.s32 $0x2D80  }
0x11e: {  	[tilespmem:s2], [sflag:$0x1] =	stream.indirect.gather [hbm4b:s3+s0], $0x8, s22, s0, $0xb8;
	[tilespmem:$0xD4A0] =	vst v63  }
0x11f: {  	s1 =	simm.s32 $0x2DF0  }
0x120: {  	[tilespmem:s6], [sflag:$0x1] =	stream.indirect.gather [hbm4b:s3+s0], $0x8, s1, s0, $0xb8;
	[tilespmem:$0xD4A0] =	vst v63  }
0x121: {  	s10 =	simm.s32 $0x2E60  }
0x122: {  	[tilespmem:s5], [sflag:$0x1] =	stream.indirect.gather [hbm4b:s3+s0], $0x8, s10, s0, $0xb8;
	[tilespmem:$0xD4A0] =	vst v63  }
0x123: {  	s18 =	simm.s32 $0x2ED0  }
0x124: {  	[tilespmem:s11], [sflag:$0x1] =	stream.indirect.gather [hbm4b:s3+s0], $0x8, s18, s0, $0xb8;
	[tilespmem:$0xD4A0] =	vst v63  }
0x125: {  	_ =	swait.ge [sflag:s4], $0x3F00  }
0x126: {  	[sflag:s4] =	ssyncset.done $0x0  }
0x127: {  	s20 =	rddreg [dreg:$0x9];
	[sflag:s4] =	ssyncadd.s32 $0xFFFFC100  }
0x128: {  	[hbm4b:s20+s26] =	stream.linear.scatter [tilespmem:s15], [sflag:$0x3], $0x3F00, $0x38;
	[tilespmem:$0xD4A0] =	vst v63  }
0x129: {  	_ =	swait.ge [sflag:s17], $0x3F00  }
0x12a: {  	[sflag:s17] =	ssyncset.done $0x0  }
0x12b: {  	s22 =	simm.s32 $0x2F40;
	[sflag:s17] =	ssyncadd.s32 $0xFFFFC100  }
0x12c: {  	[tilespmem:s9], [sflag:$0x1] =	stream.indirect.gather [hbm4b:s3+s0], $0x8, s22, s0, $0xb8;
	[tilespmem:$0xD4A0] =	vst v63  }
0x12d: {  	s1 =	simm.s32 $0x2FB0;
	s10 =	simm.s32 $0x5A20  }
0x12e: {  	[tilespmem:s10], [sflag:$0x1] =	stream.indirect.gather [hbm4b:s3+s0], $0x8, s1, s0, $0xb8;
	[tilespmem:$0xD4A0] =	vst v63  }
0x12f: {  	s18 =	simm.s32 $0x3020;
	s20 =	simm.s32 $0x5DA0  }
0x130: {  	[tilespmem:s20], [sflag:$0x1] =	stream.indirect.gather [hbm4b:s3+s0], $0x8, s18, s0, $0xb8;
	[tilespmem:$0xD4A0] =	vst v63  }
0x131: {  	s22 =	simm.s32 $0x3090;
	s10 =	simm.s32 $0x6120  }
0x132: {  	[tilespmem:s10], [sflag:$0x1] =	stream.indirect.gather [hbm4b:s3+s0], $0x8, s22, s0, $0xb8;
	[tilespmem:$0xD4A0] =	vst v63  }
0x133: {  	s1 =	simm.s32 $0x3100  }
0x134: {  	[tilespmem:s12], [sflag:$0x1] =	stream.indirect.gather [hbm4b:s3+s0], $0x8, s1, s0, $0xb8;
	[tilespmem:$0xD4A0] =	vst v63  }
0x135: {  	s18 =	simm.s32 $0x3170  }
0x136: {  	[tilespmem:s8], [sflag:$0x1] =	stream.indirect.gather [hbm4b:s3+s0], $0x8, s18, s0, $0xb8;
	[tilespmem:$0xD4A0] =	vst v63  }
0x137: {  	s20 =	simm.s32 $0x31E0;
	s22 =	simm.s32 $0x6BA0  }
0x138: {  	[tilespmem:s22], [sflag:$0x1] =	stream.indirect.gather [hbm4b:s3+s0], $0x8, s20, s0, $0xb8;
	[tilespmem:$0xD4A0] =	vst v63  }
0x139: {  	s1 =	simm.s32 $0x3250;
	s18 =	simm.s32 $0x6F20  }
0x13a: {  	[tilespmem:s18], [sflag:$0x1] =	stream.indirect.gather [hbm4b:s3+s0], $0x8, s1, s0, $0xb8;
	[tilespmem:$0xD4A0] =	vst v63  }
0x13b: {  	s20 =	simm.s32 $0x32C0;
	s22 =	simm.s32 $0x72A0  }
0x13c: {  	[tilespmem:s22], [sflag:$0x1] =	stream.indirect.gather [hbm4b:s3+s0], $0x8, s20, s0, $0xb8;
	[tilespmem:$0xD4A0] =	vst v63  }
0x13d: {  	s1 =	simm.s32 $0x3330;
	s22 =	simm.s32 $0x7620  }
0x13e: {  	[tilespmem:s22], [sflag:$0x1] =	stream.indirect.gather [hbm4b:s3+s0], $0x8, s1, s0, $0xb8;
	[tilespmem:$0xD4A0] =	vst v63  }
0x13f: {  	s18 =	simm.s32 $0x33A0;
	s20 =	simm.s32 $0x79A0  }
0x140: {  	[tilespmem:s20], [sflag:$0x1] =	stream.indirect.gather [hbm4b:s3+s0], $0x8, s18, s0, $0xb8;
	[tilespmem:$0xD4A0] =	vst v63  }
0x141: {  	s1 =	simm.s32 $0x3410;
	s18 =	simm.s32 $0x7D20  }
0x142: {  	[tilespmem:s18], [sflag:$0x1] =	stream.indirect.gather [hbm4b:s3+s0], $0x8, s1, s0, $0xb8;
	[tilespmem:$0xD4A0] =	vst v63  }
0x143: {  	s7 =	simm.s32 $0x3480;
	s1 =	simm.s32 $0x80A0  }
0x144: {  	[tilespmem:s1], [sflag:$0x1] =	stream.indirect.gather [hbm4b:s3+s0], $0x8, s7, s0, $0xb8;
	[tilespmem:$0xD4A0] =	vst v63  }
0x145: {  	s7 =	simm.s32 $0x34F0;
	s1 =	simm.s32 $0x8420  }
0x146: {  	[tilespmem:s1], [sflag:$0x1] =	stream.indirect.gather [hbm4b:s3+s0], $0x8, s7, s0, $0xb8;
	[tilespmem:$0xD4A0] =	vst v63  }
0x147: {  	s7 =	simm.s32 $0x3560;
	s1 =	simm.s32 $0x87A0  }
0x148: {  	[tilespmem:s1], [sflag:$0x1] =	stream.indirect.gather [hbm4b:s3+s0], $0x8, s7, s0, $0xb8;
	[tilespmem:$0xD4A0] =	vst v63  }
0x149: {  	s1 =	simm.s32 $0x35D0  }
0x14a: {  	[tilespmem:s13], [sflag:$0x1] =	stream.indirect.gather [hbm4b:s3+s0], $0x8, s1, s0, $0xb8;
	[tilespmem:$0xD4A0] =	vst v63  }
0x14b: {  	s1 =	simm.s32 $0x3640;
	s13 =	simm.s32 $0x8EA0  }
0x14c: {  	[tilespmem:s13], [sflag:$0x1] =	stream.indirect.gather [hbm4b:s3+s0], $0x8, s1, s0, $0xb8;
	[tilespmem:$0xD4A0] =	vst v63  }
0x14d: {  	s1 =	simm.s32 $0x36B0  }
0x14e: {  	[tilespmem:s14], [sflag:$0x1] =	stream.indirect.gather [hbm4b:s3+s0], $0x8, s1, s0, $0xb8;
	[tilespmem:$0xD4A0] =	vst v63  }
0x14f: {  	_ =	swait.ge [sflag:s4], $0x3F00  }
0x150: {  	[sflag:s4] =	ssyncset.done $0x0  }
0x151: {  	s1 =	rddreg [dreg:$0xa];
	[sflag:s4] =	ssyncadd.s32 $0xFFFFC100  }
0x152: {  	[hbm4b:s1+s26] =	stream.linear.scatter [tilespmem:s9], [sflag:$0x2], $0x3F00, $0x38;
	[tilespmem:$0xD4A0] =	vst v63  }
0x153: {  	_ =	swait.ge [sflag:s23], $0x3F00  }
0x154: {  	[sflag:s23] =	ssyncset.done $0x0  }
0x155: {  	s1 =	simm.s32 $0x3720;
	[sflag:s23] =	ssyncadd.s32 $0xFFFFC100  }
0x156: {  	[tilespmem:s15], [sflag:$0x1] =	stream.indirect.gather [hbm4b:s3+s0], $0x8, s1, s0, $0xb8;
	[tilespmem:$0xD4A0] =	vst v63  }
0x157: {  	s1 =	simm.s32 $0x3790  }
0x158: {  	[tilespmem:s29], [sflag:$0x1] =	stream.indirect.gather [hbm4b:s3+s0], $0x8, s1, s0, $0xb8;
	[tilespmem:$0xD4A0] =	vst v63  }
0x159: {  	s1 =	simm.s32 $0x3800  }
0x15a: {  	[tilespmem:s31], [sflag:$0x1] =	stream.indirect.gather [hbm4b:s3+s0], $0x8, s1, s0, $0xb8;
	[tilespmem:$0xD4A0] =	vst v63  }
0x15b: {  	s1 =	simm.s32 $0x3870  }
0x15c: {  	[tilespmem:s28], [sflag:$0x1] =	stream.indirect.gather [hbm4b:s3+s0], $0x8, s1, s0, $0xb8;
	[tilespmem:$0xD4A0] =	vst v63  }
0x15d: {  	s1 =	simm.s32 $0x38E0;
	s28 =	simm.s32 $0xA3A0  }
0x15e: {  	[tilespmem:s28], [sflag:$0x1] =	stream.indirect.gather [hbm4b:s3+s0], $0x8, s1, s0, $0xb8;
	[tilespmem:$0xD4A0] =	vst v63  }
0x15f: {  	s1 =	simm.s32 $0x3950;
	s28 =	simm.s32 $0xA720  }
0x160: {  	[tilespmem:s28], [sflag:$0x1] =	stream.indirect.gather [hbm4b:s3+s0], $0x8, s1, s0, $0xb8;
	[tilespmem:$0xD4A0] =	vst v63  }
0x161: {  	s1 =	simm.s32 $0x39C0  }
0x162: {  	[tilespmem:s30], [sflag:$0x1] =	stream.indirect.gather [hbm4b:s3+s0], $0x8, s1, s0, $0xb8;
	[tilespmem:$0xD4A0] =	vst v63  }
0x163: {  	s1 =	simm.s32 $0x3A30;
	s30 =	simm.s32 $0xAE20  }
0x164: {  	[tilespmem:s30], [sflag:$0x1] =	stream.indirect.gather [hbm4b:s3+s0], $0x8, s1, s0, $0xb8;
	[tilespmem:$0xD4A0] =	vst v63  }
0x165: {  	s1 =	simm.s32 $0x3AA0;
	s30 =	simm.s32 $0xB1A0  }
0x166: {  	[tilespmem:s30], [sflag:$0x1] =	stream.indirect.gather [hbm4b:s3+s0], $0x8, s1, s0, $0xb8;
	[tilespmem:$0xD4A0] =	vst v63  }
0x167: {  	s30 =	simm.s32 $0x3B10  }
0x168: {  	[tilespmem:s25], [sflag:$0x1] =	stream.indirect.gather [hbm4b:s3+s0], $0x8, s30, s0, $0xb8;
	[tilespmem:$0xD4A0] =	vst v63  }
0x169: {  	s1 =	simm.s32 $0x3B80  }
0x16a: {  	[tilespmem:s24], [sflag:$0x1] =	stream.indirect.gather [hbm4b:s3+s0], $0x8, s1, s0, $0xb8;
	[tilespmem:$0xD4A0] =	vst v63  }
0x16b: {  	s30 =	simm.s32 $0x3BF0  }
0x16c: {  	[tilespmem:s21], [sflag:$0x1] =	stream.indirect.gather [hbm4b:s3+s0], $0x8, s30, s0, $0xb8;
	[tilespmem:$0xD4A0] =	vst v63  }
0x16d: {  	s1 =	simm.s32 $0x3C60  }
0x16e: {  	[tilespmem:s19], [sflag:$0x1] =	stream.indirect.gather [hbm4b:s3+s0], $0x8, s1, s0, $0xb8;
	[tilespmem:$0xD4A0] =	vst v63  }
0x16f: {  	s30 =	simm.s32 $0x3CD0  }
0x170: {  	[tilespmem:s16], [sflag:$0x1] =	stream.indirect.gather [hbm4b:s3+s0], $0x8, s30, s0, $0xb8;
	[tilespmem:$0xD4A0] =	vst v63  }
0x171: {  	s1 =	simm.s32 $0x3D40  }
0x172: {  	[tilespmem:s2], [sflag:$0x1] =	stream.indirect.gather [hbm4b:s3+s0], $0x8, s1, s0, $0xb8;
	[tilespmem:$0xD4A0] =	vst v63  }
0x173: {  	s30 =	simm.s32 $0x3DB0  }
0x174: {  	[tilespmem:s6], [sflag:$0x1] =	stream.indirect.gather [hbm4b:s3+s0], $0x8, s30, s0, $0xb8;
	[tilespmem:$0xD4A0] =	vst v63  }
0x175: {  	s1 =	simm.s32 $0x3E20  }
0x176: {  	[tilespmem:s5], [sflag:$0x1] =	stream.indirect.gather [hbm4b:s3+s0], $0x8, s1, s0, $0xb8;
	[tilespmem:$0xD4A0] =	vst v63  }
0x177: {  	s30 =	simm.s32 $0x3E90  }
0x178: {  	[tilespmem:s11], [sflag:$0x1] =	stream.indirect.gather [hbm4b:s3+s0], $0x8, s30, s0, $0xb8;
	[tilespmem:$0xD4A0] =	vst v63  }
0x179: {  	_ =	swait.ge [sflag:s4], $0x3F00  }
0x17a: {  	[sflag:s4] =	ssyncset.done $0x0  }
0x17b: {  	s1 =	rddreg [dreg:$0xb];
	[sflag:s4] =	ssyncadd.s32 $0xFFFFC100  }
0x17c: {  	[hbm4b:s1+s26] =	stream.linear.scatter [tilespmem:s15], [sflag:$0x3], $0x3F00, $0x38;
	[tilespmem:$0xD4A0] =	vst v63  }
0x17d: {  	_ =	swait.ge [sflag:s17], $0x3F00  }
0x17e: {  	[sflag:s17] =	ssyncset.done $0x0  }
0x17f: {  	s30 =	simm.s32 $0x3F00;
	[sflag:s17] =	ssyncadd.s32 $0xFFFFC100  }
0x180: {  	[tilespmem:s9], [sflag:$0x1] =	stream.indirect.gather [hbm4b:s3+s0], $0x8, s30, s0, $0xb8;
	[tilespmem:$0xD4A0] =	vst v63  }
0x181: {  	s1 =	simm.s32 $0x3F70;
	s30 =	simm.s32 $0x5A20  }
0x182: {  	[tilespmem:s30], [sflag:$0x1] =	stream.indirect.gather [hbm4b:s3+s0], $0x8, s1, s0, $0xb8;
	[tilespmem:$0xD4A0] =	vst v63  }
0x183: {  	s30 =	simm.s32 $0x5DA0;
	s1 =	simm.s32 $0x3FE0  }
0x184: {  	[tilespmem:s30], [sflag:$0x1] =	stream.indirect.gather [hbm4b:s3+s0], $0x8, s1, s0, $0xb8;
	[tilespmem:$0xD4A0] =	vst v63  }
0x185: {  	s1 =	simm.s32 $0x4050  }
0x186: {  	[tilespmem:s10], [sflag:$0x1] =	stream.indirect.gather [hbm4b:s3+s0], $0x8, s1, s0, $0xb8;
	[tilespmem:$0xD4A0] =	vst v63  }
0x187: {  	s1 =	simm.s32 $0x40C0  }
0x188: {  	[tilespmem:s12], [sflag:$0x1] =	stream.indirect.gather [hbm4b:s3+s0], $0x8, s1, s0, $0xb8;
	[tilespmem:$0xD4A0] =	vst v63  }
0x189: {  	s1 =	simm.s32 $0x4130  }
0x18a: {  	[tilespmem:s8], [sflag:$0x1] =	stream.indirect.gather [hbm4b:s3+s0], $0x8, s1, s0, $0xb8;
	[tilespmem:$0xD4A0] =	vst v63  }
0x18b: {  	s7 =	simm.s32 $0x41A0;
	s1 =	simm.s32 $0x6BA0  }
0x18c: {  	[tilespmem:s1], [sflag:$0x1] =	stream.indirect.gather [hbm4b:s3+s0], $0x8, s7, s0, $0xb8;
	[tilespmem:$0xD4A0] =	vst v63  }
0x18d: {  	s7 =	simm.s32 $0x4210;
	s1 =	simm.s32 $0x6F20  }
0x18e: {  	[tilespmem:s1], [sflag:$0x1] =	stream.indirect.gather [hbm4b:s3+s0], $0x8, s7, s0, $0xb8;
	[tilespmem:$0xD4A0] =	vst v63  }
0x18f: {  	s7 =	simm.s32 $0x4280;
	s1 =	simm.s32 $0x72A0  }
0x190: {  	[tilespmem:s1], [sflag:$0x1] =	stream.indirect.gather [hbm4b:s3+s0], $0x8, s7, s0, $0xb8;
	[tilespmem:$0xD4A0] =	vst v63  }
0x191: {  	s1 =	simm.s32 $0x42F0  }
0x192: {  	[tilespmem:s22], [sflag:$0x1] =	stream.indirect.gather [hbm4b:s3+s0], $0x8, s1, s0, $0xb8;
	[tilespmem:$0xD4A0] =	vst v63  }
0x193: {  	s1 =	simm.s32 $0x4360  }
0x194: {  	[tilespmem:s20], [sflag:$0x1] =	stream.indirect.gather [hbm4b:s3+s0], $0x8, s1, s0, $0xb8;
	[tilespmem:$0xD4A0] =	vst v63  }
0x195: {  	s22 =	simm.s32 $0x43D0  }
0x196: {  	[tilespmem:s18], [sflag:$0x1] =	stream.indirect.gather [hbm4b:s3+s0], $0x8, s22, s0, $0xb8;
	[tilespmem:$0xD4A0] =	vst v63  }
0x197: {  	s1 =	simm.s32 $0x4440;
	s18 =	simm.s32 $0x80A0  }
0x198: {  	[tilespmem:s18], [sflag:$0x1] =	stream.indirect.gather [hbm4b:s3+s0], $0x8, s1, s0, $0xb8;
	[tilespmem:$0xD4A0] =	vst v63  }
0x199: {  	s20 =	simm.s32 $0x44B0;
	s22 =	simm.s32 $0x8420  }
0x19a: {  	[tilespmem:s22], [sflag:$0x1] =	stream.indirect.gather [hbm4b:s3+s0], $0x8, s20, s0, $0xb8;
	[tilespmem:$0xD4A0] =	vst v63  }
0x19b: {  	s1 =	simm.s32 $0x4520;
	s20 =	simm.s32 $0x87A0  }
0x19c: {  	[tilespmem:s20], [sflag:$0x1] =	stream.indirect.gather [hbm4b:s3+s0], $0x8, s1, s0, $0xb8;
	[tilespmem:$0xD4A0] =	vst v63  }
0x19d: {  	s7 =	simm.s32 $0x4590;
	s1 =	simm.s32 $0x8B20  }
0x19e: {  	[tilespmem:s1], [sflag:$0x1] =	stream.indirect.gather [hbm4b:s3+s0], $0x8, s7, s0, $0xb8;
	[tilespmem:$0xD4A0] =	vst v63  }
0x19f: {  	s1 =	simm.s32 $0x4600  }
0x1a0: {  	[tilespmem:s13], [sflag:$0x1] =	stream.indirect.gather [hbm4b:s3+s0], $0x8, s1, s0, $0xb8;
	[tilespmem:$0xD4A0] =	vst v63  }
0x1a1: {  	s14 =	simm.s32 $0x9220;
	s1 =	simm.s32 $0x4670  }
0x1a2: {  	[tilespmem:s14], [sflag:$0x1] =	stream.indirect.gather [hbm4b:s3+s0], $0x8, s1, s0, $0xb8;
	[tilespmem:$0xD4A0] =	vst v63  }
0x1a3: {  	_ =	swait.ge [sflag:s4], $0x3F00  }
0x1a4: {  	[sflag:s4] =	ssyncset.done $0x0  }
0x1a5: {  	s1 =	rddreg [dreg:$0xc];
	[sflag:s4] =	ssyncadd.s32 $0xFFFFC100  }
0x1a6: {  	[hbm4b:s1+s26] =	stream.linear.scatter [tilespmem:s9], [sflag:$0x2], $0x3F00, $0x38;
	[tilespmem:$0xD4A0] =	vst v63  }
0x1a7: {  	_ =	swait.ge [sflag:s23], $0x3F00  }
0x1a8: {  	[sflag:s23] =	ssyncset.done $0x0  }
0x1a9: {  	s1 =	simm.s32 $0x46E0;
	[sflag:s23] =	ssyncadd.s32 $0xFFFFC100  }
0x1aa: {  	[tilespmem:s15], [sflag:$0x1] =	stream.indirect.gather [hbm4b:s3+s0], $0x8, s1, s0, $0xb8;
	[tilespmem:$0xD4A0] =	vst v63  }
0x1ab: {  	s29 =	simm.s32 $0x9920;
	s1 =	simm.s32 $0x4750  }
0x1ac: {  	[tilespmem:s29], [sflag:$0x1] =	stream.indirect.gather [hbm4b:s3+s0], $0x8, s1, s0, $0xb8;
	[tilespmem:$0xD4A0] =	vst v63  }
0x1ad: {  	s31 =	simm.s32 $0x9CA0;
	s29 =	simm.s32 $0x47C0  }
0x1ae: {  	[tilespmem:s31], [sflag:$0x1] =	stream.indirect.gather [hbm4b:s3+s0], $0x8, s29, s0, $0xb8;
	[tilespmem:$0xD4A0] =	vst v63  }
0x1af: {  	s1 =	simm.s32 $0x4830;
	s31 =	simm.s32 $0xA020  }
0x1b0: {  	[tilespmem:s31], [sflag:$0x1] =	stream.indirect.gather [hbm4b:s3+s0], $0x8, s1, s0, $0xb8;
	[tilespmem:$0xD4A0] =	vst v63  }
0x1b1: {  	s1 =	simm.s32 $0x48A0;
	s31 =	simm.s32 $0xA3A0  }
0x1b2: {  	[tilespmem:s31], [sflag:$0x1] =	stream.indirect.gather [hbm4b:s3+s0], $0x8, s1, s0, $0xb8;
	[tilespmem:$0xD4A0] =	vst v63  }
0x1b3: {  	s1 =	simm.s32 $0x4910  }
0x1b4: {  	[tilespmem:s28], [sflag:$0x1] =	stream.indirect.gather [hbm4b:s3+s0], $0x8, s1, s0, $0xb8;
	[tilespmem:$0xD4A0] =	vst v63  }
0x1b5: {  	s31 =	simm.s32 $0xAAA0;
	s28 =	simm.s32 $0x4980  }
0x1b6: {  	[tilespmem:s31], [sflag:$0x1] =	stream.indirect.gather [hbm4b:s3+s0], $0x8, s28, s0, $0xb8;
	[tilespmem:$0xD4A0] =	vst v63  }
0x1b7: {  	s28 =	simm.s32 $0x49F0;
	s31 =	simm.s32 $0xAE20  }
0x1b8: {  	[tilespmem:s31], [sflag:$0x1] =	stream.indirect.gather [hbm4b:s3+s0], $0x8, s28, s0, $0xb8;
	[tilespmem:$0xD4A0] =	vst v63  }
0x1b9: {  	s1 =	simm.s32 $0x4A60;
	s28 =	simm.s32 $0xB1A0  }
0x1ba: {  	[tilespmem:s28], [sflag:$0x1] =	stream.indirect.gather [hbm4b:s3+s0], $0x8, s1, s0, $0xb8;
	[tilespmem:$0xD4A0] =	vst v63  }
0x1bb: {  	s31 =	simm.s32 $0x4AD0  }
0x1bc: {  	[tilespmem:s25], [sflag:$0x1] =	stream.indirect.gather [hbm4b:s3+s0], $0x8, s31, s0, $0xb8;
	[tilespmem:$0xD4A0] =	vst v63  }
0x1bd: {  	s1 =	simm.s32 $0x4B40  }
0x1be: {  	[tilespmem:s24], [sflag:$0x1] =	stream.indirect.gather [hbm4b:s3+s0], $0x8, s1, s0, $0xb8;
	[tilespmem:$0xD4A0] =	vst v63  }
0x1bf: {  	s24 =	simm.s32 $0x4BB0  }
0x1c0: {  	[tilespmem:s21], [sflag:$0x1] =	stream.indirect.gather [hbm4b:s3+s0], $0x8, s24, s0, $0xb8;
	[tilespmem:$0xD4A0] =	vst v63  }
0x1c1: {  	s25 =	simm.s32 $0x4C20  }
0x1c2: {  	[tilespmem:s19], [sflag:$0x1] =	stream.indirect.gather [hbm4b:s3+s0], $0x8, s25, s0, $0xb8;
	[tilespmem:$0xD4A0] =	vst v63  }
0x1c3: {  	s28 =	simm.s32 $0x4C90  }
0x1c4: {  	[tilespmem:s16], [sflag:$0x1] =	stream.indirect.gather [hbm4b:s3+s0], $0x8, s28, s0, $0xb8;
	[tilespmem:$0xD4A0] =	vst v63  }
0x1c5: {  	s31 =	simm.s32 $0x4D00  }
0x1c6: {  	[tilespmem:s2], [sflag:$0x1] =	stream.indirect.gather [hbm4b:s3+s0], $0x8, s31, s0, $0xb8;
	[tilespmem:$0xD4A0] =	vst v63  }
0x1c7: {  	s1 =	simm.s32 $0x4D70  }
0x1c8: {  	[tilespmem:s6], [sflag:$0x1] =	stream.indirect.gather [hbm4b:s3+s0], $0x8, s1, s0, $0xb8;
	[tilespmem:$0xD4A0] =	vst v63  }
0x1c9: {  	s2 =	simm.s32 $0x4DE0  }
0x1ca: {  	[tilespmem:s5], [sflag:$0x1] =	stream.indirect.gather [hbm4b:s3+s0], $0x8, s2, s0, $0xb8;
	[tilespmem:$0xD4A0] =	vst v63  }
0x1cb: {  	s7 =	simm.s32 $0x4E50  }
0x1cc: {  	[tilespmem:s11], [sflag:$0x1] =	stream.indirect.gather [hbm4b:s3+s0], $0x8, s7, s0, $0xb8;
	[tilespmem:$0xD4A0] =	vst v63  }
0x1cd: {  	_ =	swait.ge [sflag:s4], $0x3F00  }
0x1ce: {  	[sflag:s4] =	ssyncset.done $0x0  }
0x1cf: {  	s11 =	rddreg [dreg:$0xd];
	[sflag:s4] =	ssyncadd.s32 $0xFFFFC100  }
0x1d0: {  	[hbm4b:s11+s26] =	stream.linear.scatter [tilespmem:s15], [sflag:$0x3], $0x3F00, $0x38;
	[tilespmem:$0xD4A0] =	vst v63  }
0x1d1: {  	_ =	swait.ge [sflag:s17], $0x3F00  }
0x1d2: {  	[sflag:s17] =	ssyncset.done $0x0  }
0x1d3: {  	s15 =	simm.s32 $0x4EC0;
	[sflag:s17] =	ssyncadd.s32 $0xFFFFC100  }
0x1d4: {  	[tilespmem:s9], [sflag:$0x1] =	stream.indirect.gather [hbm4b:s3+s0], $0x8, s15, s0, $0xb8;
	[tilespmem:$0xD4A0] =	vst v63  }
0x1d5: {  	s29 =	simm.s32 $0x5A20;
	s16 =	simm.s32 $0x4F30  }
0x1d6: {  	[tilespmem:s29], [sflag:$0x1] =	stream.indirect.gather [hbm4b:s3+s0], $0x8, s16, s0, $0xb8;
	[tilespmem:$0xD4A0] =	vst v63  }
0x1d7: {  	s19 =	simm.s32 $0x4FA0  }
0x1d8: {  	[tilespmem:s30], [sflag:$0x1] =	stream.indirect.gather [hbm4b:s3+s0], $0x8, s19, s0, $0xb8;
	[tilespmem:$0xD4A0] =	vst v63  }
0x1d9: {  	s21 =	simm.s32 $0x5010  }
0x1da: {  	[tilespmem:s10], [sflag:$0x1] =	stream.indirect.gather [hbm4b:s3+s0], $0x8, s21, s0, $0xb8;
	[tilespmem:$0xD4A0] =	vst v63  }
0x1db: {  	s24 =	simm.s32 $0x5080  }
0x1dc: {  	[tilespmem:s12], [sflag:$0x1] =	stream.indirect.gather [hbm4b:s3+s0], $0x8, s24, s0, $0xb8;
	[tilespmem:$0xD4A0] =	vst v63  }
0x1dd: {  	s25 =	simm.s32 $0x50F0  }
0x1de: {  	[tilespmem:s8], [sflag:$0x1] =	stream.indirect.gather [hbm4b:s3+s0], $0x8, s25, s0, $0xb8;
	[tilespmem:$0xD4A0] =	vst v63  }
0x1df: {  	s28 =	simm.s32 $0x5160;
	s29 =	simm.s32 $0x6BA0  }
0x1e0: {  	[tilespmem:s29], [sflag:$0x1] =	stream.indirect.gather [hbm4b:s3+s0], $0x8, s28, s0, $0xb8;
	[tilespmem:$0xD4A0] =	vst v63  }
0x1e1: {  	s31 =	simm.s32 $0x6F20;
	s30 =	simm.s32 $0x51D0  }
0x1e2: {  	[tilespmem:s31], [sflag:$0x1] =	stream.indirect.gather [hbm4b:s3+s0], $0x8, s30, s0, $0xb8;
	[tilespmem:$0xD4A0] =	vst v63  }
0x1e3: {  	s6 =	simm.s32 $0x72A0;
	s5 =	simm.s32 $0x5240  }
0x1e4: {  	[tilespmem:s6], [sflag:$0x1] =	stream.indirect.gather [hbm4b:s3+s0], $0x8, s5, s0, $0xb8;
	[tilespmem:$0xD4A0] =	vst v63  }
0x1e5: {  	s7 =	simm.s32 $0x52B0;
	s8 =	simm.s32 $0x7620  }
0x1e6: {  	[tilespmem:s8], [sflag:$0x1] =	stream.indirect.gather [hbm4b:s3+s0], $0x8, s7, s0, $0xb8;
	[tilespmem:$0xD4A0] =	vst v63  }
0x1e7: {  	s11 =	simm.s32 $0x79A0;
	s10 =	simm.s32 $0x5320  }
0x1e8: {  	[tilespmem:s11], [sflag:$0x1] =	stream.indirect.gather [hbm4b:s3+s0], $0x8, s10, s0, $0xb8;
	[tilespmem:$0xD4A0] =	vst v63  }
0x1e9: {  	s15 =	simm.s32 $0x7D20;
	s12 =	simm.s32 $0x5390  }
0x1ea: {  	[tilespmem:s15], [sflag:$0x1] =	stream.indirect.gather [hbm4b:s3+s0], $0x8, s12, s0, $0xb8;
	[tilespmem:$0xD4A0] =	vst v63  }
0x1eb: {  	s18 =	simm.s32 $0x80A0;
	s16 =	simm.s32 $0x5400  }
0x1ec: {  	[tilespmem:s18], [sflag:$0x1] =	stream.indirect.gather [hbm4b:s3+s0], $0x8, s16, s0, $0xb8;
	[tilespmem:$0xD4A0] =	vst v63  }
0x1ed: {  	s22 =	simm.s32 $0x8420;
	s19 =	simm.s32 $0x5470  }
0x1ee: {  	[tilespmem:s22], [sflag:$0x1] =	stream.indirect.gather [hbm4b:s3+s0], $0x8, s19, s0, $0xb8;
	[tilespmem:$0xD4A0] =	vst v63  }
0x1ef: {  	s20 =	simm.s32 $0x87A0;
	s21 =	simm.s32 $0x54E0  }
0x1f0: {  	[tilespmem:s20], [sflag:$0x1] =	stream.indirect.gather [hbm4b:s3+s0], $0x8, s21, s0, $0xb8;
	[tilespmem:$0xD4A0] =	vst v63  }
0x1f1: {  	s24 =	simm.s32 $0x8B20;
	s22 =	simm.s32 $0x5550  }
0x1f2: {  	[tilespmem:s24], [sflag:$0x1] =	stream.indirect.gather [hbm4b:s3+s0], $0x8, s22, s0, $0xb8;
	[tilespmem:$0xD4A0] =	vst v63  }
0x1f3: {  	s13 =	simm.s32 $0x8EA0;
	s25 =	simm.s32 $0x55C0  }
0x1f4: {  	[tilespmem:s13], [sflag:$0x1] =	stream.indirect.gather [hbm4b:s3+s0], $0x8, s25, s0, $0xb8;
	[tilespmem:$0xD4A0] =	vst v63  }
0x1f5: {  	s28 =	simm.s32 $0x5630  }
0x1f6: {  	[tilespmem:s14], [sflag:$0x1] =	stream.indirect.gather [hbm4b:s3+s0], $0x8, s28, s0, $0xb8;
	[tilespmem:$0xD4A0] =	vst v63  }
0x1f7: {  	_ =	swait.ge [sflag:s4], $0x3F00  }
0x1f8: {  	[sflag:s4] =	ssyncset.done $0x0  }
0x1f9: {  	s29 =	rddreg [dreg:$0xe];
	[sflag:s4] =	ssyncadd.s32 $0xFFFFC100  }
0x1fa: {  	[hbm4b:s29+s26] =	stream.linear.scatter [tilespmem:s9], [sflag:$0x2], $0x3F00, $0x38;
	[tilespmem:$0xD4A0] =	vst v63  }
0x1fb: {  	_ =	swait.ge [sflag:s17], $0x3F00  }
0x1fc: {  	[sflag:s17] =	ssyncset.done $0x0  }
0x1fd: {  	[sflag:s17] =	ssyncadd.s32 $0xFFFFC100  }
0x1fe: {  	_ =	swait.ge [sflag:s23], $0x3F00  }
0x1ff: {  	[sflag:s23] =	ssyncset.done $0x0  }
0x200: {  	s31 =	simm.s32 $0x4;
	s30 =	rddreg [dreg:$0xf];
	[sflag:s23] =	ssyncadd.s32 $0xFFFFC100  }
0x201: {  	[tilespmem:s26], [sflag:$0x4] =	stream.linear.gather [hbm4b:s30+s26], $0x56A0, $0x38;
	[tilespmem:$0xD4A0] =	vst v63  }
0x202: {  	_ =	swait.ge [sflag:s31], $0x56A0  }
0x203: {  	[sflag:s31] =	ssyncset.done $0x0  }
0x204: {  	s7 =	simm.s32 $0x40;
	s26 =	simm.s32 $0x0;
	[sflag:s31] =	ssyncadd.s32 $0xFFFFA960  }
.LBB2_4:
0x205: {  	p0 =	sne.s32 s7, $0x15A40;
	v2 =	vld [tilespmem:s26+$0x0];
	_ =	sdelay $0x1  }
.Ltmp1:
0x206: {  	(pc) =	sbr.rel @p0 .LBB2_4-.Ltmp1, $3  }
0x207: {  	_ =	sdelay $0x1  }
0x208: {  	v2 =	vadd.s32 v1, v2  }
0x209: {  	[tilespmem:s26+$0x0] =	vst v2;
	s26 =	sshra.s32 s7, $0x2;
	s7 =	sadd.s32 $0x40, s7  }
0x20a: {  	v2 =	vld [tilespmem:s26+$0x0];
	_ =	sdelay $0x4  }
0x20b: {  	v2 =	vadd.s32 v1, v2  }
0x20c: {  	s24 =	simm.s32 $0x0;
	[tilespmem:s26+$0x0] =	vst v2  }
0x20d: {  	[tilespmem:s9], [sflag:$0x1] =	stream.indirect.gather [hbm4b:s3+s0], $0x8, s24, s0, $0xb8;
	[tilespmem:$0xD4A0] =	vst v63  }
0x20e: {  	s1 =	simm.s32 $0x5A20  }
0x20f: {  	[tilespmem:s1], [sflag:$0x1] =	stream.indirect.gather [hbm4b:s3+s0], $0x8, s0, s0, $0xb8;
	[tilespmem:$0xD4A0] =	vst v63  }
0x210: {  	s7 =	simm.s32 $0xE0;
	s26 =	simm.s32 $0x5DA0  }
0x211: {  	[tilespmem:s26], [sflag:$0x1] =	stream.indirect.gather [hbm4b:s3+s0], $0x8, s7, s0, $0xb8;
	[tilespmem:$0xD4A0] =	vst v63  }
0x212: {  	s28 =	simm.s32 $0x150;
	s29 =	simm.s32 $0x6120  }
0x213: {  	[tilespmem:s29], [sflag:$0x1] =	stream.indirect.gather [hbm4b:s3+s0], $0x8, s28, s0, $0xb8;
	[tilespmem:$0xD4A0] =	vst v63  }
0x214: {  	s30 =	simm.s32 $0x1C0;
	s31 =	simm.s32 $0x64A0  }
0x215: {  	[tilespmem:s31], [sflag:$0x1] =	stream.indirect.gather [hbm4b:s3+s0], $0x8, s30, s0, $0xb8;
	[tilespmem:$0xD4A0] =	vst v63  }
0x216: {  	s2 =	simm.s32 $0x6820;
	s1 =	simm.s32 $0x230  }
0x217: {  	[tilespmem:s2], [sflag:$0x1] =	stream.indirect.gather [hbm4b:s3+s0], $0x8, s1, s0, $0xb8;
	[tilespmem:$0xD4A0] =	vst v63  }
0x218: {  	s8 =	simm.s32 $0x2A0;
	s13 =	simm.s32 $0x6BA0  }
0x219: {  	[tilespmem:s13], [sflag:$0x1] =	stream.indirect.gather [hbm4b:s3+s0], $0x8, s8, s0, $0xb8;
	[tilespmem:$0xD4A0] =	vst v63  }
0x21a: {  	s14 =	simm.s32 $0x310;
	s15 =	simm.s32 $0x6F20  }
0x21b: {  	[tilespmem:s15], [sflag:$0x1] =	stream.indirect.gather [hbm4b:s3+s0], $0x8, s14, s0, $0xb8;
	[tilespmem:$0xD4A0] =	vst v63  }
0x21c: {  	s16 =	simm.s32 $0x380;
	s18 =	simm.s32 $0x72A0  }
0x21d: {  	[tilespmem:s18], [sflag:$0x1] =	stream.indirect.gather [hbm4b:s3+s0], $0x8, s16, s0, $0xb8;
	[tilespmem:$0xD4A0] =	vst v63  }
0x21e: {  	s19 =	simm.s32 $0x3F0;
	s20 =	simm.s32 $0x7620  }
0x21f: {  	[tilespmem:s20], [sflag:$0x1] =	stream.indirect.gather [hbm4b:s3+s0], $0x8, s19, s0, $0xb8;
	[tilespmem:$0xD4A0] =	vst v63  }
0x220: {  	s21 =	simm.s32 $0x460;
	s22 =	simm.s32 $0x79A0  }
0x221: {  	[tilespmem:s22], [sflag:$0x1] =	stream.indirect.gather [hbm4b:s3+s0], $0x8, s21, s0, $0xb8;
	[tilespmem:$0xD4A0] =	vst v63  }
0x222: {  	s25 =	simm.s32 $0x4D0;
	s26 =	simm.s32 $0x7D20  }
0x223: {  	[tilespmem:s26], [sflag:$0x1] =	stream.indirect.gather [hbm4b:s3+s0], $0x8, s25, s0, $0xb8;
	[tilespmem:$0xD4A0] =	vst v63  }
0x224: {  	s28 =	simm.s32 $0x540;
	s29 =	simm.s32 $0x80A0  }
0x225: {  	[tilespmem:s29], [sflag:$0x1] =	stream.indirect.gather [hbm4b:s3+s0], $0x8, s28, s0, $0xb8;
	[tilespmem:$0xD4A0] =	vst v63  }
0x226: {  	s30 =	simm.s32 $0x5B0;
	s31 =	simm.s32 $0x8420  }
0x227: {  	[tilespmem:s31], [sflag:$0x1] =	stream.indirect.gather [hbm4b:s3+s0], $0x8, s30, s0, $0xb8;
	[tilespmem:$0xD4A0] =	vst v63  }
0x228: {  	s1 =	simm.s32 $0x620;
	s2 =	simm.s32 $0x87A0  }
0x229: {  	[tilespmem:s2], [sflag:$0x1] =	stream.indirect.gather [hbm4b:s3+s0], $0x8, s1, s0, $0xb8;
	[tilespmem:$0xD4A0] =	vst v63  }
0x22a: {  	s8 =	simm.s32 $0x690;
	s13 =	simm.s32 $0x8B20  }
0x22b: {  	[tilespmem:s13], [sflag:$0x1] =	stream.indirect.gather [hbm4b:s3+s0], $0x8, s8, s0, $0xb8;
	[tilespmem:$0xD4A0] =	vst v63  }
0x22c: {  	s14 =	simm.s32 $0x700;
	s15 =	simm.s32 $0x8EA0  }
0x22d: {  	[tilespmem:s15], [sflag:$0x1] =	stream.indirect.gather [hbm4b:s3+s0], $0x8, s14, s0, $0xb8;
	[tilespmem:$0xD4A0] =	vst v63  }
0x22e: {  	s16 =	simm.s32 $0x770;
	s18 =	simm.s32 $0x9220  }
0x22f: {  	[tilespmem:s18], [sflag:$0x1] =	stream.indirect.gather [hbm4b:s3+s0], $0x8, s16, s0, $0xb8;
	[tilespmem:$0xD4A0] =	vst v63  }
0x230: {  	_ =	swait.ge [sflag:s4], $0x3F00  }
0x231: {  	[sflag:s4] =	ssyncset.done $0x0  }
0x232: {  	s19 =	rddreg [dreg:$0x10];
	[sflag:s4] =	ssyncadd.s32 $0xFFFFC100  }
0x233: {  	[hbm4b:s19+s24] =	stream.linear.scatter [tilespmem:s9], [sflag:$0x2], $0x3F00, $0x38;
	[tilespmem:$0xD4A0] =	vst v63  }
0x234: {  	s20 =	simm.s32 $0x7E0;
	s8 =	simm.s32 $0x95A0  }
0x235: {  	[tilespmem:s8], [sflag:$0x1] =	stream.indirect.gather [hbm4b:s3+s0], $0x8, s20, s0, $0xb8;
	[tilespmem:$0xD4A0] =	vst v63  }
0x236: {  	s21 =	simm.s32 $0x850;
	s22 =	simm.s32 $0x9920  }
0x237: {  	[tilespmem:s22], [sflag:$0x1] =	stream.indirect.gather [hbm4b:s3+s0], $0x8, s21, s0, $0xb8;
	[tilespmem:$0xD4A0] =	vst v63  }
0x238: {  	s25 =	simm.s32 $0x8C0;
	s26 =	simm.s32 $0x9CA0  }
0x239: {  	[tilespmem:s26], [sflag:$0x1] =	stream.indirect.gather [hbm4b:s3+s0], $0x8, s25, s0, $0xb8;
	[tilespmem:$0xD4A0] =	vst v63  }
0x23a: {  	s28 =	simm.s32 $0x930;
	s2 =	simm.s32 $0xA020  }
0x23b: {  	[tilespmem:s2], [sflag:$0x1] =	stream.indirect.gather [hbm4b:s3+s0], $0x8, s28, s0, $0xb8;
	[tilespmem:$0xD4A0] =	vst v63  }
0x23c: {  	s29 =	simm.s32 $0x9A0;
	s30 =	simm.s32 $0xA3A0  }
0x23d: {  	[tilespmem:s30], [sflag:$0x1] =	stream.indirect.gather [hbm4b:s3+s0], $0x8, s29, s0, $0xb8;
	[tilespmem:$0xD4A0] =	vst v63  }
0x23e: {  	s31 =	simm.s32 $0xA10;
	s1 =	simm.s32 $0xA720  }
0x23f: {  	[tilespmem:s1], [sflag:$0x1] =	stream.indirect.gather [hbm4b:s3+s0], $0x8, s31, s0, $0xb8;
	[tilespmem:$0xD4A0] =	vst v63  }
0x240: {  	s13 =	simm.s32 $0xAAA0;
	s2 =	simm.s32 $0xA80  }
0x241: {  	[tilespmem:s13], [sflag:$0x1] =	stream.indirect.gather [hbm4b:s3+s0], $0x8, s2, s0, $0xb8;
	[tilespmem:$0xD4A0] =	vst v63  }
0x242: {  	s14 =	simm.s32 $0xAF0;
	s16 =	simm.s32 $0xAE20  }
0x243: {  	[tilespmem:s16], [sflag:$0x1] =	stream.indirect.gather [hbm4b:s3+s0], $0x8, s14, s0, $0xb8;
	[tilespmem:$0xD4A0] =	vst v63  }
0x244: {  	s18 =	simm.s32 $0xB60;
	s19 =	simm.s32 $0xB1A0  }
0x245: {  	[tilespmem:s19], [sflag:$0x1] =	stream.indirect.gather [hbm4b:s3+s0], $0x8, s18, s0, $0xb8;
	[tilespmem:$0xD4A0] =	vst v63  }
0x246: {  	s21 =	simm.s32 $0xBD0;
	s25 =	simm.s32 $0xB520  }
0x247: {  	[tilespmem:s25], [sflag:$0x1] =	stream.indirect.gather [hbm4b:s3+s0], $0x8, s21, s0, $0xb8;
	[tilespmem:$0xD4A0] =	vst v63  }
0x248: {  	s26 =	simm.s32 $0xC40;
	s28 =	simm.s32 $0xB8A0  }
0x249: {  	[tilespmem:s28], [sflag:$0x1] =	stream.indirect.gather [hbm4b:s3+s0], $0x8, s26, s0, $0xb8;
	[tilespmem:$0xD4A0] =	vst v63  }
0x24a: {  	s29 =	simm.s32 $0xCB0;
	s30 =	simm.s32 $0xBC20  }
0x24b: {  	[tilespmem:s30], [sflag:$0x1] =	stream.indirect.gather [hbm4b:s3+s0], $0x8, s29, s0, $0xb8;
	[tilespmem:$0xD4A0] =	vst v63  }
0x24c: {  	s31 =	simm.s32 $0xD20;
	s1 =	simm.s32 $0xBFA0  }
0x24d: {  	[tilespmem:s1], [sflag:$0x1] =	stream.indirect.gather [hbm4b:s3+s0], $0x8, s31, s0, $0xb8;
	[tilespmem:$0xD4A0] =	vst v63  }
0x24e: {  	s13 =	simm.s32 $0xD90;
	s14 =	simm.s32 $0xC320  }
0x24f: {  	[tilespmem:s14], [sflag:$0x1] =	stream.indirect.gather [hbm4b:s3+s0], $0x8, s13, s0, $0xb8;
	[tilespmem:$0xD4A0] =	vst v63  }
0x250: {  	s16 =	simm.s32 $0xE00;
	s18 =	simm.s32 $0xC6A0  }
0x251: {  	[tilespmem:s18], [sflag:$0x1] =	stream.indirect.gather [hbm4b:s3+s0], $0x8, s16, s0, $0xb8;
	[tilespmem:$0xD4A0] =	vst v63  }
0x252: {  	s19 =	simm.s32 $0xE70;
	s21 =	simm.s32 $0xCA20  }
0x253: {  	[tilespmem:s21], [sflag:$0x1] =	stream.indirect.gather [hbm4b:s3+s0], $0x8, s19, s0, $0xb8;
	[tilespmem:$0xD4A0] =	vst v63  }
0x254: {  	s25 =	simm.s32 $0xEE0;
	s26 =	simm.s32 $0xCDA0  }
0x255: {  	[tilespmem:s26], [sflag:$0x1] =	stream.indirect.gather [hbm4b:s3+s0], $0x8, s25, s0, $0xb8;
	[tilespmem:$0xD4A0] =	vst v63  }
0x256: {  	s28 =	simm.s32 $0xF50;
	s29 =	simm.s32 $0xD120  }
0x257: {  	[tilespmem:s29], [sflag:$0x1] =	stream.indirect.gather [hbm4b:s3+s0], $0x8, s28, s0, $0xb8;
	[tilespmem:$0xD4A0] =	vst v63  }
0x258: {  	_ =	swait.ge [sflag:s4], $0x3F00  }
0x259: {  	[sflag:s4] =	ssyncset.done $0x0  }
0x25a: {  	s30 =	rddreg [dreg:$0x11];
	[sflag:s4] =	ssyncadd.s32 $0xFFFFC100  }
0x25b: {  	[hbm4b:s30+s24] =	stream.linear.scatter [tilespmem:s8], [sflag:$0x3], $0x3F00, $0x38;
	[tilespmem:$0xD4A0] =	vst v63  }
0x25c: {  	_ =	swait.ge [sflag:s17], $0x3F00  }
0x25d: {  	[sflag:s17] =	ssyncset.done $0x0  }
0x25e: {  	s31 =	simm.s32 $0xFC0;
	[sflag:s17] =	ssyncadd.s32 $0xFFFFC100  }
0x25f: {  	[tilespmem:s9], [sflag:$0x1] =	stream.indirect.gather [hbm4b:s3+s0], $0x8, s31, s0, $0xb8;
	[tilespmem:$0xD4A0] =	vst v63  }
0x260: {  	s5 =	simm.s32 $0x5A20;
	s2 =	simm.s32 $0x1030  }
0x261: {  	[tilespmem:s5], [sflag:$0x1] =	stream.indirect.gather [hbm4b:s3+s0], $0x8, s2, s0, $0xb8;
	[tilespmem:$0xD4A0] =	vst v63  }
0x262: {  	s6 =	simm.s32 $0x5DA0;
	s5 =	simm.s32 $0x10A0  }
0x263: {  	[tilespmem:s6], [sflag:$0x1] =	stream.indirect.gather [hbm4b:s3+s0], $0x8, s5, s0, $0xb8;
	[tilespmem:$0xD4A0] =	vst v63  }
0x264: {  	s10 =	simm.s32 $0x6120;
	s6 =	simm.s32 $0x1110  }
0x265: {  	[tilespmem:s10], [sflag:$0x1] =	stream.indirect.gather [hbm4b:s3+s0], $0x8, s6, s0, $0xb8;
	[tilespmem:$0xD4A0] =	vst v63  }
0x266: {  	s11 =	simm.s32 $0x64A0;
	s10 =	simm.s32 $0x1180  }
0x267: {  	[tilespmem:s11], [sflag:$0x1] =	stream.indirect.gather [hbm4b:s3+s0], $0x8, s10, s0, $0xb8;
	[tilespmem:$0xD4A0] =	vst v63  }
0x268: {  	s12 =	simm.s32 $0x6820;
	s11 =	simm.s32 $0x11F0  }
0x269: {  	[tilespmem:s12], [sflag:$0x1] =	stream.indirect.gather [hbm4b:s3+s0], $0x8, s11, s0, $0xb8;
	[tilespmem:$0xD4A0] =	vst v63  }
0x26a: {  	s13 =	simm.s32 $0x6BA0;
	s12 =	simm.s32 $0x1260  }
0x26b: {  	[tilespmem:s13], [sflag:$0x1] =	stream.indirect.gather [hbm4b:s3+s0], $0x8, s12, s0, $0xb8;
	[tilespmem:$0xD4A0] =	vst v63  }
0x26c: {  	s14 =	simm.s32 $0x12D0;
	s5 =	simm.s32 $0x6F20  }
0x26d: {  	[tilespmem:s5], [sflag:$0x1] =	stream.indirect.gather [hbm4b:s3+s0], $0x8, s14, s0, $0xb8;
	[tilespmem:$0xD4A0] =	vst v63  }
0x26e: {  	s16 =	simm.s32 $0x1340;
	s6 =	simm.s32 $0x72A0  }
0x26f: {  	[tilespmem:s6], [sflag:$0x1] =	stream.indirect.gather [hbm4b:s3+s0], $0x8, s16, s0, $0xb8;
	[tilespmem:$0xD4A0] =	vst v63  }
0x270: {  	s18 =	simm.s32 $0x13B0;
	s25 =	simm.s32 $0x7620  }
0x271: {  	[tilespmem:s25], [sflag:$0x1] =	stream.indirect.gather [hbm4b:s3+s0], $0x8, s18, s0, $0xb8;
	[tilespmem:$0xD4A0] =	vst v63  }
0x272: {  	s19 =	simm.s32 $0x1420;
	s21 =	simm.s32 $0x79A0  }
0x273: {  	[tilespmem:s21], [sflag:$0x1] =	stream.indirect.gather [hbm4b:s3+s0], $0x8, s19, s0, $0xb8;
	[tilespmem:$0xD4A0] =	vst v63  }
0x274: {  	s26 =	simm.s32 $0x1490;
	s19 =	simm.s32 $0x7D20  }
0x275: {  	[tilespmem:s19], [sflag:$0x1] =	stream.indirect.gather [hbm4b:s3+s0], $0x8, s26, s0, $0xb8;
	[tilespmem:$0xD4A0] =	vst v63  }
0x276: {  	s28 =	simm.s32 $0x1500;
	s16 =	simm.s32 $0x80A0  }
0x277: {  	[tilespmem:s16], [sflag:$0x1] =	stream.indirect.gather [hbm4b:s3+s0], $0x8, s28, s0, $0xb8;
	[tilespmem:$0xD4A0] =	vst v63  }
0x278: {  	s29 =	simm.s32 $0x1570;
	s11 =	simm.s32 $0x8420  }
0x279: {  	[tilespmem:s11], [sflag:$0x1] =	stream.indirect.gather [hbm4b:s3+s0], $0x8, s29, s0, $0xb8;
	[tilespmem:$0xD4A0] =	vst v63  }
0x27a: {  	s30 =	simm.s32 $0x15E0;
	s14 =	simm.s32 $0x87A0  }
0x27b: {  	[tilespmem:s14], [sflag:$0x1] =	stream.indirect.gather [hbm4b:s3+s0], $0x8, s30, s0, $0xb8;
	[tilespmem:$0xD4A0] =	vst v63  }
0x27c: {  	s31 =	simm.s32 $0x1650;
	s13 =	simm.s32 $0x8B20  }
0x27d: {  	[tilespmem:s13], [sflag:$0x1] =	stream.indirect.gather [hbm4b:s3+s0], $0x8, s31, s0, $0xb8;
	[tilespmem:$0xD4A0] =	vst v63  }
0x27e: {  	s2 =	simm.s32 $0x16C0;
	s18 =	simm.s32 $0x8EA0  }
0x27f: {  	[tilespmem:s18], [sflag:$0x1] =	stream.indirect.gather [hbm4b:s3+s0], $0x8, s2, s0, $0xb8;
	[tilespmem:$0xD4A0] =	vst v63  }
0x280: {  	s15 =	simm.s32 $0x9220;
	s10 =	simm.s32 $0x1730  }
0x281: {  	[tilespmem:s15], [sflag:$0x1] =	stream.indirect.gather [hbm4b:s3+s0], $0x8, s10, s0, $0xb8;
	[tilespmem:$0xD4A0] =	vst v63  }
0x282: {  	_ =	swait.ge [sflag:s4], $0x3F00  }
0x283: {  	[sflag:s4] =	ssyncset.done $0x0  }
0x284: {  	s12 =	rddreg [dreg:$0x12];
	[sflag:s4] =	ssyncadd.s32 $0xFFFFC100  }
0x285: {  	[hbm4b:s12+s24] =	stream.linear.scatter [tilespmem:s9], [sflag:$0x2], $0x3F00, $0x38;
	[tilespmem:$0xD4A0] =	vst v63  }
0x286: {  	_ =	swait.ge [sflag:s23], $0x3F00  }
0x287: {  	[sflag:s23] =	ssyncset.done $0x0  }
0x288: {  	s15 =	simm.s32 $0x17A0;
	[sflag:s23] =	ssyncadd.s32 $0xFFFFC100  }
0x289: {  	[tilespmem:s8], [sflag:$0x1] =	stream.indirect.gather [hbm4b:s3+s0], $0x8, s15, s0, $0xb8;
	[tilespmem:$0xD4A0] =	vst v63  }
0x28a: {  	s20 =	simm.s32 $0x9920;
	s23 =	simm.s32 $0x1810  }
0x28b: {  	[tilespmem:s20], [sflag:$0x1] =	stream.indirect.gather [hbm4b:s3+s0], $0x8, s23, s0, $0xb8;
	[tilespmem:$0xD4A0] =	vst v63  }
0x28c: {  	s22 =	simm.s32 $0x9CA0;
	s26 =	simm.s32 $0x1880  }
0x28d: {  	[tilespmem:s22], [sflag:$0x1] =	stream.indirect.gather [hbm4b:s3+s0], $0x8, s26, s0, $0xb8;
	[tilespmem:$0xD4A0] =	vst v63  }
0x28e: {  	s28 =	simm.s32 $0x18F0;
	s15 =	simm.s32 $0xA020  }
0x28f: {  	[tilespmem:s15], [sflag:$0x1] =	stream.indirect.gather [hbm4b:s3+s0], $0x8, s28, s0, $0xb8;
	[tilespmem:$0xD4A0] =	vst v63  }
0x290: {  	s29 =	simm.s32 $0x1960;
	s20 =	simm.s32 $0xA3A0  }
0x291: {  	[tilespmem:s20], [sflag:$0x1] =	stream.indirect.gather [hbm4b:s3+s0], $0x8, s29, s0, $0xb8;
	[tilespmem:$0xD4A0] =	vst v63  }
0x292: {  	s30 =	simm.s32 $0x19D0;
	s22 =	simm.s32 $0xA720  }
0x293: {  	[tilespmem:s22], [sflag:$0x1] =	stream.indirect.gather [hbm4b:s3+s0], $0x8, s30, s0, $0xb8;
	[tilespmem:$0xD4A0] =	vst v63  }
0x294: {  	s31 =	simm.s32 $0x1A40;
	s28 =	simm.s32 $0xAAA0  }
0x295: {  	[tilespmem:s28], [sflag:$0x1] =	stream.indirect.gather [hbm4b:s3+s0], $0x8, s31, s0, $0xb8;
	[tilespmem:$0xD4A0] =	vst v63  }
0x296: {  	s2 =	simm.s32 $0x1AB0;
	s29 =	simm.s32 $0xAE20  }
0x297: {  	[tilespmem:s29], [sflag:$0x1] =	stream.indirect.gather [hbm4b:s3+s0], $0x8, s2, s0, $0xb8;
	[tilespmem:$0xD4A0] =	vst v63  }
0x298: {  	s10 =	simm.s32 $0x1B20;
	s30 =	simm.s32 $0xB1A0  }
0x299: {  	[tilespmem:s30], [sflag:$0x1] =	stream.indirect.gather [hbm4b:s3+s0], $0x8, s10, s0, $0xb8;
	[tilespmem:$0xD4A0] =	vst v63  }
0x29a: {  	s12 =	simm.s32 $0x1B90;
	s31 =	simm.s32 $0xB520  }
0x29b: {  	[tilespmem:s31], [sflag:$0x1] =	stream.indirect.gather [hbm4b:s3+s0], $0x8, s12, s0, $0xb8;
	[tilespmem:$0xD4A0] =	vst v63  }
0x29c: {  	s23 =	simm.s32 $0x1C00;
	s10 =	simm.s32 $0xB8A0  }
0x29d: {  	[tilespmem:s10], [sflag:$0x1] =	stream.indirect.gather [hbm4b:s3+s0], $0x8, s23, s0, $0xb8;
	[tilespmem:$0xD4A0] =	vst v63  }
0x29e: {  	s26 =	simm.s32 $0x1C70;
	s12 =	simm.s32 $0xBC20  }
0x29f: {  	[tilespmem:s12], [sflag:$0x1] =	stream.indirect.gather [hbm4b:s3+s0], $0x8, s26, s0, $0xb8;
	[tilespmem:$0xD4A0] =	vst v63  }
0x2a0: {  	s2 =	simm.s32 $0x1CE0;
	s26 =	simm.s32 $0xBFA0  }
0x2a1: {  	[tilespmem:s26], [sflag:$0x1] =	stream.indirect.gather [hbm4b:s3+s0], $0x8, s2, s0, $0xb8;
	[tilespmem:$0xD4A0] =	vst v63  }
0x2a2: {  	s1 =	simm.s32 $0xC320;
	s23 =	simm.s32 $0x1D50  }
0x2a3: {  	[tilespmem:s1], [sflag:$0x1] =	stream.indirect.gather [hbm4b:s3+s0], $0x8, s23, s0, $0xb8;
	[tilespmem:$0xD4A0] =	vst v63  }
0x2a4: {  	s2 =	simm.s32 $0x1DC0;
	s23 =	simm.s32 $0xC6A0  }
0x2a5: {  	[tilespmem:s23], [sflag:$0x1] =	stream.indirect.gather [hbm4b:s3+s0], $0x8, s2, s0, $0xb8;
	[tilespmem:$0xD4A0] =	vst v63  }
0x2a6: {  	s7 =	simm.s32 $0x1E30;
	s2 =	simm.s32 $0xCA20  }
0x2a7: {  	[tilespmem:s2], [sflag:$0x1] =	stream.indirect.gather [hbm4b:s3+s0], $0x8, s7, s0, $0xb8;
	[tilespmem:$0xD4A0] =	vst v63  }
0x2a8: {  	s7 =	simm.s32 $0x1EA0;
	s2 =	simm.s32 $0xCDA0  }
0x2a9: {  	[tilespmem:s2], [sflag:$0x1] =	stream.indirect.gather [hbm4b:s3+s0], $0x8, s7, s0, $0xb8;
	[tilespmem:$0xD4A0] =	vst v63  }
0x2aa: {  	s7 =	simm.s32 $0x1F10;
	s2 =	simm.s32 $0xD120  }
0x2ab: {  	[tilespmem:s2], [sflag:$0x1] =	stream.indirect.gather [hbm4b:s3+s0], $0x8, s7, s0, $0xb8;
	[tilespmem:$0xD4A0] =	vst v63  }
0x2ac: {  	_ =	swait.ge [sflag:s4], $0x3F00  }
0x2ad: {  	[sflag:s4] =	ssyncset.done $0x0  }
0x2ae: {  	s2 =	rddreg [dreg:$0x13];
	[sflag:s4] =	ssyncadd.s32 $0xFFFFC100  }
0x2af: {  	[hbm4b:s2+s24] =	stream.linear.scatter [tilespmem:s8], [sflag:$0x3], $0x3F00, $0x38;
	[tilespmem:$0xD4A0] =	vst v63  }
0x2b0: {  	_ =	swait.ge [sflag:s17], $0x3F00  }
0x2b1: {  	[sflag:s17] =	ssyncset.done $0x0  }
0x2b2: {  	s2 =	simm.s32 $0x1F80;
	[sflag:s17] =	ssyncadd.s32 $0xFFFFC100  }
0x2b3: {  	[tilespmem:s9], [sflag:$0x1] =	stream.indirect.gather [hbm4b:s3+s0], $0x8, s2, s0, $0xb8;
	[tilespmem:$0xD4A0] =	vst v63  }
0x2b4: {  	s7 =	simm.s32 $0x1FF0;
	s2 =	simm.s32 $0x5A20  }
0x2b5: {  	[tilespmem:s2], [sflag:$0x1] =	stream.indirect.gather [hbm4b:s3+s0], $0x8, s7, s0, $0xb8;
	[tilespmem:$0xD4A0] =	vst v63  }
0x2b6: {  	s7 =	simm.s32 $0x2060;
	s2 =	simm.s32 $0x5DA0  }
0x2b7: {  	[tilespmem:s2], [sflag:$0x1] =	stream.indirect.gather [hbm4b:s3+s0], $0x8, s7, s0, $0xb8;
	[tilespmem:$0xD4A0] =	vst v63  }
0x2b8: {  	s7 =	simm.s32 $0x20D0;
	s2 =	simm.s32 $0x6120  }
0x2b9: {  	[tilespmem:s2], [sflag:$0x1] =	stream.indirect.gather [hbm4b:s3+s0], $0x8, s7, s0, $0xb8;
	[tilespmem:$0xD4A0] =	vst v63  }
0x2ba: {  	s7 =	simm.s32 $0x2140;
	s2 =	simm.s32 $0x64A0  }
0x2bb: {  	[tilespmem:s2], [sflag:$0x1] =	stream.indirect.gather [hbm4b:s3+s0], $0x8, s7, s0, $0xb8;
	[tilespmem:$0xD4A0] =	vst v63  }
0x2bc: {  	s7 =	simm.s32 $0x21B0;
	s2 =	simm.s32 $0x6820  }
0x2bd: {  	[tilespmem:s2], [sflag:$0x1] =	stream.indirect.gather [hbm4b:s3+s0], $0x8, s7, s0, $0xb8;
	[tilespmem:$0xD4A0] =	vst v63  }
0x2be: {  	s7 =	simm.s32 $0x2220;
	s2 =	simm.s32 $0x6BA0  }
0x2bf: {  	[tilespmem:s2], [sflag:$0x1] =	stream.indirect.gather [hbm4b:s3+s0], $0x8, s7, s0, $0xb8;
	[tilespmem:$0xD4A0] =	vst v63  }
0x2c0: {  	s2 =	simm.s32 $0x2290  }
0x2c1: {  	[tilespmem:s5], [sflag:$0x1] =	stream.indirect.gather [hbm4b:s3+s0], $0x8, s2, s0, $0xb8;
	[tilespmem:$0xD4A0] =	vst v63  }
0x2c2: {  	s5 =	simm.s32 $0x2300  }
0x2c3: {  	[tilespmem:s6], [sflag:$0x1] =	stream.indirect.gather [hbm4b:s3+s0], $0x8, s5, s0, $0xb8;
	[tilespmem:$0xD4A0] =	vst v63  }
0x2c4: {  	s6 =	simm.s32 $0x2370  }
0x2c5: {  	[tilespmem:s25], [sflag:$0x1] =	stream.indirect.gather [hbm4b:s3+s0], $0x8, s6, s0, $0xb8;
	[tilespmem:$0xD4A0] =	vst v63  }
0x2c6: {  	s25 =	simm.s32 $0x23E0  }
0x2c7: {  	[tilespmem:s21], [sflag:$0x1] =	stream.indirect.gather [hbm4b:s3+s0], $0x8, s25, s0, $0xb8;
	[tilespmem:$0xD4A0] =	vst v63  }
0x2c8: {  	s2 =	simm.s32 $0x2450  }
0x2c9: {  	[tilespmem:s19], [sflag:$0x1] =	stream.indirect.gather [hbm4b:s3+s0], $0x8, s2, s0, $0xb8;
	[tilespmem:$0xD4A0] =	vst v63  }
0x2ca: {  	s5 =	simm.s32 $0x24C0  }
0x2cb: {  	[tilespmem:s16], [sflag:$0x1] =	stream.indirect.gather [hbm4b:s3+s0], $0x8, s5, s0, $0xb8;
	[tilespmem:$0xD4A0] =	vst v63  }
0x2cc: {  	s6 =	simm.s32 $0x2530  }
0x2cd: {  	[tilespmem:s11], [sflag:$0x1] =	stream.indirect.gather [hbm4b:s3+s0], $0x8, s6, s0, $0xb8;
	[tilespmem:$0xD4A0] =	vst v63  }
0x2ce: {  	s11 =	simm.s32 $0x25A0  }
0x2cf: {  	[tilespmem:s14], [sflag:$0x1] =	stream.indirect.gather [hbm4b:s3+s0], $0x8, s11, s0, $0xb8;
	[tilespmem:$0xD4A0] =	vst v63  }
0x2d0: {  	s14 =	simm.s32 $0x2610  }
0x2d1: {  	[tilespmem:s13], [sflag:$0x1] =	stream.indirect.gather [hbm4b:s3+s0], $0x8, s14, s0, $0xb8;
	[tilespmem:$0xD4A0] =	vst v63  }
0x2d2: {  	s16 =	simm.s32 $0x2680  }
0x2d3: {  	[tilespmem:s18], [sflag:$0x1] =	stream.indirect.gather [hbm4b:s3+s0], $0x8, s16, s0, $0xb8;
	[tilespmem:$0xD4A0] =	vst v63  }
0x2d4: {  	s21 =	simm.s32 $0x9220;
	s19 =	simm.s32 $0x26F0  }
0x2d5: {  	[tilespmem:s21], [sflag:$0x1] =	stream.indirect.gather [hbm4b:s3+s0], $0x8, s19, s0, $0xb8;
	[tilespmem:$0xD4A0] =	vst v63  }
0x2d6: {  	_ =	swait.ge [sflag:s4], $0x3F00  }
0x2d7: {  	[sflag:s4] =	ssyncset.done $0x0  }
0x2d8: {  	s1 =	simm.s32 $0x3;
	s25 =	rddreg [dreg:$0x14];
	[sflag:s4] =	ssyncadd.s32 $0xFFFFC100  }
0x2d9: {  	[hbm4b:s25+s24] =	stream.linear.scatter [tilespmem:s9], [sflag:$0x2], $0x3F00, $0x38;
	[tilespmem:$0xD4A0] =	vst v63  }
0x2da: {  	_ =	swait.ge [sflag:s1], $0x3F00  }
0x2db: {  	[sflag:s1] =	ssyncset.done $0x0  }
0x2dc: {  	[sflag:s1] =	ssyncadd.s32 $0xFFFFC100;
	s1 =	simm.s32 $0x2760  }
0x2dd: {  	[tilespmem:s8], [sflag:$0x1] =	stream.indirect.gather [hbm4b:s3+s0], $0x8, s1, s0, $0xb8;
	[tilespmem:$0xD4A0] =	vst v63  }
0x2de: {  	s2 =	simm.s32 $0x27D0;
	s16 =	simm.s32 $0x9920  }
0x2df: {  	[tilespmem:s16], [sflag:$0x1] =	stream.indirect.gather [hbm4b:s3+s0], $0x8, s2, s0, $0xb8;
	[tilespmem:$0xD4A0] =	vst v63  }
0x2e0: {  	s5 =	simm.s32 $0x2840;
	s6 =	simm.s32 $0x9CA0  }
0x2e1: {  	[tilespmem:s6], [sflag:$0x1] =	stream.indirect.gather [hbm4b:s3+s0], $0x8, s5, s0, $0xb8;
	[tilespmem:$0xD4A0] =	vst v63  }
0x2e2: {  	s11 =	simm.s32 $0x28B0  }
0x2e3: {  	[tilespmem:s15], [sflag:$0x1] =	stream.indirect.gather [hbm4b:s3+s0], $0x8, s11, s0, $0xb8;
	[tilespmem:$0xD4A0] =	vst v63  }
0x2e4: {  	s13 =	simm.s32 $0x2920  }
0x2e5: {  	[tilespmem:s20], [sflag:$0x1] =	stream.indirect.gather [hbm4b:s3+s0], $0x8, s13, s0, $0xb8;
	[tilespmem:$0xD4A0] =	vst v63  }
0x2e6: {  	s14 =	simm.s32 $0x2990  }
0x2e7: {  	[tilespmem:s22], [sflag:$0x1] =	stream.indirect.gather [hbm4b:s3+s0], $0x8, s14, s0, $0xb8;
	[tilespmem:$0xD4A0] =	vst v63  }
0x2e8: {  	s15 =	simm.s32 $0x2A00  }
0x2e9: {  	[tilespmem:s28], [sflag:$0x1] =	stream.indirect.gather [hbm4b:s3+s0], $0x8, s15, s0, $0xb8;
	[tilespmem:$0xD4A0] =	vst v63  }
0x2ea: {  	s18 =	simm.s32 $0x2A70  }
0x2eb: {  	[tilespmem:s29], [sflag:$0x1] =	stream.indirect.gather [hbm4b:s3+s0], $0x8, s18, s0, $0xb8;
	[tilespmem:$0xD4A0] =	vst v63  }
0x2ec: {  	s19 =	simm.s32 $0x2AE0  }
0x2ed: {  	[tilespmem:s30], [sflag:$0x1] =	stream.indirect.gather [hbm4b:s3+s0], $0x8, s19, s0, $0xb8;
	[tilespmem:$0xD4A0] =	vst v63  }
0x2ee: {  	s20 =	simm.s32 $0x2B50  }
0x2ef: {  	[tilespmem:s31], [sflag:$0x1] =	stream.indirect.gather [hbm4b:s3+s0], $0x8, s20, s0, $0xb8;
	[tilespmem:$0xD4A0] =	vst v63  }
0x2f0: {  	s21 =	simm.s32 $0x2BC0  }
0x2f1: {  	[tilespmem:s10], [sflag:$0x1] =	stream.indirect.gather [hbm4b:s3+s0], $0x8, s21, s0, $0xb8;
	[tilespmem:$0xD4A0] =	vst v63  }
0x2f2: {  	s22 =	simm.s32 $0x2C30  }
0x2f3: {  	[tilespmem:s12], [sflag:$0x1] =	stream.indirect.gather [hbm4b:s3+s0], $0x8, s22, s0, $0xb8;
	[tilespmem:$0xD4A0] =	vst v63  }
0x2f4: {  	s25 =	simm.s32 $0x2CA0  }
0x2f5: {  	[tilespmem:s26], [sflag:$0x1] =	stream.indirect.gather [hbm4b:s3+s0], $0x8, s25, s0, $0xb8;
	[tilespmem:$0xD4A0] =	vst v63  }
0x2f6: {  	s28 =	simm.s32 $0x2D10;
	s19 =	simm.s32 $0xC320  }
0x2f7: {  	[tilespmem:s19], [sflag:$0x1] =	stream.indirect.gather [hbm4b:s3+s0], $0x8, s28, s0, $0xb8;
	[tilespmem:$0xD4A0] =	vst v63  }
0x2f8: {  	s29 =	simm.s32 $0x2D80  }
0x2f9: {  	[tilespmem:s23], [sflag:$0x1] =	stream.indirect.gather [hbm4b:s3+s0], $0x8, s29, s0, $0xb8;
	[tilespmem:$0xD4A0] =	vst v63  }
0x2fa: {  	s30 =	simm.s32 $0x2DF0;
	s31 =	simm.s32 $0xCA20  }
0x2fb: {  	[tilespmem:s31], [sflag:$0x1] =	stream.indirect.gather [hbm4b:s3+s0], $0x8, s30, s0, $0xb8;
	[tilespmem:$0xD4A0] =	vst v63  }
0x2fc: {  	s1 =	simm.s32 $0x2E60;
	s2 =	simm.s32 $0xCDA0  }
0x2fd: {  	[tilespmem:s2], [sflag:$0x1] =	stream.indirect.gather [hbm4b:s3+s0], $0x8, s1, s0, $0xb8;
	[tilespmem:$0xD4A0] =	vst v63  }
0x2fe: {  	s5 =	simm.s32 $0x2ED0;
	s1 =	simm.s32 $0xD120  }
0x2ff: {  	[tilespmem:s1], [sflag:$0x1] =	stream.indirect.gather [hbm4b:s3+s0], $0x8, s5, s0, $0xb8;
	[tilespmem:$0xD4A0] =	vst v63  }
0x300: {  	_ =	swait.ge [sflag:s4], $0x3F00  }
0x301: {  	[sflag:s4] =	ssyncset.done $0x0  }
0x302: {  	s6 =	rddreg [dreg:$0x16];
	[sflag:s4] =	ssyncadd.s32 $0xFFFFC100  }
0x303: {  	[hbm4b:s6+s24] =	stream.linear.scatter [tilespmem:s8], [sflag:$0x3], $0x3F00, $0x38;
	[tilespmem:$0xD4A0] =	vst v63  }
0x304: {  	_ =	swait.ge [sflag:s17], $0x3F00  }
0x305: {  	[sflag:s17] =	ssyncset.done $0x0  }
0x306: {  	s10 =	simm.s32 $0x2F40;
	[sflag:s17] =	ssyncadd.s32 $0xFFFFC100  }
0x307: {  	[tilespmem:s9], [sflag:$0x1] =	stream.indirect.gather [hbm4b:s3+s0], $0x8, s10, s0, $0xb8;
	[tilespmem:$0xD4A0] =	vst v63  }
0x308: {  	s11 =	simm.s32 $0x2FB0;
	s25 =	simm.s32 $0x5A20  }
0x309: {  	[tilespmem:s25], [sflag:$0x1] =	stream.indirect.gather [hbm4b:s3+s0], $0x8, s11, s0, $0xb8;
	[tilespmem:$0xD4A0] =	vst v63  }
0x30a: {  	s12 =	simm.s32 $0x3020;
	s26 =	simm.s32 $0x5DA0  }
0x30b: {  	[tilespmem:s26], [sflag:$0x1] =	stream.indirect.gather [hbm4b:s3+s0], $0x8, s12, s0, $0xb8;
	[tilespmem:$0xD4A0] =	vst v63  }
0x30c: {  	s13 =	simm.s32 $0x3090;
	s28 =	simm.s32 $0x6120  }
0x30d: {  	[tilespmem:s28], [sflag:$0x1] =	stream.indirect.gather [hbm4b:s3+s0], $0x8, s13, s0, $0xb8;
	[tilespmem:$0xD4A0] =	vst v63  }
0x30e: {  	s14 =	simm.s32 $0x3100;
	s29 =	simm.s32 $0x64A0  }
0x30f: {  	[tilespmem:s29], [sflag:$0x1] =	stream.indirect.gather [hbm4b:s3+s0], $0x8, s14, s0, $0xb8;
	[tilespmem:$0xD4A0] =	vst v63  }
0x310: {  	s15 =	simm.s32 $0x3170;
	s30 =	simm.s32 $0x6820  }
0x311: {  	[tilespmem:s30], [sflag:$0x1] =	stream.indirect.gather [hbm4b:s3+s0], $0x8, s15, s0, $0xb8;
	[tilespmem:$0xD4A0] =	vst v63  }
0x312: {  	s18 =	simm.s32 $0x31E0;
	s2 =	simm.s32 $0x6BA0  }
0x313: {  	[tilespmem:s2], [sflag:$0x1] =	stream.indirect.gather [hbm4b:s3+s0], $0x8, s18, s0, $0xb8;
	[tilespmem:$0xD4A0] =	vst v63  }
0x314: {  	s20 =	simm.s32 $0x3250;
	s15 =	simm.s32 $0x6F20  }
0x315: {  	[tilespmem:s15], [sflag:$0x1] =	stream.indirect.gather [hbm4b:s3+s0], $0x8, s20, s0, $0xb8;
	[tilespmem:$0xD4A0] =	vst v63  }
0x316: {  	s21 =	simm.s32 $0x32C0;
	s18 =	simm.s32 $0x72A0  }
0x317: {  	[tilespmem:s18], [sflag:$0x1] =	stream.indirect.gather [hbm4b:s3+s0], $0x8, s21, s0, $0xb8;
	[tilespmem:$0xD4A0] =	vst v63  }
0x318: {  	s22 =	simm.s32 $0x3330;
	s21 =	simm.s32 $0x7620  }
0x319: {  	[tilespmem:s21], [sflag:$0x1] =	stream.indirect.gather [hbm4b:s3+s0], $0x8, s22, s0, $0xb8;
	[tilespmem:$0xD4A0] =	vst v63  }
0x31a: {  	s5 =	simm.s32 $0x33A0;
	s13 =	simm.s32 $0x79A0  }
0x31b: {  	[tilespmem:s13], [sflag:$0x1] =	stream.indirect.gather [hbm4b:s3+s0], $0x8, s5, s0, $0xb8;
	[tilespmem:$0xD4A0] =	vst v63  }
0x31c: {  	s6 =	simm.s32 $0x3410;
	s12 =	simm.s32 $0x7D20  }
0x31d: {  	[tilespmem:s12], [sflag:$0x1] =	stream.indirect.gather [hbm4b:s3+s0], $0x8, s6, s0, $0xb8;
	[tilespmem:$0xD4A0] =	vst v63  }
0x31e: {  	s10 =	simm.s32 $0x3480;
	s11 =	simm.s32 $0x80A0  }
0x31f: {  	[tilespmem:s11], [sflag:$0x1] =	stream.indirect.gather [hbm4b:s3+s0], $0x8, s10, s0, $0xb8;
	[tilespmem:$0xD4A0] =	vst v63  }
0x320: {  	s14 =	simm.s32 $0x34F0;
	s10 =	simm.s32 $0x8420  }
0x321: {  	[tilespmem:s10], [sflag:$0x1] =	stream.indirect.gather [hbm4b:s3+s0], $0x8, s14, s0, $0xb8;
	[tilespmem:$0xD4A0] =	vst v63  }
0x322: {  	s20 =	simm.s32 $0x3560;
	s22 =	simm.s32 $0x87A0  }
0x323: {  	[tilespmem:s22], [sflag:$0x1] =	stream.indirect.gather [hbm4b:s3+s0], $0x8, s20, s0, $0xb8;
	[tilespmem:$0xD4A0] =	vst v63  }
0x324: {  	s5 =	simm.s32 $0x35D0;
	s6 =	simm.s32 $0x8B20  }
0x325: {  	[tilespmem:s6], [sflag:$0x1] =	stream.indirect.gather [hbm4b:s3+s0], $0x8, s5, s0, $0xb8;
	[tilespmem:$0xD4A0] =	vst v63  }
0x326: {  	s14 =	simm.s32 $0x3640;
	s5 =	simm.s32 $0x8EA0  }
0x327: {  	[tilespmem:s5], [sflag:$0x1] =	stream.indirect.gather [hbm4b:s3+s0], $0x8, s14, s0, $0xb8;
	[tilespmem:$0xD4A0] =	vst v63  }
0x328: {  	s20 =	simm.s32 $0x36B0;
	s14 =	simm.s32 $0x9220  }
0x329: {  	[tilespmem:s14], [sflag:$0x1] =	stream.indirect.gather [hbm4b:s3+s0], $0x8, s20, s0, $0xb8;
	[tilespmem:$0xD4A0] =	vst v63  }
0x32a: {  	_ =	swait.ge [sflag:s4], $0x3F00  }
0x32b: {  	[sflag:s4] =	ssyncset.done $0x0  }
0x32c: {  	s23 =	simm.s32 $0x3;
	s20 =	rddreg [dreg:$0x17];
	[sflag:s4] =	ssyncadd.s32 $0xFFFFC100  }
0x32d: {  	[hbm4b:s20+s24] =	stream.linear.scatter [tilespmem:s9], [sflag:$0x2], $0x3F00, $0x38;
	[tilespmem:$0xD4A0] =	vst v63  }
0x32e: {  	_ =	swait.ge [sflag:s23], $0x3F00  }
0x32f: {  	[sflag:s23] =	ssyncset.done $0x0  }
0x330: {  	s20 =	simm.s32 $0x3720;
	[sflag:s23] =	ssyncadd.s32 $0xFFFFC100  }
0x331: {  	[tilespmem:s8], [sflag:$0x1] =	stream.indirect.gather [hbm4b:s3+s0], $0x8, s20, s0, $0xb8;
	[tilespmem:$0xD4A0] =	vst v63  }
0x332: {  	s20 =	simm.s32 $0x3790  }
0x333: {  	[tilespmem:s16], [sflag:$0x1] =	stream.indirect.gather [hbm4b:s3+s0], $0x8, s20, s0, $0xb8;
	[tilespmem:$0xD4A0] =	vst v63  }
0x334: {  	s16 =	simm.s32 $0x3800;
	s20 =	simm.s32 $0x9CA0  }
0x335: {  	[tilespmem:s20], [sflag:$0x1] =	stream.indirect.gather [hbm4b:s3+s0], $0x8, s16, s0, $0xb8;
	[tilespmem:$0xD4A0] =	vst v63  }
0x336: {  	s16 =	simm.s32 $0x3870;
	s20 =	simm.s32 $0xA020  }
0x337: {  	[tilespmem:s20], [sflag:$0x1] =	stream.indirect.gather [hbm4b:s3+s0], $0x8, s16, s0, $0xb8;
	[tilespmem:$0xD4A0] =	vst v63  }
0x338: {  	s16 =	simm.s32 $0x38E0;
	s20 =	simm.s32 $0xA3A0  }
0x339: {  	[tilespmem:s20], [sflag:$0x1] =	stream.indirect.gather [hbm4b:s3+s0], $0x8, s16, s0, $0xb8;
	[tilespmem:$0xD4A0] =	vst v63  }
0x33a: {  	s20 =	simm.s32 $0x3950;
	s16 =	simm.s32 $0xA720  }
0x33b: {  	[tilespmem:s16], [sflag:$0x1] =	stream.indirect.gather [hbm4b:s3+s0], $0x8, s20, s0, $0xb8;
	[tilespmem:$0xD4A0] =	vst v63  }
0x33c: {  	s7 =	simm.s32 $0x39C0;
	s20 =	simm.s32 $0xAAA0  }
0x33d: {  	[tilespmem:s20], [sflag:$0x1] =	stream.indirect.gather [hbm4b:s3+s0], $0x8, s7, s0, $0xb8;
	[tilespmem:$0xD4A0] =	vst v63  }
0x33e: {  	s7 =	simm.s32 $0x3A30;
	s20 =	simm.s32 $0xAE20  }
0x33f: {  	[tilespmem:s20], [sflag:$0x1] =	stream.indirect.gather [hbm4b:s3+s0], $0x8, s7, s0, $0xb8;
	[tilespmem:$0xD4A0] =	vst v63  }
0x340: {  	s7 =	simm.s32 $0x3AA0;
	s20 =	simm.s32 $0xB1A0  }
0x341: {  	[tilespmem:s20], [sflag:$0x1] =	stream.indirect.gather [hbm4b:s3+s0], $0x8, s7, s0, $0xb8;
	[tilespmem:$0xD4A0] =	vst v63  }
0x342: {  	s7 =	simm.s32 $0x3B10;
	s20 =	simm.s32 $0xB520  }
0x343: {  	[tilespmem:s20], [sflag:$0x1] =	stream.indirect.gather [hbm4b:s3+s0], $0x8, s7, s0, $0xb8;
	[tilespmem:$0xD4A0] =	vst v63  }
0x344: {  	s7 =	simm.s32 $0x3B80;
	s20 =	simm.s32 $0xB8A0  }
0x345: {  	[tilespmem:s20], [sflag:$0x1] =	stream.indirect.gather [hbm4b:s3+s0], $0x8, s7, s0, $0xb8;
	[tilespmem:$0xD4A0] =	vst v63  }
0x346: {  	s7 =	simm.s32 $0x3BF0;
	s20 =	simm.s32 $0xBC20  }
0x347: {  	[tilespmem:s20], [sflag:$0x1] =	stream.indirect.gather [hbm4b:s3+s0], $0x8, s7, s0, $0xb8;
	[tilespmem:$0xD4A0] =	vst v63  }
0x348: {  	s7 =	simm.s32 $0x3C60;
	s20 =	simm.s32 $0xBFA0  }
0x349: {  	[tilespmem:s20], [sflag:$0x1] =	stream.indirect.gather [hbm4b:s3+s0], $0x8, s7, s0, $0xb8;
	[tilespmem:$0xD4A0] =	vst v63  }
0x34a: {  	s20 =	simm.s32 $0x3CD0  }
0x34b: {  	[tilespmem:s19], [sflag:$0x1] =	stream.indirect.gather [hbm4b:s3+s0], $0x8, s20, s0, $0xb8;
	[tilespmem:$0xD4A0] =	vst v63  }
0x34c: {  	s19 =	simm.s32 $0x3D40;
	s20 =	simm.s32 $0xC6A0  }
0x34d: {  	[tilespmem:s20], [sflag:$0x1] =	stream.indirect.gather [hbm4b:s3+s0], $0x8, s19, s0, $0xb8;
	[tilespmem:$0xD4A0] =	vst v63  }
0x34e: {  	s31 =	simm.s32 $0xCA20;
	s19 =	simm.s32 $0x3DB0  }
0x34f: {  	[tilespmem:s31], [sflag:$0x1] =	stream.indirect.gather [hbm4b:s3+s0], $0x8, s19, s0, $0xb8;
	[tilespmem:$0xD4A0] =	vst v63  }
0x350: {  	s20 =	simm.s32 $0x3E20;
	s19 =	simm.s32 $0xCDA0  }
0x351: {  	[tilespmem:s19], [sflag:$0x1] =	stream.indirect.gather [hbm4b:s3+s0], $0x8, s20, s0, $0xb8;
	[tilespmem:$0xD4A0] =	vst v63  }
0x352: {  	s20 =	simm.s32 $0x3E90  }
0x353: {  	[tilespmem:s1], [sflag:$0x1] =	stream.indirect.gather [hbm4b:s3+s0], $0x8, s20, s0, $0xb8;
	[tilespmem:$0xD4A0] =	vst v63  }
0x354: {  	_ =	swait.ge [sflag:s4], $0x3F00  }
0x355: {  	[sflag:s4] =	ssyncset.done $0x0  }
0x356: {  	s20 =	rddreg [dreg:$0x18];
	[sflag:s4] =	ssyncadd.s32 $0xFFFFC100  }
0x357: {  	[hbm4b:s20+s24] =	stream.linear.scatter [tilespmem:s8], [sflag:$0x3], $0x3F00, $0x38;
	[tilespmem:$0xD4A0] =	vst v63  }
0x358: {  	_ =	swait.ge [sflag:s17], $0x3F00  }
0x359: {  	[sflag:s17] =	ssyncset.done $0x0  }
0x35a: {  	s20 =	simm.s32 $0x3F00;
	[sflag:s17] =	ssyncadd.s32 $0xFFFFC100  }
0x35b: {  	[tilespmem:s9], [sflag:$0x1] =	stream.indirect.gather [hbm4b:s3+s0], $0x8, s20, s0, $0xb8;
	[tilespmem:$0xD4A0] =	vst v63  }
0x35c: {  	s20 =	simm.s32 $0x3F70  }
0x35d: {  	[tilespmem:s25], [sflag:$0x1] =	stream.indirect.gather [hbm4b:s3+s0], $0x8, s20, s0, $0xb8;
	[tilespmem:$0xD4A0] =	vst v63  }
0x35e: {  	s25 =	simm.s32 $0x3FE0  }
0x35f: {  	[tilespmem:s26], [sflag:$0x1] =	stream.indirect.gather [hbm4b:s3+s0], $0x8, s25, s0, $0xb8;
	[tilespmem:$0xD4A0] =	vst v63  }
0x360: {  	s26 =	simm.s32 $0x4050  }
0x361: {  	[tilespmem:s28], [sflag:$0x1] =	stream.indirect.gather [hbm4b:s3+s0], $0x8, s26, s0, $0xb8;
	[tilespmem:$0xD4A0] =	vst v63  }
0x362: {  	s28 =	simm.s32 $0x40C0  }
0x363: {  	[tilespmem:s29], [sflag:$0x1] =	stream.indirect.gather [hbm4b:s3+s0], $0x8, s28, s0, $0xb8;
	[tilespmem:$0xD4A0] =	vst v63  }
0x364: {  	s29 =	simm.s32 $0x4130  }
0x365: {  	[tilespmem:s30], [sflag:$0x1] =	stream.indirect.gather [hbm4b:s3+s0], $0x8, s29, s0, $0xb8;
	[tilespmem:$0xD4A0] =	vst v63  }
0x366: {  	s30 =	simm.s32 $0x41A0  }
0x367: {  	[tilespmem:s2], [sflag:$0x1] =	stream.indirect.gather [hbm4b:s3+s0], $0x8, s30, s0, $0xb8;
	[tilespmem:$0xD4A0] =	vst v63  }
0x368: {  	s30 =	simm.s32 $0x4210  }
0x369: {  	[tilespmem:s15], [sflag:$0x1] =	stream.indirect.gather [hbm4b:s3+s0], $0x8, s30, s0, $0xb8;
	[tilespmem:$0xD4A0] =	vst v63  }
0x36a: {  	s2 =	simm.s32 $0x4280  }
0x36b: {  	[tilespmem:s18], [sflag:$0x1] =	stream.indirect.gather [hbm4b:s3+s0], $0x8, s2, s0, $0xb8;
	[tilespmem:$0xD4A0] =	vst v63  }
0x36c: {  	s30 =	simm.s32 $0x42F0  }
0x36d: {  	[tilespmem:s21], [sflag:$0x1] =	stream.indirect.gather [hbm4b:s3+s0], $0x8, s30, s0, $0xb8;
	[tilespmem:$0xD4A0] =	vst v63  }
0x36e: {  	s18 =	simm.s32 $0x4360  }
0x36f: {  	[tilespmem:s13], [sflag:$0x1] =	stream.indirect.gather [hbm4b:s3+s0], $0x8, s18, s0, $0xb8;
	[tilespmem:$0xD4A0] =	vst v63  }
0x370: {  	s21 =	simm.s32 $0x43D0  }
0x371: {  	[tilespmem:s12], [sflag:$0x1] =	stream.indirect.gather [hbm4b:s3+s0], $0x8, s21, s0, $0xb8;
	[tilespmem:$0xD4A0] =	vst v63  }
0x372: {  	s12 =	simm.s32 $0x4440  }
0x373: {  	[tilespmem:s11], [sflag:$0x1] =	stream.indirect.gather [hbm4b:s3+s0], $0x8, s12, s0, $0xb8;
	[tilespmem:$0xD4A0] =	vst v63  }
0x374: {  	s18 =	simm.s32 $0x44B0  }
0x375: {  	[tilespmem:s10], [sflag:$0x1] =	stream.indirect.gather [hbm4b:s3+s0], $0x8, s18, s0, $0xb8;
	[tilespmem:$0xD4A0] =	vst v63  }
0x376: {  	s21 =	simm.s32 $0x4520  }
0x377: {  	[tilespmem:s22], [sflag:$0x1] =	stream.indirect.gather [hbm4b:s3+s0], $0x8, s21, s0, $0xb8;
	[tilespmem:$0xD4A0] =	vst v63  }
0x378: {  	s22 =	simm.s32 $0x4590  }
0x379: {  	[tilespmem:s6], [sflag:$0x1] =	stream.indirect.gather [hbm4b:s3+s0], $0x8, s22, s0, $0xb8;
	[tilespmem:$0xD4A0] =	vst v63  }
0x37a: {  	s10 =	simm.s32 $0x4600  }
0x37b: {  	[tilespmem:s5], [sflag:$0x1] =	stream.indirect.gather [hbm4b:s3+s0], $0x8, s10, s0, $0xb8;
	[tilespmem:$0xD4A0] =	vst v63  }
0x37c: {  	s12 =	simm.s32 $0x4670  }
0x37d: {  	[tilespmem:s14], [sflag:$0x1] =	stream.indirect.gather [hbm4b:s3+s0], $0x8, s12, s0, $0xb8;
	[tilespmem:$0xD4A0] =	vst v63  }
0x37e: {  	_ =	swait.ge [sflag:s4], $0x3F00  }
0x37f: {  	[sflag:s4] =	ssyncset.done $0x0  }
0x380: {  	s18 =	rddreg [dreg:$0x19];
	[sflag:s4] =	ssyncadd.s32 $0xFFFFC100  }
0x381: {  	[hbm4b:s18+s24] =	stream.linear.scatter [tilespmem:s9], [sflag:$0x2], $0x3F00, $0x38;
	[tilespmem:$0xD4A0] =	vst v63  }
0x382: {  	_ =	swait.ge [sflag:s23], $0x3F00  }
0x383: {  	[sflag:s23] =	ssyncset.done $0x0  }
0x384: {  	s24 =	simm.s32 $0x46E0;
	[sflag:s23] =	ssyncadd.s32 $0xFFFFC100  }
0x385: {  	[tilespmem:s8], [sflag:$0x1] =	stream.indirect.gather [hbm4b:s3+s0], $0x8, s24, s0, $0xb8;
	[tilespmem:$0xD4A0] =	vst v63  }
0x386: {  	s6 =	simm.s32 $0x9920;
	s5 =	simm.s32 $0x4750  }
0x387: {  	[tilespmem:s6], [sflag:$0x1] =	stream.indirect.gather [hbm4b:s3+s0], $0x8, s5, s0, $0xb8;
	[tilespmem:$0xD4A0] =	vst v63  }
0x388: {  	s10 =	simm.s32 $0x47C0;
	s12 =	simm.s32 $0x9CA0  }
0x389: {  	[tilespmem:s12], [sflag:$0x1] =	stream.indirect.gather [hbm4b:s3+s0], $0x8, s10, s0, $0xb8;
	[tilespmem:$0xD4A0] =	vst v63  }
0x38a: {  	s18 =	simm.s32 $0x4830;
	s24 =	simm.s32 $0xA020  }
0x38b: {  	[tilespmem:s24], [sflag:$0x1] =	stream.indirect.gather [hbm4b:s3+s0], $0x8, s18, s0, $0xb8;
	[tilespmem:$0xD4A0] =	vst v63  }
0x38c: {  	s5 =	simm.s32 $0x48A0;
	s10 =	simm.s32 $0xA3A0  }
0x38d: {  	[tilespmem:s10], [sflag:$0x1] =	stream.indirect.gather [hbm4b:s3+s0], $0x8, s5, s0, $0xb8;
	[tilespmem:$0xD4A0] =	vst v63  }
0x38e: {  	s12 =	simm.s32 $0x4910  }
0x38f: {  	[tilespmem:s16], [sflag:$0x1] =	stream.indirect.gather [hbm4b:s3+s0], $0x8, s12, s0, $0xb8;
	[tilespmem:$0xD4A0] =	vst v63  }
0x390: {  	s18 =	simm.s32 $0x4980;
	s24 =	simm.s32 $0xAAA0  }
0x391: {  	[tilespmem:s24], [sflag:$0x1] =	stream.indirect.gather [hbm4b:s3+s0], $0x8, s18, s0, $0xb8;
	[tilespmem:$0xD4A0] =	vst v63  }
0x392: {  	s7 =	simm.s32 $0x49F0;
	s10 =	simm.s32 $0xAE20  }
0x393: {  	[tilespmem:s10], [sflag:$0x1] =	stream.indirect.gather [hbm4b:s3+s0], $0x8, s7, s0, $0xb8;
	[tilespmem:$0xD4A0] =	vst v63  }
0x394: {  	s12 =	simm.s32 $0x4A60;
	s16 =	simm.s32 $0xB1A0  }
0x395: {  	[tilespmem:s16], [sflag:$0x1] =	stream.indirect.gather [hbm4b:s3+s0], $0x8, s12, s0, $0xb8;
	[tilespmem:$0xD4A0] =	vst v63  }
0x396: {  	s18 =	simm.s32 $0x4AD0;
	s24 =	simm.s32 $0xB520  }
0x397: {  	[tilespmem:s24], [sflag:$0x1] =	stream.indirect.gather [hbm4b:s3+s0], $0x8, s18, s0, $0xb8;
	[tilespmem:$0xD4A0] =	vst v63  }
0x398: {  	s7 =	simm.s32 $0x4B40;
	s10 =	simm.s32 $0xB8A0  }
0x399: {  	[tilespmem:s10], [sflag:$0x1] =	stream.indirect.gather [hbm4b:s3+s0], $0x8, s7, s0, $0xb8;
	[tilespmem:$0xD4A0] =	vst v63  }
0x39a: {  	s12 =	simm.s32 $0x4BB0;
	s16 =	simm.s32 $0xBC20  }
0x39b: {  	[tilespmem:s16], [sflag:$0x1] =	stream.indirect.gather [hbm4b:s3+s0], $0x8, s12, s0, $0xb8;
	[tilespmem:$0xD4A0] =	vst v63  }
0x39c: {  	s18 =	simm.s32 $0x4C20;
	s24 =	simm.s32 $0xBFA0  }
0x39d: {  	[tilespmem:s24], [sflag:$0x1] =	stream.indirect.gather [hbm4b:s3+s0], $0x8, s18, s0, $0xb8;
	[tilespmem:$0xD4A0] =	vst v63  }
0x39e: {  	s7 =	simm.s32 $0x4C90;
	s10 =	simm.s32 $0xC320  }
0x39f: {  	[tilespmem:s10], [sflag:$0x1] =	stream.indirect.gather [hbm4b:s3+s0], $0x8, s7, s0, $0xb8;
	[tilespmem:$0xD4A0] =	vst v63  }
0x3a0: {  	s12 =	simm.s32 $0x4D00;
	s16 =	simm.s32 $0xC6A0  }
0x3a1: {  	[tilespmem:s16], [sflag:$0x1] =	stream.indirect.gather [hbm4b:s3+s0], $0x8, s12, s0, $0xb8;
	[tilespmem:$0xD4A0] =	vst v63  }
0x3a2: {  	s18 =	simm.s32 $0x4D70  }
0x3a3: {  	[tilespmem:s31], [sflag:$0x1] =	stream.indirect.gather [hbm4b:s3+s0], $0x8, s18, s0, $0xb8;
	[tilespmem:$0xD4A0] =	vst v63  }
0x3a4: {  	s24 =	simm.s32 $0x4DE0  }
0x3a5: {  	[tilespmem:s19], [sflag:$0x1] =	stream.indirect.gather [hbm4b:s3+s0], $0x8, s24, s0, $0xb8;
	[tilespmem:$0xD4A0] =	vst v63  }
0x3a6: {  	s31 =	simm.s32 $0x4E50  }
0x3a7: {  	[tilespmem:s1], [sflag:$0x1] =	stream.indirect.gather [hbm4b:s3+s0], $0x8, s31, s0, $0xb8;
	[tilespmem:$0xD4A0] =	vst v63  }
0x3a8: {  	_ =	swait.ge [sflag:s4], $0x3F00  }
0x3a9: {  	[sflag:s4] =	ssyncset.done $0x0  }
0x3aa: {  	s6 =	simm.s32 $0x0;
	s5 =	rddreg [dreg:$0x1a];
	[sflag:s4] =	ssyncadd.s32 $0xFFFFC100  }
0x3ab: {  	[hbm4b:s5+s6] =	stream.linear.scatter [tilespmem:s8], [sflag:$0x3], $0x3F00, $0x38;
	[tilespmem:$0xD4A0] =	vst v63  }
0x3ac: {  	_ =	swait.ge [sflag:s17], $0x3F00  }
0x3ad: {  	[sflag:s17] =	ssyncset.done $0x0  }
0x3ae: {  	s10 =	simm.s32 $0x4EC0;
	[sflag:s17] =	ssyncadd.s32 $0xFFFFC100  }
0x3af: {  	[tilespmem:s9], [sflag:$0x1] =	stream.indirect.gather [hbm4b:s3+s0], $0x8, s10, s0, $0xb8;
	[tilespmem:$0xD4A0] =	vst v63  }
0x3b0: {  	s20 =	simm.s32 $0x5A20;
	s12 =	simm.s32 $0x4F30  }
0x3b1: {  	[tilespmem:s20], [sflag:$0x1] =	stream.indirect.gather [hbm4b:s3+s0], $0x8, s12, s0, $0xb8;
	[tilespmem:$0xD4A0] =	vst v63  }
0x3b2: {  	s25 =	simm.s32 $0x5DA0;
	s16 =	simm.s32 $0x4FA0  }
0x3b3: {  	[tilespmem:s25], [sflag:$0x1] =	stream.indirect.gather [hbm4b:s3+s0], $0x8, s16, s0, $0xb8;
	[tilespmem:$0xD4A0] =	vst v63  }
0x3b4: {  	s26 =	simm.s32 $0x6120;
	s19 =	simm.s32 $0x5010  }
0x3b5: {  	[tilespmem:s26], [sflag:$0x1] =	stream.indirect.gather [hbm4b:s3+s0], $0x8, s19, s0, $0xb8;
	[tilespmem:$0xD4A0] =	vst v63  }
0x3b6: {  	s28 =	simm.s32 $0x64A0;
	s20 =	simm.s32 $0x5080  }
0x3b7: {  	[tilespmem:s28], [sflag:$0x1] =	stream.indirect.gather [hbm4b:s3+s0], $0x8, s20, s0, $0xb8;
	[tilespmem:$0xD4A0] =	vst v63  }
0x3b8: {  	s29 =	simm.s32 $0x6820;
	s24 =	simm.s32 $0x50F0  }
0x3b9: {  	[tilespmem:s29], [sflag:$0x1] =	stream.indirect.gather [hbm4b:s3+s0], $0x8, s24, s0, $0xb8;
	[tilespmem:$0xD4A0] =	vst v63  }
0x3ba: {  	s25 =	simm.s32 $0x5160;
	s26 =	simm.s32 $0x6BA0  }
0x3bb: {  	[tilespmem:s26], [sflag:$0x1] =	stream.indirect.gather [hbm4b:s3+s0], $0x8, s25, s0, $0xb8;
	[tilespmem:$0xD4A0] =	vst v63  }
0x3bc: {  	s15 =	simm.s32 $0x6F20;
	s28 =	simm.s32 $0x51D0  }
0x3bd: {  	[tilespmem:s15], [sflag:$0x1] =	stream.indirect.gather [hbm4b:s3+s0], $0x8, s28, s0, $0xb8;
	[tilespmem:$0xD4A0] =	vst v63  }
0x3be: {  	s2 =	simm.s32 $0x72A0;
	s29 =	simm.s32 $0x5240  }
0x3bf: {  	[tilespmem:s2], [sflag:$0x1] =	stream.indirect.gather [hbm4b:s3+s0], $0x8, s29, s0, $0xb8;
	[tilespmem:$0xD4A0] =	vst v63  }
0x3c0: {  	s30 =	simm.s32 $0x7620;
	s31 =	simm.s32 $0x52B0  }
0x3c1: {  	[tilespmem:s30], [sflag:$0x1] =	stream.indirect.gather [hbm4b:s3+s0], $0x8, s31, s0, $0xb8;
	[tilespmem:$0xD4A0] =	vst v63  }
0x3c2: {  	s13 =	simm.s32 $0x79A0;
	s2 =	simm.s32 $0x5320  }
0x3c3: {  	[tilespmem:s13], [sflag:$0x1] =	stream.indirect.gather [hbm4b:s3+s0], $0x8, s2, s0, $0xb8;
	[tilespmem:$0xD4A0] =	vst v63  }
0x3c4: {  	s7 =	simm.s32 $0x5390;
	s13 =	simm.s32 $0x7D20  }
0x3c5: {  	[tilespmem:s13], [sflag:$0x1] =	stream.indirect.gather [hbm4b:s3+s0], $0x8, s7, s0, $0xb8;
	[tilespmem:$0xD4A0] =	vst v63  }
0x3c6: {  	s11 =	simm.s32 $0x80A0;
	s15 =	simm.s32 $0x5400  }
0x3c7: {  	[tilespmem:s11], [sflag:$0x1] =	stream.indirect.gather [hbm4b:s3+s0], $0x8, s15, s0, $0xb8;
	[tilespmem:$0xD4A0] =	vst v63  }
0x3c8: {  	s16 =	simm.s32 $0x5470;
	s19 =	simm.s32 $0x8420  }
0x3c9: {  	[tilespmem:s19], [sflag:$0x1] =	stream.indirect.gather [hbm4b:s3+s0], $0x8, s16, s0, $0xb8;
	[tilespmem:$0xD4A0] =	vst v63  }
0x3ca: {  	s21 =	simm.s32 $0x87A0;
	s20 =	simm.s32 $0x54E0  }
0x3cb: {  	[tilespmem:s21], [sflag:$0x1] =	stream.indirect.gather [hbm4b:s3+s0], $0x8, s20, s0, $0xb8;
	[tilespmem:$0xD4A0] =	vst v63  }
0x3cc: {  	s24 =	simm.s32 $0x5550;
	s25 =	simm.s32 $0x8B20  }
0x3cd: {  	[tilespmem:s25], [sflag:$0x1] =	stream.indirect.gather [hbm4b:s3+s0], $0x8, s24, s0, $0xb8;
	[tilespmem:$0xD4A0] =	vst v63  }
0x3ce: {  	s22 =	simm.s32 $0x8EA0;
	s26 =	simm.s32 $0x55C0  }
0x3cf: {  	[tilespmem:s22], [sflag:$0x1] =	stream.indirect.gather [hbm4b:s3+s0], $0x8, s26, s0, $0xb8;
	[tilespmem:$0xD4A0] =	vst v63  }
0x3d0: {  	s14 =	simm.s32 $0x9220;
	s28 =	simm.s32 $0x5630  }
0x3d1: {  	[tilespmem:s14], [sflag:$0x1] =	stream.indirect.gather [hbm4b:s3+s0], $0x8, s28, s0, $0xb8;
	[tilespmem:$0xD4A0] =	vst v63  }
0x3d2: {  	_ =	swait.ge [sflag:s4], $0x3F00  }
0x3d3: {  	[sflag:s4] =	ssyncset.done $0x0  }
0x3d4: {  	s29 =	rddreg [dreg:$0x1b];
	[sflag:s4] =	ssyncadd.s32 $0xFFFFC100  }
0x3d5: {  	[hbm4b:s29+s6] =	stream.linear.scatter [tilespmem:s9], [sflag:$0x2], $0x3F00, $0x38;
	[tilespmem:$0xD4A0] =	vst v63  }
0x3d6: {  	_ =	swait.ge [sflag:s17], $0x3F00  }
0x3d7: {  	[sflag:s17] =	ssyncset.done $0x0  }
0x3d8: {  	[sflag:s17] =	ssyncadd.s32 $0xFFFFC100  }
0x3d9: {  	_ =	swait.ge [sflag:s23], $0x3F00  }
0x3da: {  	s30 =	rddreg [dreg:$0x1c]  }
0x3db: {  	s31 =	rddreg [dreg:$0x15];
	s1 =	sadd.s32 $0x1, s30  }
0x3dc: {  	p0 =	sne.s32 s1, s31  }
.Ltmp2:
0x3dd: {  	_ = 	snop;
	(pc) =	sbr.rel @p0 .LBB2_1-.Ltmp2, $4  }
0x3de: {  	_ = 	snop  }
0x3df: {  	s18 =	simm.s32 $0x5DA0  }
0x3e0: {  	s5 =	simm.s32 $0x5A20;
	s8 =	simm.s32 $0x6820;
	[sflag:s23] =	ssyncset.done $0x0  }
0x3e1: {  	s10 =	simm.s32 $0x6120;
	s12 =	simm.s32 $0x64A0;
	[sflag:s23] =	ssyncadd.s32 $0xFFFFC100  }
0x3e2: {  	_ =	sfence.sel $0x180000  }
0x3e3: {  	[bflag:$0x0] =	sbarrier.arrive $0xFFFF  }
0x3e4: {  	_ =	strace $0x90000047  }
0x3e5: {  	s0 =	stileid.u32;
	[bflag:$0x2] =	sbarrier.arrive $0xFFFF  }
0x3e6: {  	p0 =	sne.s32 s0, $0x0;
	s0 =	rddreg [dreg:$0x2]  }
0x3e7: {  	s0 =	sadd.s32 @!p0 $0x100000, s0  }
0x3e8: {  	[sflag:s0] =	ssyncadd.tile.s32 @!p0 $0x1;
	_ =	shalt  }
.Lfunc_end2:
_tile_overlayer_lowered:
.L_overlay_start_2:
0x3e9: {  	(tag) =	ssettag $0x2  }
0x3ea: {  	s0 =	rddreg [dreg:$0x0];
	s2 =	stileid.u32  }
0x3eb: {  	s1 =	rddreg [dreg:$0x1];
	p0 =	sne.s32 s2, $0x0  }
0x3ec: {  	s3 =	rddreg [dreg:$0x2];
	[bflag:$0x3] =	sbarrier.arrive $0xFFFF;
	s2 =	simm.s32 @!p0 $0x1C04  }
0x3ed: {  	[timem:s3], [sflag:s2] =	dma.local @!p0 [hbm:s0], s1  }
0x3ee: {  	s0 =	simm.s32 @!p0 $0x4  }
0x3ef: {  	_ =	swait.ge @!p0 [sflag:s0], s1  }
0x3f0: {  	s1 =	ssub.s32 @!p0 $0x0, s1;
	[sflag:s0] =	ssyncset.done @!p0 $0x0  }
0x3f1: {  	[sflag:s0] =	ssyncadd.s32 @!p0 s1  }
0x3f2: {  	[bflag:$0x3] =	sbarrier.arrive $0xFFFF  }
0x3f3: {  	_ =	shalt  }

// kernel: sparse-core-data-format-call.cloned.1.call-start
scs
called_computation_lowered:
.L_overlay_start_0:
0x0: {  	s2 =	sld [smem:$0x3FD9]  }
0x1: {  	s3 =	sld [smem:$0x3FFE];
	_ =	sdelay $0x1  }
0x2: {  	s1 =	srdreg.scid  }
0x3: {  	s0 =	sand.u32 $0x1, s1  }
0x4: {  	s15 =	sshll.u32 s0, $0xA;
	s2 =	sadd.s32 s3, s2  }
0x5: {  	s2 =	sadd.s32 s2, s15  }
0x6: {  	[smem:$0x3FC5] =	sst s2  }
0x7: {  	_ = 	snop  }
0x8: {  	s2 =	sld [smem:$0x3FD0];
	_ =	sdelay $0x2  }
0x9: {  	s16 =	simm.s32 $0xA;
	s4 =	simm.s32 $0x10  }
0xa: {  	[smem:s4], [sflag:s16] =	dma.local [hbm:s2], $0x1  }
0xb: {  	_ =	swait.eq [sflag:s16], $0x1  }
0xc: {  	[sflag:s16] =	ssyncset.done $0x0  }
0xd: {  	[sflag:s16] =	ssyncadd.s32 $0xFFFFFFFF  }
0xe: {  	s17 =	sld [smem:$0x10];
	(tm) =	ssettm $0x1  }
0xf: {  	s18 =	sld [smem:$0x3FFB];
	_ =	sdelay $0x3  }
0x10: {  	_ =	strace s18  }
0x11: {  	s3 =	sld [smem:$0x3FFC];
	_ =	sdelay $0x3  }
0x12: {  	_ =	strace s3  }
0x13: {  	s3 =	sld [smem:$0x3FFD];
	_ =	sdelay $0x3  }
0x14: {  	_ =	strace s3  }
0x15: {  	_ =	strace $0x8FFFFFFF  }
0x16: {  	s19 =	sld [smem:$0x3FDB];
	_ =	sdelay $0x1  }
0x17: {  	s20 =	simm.s32 $_scs_section_size  }
0x18: {  	s5 =	simm.s32 $_size__tile_overlayer_lowered;
	s6 =	simm.s32 $_tile_overlayer_lowered  }
0x19: {  	s23 =	simm.s32 $0x1BFF;
	s22 =	sshll.u32 s6, $0x1;
	s3 =	sadd.s32 s20, s19  }
0x1a: {  	s7 =	simm.s32 $0x0;
	s21 =	sshll.u32 s5, $0x1;
	s5 =	sadd.s32 s22, s3  }
0x1b: {  	[timem:s7], [sflag:s23] =	dma.local [hbm:s5], s21  }
0x1c: {  	_ =	swait.ge [sflag:s23], s21  }
0x1d: {  	s4 =	ssub.s32 $0x0, s21;
	[sflag:s23] =	ssyncset.done $0x0  }
0x1e: {  	[sflag:s23] =	ssyncadd.s32 s4;
	_ =	sdelay $0x1  }
0x1f: {  	s24 =	simm.s32 $0x1B8B  }
0x20: {  	_ =	swait.ge [sflag:s24], $0x1  }
0x21: {  	[sflag:s24] =	ssyncset.done $0x0  }
0x22: {  	s26 =	simm.s32 $0x1B8E;
	s25 =	sld [smem:$0x3FFE];
	[sflag:s24] =	ssyncadd.s32 $0xFFFFFFFF  }
0x23: {  	s27 =	simm.s32 $execute0_lowered;
	[smem:$0x3FD2] =	sst s26  }
0x24: {  	s5 =	sshll.u32 s27, $0x1;
	_ =	strace $0x80000049;
	[dreg:$0x1] =	wrdreg $0xFFFFFFFF  }
0x25: {  	s28 =	simm.s32 $_size_execute0_lowered;
	s3 =	sadd.s32 s3, s5;
	[dreg:$0x0] =	wrdreg $0x0  }
0x26: {  	s5 =	sshll.u32 s28, $0x1;
	[dreg:$0x2] =	wrdreg s3  }
0x27: {  	[dreg:$0x3] =	wrdreg s5  }
0x28: {  	[dreg:$0x4] =	wrdreg $0xC0  }
0x29: {  	_ =	task [dreg:s7], $0x5FFFF  }
0x2a: {  	[dreg:$0x1] =	wrdreg $0xFFFFFFFF  }
0x2b: {  	[dreg:$0x0] =	wrdreg $0x60  }
0x2c: {  	[dreg:$0x2] =	wrdreg s25  }
0x2d: {  	[dreg:$0x3] =	wrdreg s17  }
0x2e: {  	[dreg:$0x4] =	wrdreg $0x9  }
0x2f: {  	_ =	task.clear_ibuf [dreg:s7], $0x5FFFF;
	_ =	strace $0x90000049  }
0x30: {  	s29 =	simm.s32 $0x9;
	_ =	strace $0x8000004B  }
0x31: {  	_ =	swait.ge [sflag:s29], $0x1  }
0x32: {  	[sflag:s29] =	ssyncadd.s32 $0xFFFFFFFF  }
0x33: {  	_ =	strace $0x9000004B  }
0x34: {  	_ =	sfence  }
0x35: {  	s30 =	sld [smem:$0x0];
	_ =	sdelay $0x2  }
0x36: {  	s31 =	sshll.u32 s1, $0xD;
	s1 =	sshrl.u32 s1, $0x2  }
0x37: {  	s3 =	sand.u32 $0x4000, s31;
	s1 =	sadd.s32 s1, s30  }
0x38: {  	s0 =	sor.u32 s3, s0;
	s1 =	sshll.u32 s1, $0x11  }
0x39: {  	s0 =	sor.u32 s1, s0  }
0x3a: {  	s0 =	sadd.s32 $0x8F2B, s0  }
0x3b: {  	[sflag:s0] =	ssyncadd.remote.s32 $0x1  }
0x3c: {  	_ =	sfence.sel $0xFFFF  }
0x3d: {  	[dreg:$0x0] =	wrdreg $0xFFFFFFFF;
	(pc) =	sbr.abs _section_cstart, $3  }
0x3e: {  	[dreg:$0x1] =	wrdreg $0xFFFFFFFF  }
0x3f: {  	_ =	task.clear_ibuf [dreg:s7], $0x2FFFF;
	_ =	strace $0x9FFFFFFF  }
0x40: {  	(tm) =	ssettm $0x7FFFFFFF  }
0x41: {  	_ =	shalt  }
tec
execute0_lowered:
.L_overlay_start_1:
0x0: {  	(tag) =	ssettag $0x1  }
0x1: {  	s3 =	rddreg [dreg:$0x0]  }
0x2: {  	s0 =	srdreg.scid;
	s2 =	rddreg [dreg:$0x1];
	s7 =	simm.s32 $0x2  }
0x3: {  	s16 =	simm.s32 $0x0;
	p0 =	por $0x0, $0x0;
	s13 =	simm.s32 $0x0  }
0x4: {  	s14 =	simm.s32 $0x0;
	s15 =	simm.s32 $0x0;
	s1 =	sand.u32 $0x1, s0  }
0x5: {  	s8 =	simm.s32 $0x0;
	s9 =	simm.s32 $0x0;
	s4 =	ssub.s32 $0x4, s1  }
.Ltmp0:
0x6: {  	s11 =	stileid.u32;
	s5 =	sshrl.u32 s4, $0x1;
	(pc) =	sbr.rel .LBB1_1-.Ltmp0, $4  }
0x7: {  	s12 =	simm.s32 $0x0;
	s0 =	rddreg [dreg:$0x2];
	s5 =	ssub.s32 s4, s5  }
0x8: {  	_ =	strace $0x8000004A;
	s4 =	simm.s32 $0x1;
	s5 =	smul.u32 $0xB6, s5  }
0x9: {  	s6 =	sadd.s32 $0x1000, s3;
	s3 =	stileid.u32;
	[sflag:s4] =	ssyncpa.u1 $0x0  }
0xa: {  	s10 =	smov.u32 s1;
	[sflag:s7] =	ssyncpa.u1 $0x0;
	s7 =	sor.u32 $0x1, s5  }
.LBB1_4:
0xb: {  	[tilespmem:s26+$0xFFFFFFFA ss:$0x81] =	vst.msk $0xff, v4  }
0xc: {  	v4 =	vld.msk [tilespmem:s28+$0xFFFFFFF0], $0xff;
	_ =	sdelay $0x3  }
0xd: {  	[tilespmem:s23+$0xFFFFFFFB ss:$0x81] =	vst.msk $0xff, v3  }
0xe: {  	v3 =	vld.msk [tilespmem:s25+$0xFFFFFFF8], $0xff;
	[tilespmem:s26+$0xFFFFFFFB ss:$0x81] =	vst.msk $0xff, v4  }
0xf: {  	v4 =	vld.msk [tilespmem:s28+$0xFFFFFFF8], $0xff;
	_ =	sdelay $0x3  }
0x10: {  	v5 =	vld.msk [tilespmem:s24+$0x0], $0xff;
	[tilespmem:s23+$0xFFFFFFFC ss:$0x81] =	vst.msk $0xff, v3  }
0x11: {  	v3 =	vld.msk [tilespmem:s25+$0x0], $0xff;
	[tilespmem:s26+$0xFFFFFFFC ss:$0x81] =	vst.msk $0xff, v4  }
0x12: {  	v4 =	vld.msk [tilespmem:s28+$0x0], $0xff;
	_ =	sdelay $0x2  }
0x13: {  	[tilespmem:s21+$0xFFFFFFFD ss:$0x81] =	vst.msk $0xff, v5  }
0x14: {  	v5 =	vld.msk [tilespmem:s24+$0x8], $0xff;
	[tilespmem:s23+$0xFFFFFFFD ss:$0x81] =	vst.msk $0xff, v3  }
0x15: {  	v3 =	vld.msk [tilespmem:s25+$0x8], $0xff;
	[tilespmem:s26+$0xFFFFFFFD ss:$0x81] =	vst.msk $0xff, v4  }
0x16: {  	v4 =	vld.msk [tilespmem:s28+$0x8], $0xff;
	_ =	sdelay $0x1  }
0x17: {  	[tilespmem:s19+$0xFFFFFFFE ss:$0x81] =	vst.msk $0xff, v2  }
0x18: {  	v2 =	vld.msk [tilespmem:s22+$0x10], $0xff;
	[tilespmem:s21+$0xFFFFFFFE ss:$0x81] =	vst.msk $0xff, v5  }
0x19: {  	v5 =	vld.msk [tilespmem:s24+$0x10], $0xff;
	[tilespmem:s23+$0xFFFFFFFE ss:$0x81] =	vst.msk $0xff, v3  }
0x1a: {  	v3 =	vld.msk [tilespmem:s25+$0x10], $0xff;
	[tilespmem:s26+$0xFFFFFFFE ss:$0x81] =	vst.msk $0xff, v4  }
0x1b: {  	s29 =	sshll.u32 s16, $0x3;
	v4 =	vld.msk [tilespmem:s28+$0x10], $0xff  }
0x1c: {  	s30 =	sand.u32 $0x7F, s16;
	[tilespmem:s18+$0xFFFFFFFF ss:$0x81] =	vst.msk $0xff, v1;
	s29 =	sand.u32 $0xFFFFFC00, s29  }
0x1d: {  	s15 =	smul.u32 $0x16C00, s15;
	v1 =	vld.msk [tilespmem:s20+$0x18], $0xff;
	s16 =	sor.u32 s30, s29;
	[tilespmem:s19+$0xFFFFFFFF ss:$0x81] =	vst.msk $0xff, v2  }
0x1e: {  	s30 =	smulhi.u32 $0x4EC4EC4F, s16;
	v2 =	vld.msk [tilespmem:s22+$0x18], $0xff;
	[tilespmem:s21+$0xFFFFFFFF ss:$0x81] =	vst.msk $0xff, v5  }
0x1f: {  	v61 =	vld.msk [tilespmem:s24+$0x18], $0xff;
	s24 =	smulhi.u32 $0x4EC4EC4F, s29;
	[tilespmem:s23+$0xFFFFFFFF ss:$0x81] =	vst.msk $0xff, v3  }
0x20: {  	s14 =	smul.u32 $0x5B00, s14;
	v62 =	vld.msk [tilespmem:s25+$0x18], $0xff;
	[tilespmem:s26+$0xFFFFFFFF ss:$0x81] =	vst.msk $0xff, v4  }
0x21: {  	[tilespmem:s17+$0x0 ss:$0x81] =	vst.msk $0xff, v0;
	s13 =	smul.u32 $0x680, s13;
	s31 =	sshrl.u32 s30, $0x9;
	v63 =	vld.msk [tilespmem:s28+$0x18], $0xff;
	s28 =	sshrl.u32 s24, $0x9  }
0x22: {  	s15 =	sadd.s32 s2, s15;
	s20 =	smul.u32 $0x680, s31;
	[tilespmem:s18+$0x0 ss:$0x81] =	vst.msk $0xff, v1;
	s17 =	sand.u32 $0x7, s28  }
0x23: {  	s14 =	sadd.s32 s14, s15;
	[tilespmem:s19+$0x0 ss:$0x81] =	vst.msk $0xff, v2;
	s17 =	smul.u32 $0xD0, s17  }
0x24: {  	s13 =	sadd.s32 s13, s14;
	s29 =	ssub.s32 s16, s20;
	[tilespmem:s21+$0x0 ss:$0x81] =	vst.msk $0xff, v61  }
0x25: {  	s30 =	sshrl.u32 s29, $0x3;
	[tilespmem:s23+$0x0 ss:$0x81] =	vst.msk $0xff, v62;
	s13 =	sadd.s32 s17, s13  }
0x26: {  	s31 =	sand.u32 $0x7, s29;
	[tilespmem:s26+$0x0 ss:$0x81] =	vst.msk $0xff, v63;
	s13 =	sadd.s32 s30, s13  }
0x27: {  	[hbm4b:s13+s31] =	stream.linear.scatter [tilespmem:s27], [sflag:$0x2], $0x400, $0x20;
	[tilespmem:$0x1010] =	vst v63  }
.LBB1_5:
0x28: {  	s17 =	sadd.s32 $0x80, s8  }
0x29: {  	s13 =	simm.s32 $0x1;
	p2 =	sgt.s32 s17, $0x62F  }
0x2a: {  	s13 =	simm.s32 @!p2 $0x0  }
0x2b: {  	s18 =	sadd.s32 s13, s9  }
0x2c: {  	s19 =	smov.u32 s10;
	s13 =	sadd.s32 $0x2, s10;
	p3 =	sgt.s32 s18, $0xD  }
0x2d: {  	s19 =	smov.u32 @p3 s13  }
0x2e: {  	s20 =	smov.u32 s11;
	s13 =	sadd.s32 $0x10, s11;
	p4 =	sgt.s32 s19, $0x3  }
0x2f: {  	p1 =	slt.u32 s12, $0x2;
	s20 =	smov.u32 @p4 s13  }
0x30: {  	s16 =	smov.u32 s8;
	s17 =	simm.s32 @p2 $0x0;
	p2 =	sgt.s32 s20, $0xF  }
0x31: {  	s21 =	simm.s32 @!p1 $0x2;
	s20 =	smov.u32 @p2 s3;
	p2 =	sne.s32 s12, s7  }
.Ltmp1:
0x32: {  	s14 =	smov.u32 s10;
	_ =	swait.ge @!p1 [sflag:s21], $0x400;
	(pc) =	sbr.rel @!p2 .LBB1_6-.Ltmp1, $4  }
0x33: {  	s15 =	smov.u32 s11;
	p0 =	por !p0, !p0;
	[sflag:s21] =	ssyncset.done @!p1 $0x0  }
0x34: {  	s8 =	smov.u32 s17;
	[sflag:s21] =	ssyncadd.s32 @!p1 $0xFFFFFC00;
	s18 =	simm.s32 @p3 $0x0  }
0x35: {  	s19 =	smov.u32 @p4 s1;
	s13 =	smov.u32 s9;
	s9 =	smov.u32 s18  }
0x36: {  	s10 =	smov.u32 s19;
	s12 =	sadd.s32 $0x1, s12;
	s11 =	smov.u32 s20  }
.LBB1_1:
0x37: {  	p1 =	sge.u32 s12, s5  }
0x38: {  	s17 =	smov.u32 s11;
	p2 =	sgt.s32 @!p1 s11, $0xF  }
0x39: {  	s19 =	smov.u32 s10;
	s18 =	sshra.s32 @!p1 s11, $0x1F;
	p2 =	por !p2, p1  }
0x3a: {  	s20 =	sshra.s32 @!p1 s10, $0x1F;
	s17 =	simm.s32 @p2 $0xF;
	p2 =	sgt.s32 @!p1 s10, $0x3  }
0x3b: {  	s21 =	sand.u32 @!p1 $0x1FFFFFF, s8;
	p3 =	sgt.s32 @!p1 s9, $0xD;
	p2 =	por !p2, p1  }
0x3c: {  	s18 =	sand.u32 @!p1 s18, s11;
	s20 =	sand.u32 @!p1 s20, s10;
	s19 =	simm.s32 @p2 $0x3  }
0x3d: {  	s22 =	sshra.s32 @!p1 s9, $0x1F;
	s17 =	ssub.s32 @!p1 s17, s18;
	s18 =	ssub.s32 @!p1 s19, s20  }
0x3e: {  	p3 =	por !p3, p1;
	s22 =	sand.u32 @!p1 s22, s9;
	s20 =	sadd.s32 @!p1 $0xFFFFFFFD, s18  }
0x3f: {  	s17 =	sadd.s32 @!p1 $0xFFFFFFF1, s17;
	s19 =	smulhi.u32 @!p1 $0x295FAD5, s21;
	p2 =	sgt.s32 @!p1 s20, $0x0  }
0x40: {  	s18 =	ssub.s32 @!p1 $0x4, s18;
	s20 =	smov.u32 s9;
	p2 =	por !p2, p1  }
0x41: {  	s20 =	simm.s32 @p3 $0xD;
	p3 =	sgt.s32 @!p1 s8, $0x5B0;
	s18 =	simm.s32 @!p2 $0x0  }
0x42: {  	s20 =	ssub.s32 @!p1 s20, s22;
	p2 =	por !p3, p1;
	s22 =	smov.u32 s8  }
0x43: {  	p3 =	sgt.s32 @!p1 s17, $0x0;
	s17 =	sshll.u32 @!p1 s17, $0x3;
	s23 =	sadd.s32 @!p1 $0xFFFFFFF3, s20  }
0x44: {  	s22 =	simm.s32 @p2 $0x5B0;
	p2 =	sgt.s32 @!p1 s23, $0x0;
	s23 =	sshra.s32 @!p1 s8, $0x1F  }
0x45: {  	s17 =	ssub.s32 @!p1 $0x8, s17;
	p3 =	por !p3, p1;
	s23 =	sand.u32 @!p1 s23, s8  }
0x46: {  	s20 =	ssub.s32 @!p1 $0xE, s20;
	s17 =	simm.s32 @!p3 $0x0;
	s22 =	ssub.s32 @!p1 s22, s23  }
0x47: {  	p2 =	por !p2, p1;
	s17 =	smul.u32 @!p1 s18, s17;
	s23 =	sadd.s32 @!p1 $0xFFFFFA50, s22  }
0x48: {  	s18 =	sshrl.u32 @!p1 s19, $0x4;
	s20 =	simm.s32 @!p2 $0x0;
	p2 =	sgt.s32 @!p1 s23, $0x7F  }
0x49: {  	s19 =	ssub.s32 @!p1 $0x630, s22;
	s17 =	smul.u32 @!p1 s20, s17;
	p2 =	por !p2, p1  }
0x4a: {  	s18 =	smul.u32 @!p1 $0x630, s18;
	s19 =	simm.s32 @!p2 $0x0  }
0x4b: {  	s17 =	smul.u32 @!p1 s19, s17  }
0x4c: {  	s19 =	smul.u32 @!p1 $0x15A800, s11  }
0x4d: {  	s31 =	sadd.s32 $0xFFFFFFFF, s12;
	s20 =	sxor.u32 @!p1 $0xFFFFFFFF, s12;
	s22 =	smul.u32 @!p1 $0x56A00, s10  }
0x4e: {  	s20 =	sshll.u32 @!p1 s20, $0xA;
	s23 =	smul.u32 @!p1 $0x6300, s9;
	s19 =	sadd.s32 @!p1 s6, s19  }
0x4f: {  	s18 =	ssub.s32 @!p1 s21, s18;
	s21 =	simm.s32 @!p1 $0x80;
	s19 =	sadd.s32 @!p1 s22, s19  }
0x50: {  	s20 =	sand.u32 @!p1 $0x400, s20;
	s18 =	sshll.u32 @!p1 s18, $0x4;
	s19 =	sadd.s32 @!p1 s23, s19  }
0x51: {  	s17 =	sand.u32 @!p1 $0x3FFFFFF8, s17;
	s18 =	sadd.s32 @!p1 s18, s19;
	s19 =	simm.s32 @!p1 $0x8  }
0x52: {  	[tilespmem:s20], [sflag:$0x1] =	stream.strided.gather @!p1 [hbm4b:s18+s19], s17, s21, s19, $0x38;
	[tilespmem:$0x1010] =	vst v63  }
0x53: {  	p1 =	sge.u32 s31, s5  }
.Ltmp2:
0x54: {  	_ = 	snop;
	(pc) =	sbr.rel @p1 .LBB1_5-.Ltmp2, $1  }
0x55: {  	_ =	sdelay $0x3  }
0x56: {  	p1 =	sgt.s32 s15, $0xF  }
0x57: {  	s17 =	smov.u32 s15;
	s18 =	sshra.s32 s15, $0x1F;
	s19 =	smov.u32 s14  }
0x58: {  	s20 =	sshra.s32 s14, $0x1F;
	p2 =	sgt.s32 s13, $0xD;
	s23 =	sshra.s32 s13, $0x1F  }
0x59: {  	s17 =	simm.s32 @!p1 $0xF;
	p1 =	sgt.s32 s14, $0x3;
	s18 =	sand.u32 s18, s15  }
0x5a: {  	s20 =	sand.u32 s20, s14;
	s19 =	simm.s32 @!p1 $0x3;
	s17 =	ssub.s32 s17, s18  }
0x5b: {  	s21 =	smov.u32 s16;
	s22 =	ssub.s32 s19, s20;
	s17 =	sadd.s32 $0xFFFFFFF1, s17  }
0x5c: {  	s20 =	sand.u32 s23, s13;
	s19 =	sadd.s32 $0xFFFFFFFD, s22;
	s18 =	ssub.s32 $0x4, s22  }
0x5d: {  	s22 =	sshra.s32 s16, $0x1F;
	p1 =	sgt.s32 s19, $0x0;
	s19 =	smov.u32 s13  }
0x5e: {  	s24 =	sand.u32 s22, s16;
	s19 =	simm.s32 @!p2 $0xD;
	p2 =	sgt.s32 s17, $0x0  }
0x5f: {  	s18 =	simm.s32 @p1 $0x0;
	p1 =	sgt.s32 s16, $0x5B0;
	s17 =	sshll.u32 s17, $0x3  }
0x60: {  	s19 =	ssub.s32 s19, s20;
	s21 =	simm.s32 @!p1 $0x5B0;
	s17 =	ssub.s32 $0x8, s17  }
0x61: {  	s20 =	sadd.s32 $0xFFFFFFF3, s19;
	s17 =	simm.s32 @p2 $0x0;
	s19 =	ssub.s32 $0xE, s19  }
0x62: {  	p1 =	sgt.s32 s20, $0x0;
	s20 =	ssub.s32 s21, s24;
	s17 =	smul.u32 s18, s17  }
0x63: {  	s19 =	simm.s32 @p1 $0x0;
	s25 =	sadd.s32 $0xFFFFFA50, s20  }
0x64: {  	s18 =	ssub.s32 $0x630, s20;
	p1 =	sgt.s32 s25, $0x7F;
	s17 =	smul.u32 s19, s17  }
0x65: {  	s18 =	simm.s32 @p1 $0x0  }
0x66: {  	s17 =	smul.u32 s18, s17;
	_ =	sdelay $0x1  }
0x67: {  	s18 =	simm.s32 $0x1;
	s17 =	sand.u32 $0x3FFFFFF8, s17  }
0x68: {  	s18 =	simm.s32 @!p0 $0x0;
	_ =	swait.ge [sflag:s4], s17  }
0x69: {  	s26 =	sshll.u32 s18, $0xA;
	s17 =	ssub.s32 $0x0, s17;
	[sflag:s4] =	ssyncset.done $0x0  }
0x6a: {  	s26 =	sor.u32 $0x20, s26;
	[sflag:s4] =	ssyncadd.s32 s17  }
0x6b: {  	v0 =	vld.msk [tilespmem:s26+$0xFFFFFFE0], $0xff  }
0x6c: {  	s31 =	smul.u32 $0x1020, s18;
	_ =	sdelay $0x1  }
0x6d: {  	s17 =	sshrl.u32 s31, $0x2  }
0x6e: {  	s17 =	sor.u32 $0x807, s17  }
0x6f: {  	[tilespmem:s17+$0xFFFFFFF9 ss:$0x81] =	vst.msk $0xff, v0  }
0x70: {  	v0 =	vld.msk [tilespmem:s26+$0xFFFFFFE8], $0xff  }
0x71: {  	s20 =	sadd.s32 $0x40, s26  }
0x72: {  	v1 =	vld.msk [tilespmem:s20+$0xFFFFFFE0], $0xff;
	_ =	sdelay $0x2  }
0x73: {  	[tilespmem:s17+$0xFFFFFFFA ss:$0x81] =	vst.msk $0xff, v0  }
0x74: {  	s18 =	sadd.s32 $0x8, s17;
	v0 =	vld.msk [tilespmem:s26+$0xFFFFFFF0], $0xff  }
0x75: {  	[tilespmem:s18+$0xFFFFFFF9 ss:$0x81] =	vst.msk $0xff, v1  }
0x76: {  	v1 =	vld.msk [tilespmem:s20+$0xFFFFFFE8], $0xff  }
0x77: {  	s22 =	sadd.s32 $0x40, s20  }
0x78: {  	v2 =	vld.msk [tilespmem:s22+$0xFFFFFFE0], $0xff  }
0x79: {  	[tilespmem:s17+$0xFFFFFFFB ss:$0x81] =	vst.msk $0xff, v0  }
0x7a: {  	v0 =	vld.msk [tilespmem:s26+$0xFFFFFFF8], $0xff  }
0x7b: {  	[tilespmem:s18+$0xFFFFFFFA ss:$0x81] =	vst.msk $0xff, v1  }
0x7c: {  	s19 =	sadd.s32 $0x8, s18;
	v1 =	vld.msk [tilespmem:s20+$0xFFFFFFF0], $0xff  }
0x7d: {  	[tilespmem:s19+$0xFFFFFFF9 ss:$0x81] =	vst.msk $0xff, v2  }
0x7e: {  	s24 =	sadd.s32 $0x40, s22;
	v2 =	vld.msk [tilespmem:s22+$0xFFFFFFE8], $0xff  }
0x7f: {  	[tilespmem:s17+$0xFFFFFFFC ss:$0x81] =	vst.msk $0xff, v0;
	v0 =	vld.msk [tilespmem:s24+$0xFFFFFFE0], $0xff  }
0x80: {  	v3 =	vld.msk [tilespmem:s26+$0x0], $0xff  }
0x81: {  	[tilespmem:s18+$0xFFFFFFFB ss:$0x81] =	vst.msk $0xff, v1  }
0x82: {  	v1 =	vld.msk [tilespmem:s20+$0xFFFFFFF8], $0xff  }
0x83: {  	s21 =	sadd.s32 $0x8, s19;
	[tilespmem:s19+$0xFFFFFFFA ss:$0x81] =	vst.msk $0xff, v2  }
0x84: {  	v2 =	vld.msk [tilespmem:s22+$0xFFFFFFF0], $0xff;
	[tilespmem:s21+$0xFFFFFFF9 ss:$0x81] =	vst.msk $0xff, v0  }
0x85: {  	v0 =	vld.msk [tilespmem:s24+$0xFFFFFFE8], $0xff;
	[tilespmem:s17+$0xFFFFFFFD ss:$0x81] =	vst.msk $0xff, v3  }
0x86: {  	s25 =	sadd.s32 $0x40, s24;
	v3 =	vld.msk [tilespmem:s26+$0x8], $0xff  }
0x87: {  	[tilespmem:s18+$0xFFFFFFFC ss:$0x81] =	vst.msk $0xff, v1;
	v1 =	vld.msk [tilespmem:s25+$0xFFFFFFE0], $0xff  }
0x88: {  	v4 =	vld.msk [tilespmem:s20+$0x0], $0xff  }
0x89: {  	[tilespmem:s19+$0xFFFFFFFB ss:$0x81] =	vst.msk $0xff, v2  }
0x8a: {  	v2 =	vld.msk [tilespmem:s22+$0xFFFFFFF8], $0xff;
	[tilespmem:s21+$0xFFFFFFFA ss:$0x81] =	vst.msk $0xff, v0  }
0x8b: {  	s23 =	sadd.s32 $0x8, s21;
	v0 =	vld.msk [tilespmem:s24+$0xFFFFFFF0], $0xff;
	[tilespmem:s17+$0xFFFFFFFE ss:$0x81] =	vst.msk $0xff, v3  }
0x8c: {  	[tilespmem:s23+$0xFFFFFFF9 ss:$0x81] =	vst.msk $0xff, v1;
	v1 =	vld.msk [tilespmem:s26+$0x10], $0xff  }
0x8d: {  	[tilespmem:s18+$0xFFFFFFFD ss:$0x81] =	vst.msk $0xff, v4;
	v3 =	vld.msk [tilespmem:s25+$0xFFFFFFE8], $0xff  }
0x8e: {  	s28 =	sadd.s32 $0x40, s25;
	v4 =	vld.msk [tilespmem:s20+$0x8], $0xff  }
0x8f: {  	[tilespmem:s19+$0xFFFFFFFC ss:$0x81] =	vst.msk $0xff, v2;
	v2 =	vld.msk [tilespmem:s28+$0xFFFFFFE0], $0xff  }
0x90: {  	v5 =	vld.msk [tilespmem:s22+$0x0], $0xff;
	[tilespmem:s21+$0xFFFFFFFB ss:$0x81] =	vst.msk $0xff, v0  }
0x91: {  	v6 =	vld.msk [tilespmem:s24+$0xFFFFFFF8], $0xff;
	[tilespmem:s17+$0xFFFFFFFF ss:$0x81] =	vst.msk $0xff, v1  }
0x92: {  	s27 =	sand.u32 $0x1, s12;
	[tilespmem:s23+$0xFFFFFFFA ss:$0x81] =	vst.msk $0xff, v3;
	v0 =	vld.msk [tilespmem:s26+$0x18], $0xff  }
0x93: {  	s27 =	smul.u32 $0x1020, s27;
	[tilespmem:s18+$0xFFFFFFFE ss:$0x81] =	vst.msk $0xff, v4;
	v3 =	vld.msk [tilespmem:s25+$0xFFFFFFF0], $0xff;
	s26 =	sadd.s32 $0x8, s23  }
0x94: {  	v1 =	vld.msk [tilespmem:s20+$0x10], $0xff;
	[tilespmem:s26+$0xFFFFFFF9 ss:$0x81] =	vst.msk $0xff, v2  }
0x95: {  	s27 =	sshrl.u32 s27, $0x2;
	[tilespmem:s19+$0xFFFFFFFD ss:$0x81] =	vst.msk $0xff, v5;
	v4 =	vld.msk [tilespmem:s28+$0xFFFFFFE8], $0xff  }
0x96: {  	s29 =	simm.s32 $0x28;
	s27 =	sor.u32 $0x800, s27;
	s30 =	sadd.s32 $0x40, s28;
	v2 =	vld.msk [tilespmem:s22+$0x8], $0xff;
	[tilespmem:s21+$0xFFFFFFFC ss:$0x81] =	vst.msk $0xff, v6  }
.LBB1_3:
0x97: {  	v5 =	vld.msk [tilespmem:s30+$0xFFFFFFE0], $0xff;
	[tilespmem:s17+$0x0 ss:$0x81] =	vst.msk $0xff, v0;
	s17 =	smov.u32 s18;
	s18 =	smov.u32 s19;
	s19 =	smov.u32 s21  }
0x98: {  	s29 =	sadd.s32 $0x8, s29;
	s21 =	smov.u32 s23;
	[tilespmem:s23+$0xFFFFFFFB ss:$0x81] =	vst.msk $0xff, v3;
	v6 =	vld.msk [tilespmem:s24+$0x0], $0xff;
	s23 =	smov.u32 s26  }
0x99: {  	p1 =	slt.u32 s29, $0x78;
	v7 =	vld.msk [tilespmem:s25+$0xFFFFFFF8], $0xff;
	[tilespmem:s17+$0xFFFFFFFF ss:$0x81] =	vst.msk $0xff, v1  }
.Ltmp3:
0x9a: {  	[tilespmem:s26+$0xFFFFFFFA ss:$0x81] =	vst.msk $0xff, v4;
	v0 =	vld.msk [tilespmem:s20+$0x18], $0xff;
	s20 =	smov.u32 s22;
	s22 =	smov.u32 s24;
	(pc) =	sbr.rel @p1 .LBB1_3-.Ltmp3, $4  }
0x9b: {  	s26 =	sadd.s32 $0x8, s26;
	s24 =	smov.u32 s25;
	s25 =	smov.u32 s28;
	v3 =	vld.msk [tilespmem:s28+$0xFFFFFFF0], $0xff;
	[tilespmem:s18+$0xFFFFFFFE ss:$0x81] =	vst.msk $0xff, v2  }
0x9c: {  	s28 =	smov.u32 s30;
	[tilespmem:s26+$0xFFFFFFF9 ss:$0x81] =	vst.msk $0xff, v5;
	v1 =	vld.msk [tilespmem:s20+$0x10], $0xff  }
0x9d: {  	v4 =	vld.msk [tilespmem:s30+$0xFFFFFFE8], $0xff;
	[tilespmem:s19+$0xFFFFFFFD ss:$0x81] =	vst.msk $0xff, v6  }
0x9e: {  	s30 =	sadd.s32 $0x40, s30;
	[tilespmem:s21+$0xFFFFFFFC ss:$0x81] =	vst.msk $0xff, v7;
	v2 =	vld.msk [tilespmem:s22+$0x8], $0xff  }
.Ltmp4:
0x9f: {  	_ = 	snop;
	(pc) =	sbr.rel .LBB1_4-.Ltmp4, $1  }
0xa0: {  	_ =	sdelay $0x3  }
.LBB1_6:
0xa1: {  	_ =	sfence.sel $0x180000  }
0xa2: {  	s1 =	simm.s32 $0x1;
	[bflag:$0x0] =	sbarrier.arrive $0xFFFF  }
0xa3: {  	s31 =	simm.s32 $0x2;
	[sflag:s1] =	ssyncpa.u1 $0x1  }
0xa4: {  	[sflag:s31] =	ssyncpa.u1 $0x1  }
0xa5: {  	p0 =	sne.s32 s3, $0x0;
	_ =	strace $0x9000004A  }
0xa6: {  	s0 =	sadd.s32 @!p0 $0x100000, s0;
	[bflag:$0x2] =	sbarrier.arrive $0xFFFF  }
0xa7: {  	[sflag:s0] =	ssyncadd.tile.s32 @!p0 $0x1;
	_ =	shalt  }
.Lfunc_end1:
_tile_overlayer_lowered:
.L_overlay_start_2:
0xa8: {  	(tag) =	ssettag $0x2  }
0xa9: {  	s0 =	rddreg [dreg:$0x0];
	s2 =	stileid.u32  }
0xaa: {  	s1 =	rddreg [dreg:$0x1];
	p0 =	sne.s32 s2, $0x0  }
0xab: {  	s3 =	rddreg [dreg:$0x2];
	[bflag:$0x3] =	sbarrier.arrive $0xFFFF;
	s2 =	simm.s32 @!p0 $0x1C01  }
0xac: {  	[timem:s3], [sflag:s2] =	dma.local @!p0 [hbm:s0], s1  }
0xad: {  	s0 =	simm.s32 @!p0 $0x1  }
0xae: {  	_ =	swait.ge @!p0 [sflag:s0], s1  }
0xaf: {  	s1 =	ssub.s32 @!p0 $0x0, s1;
	[sflag:s0] =	ssyncset.done @!p0 $0x0  }
0xb0: {  	[sflag:s0] =	ssyncadd.s32 @!p0 s1  }
0xb1: {  	[bflag:$0x3] =	sbarrier.arrive $0xFFFF  }
0xb2: {  	_ =	shalt  }

</sc_bundles>
